<compile_context>
chip_gen: v7x
topology: tpu7x:2x2x1
jax: 0.10.2.dev20260603
libtpu: 0.0.44.dev20260713+nightly
codegen_flags: <defaults>
</compile_context>

<pallas_src>
import functools

import jax
import jax.numpy as jnp
from jax import lax
from jax.experimental import pallas as pl
from jax.experimental.pallas import tpu as pltpu
from jax.experimental.pallas import tpu_sc as plsc

_NC = 2
_NS = 16
_NW = _NC * _NS
_L = 16

_CHUNK = 4096


def _rsqrt(x):
    i = lax.bitcast_convert_type(x, jnp.int32)
    i = jnp.int32(0x5F3759DF) - lax.shift_right_arithmetic(i, 1)
    y = lax.bitcast_convert_type(i, jnp.float32)
    for _ in range(2):
        y = y * (1.5 - 0.5 * x * y * y)
    return y


def _sc_body(n, n_per_w, n_chunks, width, height,
             u_hbm, v_hbm, cp0_hbm, cp1_hbm, cp2_hbm, j_hbm, consts_hbm,
             out_hbm, *scratch):
    (u_a, v_a, cp0_a, cp1_a, cp2_a, idx_a, rows_a, out_a,
     u_b, v_b, cp0_b, cp1_b, cp2_b, idx_b, rows_b, out_b,
     consts_v, sem_in_a, sem_in_b, sem_g_a, sem_g_b,
     sem_o_a, sem_o_b) = scratch
    bufs = (
        dict(u=u_a, v=v_a, cp=(cp0_a, cp1_a, cp2_a), idx=idx_a,
             rows=rows_a, out=out_a, sem_in=sem_in_a, sem_g=sem_g_a,
             sem_o=sem_o_a),
        dict(u=u_b, v=v_b, cp=(cp0_b, cp1_b, cp2_b), idx=idx_b,
             rows=rows_b, out=out_b, sem_in=sem_in_b, sem_g=sem_g_b,
             sem_o=sem_o_b),
    )
    cp_hbms = (cp0_hbm, cp1_hbm, cp2_hbm)

    wid = lax.axis_index("s") * _NC + lax.axis_index("c")
    base0 = wid * n_per_w

    pltpu.sync_copy(consts_hbm, consts_v)
    nbeta = [consts_v[pl.ds(c * _L, _L)] for c in range(3)]
    ngamma = [consts_v[pl.ds((3 + c) * _L, _L)] for c in range(3)]
    bc = [consts_v[pl.ds((6 + c) * _L, _L)] for c in range(3)]

    hw = width * height
    lg_w8 = (8 * width).bit_length() - 1

    def fire_in(k, b):
        base = base0 + k * _CHUNK
        pltpu.async_copy(u_hbm.at[pl.ds(base, _CHUNK)], b["u"], b["sem_in"])
        pltpu.async_copy(v_hbm.at[pl.ds(base, _CHUNK)], b["v"], b["sem_in"])
        for c in range(3):
            pltpu.async_copy(cp_hbms[c].at[pl.ds(base, _CHUNK)],
                             b["cp"][c], b["sem_in"])

    def wait_in(b):
        pltpu.make_async_copy(u_hbm.at[pl.ds(0, _CHUNK)], b["u"],
                              b["sem_in"]).wait()
        pltpu.make_async_copy(v_hbm.at[pl.ds(0, _CHUNK)], b["v"],
                              b["sem_in"]).wait()
        for c in range(3):
            pltpu.make_async_copy(cp_hbms[c].at[pl.ds(0, _CHUNK)],
                                  b["cp"][c], b["sem_in"]).wait()

    def do_idx(b):
        u_v, v_v, idx_v = b["u"], b["v"], b["idx"]

        def idx_body(i):
            s = i * _L
            uu = u_v[pl.ds(s, _L)]
            vv = v_v[pl.ds(s, _L)]
            t = (lax.shift_left(lax.shift_right_logical(vv, 3), lg_w8)
                 + lax.shift_left(lax.shift_right_logical(uu, 7), 10)
                 + lax.shift_left(jnp.bitwise_and(vv, 7), 7)
                 + jnp.bitwise_and(uu, 127))
            idx_v[pl.ds(s, _L)] = t
            idx_v[pl.ds(_CHUNK + s, _L)] = t + hw
            idx_v[pl.ds(2 * _CHUNK + s, _L)] = t + 2 * hw

        plsc.parallel_loop(0, _CHUNK // _L, 1, unroll=8)(idx_body)

    def fire_gather(b):
        pltpu.async_copy(j_hbm.at[b["idx"]], b["rows"], b["sem_g"])

    def wait_gather(b):
        pltpu.make_async_copy(j_hbm.at[b["idx"]], b["rows"],
                              b["sem_g"]).wait()

    def do_compute(b):
        cp0_v, cp1_v, cp2_v = b["cp"]
        rows_v, out_v = b["rows"], b["out"]

        def comp_body(i):
            s = i * _L
            x0 = cp0_v[pl.ds(s, _L)]
            x1 = cp1_v[pl.ds(s, _L)]
            x2 = cp2_v[pl.ds(s, _L)]
            z2 = x0 * x0 + x1 * x1 + x2 * x2
            z = z2 * _rsqrt(jnp.maximum(z2, jnp.float32(1e-30)))
            po = lax.shift_left(lax.shift_right_logical(s, 7), 9) \
                + jnp.bitwise_and(s, 127)
            for c in range(3):
                g = rows_v[pl.ds(c * _CHUNK + s, _L)]
                e1 = jnp.exp(nbeta[c] * z)
                e2 = jnp.exp(ngamma[c] * z)
                out_v[pl.ds(po + c * 128, _L)] = g * e1 + bc[c] * (1.0 - e2)

        plsc.parallel_loop(0, _CHUNK // _L, 1, unroll=8)(comp_body)

    def fire_out(k, b):
        base = base0 + k * _CHUNK
        pltpu.async_copy(b["out"], out_hbm.at[pl.ds(4 * base, 4 * _CHUNK)],
                         b["sem_o"])

    def wait_out(b):
        pltpu.make_async_copy(b["out"],
                              out_hbm.at[pl.ds(0, 4 * _CHUNK)],
                              b["sem_o"]).wait()

    fire_in(0, bufs[0])

    def step(k, p, jge1, jge2, jlt_last):
        b, o = bufs[p], bufs[1 - p]
        wait_in(b)
        do_idx(b)
        fire_gather(b)
        if jge2 is True:
            wait_out(o)
        elif jge2 is not False:
            @pl.when(jge2)
            def _():
                wait_out(o)
        if jge1 is True:
            wait_gather(o)
            do_compute(o)
            fire_out_k = k - 1
            fire_out(fire_out_k, o)
        elif jge1 is not False:
            @pl.when(jge1)
            def _():
                wait_gather(o)
                do_compute(o)
                fire_out(k - 1, o)
        if jlt_last is True:
            fire_in(k + 1, o)
        elif jlt_last is not False:
            @pl.when(jlt_last)
            def _():
                fire_in(k + 1, o)

    def pair_body(j, _):
        k0 = j * 2
        step(k0, 0, j >= 1, j >= 2, True)
        step(k0 + 1, 1, True, j >= 1, j < n_chunks // 2 - 1)
        return ()

    assert n_chunks % 2 == 0
    lax.fori_loop(0, n_chunks // 2, pair_body, ())

    last = n_chunks - 1
    b_last = bufs[last & 1]
    wait_out(b_last)
    wait_gather(b_last)
    do_compute(b_last)
    fire_out(last, b_last)
    wait_out(bufs[(last - 1) & 1])
    wait_out(b_last)


def kernel(u, v, cP, J, B, beta, gamma):
    n = u.shape[0]
    h, w, _ = J.shape
    assert n % (_NW * _CHUNK) == 0 and n % 128 == 0
    n_per_w = n // _NW
    n_chunks = n_per_w // _CHUNK

    assert h % 8 == 0 and w % 128 == 0 and (w & (w - 1)) == 0
    j_flat = (J.transpose(2, 0, 1)
               .reshape(3, h // 8, 8, w // 128, 128)
               .transpose(0, 1, 3, 2, 4)
               .reshape(3 * h * w))
    consts = jnp.broadcast_to(
        jnp.concatenate([-beta, -gamma, B], axis=0), (9, _L)
    ).astype(jnp.float32).reshape(9 * _L)

    mesh = plsc.VectorSubcoreMesh(core_axis_name="c", subcore_axis_name="s")
    body = functools.partial(_sc_body, n, n_per_w, n_chunks, w, h)
    buf_set = [
        pltpu.VMEM((_CHUNK,), jnp.int32),
        pltpu.VMEM((_CHUNK,), jnp.int32),
        pltpu.VMEM((_CHUNK,), jnp.float32),
        pltpu.VMEM((_CHUNK,), jnp.float32),
        pltpu.VMEM((_CHUNK,), jnp.float32),
        pltpu.VMEM((3 * _CHUNK,), jnp.int32),
        pltpu.VMEM((3 * _CHUNK,), jnp.float32),
        pltpu.VMEM((4 * _CHUNK,), jnp.float32),
    ]
    sc_fn = pl.kernel(
        body,
        out_type=jax.ShapeDtypeStruct((4 * n,), jnp.float32),
        mesh=mesh,
        compiler_params=pltpu.CompilerParams(
            needs_layout_passes=False, use_tc_tiling_on_sc=False),
        scratch_types=(
            buf_set + buf_set
            + [pltpu.VMEM((9 * _L,), jnp.float32)]
            + [pltpu.SemaphoreType.DMA] * 6
        ),
    )
    out_phys = sc_fn(u.astype(jnp.int32), v.astype(jnp.int32),
                     cP[0], cP[1], cP[2], j_flat, consts)
    return (out_phys.reshape(n // 128, 4, 128)
            .transpose(1, 0, 2)
            .reshape(4, n)[:3])

# --- scband reference (transcript-rebuilt; emitter-appended) ---
"""Pipeline reference for scband-sucre-45509473468880 (READ-ONLY COPY).

The authoritative reference and input builder live on the scoring server;
editing this copy changes nothing except your own understanding.
"""

import jax, jax.numpy as jnp
import numpy as np

H, W, N = 1536, 2048, 2097152

def setup_inputs(seed: int = 0) -> dict:
    key = jax.random.key(seed)
    k1, k2, k3, k4 = jax.random.split(key, 4)
    u = jax.random.randint(k1, (N,), 0, W, dtype=jnp.int64) if jax.config.jax_enable_x64 else jax.random.randint(k1, (N,), 0, W).astype(jnp.int32)
    v = jax.random.randint(k2, (N,), 0, H).astype(u.dtype)
    cP = jax.random.normal(k3, (3, N), dtype=jnp.float32)
    J = jax.random.uniform(k4, (H, W, 3), dtype=jnp.float32)
    B = jnp.full((3, 1), 0.1, dtype=jnp.float32)
    beta = jnp.full((3, 1), 0.1, dtype=jnp.float32)
    gamma = jnp.full((3, 1), 0.1, dtype=jnp.float32)
    return {"u": u, "v": v, "cP": cP, "J": J, "B": B, "beta": beta, "gamma": gamma}

def reference(u, v, cP, J, B, beta, gamma):
    # light_model=False -> l = 1.0; z = ||cP||_2 along dim 0
    z = jnp.linalg.norm(cP, axis=0)  # [N]
    J_gathered = J[v, u]             # [N, 3] gather from image
    I_hat = J_gathered.T * jnp.exp(-beta * z) + B * (1.0 - jnp.exp(-gamma * z))  # [3, N]
    return I_hat

if __name__ == "__main__":
    import jax
    _d = setup_inputs()
    print(jax.jit(kernel)(*tuple(_d.values())))

</pallas_src>

<mosaic_0001>
#map = affine_map<(d0, d1) -> (0)>
module attributes {stable_mosaic.version = 14 : i64} {
  func.func @_sc_body(%arg0: i32, %arg1: i32, %arg2: memref<2097152xi32, #tpu.memory_space<hbm>>, %arg3: memref<2097152xi32, #tpu.memory_space<hbm>>, %arg4: memref<2097152xf32, #tpu.memory_space<hbm>>, %arg5: memref<2097152xf32, #tpu.memory_space<hbm>>, %arg6: memref<2097152xf32, #tpu.memory_space<hbm>>, %arg7: memref<9437184xf32, #tpu.memory_space<hbm>>, %arg8: memref<144xf32, #tpu.memory_space<hbm>>, %arg9: memref<8388608xf32, #tpu.memory_space<hbm>>, %arg10: memref<4096xi32, #tpu.memory_space<vmem>>, %arg11: memref<4096xi32, #tpu.memory_space<vmem>>, %arg12: memref<4096xf32, #tpu.memory_space<vmem>>, %arg13: memref<4096xf32, #tpu.memory_space<vmem>>, %arg14: memref<4096xf32, #tpu.memory_space<vmem>>, %arg15: memref<12288xi32, #tpu.memory_space<vmem>>, %arg16: memref<12288xf32, #tpu.memory_space<vmem>>, %arg17: memref<16384xf32, #tpu.memory_space<vmem>>, %arg18: memref<4096xi32, #tpu.memory_space<vmem>>, %arg19: memref<4096xi32, #tpu.memory_space<vmem>>, %arg20: memref<4096xf32, #tpu.memory_space<vmem>>, %arg21: memref<4096xf32, #tpu.memory_space<vmem>>, %arg22: memref<4096xf32, #tpu.memory_space<vmem>>, %arg23: memref<12288xi32, #tpu.memory_space<vmem>>, %arg24: memref<12288xf32, #tpu.memory_space<vmem>>, %arg25: memref<16384xf32, #tpu.memory_space<vmem>>, %arg26: memref<144xf32, #tpu.memory_space<vmem>>, %arg27: memref<!tpu.dma_semaphore, #tpu.memory_space<semaphore_mem>>, %arg28: memref<!tpu.dma_semaphore, #tpu.memory_space<semaphore_mem>>, %arg29: memref<!tpu.dma_semaphore, #tpu.memory_space<semaphore_mem>>, %arg30: memref<!tpu.dma_semaphore, #tpu.memory_space<semaphore_mem>>, %arg31: memref<!tpu.dma_semaphore, #tpu.memory_space<semaphore_mem>>, %arg32: memref<!tpu.dma_semaphore, #tpu.memory_space<semaphore_mem>>) attributes {dimension_semantics = [#tpu.dimension_semantics<core_parallel>, #tpu.dimension_semantics<subcore_parallel>], iteration_bounds = array<i64: 2, 16>, scalar_prefetch = 0 : i64, scratch_operands = 23 : i64, tpu.core_type = #tpu.core_type<sc_vector_subcore>, window_params = [{transform_indices = #map}, {transform_indices = #map}, {transform_indices = #map}, {transform_indices = #map}, {transform_indices = #map}, {transform_indices = #map}, {transform_indices = #map}, {transform_indices = #map}]} {
    %mul3A = arith.constant 2 : i32
    %mul3A_0 = arith.muli %arg1, %mul3A : i32
    %add3A = arith.addi %mul3A_0, %arg0 : i32
    %mul3A_1 = arith.constant 65536 : i32
    %mul3A_2 = arith.muli %add3A, %mul3A_1 : i32
    "tpu.region"() ({
      %run_scoped3A = tpu.sem_alloc : memref<!tpu.dma_semaphore, #tpu.memory_space<semaphore_mem>>
      tpu.enqueue_dma source(%arg8 : memref<144xf32, #tpu.memory_space<hbm>>) target(%arg26 : memref<144xf32, #tpu.memory_space<vmem>>) target_semaphore(%run_scoped3A : memref<!tpu.dma_semaphore, #tpu.memory_space<semaphore_mem>>)
      tpu.wait_dma2 semaphore(%run_scoped3A : memref<!tpu.dma_semaphore, #tpu.memory_space<semaphore_mem>>) src(%arg8 : memref<144xf32, #tpu.memory_space<hbm>>) dst(%arg26 : memref<144xf32, #tpu.memory_space<vmem>>)
      tpu.yield
    }) : () -> ()
    %get3A = arith.constant 0 : index
    %get3A_3 = tpu.vector_load %arg26[%get3A] {strides = array<i32>} : memref<144xf32, #tpu.memory_space<vmem>>, vector<16xf32>,
    %get3A_4 = arith.constant 16 : index
    %get3A_5 = tpu.vector_load %arg26[%get3A_4] {strides = array<i32>} : memref<144xf32, #tpu.memory_space<vmem>>, vector<16xf32>,
    %get3A_6 = arith.constant 32 : index
    %get3A_7 = tpu.vector_load %arg26[%get3A_6] {strides = array<i32>} : memref<144xf32, #tpu.memory_space<vmem>>, vector<16xf32>,
    %get3A_8 = arith.constant 48 : index
    %get3A_9 = tpu.vector_load %arg26[%get3A_8] {strides = array<i32>} : memref<144xf32, #tpu.memory_space<vmem>>, vector<16xf32>,
    %get3A_10 = arith.constant 64 : index
    %get3A_11 = tpu.vector_load %arg26[%get3A_10] {strides = array<i32>} : memref<144xf32, #tpu.memory_space<vmem>>, vector<16xf32>,
    %get3A_12 = arith.constant 80 : index
    %get3A_13 = tpu.vector_load %arg26[%get3A_12] {strides = array<i32>} : memref<144xf32, #tpu.memory_space<vmem>>, vector<16xf32>,
    %get3A_14 = arith.constant 96 : index
    %get3A_15 = tpu.vector_load %arg26[%get3A_14] {strides = array<i32>} : memref<144xf32, #tpu.memory_space<vmem>>, vector<16xf32>,
    %get3A_16 = arith.constant 112 : index
    %get3A_17 = tpu.vector_load %arg26[%get3A_16] {strides = array<i32>} : memref<144xf32, #tpu.memory_space<vmem>>, vector<16xf32>,
    %get3A_18 = arith.constant 128 : index
    %get3A_19 = tpu.vector_load %arg26[%get3A_18] {strides = array<i32>} : memref<144xf32, #tpu.memory_space<vmem>>, vector<16xf32>,
    %add3A_20 = arith.constant 0 : i32
    %add3A_21 = arith.addi %mul3A_2, %add3A_20 : i32
    %dma_start3A = tpu.memref_slice %arg2[%add3A_21] : memref<2097152xi32, #tpu.memory_space<hbm>> -> memref<4096xi32, #tpu.memory_space<hbm>>
    %dma_start3A_22 = tpu.memref_slice %arg2[%add3A_21] : memref<2097152xi32, #tpu.memory_space<hbm>> -> memref<4096xi32, #tpu.memory_space<hbm>>
    tpu.enqueue_dma source(%dma_start3A_22 : memref<4096xi32, #tpu.memory_space<hbm>>) target(%arg10 : memref<4096xi32, #tpu.memory_space<vmem>>) target_semaphore(%arg27 : memref<!tpu.dma_semaphore, #tpu.memory_space<semaphore_mem>>)
    %dma_start3A_23 = tpu.memref_slice %arg3[%add3A_21] : memref<2097152xi32, #tpu.memory_space<hbm>> -> memref<4096xi32, #tpu.memory_space<hbm>>
    %dma_start3A_24 = tpu.memref_slice %arg3[%add3A_21] : memref<2097152xi32, #tpu.memory_space<hbm>> -> memref<4096xi32, #tpu.memory_space<hbm>>
    tpu.enqueue_dma source(%dma_start3A_24 : memref<4096xi32, #tpu.memory_space<hbm>>) target(%arg11 : memref<4096xi32, #tpu.memory_space<vmem>>) target_semaphore(%arg27 : memref<!tpu.dma_semaphore, #tpu.memory_space<semaphore_mem>>)
    %dma_start3A_25 = tpu.memref_slice %arg4[%add3A_21] : memref<2097152xf32, #tpu.memory_space<hbm>> -> memref<4096xf32, #tpu.memory_space<hbm>>
    %dma_start3A_26 = tpu.memref_slice %arg4[%add3A_21] : memref<2097152xf32, #tpu.memory_space<hbm>> -> memref<4096xf32, #tpu.memory_space<hbm>>
    tpu.enqueue_dma source(%dma_start3A_26 : memref<4096xf32, #tpu.memory_space<hbm>>) target(%arg12 : memref<4096xf32, #tpu.memory_space<vmem>>) target_semaphore(%arg27 : memref<!tpu.dma_semaphore, #tpu.memory_space<semaphore_mem>>)
    %dma_start3A_27 = tpu.memref_slice %arg5[%add3A_21] : memref<2097152xf32, #tpu.memory_space<hbm>> -> memref<4096xf32, #tpu.memory_space<hbm>>
    %dma_start3A_28 = tpu.memref_slice %arg5[%add3A_21] : memref<2097152xf32, #tpu.memory_space<hbm>> -> memref<4096xf32, #tpu.memory_space<hbm>>
    tpu.enqueue_dma source(%dma_start3A_28 : memref<4096xf32, #tpu.memory_space<hbm>>) target(%arg13 : memref<4096xf32, #tpu.memory_space<vmem>>) target_semaphore(%arg27 : memref<!tpu.dma_semaphore, #tpu.memory_space<semaphore_mem>>)
    %dma_start3A_29 = tpu.memref_slice %arg6[%add3A_21] : memref<2097152xf32, #tpu.memory_space<hbm>> -> memref<4096xf32, #tpu.memory_space<hbm>>
    %dma_start3A_30 = tpu.memref_slice %arg6[%add3A_21] : memref<2097152xf32, #tpu.memory_space<hbm>> -> memref<4096xf32, #tpu.memory_space<hbm>>
    tpu.enqueue_dma source(%dma_start3A_30 : memref<4096xf32, #tpu.memory_space<hbm>>) target(%arg14 : memref<4096xf32, #tpu.memory_space<vmem>>) target_semaphore(%arg27 : memref<!tpu.dma_semaphore, #tpu.memory_space<semaphore_mem>>)
    %scan3A = arith.constant 0 : i32
    %scan3A_31 = arith.constant 8 : i32
    %scan3A_32 = arith.addi %scan3A, %scan3A_31 : i32
    %scan3A_33 = arith.constant 1 : i32
    scf.for %scan3A_56 = %scan3A to %scan3A_32 step %scan3A_33  : i32 {
      %mul3A_57 = arith.constant 2 : i32
      %mul3A_58 = arith.muli %scan3A_56, %mul3A_57 : i32
      %ge3A = arith.constant 1 : i32
      %ge3A_59 = arith.cmpi sge, %scan3A_56, %ge3A : i32
      %ge3A_60 = arith.constant 2 : i32
      %ge3A_61 = arith.cmpi sge, %scan3A_56, %ge3A_60 : i32
      %dma_wait3A_62 = arith.constant 0 : i32
      %dma_wait3A_63 = tpu.memref_slice %arg2[%dma_wait3A_62] : memref<2097152xi32, #tpu.memory_space<hbm>> -> memref<4096xi32, #tpu.memory_space<hbm>>
      %dma_wait3A_64 = arith.constant 0 : i32
      %dma_wait3A_65 = tpu.memref_slice %arg2[%dma_wait3A_64] : memref<2097152xi32, #tpu.memory_space<hbm>> -> memref<4096xi32, #tpu.memory_space<hbm>>
      tpu.wait_dma2 semaphore(%arg27 : memref<!tpu.dma_semaphore, #tpu.memory_space<semaphore_mem>>) src(%dma_wait3A_65 : memref<4096xi32, #tpu.memory_space<hbm>>) dst(%arg10 : memref<4096xi32, #tpu.memory_space<vmem>>)
      %dma_wait3A_66 = arith.constant 0 : i32
      %dma_wait3A_67 = tpu.memref_slice %arg3[%dma_wait3A_66] : memref<2097152xi32, #tpu.memory_space<hbm>> -> memref<4096xi32, #tpu.memory_space<hbm>>
      %dma_wait3A_68 = arith.constant 0 : i32
      %dma_wait3A_69 = tpu.memref_slice %arg3[%dma_wait3A_68] : memref<2097152xi32, #tpu.memory_space<hbm>> -> memref<4096xi32, #tpu.memory_space<hbm>>
      tpu.wait_dma2 semaphore(%arg27 : memref<!tpu.dma_semaphore, #tpu.memory_space<semaphore_mem>>) src(%dma_wait3A_69 : memref<4096xi32, #tpu.memory_space<hbm>>) dst(%arg11 : memref<4096xi32, #tpu.memory_space<vmem>>)
      %dma_wait3A_70 = arith.constant 0 : i32
      %dma_wait3A_71 = tpu.memref_slice %arg4[%dma_wait3A_70] : memref<2097152xf32, #tpu.memory_space<hbm>> -> memref<4096xf32, #tpu.memory_space<hbm>>
      %dma_wait3A_72 = arith.constant 0 : i32
      %dma_wait3A_73 = tpu.memref_slice %arg4[%dma_wait3A_72] : memref<2097152xf32, #tpu.memory_space<hbm>> -> memref<4096xf32, #tpu.memory_space<hbm>>
      tpu.wait_dma2 semaphore(%arg27 : memref<!tpu.dma_semaphore, #tpu.memory_space<semaphore_mem>>) src(%dma_wait3A_73 : memref<4096xf32, #tpu.memory_space<hbm>>) dst(%arg12 : memref<4096xf32, #tpu.memory_space<vmem>>)
      %dma_wait3A_74 = arith.constant 0 : i32
      %dma_wait3A_75 = tpu.memref_slice %arg5[%dma_wait3A_74] : memref<2097152xf32, #tpu.memory_space<hbm>> -> memref<4096xf32, #tpu.memory_space<hbm>>
      %dma_wait3A_76 = arith.constant 0 : i32
      %dma_wait3A_77 = tpu.memref_slice %arg5[%dma_wait3A_76] : memref<2097152xf32, #tpu.memory_space<hbm>> -> memref<4096xf32, #tpu.memory_space<hbm>>
      tpu.wait_dma2 semaphore(%arg27 : memref<!tpu.dma_semaphore, #tpu.memory_space<semaphore_mem>>) src(%dma_wait3A_77 : memref<4096xf32, #tpu.memory_space<hbm>>) dst(%arg13 : memref<4096xf32, #tpu.memory_space<vmem>>)
      %dma_wait3A_78 = arith.constant 0 : i32
      %dma_wait3A_79 = tpu.memref_slice %arg6[%dma_wait3A_78] : memref<2097152xf32, #tpu.memory_space<hbm>> -> memref<4096xf32, #tpu.memory_space<hbm>>
      %dma_wait3A_80 = arith.constant 0 : i32
      %dma_wait3A_81 = tpu.memref_slice %arg6[%dma_wait3A_80] : memref<2097152xf32, #tpu.memory_space<hbm>> -> memref<4096xf32, #tpu.memory_space<hbm>>
      tpu.wait_dma2 semaphore(%arg27 : memref<!tpu.dma_semaphore, #tpu.memory_space<semaphore_mem>>) src(%dma_wait3A_81 : memref<4096xf32, #tpu.memory_space<hbm>>) dst(%arg14 : memref<4096xf32, #tpu.memory_space<vmem>>)
      %parallel_loop3A_82 = arith.constant 0 : i32
      %parallel_loop3A_83 = arith.constant 256 : i32
      %parallel_loop3A_84 = arith.constant 1 : i32
      scf.for %parallel_loop3A_155 = %parallel_loop3A_82 to %parallel_loop3A_83 step %parallel_loop3A_84  : i32 {
        %parallel_loop3A_156 = arith.constant 16 : i32
        %parallel_loop3A_157 = arith.muli %parallel_loop3A_155, %parallel_loop3A_156 : i32
        %parallel_loop3A_158 = arith.index_cast %parallel_loop3A_157 : i32 to index
        %parallel_loop3A_159 = tpu.vector_load %arg10[%parallel_loop3A_158] {strides = array<i32>} : memref<4096xi32, #tpu.memory_space<vmem>>, vector<16xi32>,
        %parallel_loop3A_160 = arith.index_cast %parallel_loop3A_157 : i32 to index
        %parallel_loop3A_161 = tpu.vector_load %arg11[%parallel_loop3A_160] {strides = array<i32>} : memref<4096xi32, #tpu.memory_space<vmem>>, vector<16xi32>,
        %parallel_loop3A_162 = arith.constant 3 : i32
        %parallel_loop3A_163 = vector.broadcast %parallel_loop3A_162 : i32 to vector<16xi32>
        %parallel_loop3A_164 = arith.shrui %parallel_loop3A_161, %parallel_loop3A_163 : vector<16xi32>
        %parallel_loop3A_165 = arith.constant 14 : i32
        %parallel_loop3A_166 = vector.broadcast %parallel_loop3A_165 : i32 to vector<16xi32>
        %parallel_loop3A_167 = arith.shli %parallel_loop3A_164, %parallel_loop3A_166 : vector<16xi32>
        %parallel_loop3A_168 = arith.constant 7 : i32
        %parallel_loop3A_169 = vector.broadcast %parallel_loop3A_168 : i32 to vector<16xi32>
        %parallel_loop3A_170 = arith.shrui %parallel_loop3A_159, %parallel_loop3A_169 : vector<16xi32>
        %parallel_loop3A_171 = arith.constant 10 : i32
        %parallel_loop3A_172 = vector.broadcast %parallel_loop3A_171 : i32 to vector<16xi32>
        %parallel_loop3A_173 = arith.shli %parallel_loop3A_170, %parallel_loop3A_172 : vector<16xi32>
        %parallel_loop3A_174 = arith.addi %parallel_loop3A_167, %parallel_loop3A_173 : vector<16xi32>
        %parallel_loop3A_175 = arith.constant 7 : i32
        %parallel_loop3A_176 = vector.broadcast %parallel_loop3A_175 : i32 to vector<16xi32>
        %parallel_loop3A_177 = arith.andi %parallel_loop3A_161, %parallel_loop3A_176 : vector<16xi32>
        %parallel_loop3A_178 = arith.constant 7 : i32
        %parallel_loop3A_179 = vector.broadcast %parallel_loop3A_178 : i32 to vector<16xi32>
        %parallel_loop3A_180 = arith.shli %parallel_loop3A_177, %parallel_loop3A_179 : vector<16xi32>
        %parallel_loop3A_181 = arith.addi %parallel_loop3A_174, %parallel_loop3A_180 : vector<16xi32>
        %parallel_loop3A_182 = arith.constant 127 : i32
        %parallel_loop3A_183 = vector.broadcast %parallel_loop3A_182 : i32 to vector<16xi32>
        %parallel_loop3A_184 = arith.andi %parallel_loop3A_159, %parallel_loop3A_183 : vector<16xi32>
        %parallel_loop3A_185 = arith.addi %parallel_loop3A_181, %parallel_loop3A_184 : vector<16xi32>
        %parallel_loop3A_186 = arith.index_cast %parallel_loop3A_157 : i32 to index
        %parallel_loop3A_187 = tpu.vector_load %arg15[%parallel_loop3A_186] {strides = array<i32>} : memref<12288xi32, #tpu.memory_space<vmem>>, vector<16xi32>,
        tpu.vector_store %arg15[%parallel_loop3A_186], %parallel_loop3A_185 {strides = array<i32>} : memref<12288xi32, #tpu.memory_space<vmem>>, vector<16xi32>,
        %parallel_loop3A_188 = arith.constant 3145728 : i32
        %parallel_loop3A_189 = vector.broadcast %parallel_loop3A_188 : i32 to vector<16xi32>
        %parallel_loop3A_190 = arith.addi %parallel_loop3A_185, %parallel_loop3A_189 : vector<16xi32>
        %parallel_loop3A_191 = arith.constant 4096 : i32
        %parallel_loop3A_192 = arith.addi %parallel_loop3A_191, %parallel_loop3A_157 : i32
        %parallel_loop3A_193 = arith.index_cast %parallel_loop3A_192 : i32 to index
        %parallel_loop3A_194 = tpu.vector_load %arg15[%parallel_loop3A_193] {strides = array<i32>} : memref<12288xi32, #tpu.memory_space<vmem>>, vector<16xi32>,
        tpu.vector_store %arg15[%parallel_loop3A_193], %parallel_loop3A_190 {strides = array<i32>} : memref<12288xi32, #tpu.memory_space<vmem>>, vector<16xi32>,
        %parallel_loop3A_195 = arith.constant 6291456 : i32
        %parallel_loop3A_196 = vector.broadcast %parallel_loop3A_195 : i32 to vector<16xi32>
        %parallel_loop3A_197 = arith.addi %parallel_loop3A_185, %parallel_loop3A_196 : vector<16xi32>
        %parallel_loop3A_198 = arith.constant 8192 : i32
        %parallel_loop3A_199 = arith.addi %parallel_loop3A_198, %parallel_loop3A_157 : i32
        %parallel_loop3A_200 = arith.index_cast %parallel_loop3A_199 : i32 to index
        %parallel_loop3A_201 = tpu.vector_load %arg15[%parallel_loop3A_200] {strides = array<i32>} : memref<12288xi32, #tpu.memory_space<vmem>>, vector<16xi32>,
        tpu.vector_store %arg15[%parallel_loop3A_200], %parallel_loop3A_197 {strides = array<i32>} : memref<12288xi32, #tpu.memory_space<vmem>>, vector<16xi32>,
      } {sc.loop_unroll_factor = 8 : i64, sc.parallel_access}
      %dma_start3A_85 = arith.constant 0 : i32
      %dma_start3A_86 = tpu.memref_slice %arg7[%dma_start3A_85] : memref<9437184xf32, #tpu.memory_space<hbm>> -> memref<9437184xf32, #tpu.memory_space<hbm>>
      tpu.enqueue_indirect_dma source(%dma_start3A_86 : memref<9437184xf32, #tpu.memory_space<hbm>>) target(%arg16 : memref<12288xf32, #tpu.memory_space<vmem>>) offsets(%arg15 : memref<12288xi32, #tpu.memory_space<vmem>>) semaphore(%arg29 : memref<!tpu.dma_semaphore, #tpu.memory_space<semaphore_mem>>)
      %convert_element_type3A = arith.extui %ge3A_61 : i1 to i32
      %cond3A = arith.constant 0 : i32
      %cond3A_87 = arith.cmpi ne, %convert_element_type3A, %cond3A : i32
      scf.if %cond3A_87 {
        %dma_wait3A_155 = arith.constant 0 : i32
        %dma_wait3A_156 = tpu.memref_slice %arg9[%dma_wait3A_155] : memref<8388608xf32, #tpu.memory_space<hbm>> -> memref<16384xf32, #tpu.memory_space<hbm>>
        %dma_wait3A_157 = arith.constant 0 : i32
        %dma_wait3A_158 = tpu.memref_slice %arg9[%dma_wait3A_157] : memref<8388608xf32, #tpu.memory_space<hbm>> -> memref<16384xf32, #tpu.memory_space<hbm>>
        tpu.wait_dma2 semaphore(%arg32 : memref<!tpu.dma_semaphore, #tpu.memory_space<semaphore_mem>>) src(%arg25 : memref<16384xf32, #tpu.memory_space<vmem>>) dst(%dma_wait3A_158 : memref<16384xf32, #tpu.memory_space<hbm>>)
      } else {
      }
      %convert_element_type3A_88 = arith.extui %ge3A_59 : i1 to i32
      %cond3A_89 = arith.constant 0 : i32
      %cond3A_90 = arith.cmpi ne, %convert_element_type3A_88, %cond3A_89 : i32
      scf.if %cond3A_90 {
        %dma_wait3A_155 = arith.constant 0 : i32
        %dma_wait3A_156 = tpu.memref_slice %arg7[%dma_wait3A_155] : memref<9437184xf32, #tpu.memory_space<hbm>> -> memref<9437184xf32, #tpu.memory_space<hbm>>
        tpu.wait_indirect_dma semaphore(%arg30 : memref<!tpu.dma_semaphore, #tpu.memory_space<semaphore_mem>>) src(%dma_wait3A_156 : memref<9437184xf32, #tpu.memory_space<hbm>>) dst(%arg24 : memref<12288xf32, #tpu.memory_space<vmem>>)
        %parallel_loop3A_157 = arith.constant 0 : i32
        %parallel_loop3A_158 = arith.constant 256 : i32
        %parallel_loop3A_159 = arith.constant 1 : i32
        scf.for %parallel_loop3A_169 = %parallel_loop3A_157 to %parallel_loop3A_158 step %parallel_loop3A_159  : i32 {
          %parallel_loop3A_170 = arith.constant 16 : i32
          %parallel_loop3A_171 = arith.muli %parallel_loop3A_169, %parallel_loop3A_170 : i32
          %parallel_loop3A_172 = arith.index_cast %parallel_loop3A_171 : i32 to index
          %parallel_loop3A_173 = tpu.vector_load %arg20[%parallel_loop3A_172] {strides = array<i32>} : memref<4096xf32, #tpu.memory_space<vmem>>, vector<16xf32>,
          %parallel_loop3A_174 = arith.index_cast %parallel_loop3A_171 : i32 to index
          %parallel_loop3A_175 = tpu.vector_load %arg21[%parallel_loop3A_174] {strides = array<i32>} : memref<4096xf32, #tpu.memory_space<vmem>>, vector<16xf32>,
          %parallel_loop3A_176 = arith.index_cast %parallel_loop3A_171 : i32 to index
          %parallel_loop3A_177 = tpu.vector_load %arg22[%parallel_loop3A_176] {strides = array<i32>} : memref<4096xf32, #tpu.memory_space<vmem>>, vector<16xf32>,
          %parallel_loop3A_178 = arith.mulf %parallel_loop3A_173, %parallel_loop3A_173 : vector<16xf32>
          %parallel_loop3A_179 = arith.mulf %parallel_loop3A_175, %parallel_loop3A_175 : vector<16xf32>
          %parallel_loop3A_180 = arith.addf %parallel_loop3A_178, %parallel_loop3A_179 : vector<16xf32>
          %parallel_loop3A_181 = arith.mulf %parallel_loop3A_177, %parallel_loop3A_177 : vector<16xf32>
          %parallel_loop3A_182 = arith.addf %parallel_loop3A_180, %parallel_loop3A_181 : vector<16xf32>
          %parallel_loop3A_183 = arith.constant 1.000000e-30 : f32
          %parallel_loop3A_184 = vector.broadcast %parallel_loop3A_183 : f32 to vector<16xf32>
          %parallel_loop3A_185 = arith.maximumf %parallel_loop3A_182, %parallel_loop3A_184 : vector<16xf32>
          %parallel_loop3A_186 = tpu.bitcast %parallel_loop3A_185 : vector<16xf32> -> vector<16xi32>
          %parallel_loop3A_187 = arith.constant 1 : i32
          %parallel_loop3A_188 = vector.broadcast %parallel_loop3A_187 : i32 to vector<16xi32>
          %parallel_loop3A_189 = arith.shrsi %parallel_loop3A_186, %parallel_loop3A_188 : vector<16xi32>
          %parallel_loop3A_190 = arith.constant 1597463007 : i32
          %parallel_loop3A_191 = vector.broadcast %parallel_loop3A_190 : i32 to vector<16xi32>
          %parallel_loop3A_192 = arith.subi %parallel_loop3A_191, %parallel_loop3A_189 : vector<16xi32>
          %parallel_loop3A_193 = tpu.bitcast %parallel_loop3A_192 : vector<16xi32> -> vector<16xf32>
          %parallel_loop3A_194 = arith.constant 5.000000e-01 : f32
          %parallel_loop3A_195 = vector.broadcast %parallel_loop3A_194 : f32 to vector<16xf32>
          %parallel_loop3A_196 = arith.mulf %parallel_loop3A_195, %parallel_loop3A_185 : vector<16xf32>
          %parallel_loop3A_197 = arith.mulf %parallel_loop3A_196, %parallel_loop3A_193 : vector<16xf32>
          %parallel_loop3A_198 = arith.mulf %parallel_loop3A_197, %parallel_loop3A_193 : vector<16xf32>
          %parallel_loop3A_199 = arith.constant 1.500000e+00 : f32
          %parallel_loop3A_200 = vector.broadcast %parallel_loop3A_199 : f32 to vector<16xf32>
          %parallel_loop3A_201 = arith.subf %parallel_loop3A_200, %parallel_loop3A_198 : vector<16xf32>
          %parallel_loop3A_202 = arith.mulf %parallel_loop3A_193, %parallel_loop3A_201 : vector<16xf32>
          %parallel_loop3A_203 = arith.constant 5.000000e-01 : f32
          %parallel_loop3A_204 = vector.broadcast %parallel_loop3A_203 : f32 to vector<16xf32>
          %parallel_loop3A_205 = arith.mulf %parallel_loop3A_204, %parallel_loop3A_185 : vector<16xf32>
          %parallel_loop3A_206 = arith.mulf %parallel_loop3A_205, %parallel_loop3A_202 : vector<16xf32>
          %parallel_loop3A_207 = arith.mulf %parallel_loop3A_206, %parallel_loop3A_202 : vector<16xf32>
          %parallel_loop3A_208 = arith.constant 1.500000e+00 : f32
          %parallel_loop3A_209 = vector.broadcast %parallel_loop3A_208 : f32 to vector<16xf32>
          %parallel_loop3A_210 = arith.subf %parallel_loop3A_209, %parallel_loop3A_207 : vector<16xf32>
          %parallel_loop3A_211 = arith.mulf %parallel_loop3A_202, %parallel_loop3A_210 : vector<16xf32>
          %parallel_loop3A_212 = arith.mulf %parallel_loop3A_182, %parallel_loop3A_211 : vector<16xf32>
          %parallel_loop3A_213 = arith.constant 7 : i32
          %parallel_loop3A_214 = arith.shrui %parallel_loop3A_171, %parallel_loop3A_213 : i32
          %parallel_loop3A_215 = arith.constant 9 : i32
          %parallel_loop3A_216 = arith.shli %parallel_loop3A_214, %parallel_loop3A_215 : i32
          %parallel_loop3A_217 = arith.constant 127 : i32
          %parallel_loop3A_218 = arith.andi %parallel_loop3A_171, %parallel_loop3A_217 : i32
          %parallel_loop3A_219 = arith.addi %parallel_loop3A_216, %parallel_loop3A_218 : i32
          %parallel_loop3A_220 = arith.constant 0 : i32
          %parallel_loop3A_221 = arith.addi %parallel_loop3A_220, %parallel_loop3A_171 : i32
          %parallel_loop3A_222 = arith.index_cast %parallel_loop3A_221 : i32 to index
          %parallel_loop3A_223 = tpu.vector_load %arg24[%parallel_loop3A_222] {strides = array<i32>} : memref<12288xf32, #tpu.memory_space<vmem>>, vector<16xf32>,
          %parallel_loop3A_224 = arith.mulf %get3A_3, %parallel_loop3A_212 : vector<16xf32>
          %parallel_loop3A_225 = math.exp %parallel_loop3A_224 : vector<16xf32>
          %parallel_loop3A_226 = arith.mulf %get3A_9, %parallel_loop3A_212 : vector<16xf32>
          %parallel_loop3A_227 = math.exp %parallel_loop3A_226 : vector<16xf32>
          %parallel_loop3A_228 = arith.mulf %parallel_loop3A_223, %parallel_loop3A_225 : vector<16xf32>
          %parallel_loop3A_229 = arith.constant 1.000000e+00 : f32
          %parallel_loop3A_230 = vector.broadcast %parallel_loop3A_229 : f32 to vector<16xf32>
          %parallel_loop3A_231 = arith.subf %parallel_loop3A_230, %parallel_loop3A_227 : vector<16xf32>
          %parallel_loop3A_232 = arith.mulf %get3A_15, %parallel_loop3A_231 : vector<16xf32>
          %parallel_loop3A_233 = arith.addf %parallel_loop3A_228, %parallel_loop3A_232 : vector<16xf32>
          %parallel_loop3A_234 = arith.constant 0 : i32
          %parallel_loop3A_235 = arith.addi %parallel_loop3A_219, %parallel_loop3A_234 : i32
          %parallel_loop3A_236 = arith.index_cast %parallel_loop3A_235 : i32 to index
          %parallel_loop3A_237 = tpu.vector_load %arg25[%parallel_loop3A_236] {strides = array<i32>} : memref<16384xf32, #tpu.memory_space<vmem>>, vector<16xf32>,
          tpu.vector_store %arg25[%parallel_loop3A_236], %parallel_loop3A_233 {strides = array<i32>} : memref<16384xf32, #tpu.memory_space<vmem>>, vector<16xf32>,
          %parallel_loop3A_238 = arith.constant 4096 : i32
          %parallel_loop3A_239 = arith.addi %parallel_loop3A_238, %parallel_loop3A_171 : i32
          %parallel_loop3A_240 = arith.index_cast %parallel_loop3A_239 : i32 to index
          %parallel_loop3A_241 = tpu.vector_load %arg24[%parallel_loop3A_240] {strides = array<i32>} : memref<12288xf32, #tpu.memory_space<vmem>>, vector<16xf32>,
          %parallel_loop3A_242 = arith.mulf %get3A_5, %parallel_loop3A_212 : vector<16xf32>
          %parallel_loop3A_243 = math.exp %parallel_loop3A_242 : vector<16xf32>
          %parallel_loop3A_244 = arith.mulf %get3A_11, %parallel_loop3A_212 : vector<16xf32>
          %parallel_loop3A_245 = math.exp %parallel_loop3A_244 : vector<16xf32>
          %parallel_loop3A_246 = arith.mulf %parallel_loop3A_241, %parallel_loop3A_243 : vector<16xf32>
          %parallel_loop3A_247 = arith.constant 1.000000e+00 : f32
          %parallel_loop3A_248 = vector.broadcast %parallel_loop3A_247 : f32 to vector<16xf32>
          %parallel_loop3A_249 = arith.subf %parallel_loop3A_248, %parallel_loop3A_245 : vector<16xf32>
          %parallel_loop3A_250 = arith.mulf %get3A_17, %parallel_loop3A_249 : vector<16xf32>
          %parallel_loop3A_251 = arith.addf %parallel_loop3A_246, %parallel_loop3A_250 : vector<16xf32>
          %parallel_loop3A_252 = arith.constant 128 : i32
          %parallel_loop3A_253 = arith.addi %parallel_loop3A_219, %parallel_loop3A_252 : i32
          %parallel_loop3A_254 = arith.index_cast %parallel_loop3A_253 : i32 to index
          %parallel_loop3A_255 = tpu.vector_load %arg25[%parallel_loop3A_254] {strides = array<i32>} : memref<16384xf32, #tpu.memory_space<vmem>>, vector<16xf32>,
          tpu.vector_store %arg25[%parallel_loop3A_254], %parallel_loop3A_251 {strides = array<i32>} : memref<16384xf32, #tpu.memory_space<vmem>>, vector<16xf32>,
          %parallel_loop3A_256 = arith.constant 8192 : i32
          %parallel_loop3A_257 = arith.addi %parallel_loop3A_256, %parallel_loop3A_171 : i32
          %parallel_loop3A_258 = arith.index_cast %parallel_loop3A_257 : i32 to index
          %parallel_loop3A_259 = tpu.vector_load %arg24[%parallel_loop3A_258] {strides = array<i32>} : memref<12288xf32, #tpu.memory_space<vmem>>, vector<16xf32>,
          %parallel_loop3A_260 = arith.mulf %get3A_7, %parallel_loop3A_212 : vector<16xf32>
          %parallel_loop3A_261 = math.exp %parallel_loop3A_260 : vector<16xf32>
          %parallel_loop3A_262 = arith.mulf %get3A_13, %parallel_loop3A_212 : vector<16xf32>
          %parallel_loop3A_263 = math.exp %parallel_loop3A_262 : vector<16xf32>
          %parallel_loop3A_264 = arith.mulf %parallel_loop3A_259, %parallel_loop3A_261 : vector<16xf32>
          %parallel_loop3A_265 = arith.constant 1.000000e+00 : f32
          %parallel_loop3A_266 = vector.broadcast %parallel_loop3A_265 : f32 to vector<16xf32>
          %parallel_loop3A_267 = arith.subf %parallel_loop3A_266, %parallel_loop3A_263 : vector<16xf32>
          %parallel_loop3A_268 = arith.mulf %get3A_19, %parallel_loop3A_267 : vector<16xf32>
          %parallel_loop3A_269 = arith.addf %parallel_loop3A_264, %parallel_loop3A_268 : vector<16xf32>
          %parallel_loop3A_270 = arith.constant 256 : i32
          %parallel_loop3A_271 = arith.addi %parallel_loop3A_219, %parallel_loop3A_270 : i32
          %parallel_loop3A_272 = arith.index_cast %parallel_loop3A_271 : i32 to index
          %parallel_loop3A_273 = tpu.vector_load %arg25[%parallel_loop3A_272] {strides = array<i32>} : memref<16384xf32, #tpu.memory_space<vmem>>, vector<16xf32>,
          tpu.vector_store %arg25[%parallel_loop3A_272], %parallel_loop3A_269 {strides = array<i32>} : memref<16384xf32, #tpu.memory_space<vmem>>, vector<16xf32>,
        } {sc.loop_unroll_factor = 8 : i64, sc.parallel_access}
        %sub3A_160 = arith.constant 1 : i32
        %sub3A_161 = arith.subi %mul3A_58, %sub3A_160 : i32
        %mul3A_162 = arith.constant 4096 : i32
        %mul3A_163 = arith.muli %sub3A_161, %mul3A_162 : i32
        %add3A_164 = arith.addi %mul3A_2, %mul3A_163 : i32
        %mul3A_165 = arith.constant 4 : i32
        %mul3A_166 = arith.muli %mul3A_165, %add3A_164 : i32
        %dma_start3A_167 = tpu.memref_slice %arg9[%mul3A_166] : memref<8388608xf32, #tpu.memory_space<hbm>> -> memref<16384xf32, #tpu.memory_space<hbm>>
        %dma_start3A_168 = tpu.memref_slice %arg9[%mul3A_166] : memref<8388608xf32, #tpu.memory_space<hbm>> -> memref<16384xf32, #tpu.memory_space<hbm>>
        tpu.enqueue_dma source(%arg25 : memref<16384xf32, #tpu.memory_space<vmem>>) target(%dma_start3A_168 : memref<16384xf32, #tpu.memory_space<hbm>>) target_semaphore(%arg32 : memref<!tpu.dma_semaphore, #tpu.memory_space<semaphore_mem>>)
      } else {
      }
      %add3A_91 = arith.constant 1 : i32
      %add3A_92 = arith.addi %mul3A_58, %add3A_91 : i32
      %mul3A_93 = arith.constant 4096 : i32
      %mul3A_94 = arith.muli %add3A_92, %mul3A_93 : i32
      %add3A_95 = arith.addi %mul3A_2, %mul3A_94 : i32
      %dma_start3A_96 = tpu.memref_slice %arg2[%add3A_95] : memref<2097152xi32, #tpu.memory_space<hbm>> -> memref<4096xi32, #tpu.memory_space<hbm>>
      %dma_start3A_97 = tpu.memref_slice %arg2[%add3A_95] : memref<2097152xi32, #tpu.memory_space<hbm>> -> memref<4096xi32, #tpu.memory_space<hbm>>
      tpu.enqueue_dma source(%dma_start3A_97 : memref<4096xi32, #tpu.memory_space<hbm>>) target(%arg18 : memref<4096xi32, #tpu.memory_space<vmem>>) target_semaphore(%arg28 : memref<!tpu.dma_semaphore, #tpu.memory_space<semaphore_mem>>)
      %dma_start3A_98 = tpu.memref_slice %arg3[%add3A_95] : memref<2097152xi32, #tpu.memory_space<hbm>> -> memref<4096xi32, #tpu.memory_space<hbm>>
      %dma_start3A_99 = tpu.memref_slice %arg3[%add3A_95] : memref<2097152xi32, #tpu.memory_space<hbm>> -> memref<4096xi32, #tpu.memory_space<hbm>>
      tpu.enqueue_dma source(%dma_start3A_99 : memref<4096xi32, #tpu.memory_space<hbm>>) target(%arg19 : memref<4096xi32, #tpu.memory_space<vmem>>) target_semaphore(%arg28 : memref<!tpu.dma_semaphore, #tpu.memory_space<semaphore_mem>>)
      %dma_start3A_100 = tpu.memref_slice %arg4[%add3A_95] : memref<2097152xf32, #tpu.memory_space<hbm>> -> memref<4096xf32, #tpu.memory_space<hbm>>
      %dma_start3A_101 = tpu.memref_slice %arg4[%add3A_95] : memref<2097152xf32, #tpu.memory_space<hbm>> -> memref<4096xf32, #tpu.memory_space<hbm>>
      tpu.enqueue_dma source(%dma_start3A_101 : memref<4096xf32, #tpu.memory_space<hbm>>) target(%arg20 : memref<4096xf32, #tpu.memory_space<vmem>>) target_semaphore(%arg28 : memref<!tpu.dma_semaphore, #tpu.memory_space<semaphore_mem>>)
      %dma_start3A_102 = tpu.memref_slice %arg5[%add3A_95] : memref<2097152xf32, #tpu.memory_space<hbm>> -> memref<4096xf32, #tpu.memory_space<hbm>>
      %dma_start3A_103 = tpu.memref_slice %arg5[%add3A_95] : memref<2097152xf32, #tpu.memory_space<hbm>> -> memref<4096xf32, #tpu.memory_space<hbm>>
      tpu.enqueue_dma source(%dma_start3A_103 : memref<4096xf32, #tpu.memory_space<hbm>>) target(%arg21 : memref<4096xf32, #tpu.memory_space<vmem>>) target_semaphore(%arg28 : memref<!tpu.dma_semaphore, #tpu.memory_space<semaphore_mem>>)
      %dma_start3A_104 = tpu.memref_slice %arg6[%add3A_95] : memref<2097152xf32, #tpu.memory_space<hbm>> -> memref<4096xf32, #tpu.memory_space<hbm>>
      %dma_start3A_105 = tpu.memref_slice %arg6[%add3A_95] : memref<2097152xf32, #tpu.memory_space<hbm>> -> memref<4096xf32, #tpu.memory_space<hbm>>
      tpu.enqueue_dma source(%dma_start3A_105 : memref<4096xf32, #tpu.memory_space<hbm>>) target(%arg22 : memref<4096xf32, #tpu.memory_space<vmem>>) target_semaphore(%arg28 : memref<!tpu.dma_semaphore, #tpu.memory_space<semaphore_mem>>)
      %add3A_106 = arith.constant 1 : i32
      %add3A_107 = arith.addi %mul3A_58, %add3A_106 : i32
      %ge3A_108 = arith.constant 1 : i32
      %ge3A_109 = arith.cmpi sge, %scan3A_56, %ge3A_108 : i32
      %lt3A = arith.constant 7 : i32
      %lt3A_110 = arith.cmpi slt, %scan3A_56, %lt3A : i32
      %dma_wait3A_111 = arith.constant 0 : i32
      %dma_wait3A_112 = tpu.memref_slice %arg2[%dma_wait3A_111] : memref<2097152xi32, #tpu.memory_space<hbm>> -> memref<4096xi32, #tpu.memory_space<hbm>>
      %dma_wait3A_113 = arith.constant 0 : i32
      %dma_wait3A_114 = tpu.memref_slice %arg2[%dma_wait3A_113] : memref<2097152xi32, #tpu.memory_space<hbm>> -> memref<4096xi32, #tpu.memory_space<hbm>>
      tpu.wait_dma2 semaphore(%arg28 : memref<!tpu.dma_semaphore, #tpu.memory_space<semaphore_mem>>) src(%dma_wait3A_114 : memref<4096xi32, #tpu.memory_space<hbm>>) dst(%arg18 : memref<4096xi32, #tpu.memory_space<vmem>>)
      %dma_wait3A_115 = arith.constant 0 : i32
      %dma_wait3A_116 = tpu.memref_slice %arg3[%dma_wait3A_115] : memref<2097152xi32, #tpu.memory_space<hbm>> -> memref<4096xi32, #tpu.memory_space<hbm>>
      %dma_wait3A_117 = arith.constant 0 : i32
      %dma_wait3A_118 = tpu.memref_slice %arg3[%dma_wait3A_117] : memref<2097152xi32, #tpu.memory_space<hbm>> -> memref<4096xi32, #tpu.memory_space<hbm>>
      tpu.wait_dma2 semaphore(%arg28 : memref<!tpu.dma_semaphore, #tpu.memory_space<semaphore_mem>>) src(%dma_wait3A_118 : memref<4096xi32, #tpu.memory_space<hbm>>) dst(%arg19 : memref<4096xi32, #tpu.memory_space<vmem>>)
      %dma_wait3A_119 = arith.constant 0 : i32
      %dma_wait3A_120 = tpu.memref_slice %arg4[%dma_wait3A_119] : memref<2097152xf32, #tpu.memory_space<hbm>> -> memref<4096xf32, #tpu.memory_space<hbm>>
      %dma_wait3A_121 = arith.constant 0 : i32
      %dma_wait3A_122 = tpu.memref_slice %arg4[%dma_wait3A_121] : memref<2097152xf32, #tpu.memory_space<hbm>> -> memref<4096xf32, #tpu.memory_space<hbm>>
      tpu.wait_dma2 semaphore(%arg28 : memref<!tpu.dma_semaphore, #tpu.memory_space<semaphore_mem>>) src(%dma_wait3A_122 : memref<4096xf32, #tpu.memory_space<hbm>>) dst(%arg20 : memref<4096xf32, #tpu.memory_space<vmem>>)
      %dma_wait3A_123 = arith.constant 0 : i32
      %dma_wait3A_124 = tpu.memref_slice %arg5[%dma_wait3A_123] : memref<2097152xf32, #tpu.memory_space<hbm>> -> memref<4096xf32, #tpu.memory_space<hbm>>
      %dma_wait3A_125 = arith.constant 0 : i32
      %dma_wait3A_126 = tpu.memref_slice %arg5[%dma_wait3A_125] : memref<2097152xf32, #tpu.memory_space<hbm>> -> memref<4096xf32, #tpu.memory_space<hbm>>
      tpu.wait_dma2 semaphore(%arg28 : memref<!tpu.dma_semaphore, #tpu.memory_space<semaphore_mem>>) src(%dma_wait3A_126 : memref<4096xf32, #tpu.memory_space<hbm>>) dst(%arg21 : memref<4096xf32, #tpu.memory_space<vmem>>)
      %dma_wait3A_127 = arith.constant 0 : i32
      %dma_wait3A_128 = tpu.memref_slice %arg6[%dma_wait3A_127] : memref<2097152xf32, #tpu.memory_space<hbm>> -> memref<4096xf32, #tpu.memory_space<hbm>>
      %dma_wait3A_129 = arith.constant 0 : i32
      %dma_wait3A_130 = tpu.memref_slice %arg6[%dma_wait3A_129] : memref<2097152xf32, #tpu.memory_space<hbm>> -> memref<4096xf32, #tpu.memory_space<hbm>>
      tpu.wait_dma2 semaphore(%arg28 : memref<!tpu.dma_semaphore, #tpu.memory_space<semaphore_mem>>) src(%dma_wait3A_130 : memref<4096xf32, #tpu.memory_space<hbm>>) dst(%arg22 : memref<4096xf32, #tpu.memory_space<vmem>>)
      %parallel_loop3A_131 = arith.constant 0 : i32
      %parallel_loop3A_132 = arith.constant 256 : i32
      %parallel_loop3A_133 = arith.constant 1 : i32
      scf.for %parallel_loop3A_155 = %parallel_loop3A_131 to %parallel_loop3A_132 step %parallel_loop3A_133  : i32 {
        %parallel_loop3A_156 = arith.constant 16 : i32
        %parallel_loop3A_157 = arith.muli %parallel_loop3A_155, %parallel_loop3A_156 : i32
        %parallel_loop3A_158 = arith.index_cast %parallel_loop3A_157 : i32 to index
        %parallel_loop3A_159 = tpu.vector_load %arg18[%parallel_loop3A_158] {strides = array<i32>} : memref<4096xi32, #tpu.memory_space<vmem>>, vector<16xi32>,
        %parallel_loop3A_160 = arith.index_cast %parallel_loop3A_157 : i32 to index
        %parallel_loop3A_161 = tpu.vector_load %arg19[%parallel_loop3A_160] {strides = array<i32>} : memref<4096xi32, #tpu.memory_space<vmem>>, vector<16xi32>,
        %parallel_loop3A_162 = arith.constant 3 : i32
        %parallel_loop3A_163 = vector.broadcast %parallel_loop3A_162 : i32 to vector<16xi32>
        %parallel_loop3A_164 = arith.shrui %parallel_loop3A_161, %parallel_loop3A_163 : vector<16xi32>
        %parallel_loop3A_165 = arith.constant 14 : i32
        %parallel_loop3A_166 = vector.broadcast %parallel_loop3A_165 : i32 to vector<16xi32>
        %parallel_loop3A_167 = arith.shli %parallel_loop3A_164, %parallel_loop3A_166 : vector<16xi32>
        %parallel_loop3A_168 = arith.constant 7 : i32
        %parallel_loop3A_169 = vector.broadcast %parallel_loop3A_168 : i32 to vector<16xi32>
        %parallel_loop3A_170 = arith.shrui %parallel_loop3A_159, %parallel_loop3A_169 : vector<16xi32>
        %parallel_loop3A_171 = arith.constant 10 : i32
        %parallel_loop3A_172 = vector.broadcast %parallel_loop3A_171 : i32 to vector<16xi32>
        %parallel_loop3A_173 = arith.shli %parallel_loop3A_170, %parallel_loop3A_172 : vector<16xi32>
        %parallel_loop3A_174 = arith.addi %parallel_loop3A_167, %parallel_loop3A_173 : vector<16xi32>
        %parallel_loop3A_175 = arith.constant 7 : i32
        %parallel_loop3A_176 = vector.broadcast %parallel_loop3A_175 : i32 to vector<16xi32>
        %parallel_loop3A_177 = arith.andi %parallel_loop3A_161, %parallel_loop3A_176 : vector<16xi32>
        %parallel_loop3A_178 = arith.constant 7 : i32
        %parallel_loop3A_179 = vector.broadcast %parallel_loop3A_178 : i32 to vector<16xi32>
        %parallel_loop3A_180 = arith.shli %parallel_loop3A_177, %parallel_loop3A_179 : vector<16xi32>
        %parallel_loop3A_181 = arith.addi %parallel_loop3A_174, %parallel_loop3A_180 : vector<16xi32>
        %parallel_loop3A_182 = arith.constant 127 : i32
        %parallel_loop3A_183 = vector.broadcast %parallel_loop3A_182 : i32 to vector<16xi32>
        %parallel_loop3A_184 = arith.andi %parallel_loop3A_159, %parallel_loop3A_183 : vector<16xi32>
        %parallel_loop3A_185 = arith.addi %parallel_loop3A_181, %parallel_loop3A_184 : vector<16xi32>
        %parallel_loop3A_186 = arith.index_cast %parallel_loop3A_157 : i32 to index
        %parallel_loop3A_187 = tpu.vector_load %arg23[%parallel_loop3A_186] {strides = array<i32>} : memref<12288xi32, #tpu.memory_space<vmem>>, vector<16xi32>,
        tpu.vector_store %arg23[%parallel_loop3A_186], %parallel_loop3A_185 {strides = array<i32>} : memref<12288xi32, #tpu.memory_space<vmem>>, vector<16xi32>,
        %parallel_loop3A_188 = arith.constant 3145728 : i32
        %parallel_loop3A_189 = vector.broadcast %parallel_loop3A_188 : i32 to vector<16xi32>
        %parallel_loop3A_190 = arith.addi %parallel_loop3A_185, %parallel_loop3A_189 : vector<16xi32>
        %parallel_loop3A_191 = arith.constant 4096 : i32
        %parallel_loop3A_192 = arith.addi %parallel_loop3A_191, %parallel_loop3A_157 : i32
        %parallel_loop3A_193 = arith.index_cast %parallel_loop3A_192 : i32 to index
        %parallel_loop3A_194 = tpu.vector_load %arg23[%parallel_loop3A_193] {strides = array<i32>} : memref<12288xi32, #tpu.memory_space<vmem>>, vector<16xi32>,
        tpu.vector_store %arg23[%parallel_loop3A_193], %parallel_loop3A_190 {strides = array<i32>} : memref<12288xi32, #tpu.memory_space<vmem>>, vector<16xi32>,
        %parallel_loop3A_195 = arith.constant 6291456 : i32
        %parallel_loop3A_196 = vector.broadcast %parallel_loop3A_195 : i32 to vector<16xi32>
        %parallel_loop3A_197 = arith.addi %parallel_loop3A_185, %parallel_loop3A_196 : vector<16xi32>
        %parallel_loop3A_198 = arith.constant 8192 : i32
        %parallel_loop3A_199 = arith.addi %parallel_loop3A_198, %parallel_loop3A_157 : i32
        %parallel_loop3A_200 = arith.index_cast %parallel_loop3A_199 : i32 to index
        %parallel_loop3A_201 = tpu.vector_load %arg23[%parallel_loop3A_200] {strides = array<i32>} : memref<12288xi32, #tpu.memory_space<vmem>>, vector<16xi32>,
        tpu.vector_store %arg23[%parallel_loop3A_200], %parallel_loop3A_197 {strides = array<i32>} : memref<12288xi32, #tpu.memory_space<vmem>>, vector<16xi32>,
      } {sc.loop_unroll_factor = 8 : i64, sc.parallel_access}
      %dma_start3A_134 = arith.constant 0 : i32
      %dma_start3A_135 = tpu.memref_slice %arg7[%dma_start3A_134] : memref<9437184xf32, #tpu.memory_space<hbm>> -> memref<9437184xf32, #tpu.memory_space<hbm>>
      tpu.enqueue_indirect_dma source(%dma_start3A_135 : memref<9437184xf32, #tpu.memory_space<hbm>>) target(%arg24 : memref<12288xf32, #tpu.memory_space<vmem>>) offsets(%arg23 : memref<12288xi32, #tpu.memory_space<vmem>>) semaphore(%arg30 : memref<!tpu.dma_semaphore, #tpu.memory_space<semaphore_mem>>)
      %convert_element_type3A_136 = arith.extui %ge3A_109 : i1 to i32
      %cond3A_137 = arith.constant 0 : i32
      %cond3A_138 = arith.cmpi ne, %convert_element_type3A_136, %cond3A_137 : i32
      scf.if %cond3A_138 {
        %dma_wait3A_155 = arith.constant 0 : i32
        %dma_wait3A_156 = tpu.memref_slice %arg9[%dma_wait3A_155] : memref<8388608xf32, #tpu.memory_space<hbm>> -> memref<16384xf32, #tpu.memory_space<hbm>>
        %dma_wait3A_157 = arith.constant 0 : i32
        %dma_wait3A_158 = tpu.memref_slice %arg9[%dma_wait3A_157] : memref<8388608xf32, #tpu.memory_space<hbm>> -> memref<16384xf32, #tpu.memory_space<hbm>>
        tpu.wait_dma2 semaphore(%arg31 : memref<!tpu.dma_semaphore, #tpu.memory_space<semaphore_mem>>) src(%arg17 : memref<16384xf32, #tpu.memory_space<vmem>>) dst(%dma_wait3A_158 : memref<16384xf32, #tpu.memory_space<hbm>>)
      } else {
      }
      %dma_wait3A_139 = arith.constant 0 : i32
      %dma_wait3A_140 = tpu.memref_slice %arg7[%dma_wait3A_139] : memref<9437184xf32, #tpu.memory_space<hbm>> -> memref<9437184xf32, #tpu.memory_space<hbm>>
      tpu.wait_indirect_dma semaphore(%arg29 : memref<!tpu.dma_semaphore, #tpu.memory_space<semaphore_mem>>) src(%dma_wait3A_140 : memref<9437184xf32, #tpu.memory_space<hbm>>) dst(%arg16 : memref<12288xf32, #tpu.memory_space<vmem>>)
      %parallel_loop3A_141 = arith.constant 0 : i32
      %parallel_loop3A_142 = arith.constant 256 : i32
      %parallel_loop3A_143 = arith.constant 1 : i32
      scf.for %parallel_loop3A_155 = %parallel_loop3A_141 to %parallel_loop3A_142 step %parallel_loop3A_143  : i32 {
        %parallel_loop3A_156 = arith.constant 16 : i32
        %parallel_loop3A_157 = arith.muli %parallel_loop3A_155, %parallel_loop3A_156 : i32
        %parallel_loop3A_158 = arith.index_cast %parallel_loop3A_157 : i32 to index
        %parallel_loop3A_159 = tpu.vector_load %arg12[%parallel_loop3A_158] {strides = array<i32>} : memref<4096xf32, #tpu.memory_space<vmem>>, vector<16xf32>,
        %parallel_loop3A_160 = arith.index_cast %parallel_loop3A_157 : i32 to index
        %parallel_loop3A_161 = tpu.vector_load %arg13[%parallel_loop3A_160] {strides = array<i32>} : memref<4096xf32, #tpu.memory_space<vmem>>, vector<16xf32>,
        %parallel_loop3A_162 = arith.index_cast %parallel_loop3A_157 : i32 to index
        %parallel_loop3A_163 = tpu.vector_load %arg14[%parallel_loop3A_162] {strides = array<i32>} : memref<4096xf32, #tpu.memory_space<vmem>>, vector<16xf32>,
        %parallel_loop3A_164 = arith.mulf %parallel_loop3A_159, %parallel_loop3A_159 : vector<16xf32>
        %parallel_loop3A_165 = arith.mulf %parallel_loop3A_161, %parallel_loop3A_161 : vector<16xf32>
        %parallel_loop3A_166 = arith.addf %parallel_loop3A_164, %parallel_loop3A_165 : vector<16xf32>
        %parallel_loop3A_167 = arith.mulf %parallel_loop3A_163, %parallel_loop3A_163 : vector<16xf32>
        %parallel_loop3A_168 = arith.addf %parallel_loop3A_166, %parallel_loop3A_167 : vector<16xf32>
        %parallel_loop3A_169 = arith.constant 1.000000e-30 : f32
        %parallel_loop3A_170 = vector.broadcast %parallel_loop3A_169 : f32 to vector<16xf32>
        %parallel_loop3A_171 = arith.maximumf %parallel_loop3A_168, %parallel_loop3A_170 : vector<16xf32>
        %parallel_loop3A_172 = tpu.bitcast %parallel_loop3A_171 : vector<16xf32> -> vector<16xi32>
        %parallel_loop3A_173 = arith.constant 1 : i32
        %parallel_loop3A_174 = vector.broadcast %parallel_loop3A_173 : i32 to vector<16xi32>
        %parallel_loop3A_175 = arith.shrsi %parallel_loop3A_172, %parallel_loop3A_174 : vector<16xi32>
        %parallel_loop3A_176 = arith.constant 1597463007 : i32
        %parallel_loop3A_177 = vector.broadcast %parallel_loop3A_176 : i32 to vector<16xi32>
        %parallel_loop3A_178 = arith.subi %parallel_loop3A_177, %parallel_loop3A_175 : vector<16xi32>
        %parallel_loop3A_179 = tpu.bitcast %parallel_loop3A_178 : vector<16xi32> -> vector<16xf32>
        %parallel_loop3A_180 = arith.constant 5.000000e-01 : f32
        %parallel_loop3A_181 = vector.broadcast %parallel_loop3A_180 : f32 to vector<16xf32>
        %parallel_loop3A_182 = arith.mulf %parallel_loop3A_181, %parallel_loop3A_171 : vector<16xf32>
        %parallel_loop3A_183 = arith.mulf %parallel_loop3A_182, %parallel_loop3A_179 : vector<16xf32>
        %parallel_loop3A_184 = arith.mulf %parallel_loop3A_183, %parallel_loop3A_179 : vector<16xf32>
        %parallel_loop3A_185 = arith.constant 1.500000e+00 : f32
        %parallel_loop3A_186 = vector.broadcast %parallel_loop3A_185 : f32 to vector<16xf32>
        %parallel_loop3A_187 = arith.subf %parallel_loop3A_186, %parallel_loop3A_184 : vector<16xf32>
        %parallel_loop3A_188 = arith.mulf %parallel_loop3A_179, %parallel_loop3A_187 : vector<16xf32>
        %parallel_loop3A_189 = arith.constant 5.000000e-01 : f32
        %parallel_loop3A_190 = vector.broadcast %parallel_loop3A_189 : f32 to vector<16xf32>
        %parallel_loop3A_191 = arith.mulf %parallel_loop3A_190, %parallel_loop3A_171 : vector<16xf32>
        %parallel_loop3A_192 = arith.mulf %parallel_loop3A_191, %parallel_loop3A_188 : vector<16xf32>
        %parallel_loop3A_193 = arith.mulf %parallel_loop3A_192, %parallel_loop3A_188 : vector<16xf32>
        %parallel_loop3A_194 = arith.constant 1.500000e+00 : f32
        %parallel_loop3A_195 = vector.broadcast %parallel_loop3A_194 : f32 to vector<16xf32>
        %parallel_loop3A_196 = arith.subf %parallel_loop3A_195, %parallel_loop3A_193 : vector<16xf32>
        %parallel_loop3A_197 = arith.mulf %parallel_loop3A_188, %parallel_loop3A_196 : vector<16xf32>
        %parallel_loop3A_198 = arith.mulf %parallel_loop3A_168, %parallel_loop3A_197 : vector<16xf32>
        %parallel_loop3A_199 = arith.constant 7 : i32
        %parallel_loop3A_200 = arith.shrui %parallel_loop3A_157, %parallel_loop3A_199 : i32
        %parallel_loop3A_201 = arith.constant 9 : i32
        %parallel_loop3A_202 = arith.shli %parallel_loop3A_200, %parallel_loop3A_201 : i32
        %parallel_loop3A_203 = arith.constant 127 : i32
        %parallel_loop3A_204 = arith.andi %parallel_loop3A_157, %parallel_loop3A_203 : i32
        %parallel_loop3A_205 = arith.addi %parallel_loop3A_202, %parallel_loop3A_204 : i32
        %parallel_loop3A_206 = arith.constant 0 : i32
        %parallel_loop3A_207 = arith.addi %parallel_loop3A_206, %parallel_loop3A_157 : i32
        %parallel_loop3A_208 = arith.index_cast %parallel_loop3A_207 : i32 to index
        %parallel_loop3A_209 = tpu.vector_load %arg16[%parallel_loop3A_208] {strides = array<i32>} : memref<12288xf32, #tpu.memory_space<vmem>>, vector<16xf32>,
        %parallel_loop3A_210 = arith.mulf %get3A_3, %parallel_loop3A_198 : vector<16xf32>
        %parallel_loop3A_211 = math.exp %parallel_loop3A_210 : vector<16xf32>
        %parallel_loop3A_212 = arith.mulf %get3A_9, %parallel_loop3A_198 : vector<16xf32>
        %parallel_loop3A_213 = math.exp %parallel_loop3A_212 : vector<16xf32>
        %parallel_loop3A_214 = arith.mulf %parallel_loop3A_209, %parallel_loop3A_211 : vector<16xf32>
        %parallel_loop3A_215 = arith.constant 1.000000e+00 : f32
        %parallel_loop3A_216 = vector.broadcast %parallel_loop3A_215 : f32 to vector<16xf32>
        %parallel_loop3A_217 = arith.subf %parallel_loop3A_216, %parallel_loop3A_213 : vector<16xf32>
        %parallel_loop3A_218 = arith.mulf %get3A_15, %parallel_loop3A_217 : vector<16xf32>
        %parallel_loop3A_219 = arith.addf %parallel_loop3A_214, %parallel_loop3A_218 : vector<16xf32>
        %parallel_loop3A_220 = arith.constant 0 : i32
        %parallel_loop3A_221 = arith.addi %parallel_loop3A_205, %parallel_loop3A_220 : i32
        %parallel_loop3A_222 = arith.index_cast %parallel_loop3A_221 : i32 to index
        %parallel_loop3A_223 = tpu.vector_load %arg17[%parallel_loop3A_222] {strides = array<i32>} : memref<16384xf32, #tpu.memory_space<vmem>>, vector<16xf32>,
        tpu.vector_store %arg17[%parallel_loop3A_222], %parallel_loop3A_219 {strides = array<i32>} : memref<16384xf32, #tpu.memory_space<vmem>>, vector<16xf32>,
        %parallel_loop3A_224 = arith.constant 4096 : i32
        %parallel_loop3A_225 = arith.addi %parallel_loop3A_224, %parallel_loop3A_157 : i32
        %parallel_loop3A_226 = arith.index_cast %parallel_loop3A_225 : i32 to index
        %parallel_loop3A_227 = tpu.vector_load %arg16[%parallel_loop3A_226] {strides = array<i32>} : memref<12288xf32, #tpu.memory_space<vmem>>, vector<16xf32>,
        %parallel_loop3A_228 = arith.mulf %get3A_5, %parallel_loop3A_198 : vector<16xf32>
        %parallel_loop3A_229 = math.exp %parallel_loop3A_228 : vector<16xf32>
        %parallel_loop3A_230 = arith.mulf %get3A_11, %parallel_loop3A_198 : vector<16xf32>
        %parallel_loop3A_231 = math.exp %parallel_loop3A_230 : vector<16xf32>
        %parallel_loop3A_232 = arith.mulf %parallel_loop3A_227, %parallel_loop3A_229 : vector<16xf32>
        %parallel_loop3A_233 = arith.constant 1.000000e+00 : f32
        %parallel_loop3A_234 = vector.broadcast %parallel_loop3A_233 : f32 to vector<16xf32>
        %parallel_loop3A_235 = arith.subf %parallel_loop3A_234, %parallel_loop3A_231 : vector<16xf32>
        %parallel_loop3A_236 = arith.mulf %get3A_17, %parallel_loop3A_235 : vector<16xf32>
        %parallel_loop3A_237 = arith.addf %parallel_loop3A_232, %parallel_loop3A_236 : vector<16xf32>
        %parallel_loop3A_238 = arith.constant 128 : i32
        %parallel_loop3A_239 = arith.addi %parallel_loop3A_205, %parallel_loop3A_238 : i32
        %parallel_loop3A_240 = arith.index_cast %parallel_loop3A_239 : i32 to index
        %parallel_loop3A_241 = tpu.vector_load %arg17[%parallel_loop3A_240] {strides = array<i32>} : memref<16384xf32, #tpu.memory_space<vmem>>, vector<16xf32>,
        tpu.vector_store %arg17[%parallel_loop3A_240], %parallel_loop3A_237 {strides = array<i32>} : memref<16384xf32, #tpu.memory_space<vmem>>, vector<16xf32>,
        %parallel_loop3A_242 = arith.constant 8192 : i32
        %parallel_loop3A_243 = arith.addi %parallel_loop3A_242, %parallel_loop3A_157 : i32
        %parallel_loop3A_244 = arith.index_cast %parallel_loop3A_243 : i32 to index
        %parallel_loop3A_245 = tpu.vector_load %arg16[%parallel_loop3A_244] {strides = array<i32>} : memref<12288xf32, #tpu.memory_space<vmem>>, vector<16xf32>,
        %parallel_loop3A_246 = arith.mulf %get3A_7, %parallel_loop3A_198 : vector<16xf32>
        %parallel_loop3A_247 = math.exp %parallel_loop3A_246 : vector<16xf32>
        %parallel_loop3A_248 = arith.mulf %get3A_13, %parallel_loop3A_198 : vector<16xf32>
        %parallel_loop3A_249 = math.exp %parallel_loop3A_248 : vector<16xf32>
        %parallel_loop3A_250 = arith.mulf %parallel_loop3A_245, %parallel_loop3A_247 : vector<16xf32>
        %parallel_loop3A_251 = arith.constant 1.000000e+00 : f32
        %parallel_loop3A_252 = vector.broadcast %parallel_loop3A_251 : f32 to vector<16xf32>
        %parallel_loop3A_253 = arith.subf %parallel_loop3A_252, %parallel_loop3A_249 : vector<16xf32>
        %parallel_loop3A_254 = arith.mulf %get3A_19, %parallel_loop3A_253 : vector<16xf32>
        %parallel_loop3A_255 = arith.addf %parallel_loop3A_250, %parallel_loop3A_254 : vector<16xf32>
        %parallel_loop3A_256 = arith.constant 256 : i32
        %parallel_loop3A_257 = arith.addi %parallel_loop3A_205, %parallel_loop3A_256 : i32
        %parallel_loop3A_258 = arith.index_cast %parallel_loop3A_257 : i32 to index
        %parallel_loop3A_259 = tpu.vector_load %arg17[%parallel_loop3A_258] {strides = array<i32>} : memref<16384xf32, #tpu.memory_space<vmem>>, vector<16xf32>,
        tpu.vector_store %arg17[%parallel_loop3A_258], %parallel_loop3A_255 {strides = array<i32>} : memref<16384xf32, #tpu.memory_space<vmem>>, vector<16xf32>,
      } {sc.loop_unroll_factor = 8 : i64, sc.parallel_access}
      %sub3A = arith.constant 1 : i32
      %sub3A_144 = arith.subi %add3A_107, %sub3A : i32
      %mul3A_145 = arith.constant 4096 : i32
      %mul3A_146 = arith.muli %sub3A_144, %mul3A_145 : i32
      %add3A_147 = arith.addi %mul3A_2, %mul3A_146 : i32
      %mul3A_148 = arith.constant 4 : i32
      %mul3A_149 = arith.muli %mul3A_148, %add3A_147 : i32
      %dma_start3A_150 = tpu.memref_slice %arg9[%mul3A_149] : memref<8388608xf32, #tpu.memory_space<hbm>> -> memref<16384xf32, #tpu.memory_space<hbm>>
      %dma_start3A_151 = tpu.memref_slice %arg9[%mul3A_149] : memref<8388608xf32, #tpu.memory_space<hbm>> -> memref<16384xf32, #tpu.memory_space<hbm>>
      tpu.enqueue_dma source(%arg17 : memref<16384xf32, #tpu.memory_space<vmem>>) target(%dma_start3A_151 : memref<16384xf32, #tpu.memory_space<hbm>>) target_semaphore(%arg31 : memref<!tpu.dma_semaphore, #tpu.memory_space<semaphore_mem>>)
      %convert_element_type3A_152 = arith.extui %lt3A_110 : i1 to i32
      %cond3A_153 = arith.constant 0 : i32
      %cond3A_154 = arith.cmpi ne, %convert_element_type3A_152, %cond3A_153 : i32
      scf.if %cond3A_154 {
        %add3A_155 = arith.constant 1 : i32
        %add3A_156 = arith.addi %add3A_107, %add3A_155 : i32
        %mul3A_157 = arith.constant 4096 : i32
        %mul3A_158 = arith.muli %add3A_156, %mul3A_157 : i32
        %add3A_159 = arith.addi %mul3A_2, %mul3A_158 : i32
        %dma_start3A_160 = tpu.memref_slice %arg2[%add3A_159] : memref<2097152xi32, #tpu.memory_space<hbm>> -> memref<4096xi32, #tpu.memory_space<hbm>>
        %dma_start3A_161 = tpu.memref_slice %arg2[%add3A_159] : memref<2097152xi32, #tpu.memory_space<hbm>> -> memref<4096xi32, #tpu.memory_space<hbm>>
        tpu.enqueue_dma source(%dma_start3A_161 : memref<4096xi32, #tpu.memory_space<hbm>>) target(%arg10 : memref<4096xi32, #tpu.memory_space<vmem>>) target_semaphore(%arg27 : memref<!tpu.dma_semaphore, #tpu.memory_space<semaphore_mem>>)
        %dma_start3A_162 = tpu.memref_slice %arg3[%add3A_159] : memref<2097152xi32, #tpu.memory_space<hbm>> -> memref<4096xi32, #tpu.memory_space<hbm>>
        %dma_start3A_163 = tpu.memref_slice %arg3[%add3A_159] : memref<2097152xi32, #tpu.memory_space<hbm>> -> memref<4096xi32, #tpu.memory_space<hbm>>
        tpu.enqueue_dma source(%dma_start3A_163 : memref<4096xi32, #tpu.memory_space<hbm>>) target(%arg11 : memref<4096xi32, #tpu.memory_space<vmem>>) target_semaphore(%arg27 : memref<!tpu.dma_semaphore, #tpu.memory_space<semaphore_mem>>)
        %dma_start3A_164 = tpu.memref_slice %arg4[%add3A_159] : memref<2097152xf32, #tpu.memory_space<hbm>> -> memref<4096xf32, #tpu.memory_space<hbm>>
        %dma_start3A_165 = tpu.memref_slice %arg4[%add3A_159] : memref<2097152xf32, #tpu.memory_space<hbm>> -> memref<4096xf32, #tpu.memory_space<hbm>>
        tpu.enqueue_dma source(%dma_start3A_165 : memref<4096xf32, #tpu.memory_space<hbm>>) target(%arg12 : memref<4096xf32, #tpu.memory_space<vmem>>) target_semaphore(%arg27 : memref<!tpu.dma_semaphore, #tpu.memory_space<semaphore_mem>>)
        %dma_start3A_166 = tpu.memref_slice %arg5[%add3A_159] : memref<2097152xf32, #tpu.memory_space<hbm>> -> memref<4096xf32, #tpu.memory_space<hbm>>
        %dma_start3A_167 = tpu.memref_slice %arg5[%add3A_159] : memref<2097152xf32, #tpu.memory_space<hbm>> -> memref<4096xf32, #tpu.memory_space<hbm>>
        tpu.enqueue_dma source(%dma_start3A_167 : memref<4096xf32, #tpu.memory_space<hbm>>) target(%arg13 : memref<4096xf32, #tpu.memory_space<vmem>>) target_semaphore(%arg27 : memref<!tpu.dma_semaphore, #tpu.memory_space<semaphore_mem>>)
        %dma_start3A_168 = tpu.memref_slice %arg6[%add3A_159] : memref<2097152xf32, #tpu.memory_space<hbm>> -> memref<4096xf32, #tpu.memory_space<hbm>>
        %dma_start3A_169 = tpu.memref_slice %arg6[%add3A_159] : memref<2097152xf32, #tpu.memory_space<hbm>> -> memref<4096xf32, #tpu.memory_space<hbm>>
        tpu.enqueue_dma source(%dma_start3A_169 : memref<4096xf32, #tpu.memory_space<hbm>>) target(%arg14 : memref<4096xf32, #tpu.memory_space<vmem>>) target_semaphore(%arg27 : memref<!tpu.dma_semaphore, #tpu.memory_space<semaphore_mem>>)
      } else {
      }
    }
    %scan3A_34 = arith.constant 8 : i32
    %dma_wait3A = arith.constant 0 : i32
    %dma_wait3A_35 = tpu.memref_slice %arg9[%dma_wait3A] : memref<8388608xf32, #tpu.memory_space<hbm>> -> memref<16384xf32, #tpu.memory_space<hbm>>
    %dma_wait3A_36 = arith.constant 0 : i32
    %dma_wait3A_37 = tpu.memref_slice %arg9[%dma_wait3A_36] : memref<8388608xf32, #tpu.memory_space<hbm>> -> memref<16384xf32, #tpu.memory_space<hbm>>
    tpu.wait_dma2 semaphore(%arg32 : memref<!tpu.dma_semaphore, #tpu.memory_space<semaphore_mem>>) src(%arg25 : memref<16384xf32, #tpu.memory_space<vmem>>) dst(%dma_wait3A_37 : memref<16384xf32, #tpu.memory_space<hbm>>)
    %dma_wait3A_38 = arith.constant 0 : i32
    %dma_wait3A_39 = tpu.memref_slice %arg7[%dma_wait3A_38] : memref<9437184xf32, #tpu.memory_space<hbm>> -> memref<9437184xf32, #tpu.memory_space<hbm>>
    tpu.wait_indirect_dma semaphore(%arg30 : memref<!tpu.dma_semaphore, #tpu.memory_space<semaphore_mem>>) src(%dma_wait3A_39 : memref<9437184xf32, #tpu.memory_space<hbm>>) dst(%arg24 : memref<12288xf32, #tpu.memory_space<vmem>>)
    %parallel_loop3A = arith.constant 0 : i32
    %parallel_loop3A_40 = arith.constant 256 : i32
    %parallel_loop3A_41 = arith.constant 1 : i32
    scf.for %parallel_loop3A_56 = %parallel_loop3A to %parallel_loop3A_40 step %parallel_loop3A_41  : i32 {
      %parallel_loop3A_57 = arith.constant 16 : i32
      %parallel_loop3A_58 = arith.muli %parallel_loop3A_56, %parallel_loop3A_57 : i32
      %parallel_loop3A_59 = arith.index_cast %parallel_loop3A_58 : i32 to index
      %parallel_loop3A_60 = tpu.vector_load %arg20[%parallel_loop3A_59] {strides = array<i32>} : memref<4096xf32, #tpu.memory_space<vmem>>, vector<16xf32>,
      %parallel_loop3A_61 = arith.index_cast %parallel_loop3A_58 : i32 to index
      %parallel_loop3A_62 = tpu.vector_load %arg21[%parallel_loop3A_61] {strides = array<i32>} : memref<4096xf32, #tpu.memory_space<vmem>>, vector<16xf32>,
      %parallel_loop3A_63 = arith.index_cast %parallel_loop3A_58 : i32 to index
      %parallel_loop3A_64 = tpu.vector_load %arg22[%parallel_loop3A_63] {strides = array<i32>} : memref<4096xf32, #tpu.memory_space<vmem>>, vector<16xf32>,
      %parallel_loop3A_65 = arith.mulf %parallel_loop3A_60, %parallel_loop3A_60 : vector<16xf32>
      %parallel_loop3A_66 = arith.mulf %parallel_loop3A_62, %parallel_loop3A_62 : vector<16xf32>
      %parallel_loop3A_67 = arith.addf %parallel_loop3A_65, %parallel_loop3A_66 : vector<16xf32>
      %parallel_loop3A_68 = arith.mulf %parallel_loop3A_64, %parallel_loop3A_64 : vector<16xf32>
      %parallel_loop3A_69 = arith.addf %parallel_loop3A_67, %parallel_loop3A_68 : vector<16xf32>
      %parallel_loop3A_70 = arith.constant 1.000000e-30 : f32
      %parallel_loop3A_71 = vector.broadcast %parallel_loop3A_70 : f32 to vector<16xf32>
      %parallel_loop3A_72 = arith.maximumf %parallel_loop3A_69, %parallel_loop3A_71 : vector<16xf32>
      %parallel_loop3A_73 = tpu.bitcast %parallel_loop3A_72 : vector<16xf32> -> vector<16xi32>
      %parallel_loop3A_74 = arith.constant 1 : i32
      %parallel_loop3A_75 = vector.broadcast %parallel_loop3A_74 : i32 to vector<16xi32>
      %parallel_loop3A_76 = arith.shrsi %parallel_loop3A_73, %parallel_loop3A_75 : vector<16xi32>
      %parallel_loop3A_77 = arith.constant 1597463007 : i32
      %parallel_loop3A_78 = vector.broadcast %parallel_loop3A_77 : i32 to vector<16xi32>
      %parallel_loop3A_79 = arith.subi %parallel_loop3A_78, %parallel_loop3A_76 : vector<16xi32>
      %parallel_loop3A_80 = tpu.bitcast %parallel_loop3A_79 : vector<16xi32> -> vector<16xf32>
      %parallel_loop3A_81 = arith.constant 5.000000e-01 : f32
      %parallel_loop3A_82 = vector.broadcast %parallel_loop3A_81 : f32 to vector<16xf32>
      %parallel_loop3A_83 = arith.mulf %parallel_loop3A_82, %parallel_loop3A_72 : vector<16xf32>
      %parallel_loop3A_84 = arith.mulf %parallel_loop3A_83, %parallel_loop3A_80 : vector<16xf32>
      %parallel_loop3A_85 = arith.mulf %parallel_loop3A_84, %parallel_loop3A_80 : vector<16xf32>
      %parallel_loop3A_86 = arith.constant 1.500000e+00 : f32
      %parallel_loop3A_87 = vector.broadcast %parallel_loop3A_86 : f32 to vector<16xf32>
      %parallel_loop3A_88 = arith.subf %parallel_loop3A_87, %parallel_loop3A_85 : vector<16xf32>
      %parallel_loop3A_89 = arith.mulf %parallel_loop3A_80, %parallel_loop3A_88 : vector<16xf32>
      %parallel_loop3A_90 = arith.constant 5.000000e-01 : f32
      %parallel_loop3A_91 = vector.broadcast %parallel_loop3A_90 : f32 to vector<16xf32>
      %parallel_loop3A_92 = arith.mulf %parallel_loop3A_91, %parallel_loop3A_72 : vector<16xf32>
      %parallel_loop3A_93 = arith.mulf %parallel_loop3A_92, %parallel_loop3A_89 : vector<16xf32>
      %parallel_loop3A_94 = arith.mulf %parallel_loop3A_93, %parallel_loop3A_89 : vector<16xf32>
      %parallel_loop3A_95 = arith.constant 1.500000e+00 : f32
      %parallel_loop3A_96 = vector.broadcast %parallel_loop3A_95 : f32 to vector<16xf32>
      %parallel_loop3A_97 = arith.subf %parallel_loop3A_96, %parallel_loop3A_94 : vector<16xf32>
      %parallel_loop3A_98 = arith.mulf %parallel_loop3A_89, %parallel_loop3A_97 : vector<16xf32>
      %parallel_loop3A_99 = arith.mulf %parallel_loop3A_69, %parallel_loop3A_98 : vector<16xf32>
      %parallel_loop3A_100 = arith.constant 7 : i32
      %parallel_loop3A_101 = arith.shrui %parallel_loop3A_58, %parallel_loop3A_100 : i32
      %parallel_loop3A_102 = arith.constant 9 : i32
      %parallel_loop3A_103 = arith.shli %parallel_loop3A_101, %parallel_loop3A_102 : i32
      %parallel_loop3A_104 = arith.constant 127 : i32
      %parallel_loop3A_105 = arith.andi %parallel_loop3A_58, %parallel_loop3A_104 : i32
      %parallel_loop3A_106 = arith.addi %parallel_loop3A_103, %parallel_loop3A_105 : i32
      %parallel_loop3A_107 = arith.constant 0 : i32
      %parallel_loop3A_108 = arith.addi %parallel_loop3A_107, %parallel_loop3A_58 : i32
      %parallel_loop3A_109 = arith.index_cast %parallel_loop3A_108 : i32 to index
      %parallel_loop3A_110 = tpu.vector_load %arg24[%parallel_loop3A_109] {strides = array<i32>} : memref<12288xf32, #tpu.memory_space<vmem>>, vector<16xf32>,
      %parallel_loop3A_111 = arith.mulf %get3A_3, %parallel_loop3A_99 : vector<16xf32>
      %parallel_loop3A_112 = math.exp %parallel_loop3A_111 : vector<16xf32>
      %parallel_loop3A_113 = arith.mulf %get3A_9, %parallel_loop3A_99 : vector<16xf32>
      %parallel_loop3A_114 = math.exp %parallel_loop3A_113 : vector<16xf32>
      %parallel_loop3A_115 = arith.mulf %parallel_loop3A_110, %parallel_loop3A_112 : vector<16xf32>
      %parallel_loop3A_116 = arith.constant 1.000000e+00 : f32
      %parallel_loop3A_117 = vector.broadcast %parallel_loop3A_116 : f32 to vector<16xf32>
      %parallel_loop3A_118 = arith.subf %parallel_loop3A_117, %parallel_loop3A_114 : vector<16xf32>
      %parallel_loop3A_119 = arith.mulf %get3A_15, %parallel_loop3A_118 : vector<16xf32>
      %parallel_loop3A_120 = arith.addf %parallel_loop3A_115, %parallel_loop3A_119 : vector<16xf32>
      %parallel_loop3A_121 = arith.constant 0 : i32
      %parallel_loop3A_122 = arith.addi %parallel_loop3A_106, %parallel_loop3A_121 : i32
      %parallel_loop3A_123 = arith.index_cast %parallel_loop3A_122 : i32 to index
      %parallel_loop3A_124 = tpu.vector_load %arg25[%parallel_loop3A_123] {strides = array<i32>} : memref<16384xf32, #tpu.memory_space<vmem>>, vector<16xf32>,
      tpu.vector_store %arg25[%parallel_loop3A_123], %parallel_loop3A_120 {strides = array<i32>} : memref<16384xf32, #tpu.memory_space<vmem>>, vector<16xf32>,
      %parallel_loop3A_125 = arith.constant 4096 : i32
      %parallel_loop3A_126 = arith.addi %parallel_loop3A_125, %parallel_loop3A_58 : i32
      %parallel_loop3A_127 = arith.index_cast %parallel_loop3A_126 : i32 to index
      %parallel_loop3A_128 = tpu.vector_load %arg24[%parallel_loop3A_127] {strides = array<i32>} : memref<12288xf32, #tpu.memory_space<vmem>>, vector<16xf32>,
      %parallel_loop3A_129 = arith.mulf %get3A_5, %parallel_loop3A_99 : vector<16xf32>
      %parallel_loop3A_130 = math.exp %parallel_loop3A_129 : vector<16xf32>
      %parallel_loop3A_131 = arith.mulf %get3A_11, %parallel_loop3A_99 : vector<16xf32>
      %parallel_loop3A_132 = math.exp %parallel_loop3A_131 : vector<16xf32>
      %parallel_loop3A_133 = arith.mulf %parallel_loop3A_128, %parallel_loop3A_130 : vector<16xf32>
      %parallel_loop3A_134 = arith.constant 1.000000e+00 : f32
      %parallel_loop3A_135 = vector.broadcast %parallel_loop3A_134 : f32 to vector<16xf32>
      %parallel_loop3A_136 = arith.subf %parallel_loop3A_135, %parallel_loop3A_132 : vector<16xf32>
      %parallel_loop3A_137 = arith.mulf %get3A_17, %parallel_loop3A_136 : vector<16xf32>
      %parallel_loop3A_138 = arith.addf %parallel_loop3A_133, %parallel_loop3A_137 : vector<16xf32>
      %parallel_loop3A_139 = arith.constant 128 : i32
      %parallel_loop3A_140 = arith.addi %parallel_loop3A_106, %parallel_loop3A_139 : i32
      %parallel_loop3A_141 = arith.index_cast %parallel_loop3A_140 : i32 to index
      %parallel_loop3A_142 = tpu.vector_load %arg25[%parallel_loop3A_141] {strides = array<i32>} : memref<16384xf32, #tpu.memory_space<vmem>>, vector<16xf32>,
      tpu.vector_store %arg25[%parallel_loop3A_141], %parallel_loop3A_138 {strides = array<i32>} : memref<16384xf32, #tpu.memory_space<vmem>>, vector<16xf32>,
      %parallel_loop3A_143 = arith.constant 8192 : i32
      %parallel_loop3A_144 = arith.addi %parallel_loop3A_143, %parallel_loop3A_58 : i32
      %parallel_loop3A_145 = arith.index_cast %parallel_loop3A_144 : i32 to index
      %parallel_loop3A_146 = tpu.vector_load %arg24[%parallel_loop3A_145] {strides = array<i32>} : memref<12288xf32, #tpu.memory_space<vmem>>, vector<16xf32>,
      %parallel_loop3A_147 = arith.mulf %get3A_7, %parallel_loop3A_99 : vector<16xf32>
      %parallel_loop3A_148 = math.exp %parallel_loop3A_147 : vector<16xf32>
      %parallel_loop3A_149 = arith.mulf %get3A_13, %parallel_loop3A_99 : vector<16xf32>
      %parallel_loop3A_150 = math.exp %parallel_loop3A_149 : vector<16xf32>
      %parallel_loop3A_151 = arith.mulf %parallel_loop3A_146, %parallel_loop3A_148 : vector<16xf32>
      %parallel_loop3A_152 = arith.constant 1.000000e+00 : f32
      %parallel_loop3A_153 = vector.broadcast %parallel_loop3A_152 : f32 to vector<16xf32>
      %parallel_loop3A_154 = arith.subf %parallel_loop3A_153, %parallel_loop3A_150 : vector<16xf32>
      %parallel_loop3A_155 = arith.mulf %get3A_19, %parallel_loop3A_154 : vector<16xf32>
      %parallel_loop3A_156 = arith.addf %parallel_loop3A_151, %parallel_loop3A_155 : vector<16xf32>
      %parallel_loop3A_157 = arith.constant 256 : i32
      %parallel_loop3A_158 = arith.addi %parallel_loop3A_106, %parallel_loop3A_157 : i32
      %parallel_loop3A_159 = arith.index_cast %parallel_loop3A_158 : i32 to index
      %parallel_loop3A_160 = tpu.vector_load %arg25[%parallel_loop3A_159] {strides = array<i32>} : memref<16384xf32, #tpu.memory_space<vmem>>, vector<16xf32>,
      tpu.vector_store %arg25[%parallel_loop3A_159], %parallel_loop3A_156 {strides = array<i32>} : memref<16384xf32, #tpu.memory_space<vmem>>, vector<16xf32>,
    } {sc.loop_unroll_factor = 8 : i64, sc.parallel_access}
    %add3A_42 = arith.constant 61440 : i32
    %add3A_43 = arith.addi %mul3A_2, %add3A_42 : i32
    %mul3A_44 = arith.constant 4 : i32
    %mul3A_45 = arith.muli %mul3A_44, %add3A_43 : i32
    %dma_start3A_46 = tpu.memref_slice %arg9[%mul3A_45] : memref<8388608xf32, #tpu.memory_space<hbm>> -> memref<16384xf32, #tpu.memory_space<hbm>>
    %dma_start3A_47 = tpu.memref_slice %arg9[%mul3A_45] : memref<8388608xf32, #tpu.memory_space<hbm>> -> memref<16384xf32, #tpu.memory_space<hbm>>
    tpu.enqueue_dma source(%arg25 : memref<16384xf32, #tpu.memory_space<vmem>>) target(%dma_start3A_47 : memref<16384xf32, #tpu.memory_space<hbm>>) target_semaphore(%arg32 : memref<!tpu.dma_semaphore, #tpu.memory_space<semaphore_mem>>)
    %dma_wait3A_48 = arith.constant 0 : i32
    %dma_wait3A_49 = tpu.memref_slice %arg9[%dma_wait3A_48] : memref<8388608xf32, #tpu.memory_space<hbm>> -> memref<16384xf32, #tpu.memory_space<hbm>>
    %dma_wait3A_50 = arith.constant 0 : i32
    %dma_wait3A_51 = tpu.memref_slice %arg9[%dma_wait3A_50] : memref<8388608xf32, #tpu.memory_space<hbm>> -> memref<16384xf32, #tpu.memory_space<hbm>>
    tpu.wait_dma2 semaphore(%arg31 : memref<!tpu.dma_semaphore, #tpu.memory_space<semaphore_mem>>) src(%arg17 : memref<16384xf32, #tpu.memory_space<vmem>>) dst(%dma_wait3A_51 : memref<16384xf32, #tpu.memory_space<hbm>>)
    %dma_wait3A_52 = arith.constant 0 : i32
    %dma_wait3A_53 = tpu.memref_slice %arg9[%dma_wait3A_52] : memref<8388608xf32, #tpu.memory_space<hbm>> -> memref<16384xf32, #tpu.memory_space<hbm>>
    %dma_wait3A_54 = arith.constant 0 : i32
    %dma_wait3A_55 = tpu.memref_slice %arg9[%dma_wait3A_54] : memref<8388608xf32, #tpu.memory_space<hbm>> -> memref<16384xf32, #tpu.memory_space<hbm>>
    tpu.wait_dma2 semaphore(%arg32 : memref<!tpu.dma_semaphore, #tpu.memory_space<semaphore_mem>>) src(%arg25 : memref<16384xf32, #tpu.memory_space<vmem>>) dst(%dma_wait3A_55 : memref<16384xf32, #tpu.memory_space<hbm>>)
    return
  }
}

</mosaic_0001>

<sc_bundles>
// kernel: kernel.3.cloned.1.call-start
scs
__scs_entry_jumppad:
0x0: {  	(pc) =	sbr.rel $0x88, $3  }
0x1: {  	(tag) =	ssettag $0x0;
	lr =	simm.s32 $0x1  }
0x2: {  	[smem:$0x3F9A] =	sst lr;
	_ =	strace $0xD0000000  }
0x3: {  	_ = 	snop  }
0x4: {  	_ = 	snop  }
0x5: {  	_ = 	snop  }
0x6: {  	_ = 	snop  }
0x7: {  	_ = 	snop  }
__scs_overlays_trampoline_lowered:
0x8: {  	[smem:$0x3FA9] =	sst s0  }
0x9: {  	[smem:$0x3FAA] =	sst s1  }
0xa: {  	[smem:$0x3FAB] =	sst s2  }
0xb: {  	[smem:$0x3FAC] =	sst s3  }
0xc: {  	[smem:$0x3FAD] =	sst s4  }
0xd: {  	[smem:$0x3FAE] =	sst s5  }
0xe: {  	[smem:$0x3FAF] =	sst s6  }
0xf: {  	[smem:$0x3FB0] =	sst s7  }
0x10: {  	[smem:$0x3FB1] =	sst s8  }
0x11: {  	[smem:$0x3FB2] =	sst s9;
	s0 =	simm.s32 @!p0 $0x0  }
0x12: {  	s1 =	sld [smem:$0x3F98];
	s0 =	simm.s32 @p0 $0x1  }
0x13: {  	[smem:$0x3FB3] =	sst s0;
	s0 =	simm.s32 @!p1 $0x0  }
0x14: {  	s2 =	sld [smem:$0x3F97];
	s0 =	simm.s32 @p1 $0x1  }
0x15: {  	[smem:$0x3FB4] =	sst s0;
	s0 =	simm.s32 @!p2 $0x0  }
0x16: {  	s3 =	sld [smem:$0x3FDB];
	s0 =	simm.s32 @p2 $0x1  }
0x17: {  	s4 =	simm.s32 $0x1BF5;
	[smem:$0x3FB6] =	sst s0  }
0x18: {  	s0 =	sld [smem:$0x3F99];
	_ =	swait.ge [sflag:s4], $0x0  }
0x19: {  	s7 =	sld [smem:$0x3F9A]  }
0x1a: {  	s8 =	sadd.s32 $0xFFFFE003, lr  }
0x1b: {  	s9 =	sadd.s32 $0xFFFFFEF7, lr;
	s5 =	simm.s32 $0xFFFFFFFF;
	p2 =	slt.u32 s8, $0xFFFFF086  }
0x1c: {  	p1 =	slt.u32 s9, $0xF7A;
	s5 =	simm.s32 @!p2 $0x0  }
0x1d: {  	s5 =	simm.s32 @p1 $0x1;
	p0 =	seq.s32 s7, s2  }
0x1e: {  	s7 =	smul.u32 @!p0 $0xF7A, s2;
	p2 =	seq.s32 @!p0 s5, $0x0  }
0x1f: {  	s9 =	smul.u32 $0xF7A, s1;
	s8 =	simm.s32 @!p0 $0x1BF5;
	p2 =	por !p2, p0  }
0x20: {  	[sflag:s8] =	ssyncset.s32 @!p0 $0xFFFFF086;
	s6 =	sadd.s32 @!p0 s3, s7;
	s7 =	simm.s32 @!p0 $0x108  }
0x21: {  	s3 =	sadd.s32 s3, s9;
	s6 =	sadd.s32 @!p0 $0x88, s6;
	s7 =	simm.s32 @p2 $0x1082  }
0x22: {  	[simem:s7], [sflag:s8] =	dma.local @!p0 [hbm:s6], $0xF7A  }
0x23: {  	s9 =	sor.u32 $0xD0000000, s2;
	s6 =	simm.s32 $0x108;
	_ =	swait.ge @!p0 [sflag:s8], $0x0  }
0x24: {  	s3 =	sadd.s32 $0x88, s3;
	s6 =	simm.s32 @!p1 $0x1082;
	[sflag:s4] =	ssyncset.s32 $0xFFFFF086  }
0x25: {  	[simem:s6], [sflag:s4] =	dma.local [hbm:s3], $0xF7A  }
0x26: {  	[smem:$0x3F9A] =	sst s1;
	(tag) =	ssettag s2;
	_ =	strace s9  }
0x27: {  	s1 =	sld [smem:$0x3FAA]  }
0x28: {  	s2 =	sld [smem:$0x3FAB]  }
0x29: {  	s4 =	sld [smem:$0x3FAD]  }
0x2a: {  	p0 =	seq.s32 s5, $0x0;
	s5 =	sld [smem:$0x3FAE]  }
0x2b: {  	s6 =	sld [smem:$0x3FAF]  }
0x2c: {  	s7 =	sld [smem:$0x3FB0]  }
0x2d: {  	s3 =	simm.s32 $0x108;
	s8 =	sld [smem:$0x3FB1]  }
0x2e: {  	s3 =	simm.s32 @!p0 $0x1082;
	s9 =	sld [smem:$0x3FB2]  }
0x2f: {  	lr =	sadd.s32 s0, s3;
	s0 =	sld [smem:$0x3FA9]  }
0x30: {  	s3 =	sld [smem:$0x3FAC]  }
0x31: {  	[smem:$0x3FB5] =	sst s10  }
0x32: {  	s10 =	sld [smem:$0x3FB3];
	_ =	sdelay $0x3  }
0x33: {  	p0 =	seq.s32 s10, $0x1;
	s10 =	sld [smem:$0x3FB5];
	_ =	sdelay $0x3  }
0x34: {  	[smem:$0x3FB5] =	sst s10  }
0x35: {  	s10 =	sld [smem:$0x3FB4];
	_ =	sdelay $0x3  }
0x36: {  	p1 =	seq.s32 s10, $0x1;
	s10 =	sld [smem:$0x3FB5];
	_ =	sdelay $0x3  }
0x37: {  	[smem:$0x3FB5] =	sst s10  }
0x38: {  	s10 =	sld [smem:$0x3FB6]  }
0x39: {  	_ = 	snop;
	(pc) =	sbr.ind lr, $3  }
0x3a: {  	_ = 	snop  }
0x3b: {  	_ = 	snop  }
0x3c: {  	p2 =	seq.s32 s10, $0x1;
	s10 =	sld [smem:$0x3FB5]  }
0x3d: {  	_ =	shalt  }
0x3e: {  	_ =	shalt  }
0x3f: {  	_ =	shalt  }
0x40: {  	_ =	shalt  }
0x41: {  	_ =	shalt  }
0x42: {  	_ =	shalt  }
0x43: {  	_ =	shalt  }
0x44: {  	_ =	shalt  }
0x45: {  	_ =	shalt  }
0x46: {  	_ =	shalt  }
0x47: {  	_ =	shalt  }
0x48: {  	_ =	shalt  }
0x49: {  	_ =	shalt  }
0x4a: {  	_ =	shalt  }
0x4b: {  	_ =	shalt  }
0x4c: {  	_ =	shalt  }
0x4d: {  	_ =	shalt  }
0x4e: {  	_ =	shalt  }
0x4f: {  	_ =	shalt  }
0x50: {  	_ =	shalt  }
0x51: {  	_ =	shalt  }
0x52: {  	_ =	shalt  }
0x53: {  	_ =	shalt  }
0x54: {  	_ =	shalt  }
0x55: {  	_ =	shalt  }
0x56: {  	_ =	shalt  }
0x57: {  	_ =	shalt  }
0x58: {  	_ =	shalt  }
0x59: {  	_ =	shalt  }
0x5a: {  	_ =	shalt  }
0x5b: {  	_ =	shalt  }
0x5c: {  	_ =	shalt  }
0x5d: {  	_ =	shalt  }
0x5e: {  	_ =	shalt  }
0x5f: {  	_ =	shalt  }
0x60: {  	_ =	shalt  }
0x61: {  	_ =	shalt  }
0x62: {  	_ =	shalt  }
0x63: {  	_ =	shalt  }
0x64: {  	_ =	shalt  }
0x65: {  	_ =	shalt  }
0x66: {  	_ =	shalt  }
0x67: {  	_ =	shalt  }
0x68: {  	_ =	shalt  }
0x69: {  	_ =	shalt  }
0x6a: {  	_ =	shalt  }
0x6b: {  	_ =	shalt  }
0x6c: {  	_ =	shalt  }
0x6d: {  	_ =	shalt  }
0x6e: {  	_ =	shalt  }
0x6f: {  	_ =	shalt  }
0x70: {  	_ =	shalt  }
0x71: {  	_ =	shalt  }
0x72: {  	_ =	shalt  }
0x73: {  	_ =	shalt  }
0x74: {  	_ =	shalt  }
0x75: {  	_ =	shalt  }
0x76: {  	_ =	shalt  }
0x77: {  	_ =	shalt  }
0x78: {  	_ =	shalt  }
0x79: {  	_ =	shalt  }
0x7a: {  	_ =	shalt  }
0x7b: {  	_ =	shalt  }
0x7c: {  	_ =	shalt  }
0x7d: {  	_ =	shalt  }
0x7e: {  	_ =	shalt  }
0x7f: {  	_ =	shalt  }
0x80: {  	_ =	shalt  }
0x81: {  	_ =	shalt  }
0x82: {  	_ =	shalt  }
0x83: {  	_ =	shalt  }
0x84: {  	_ =	shalt  }
0x85: {  	_ =	shalt  }
0x86: {  	_ =	shalt  }
0x87: {  	_ =	shalt  }
.Lfunc_end0:
.L_simem_size_0:
called_computation_lowered:
.L_overlay_start_0:
0x88: {  	s2 =	sld [smem:$0x3FD9]  }
0x89: {  	s3 =	sld [smem:$0x3FFE];
	_ =	sdelay $0x1  }
0x8a: {  	s1 =	srdreg.scid  }
0x8b: {  	s0 =	sand.u32 $0x1, s1  }
0x8c: {  	s17 =	sshll.u32 s0, $0xA;
	s2 =	sadd.s32 s3, s2  }
0x8d: {  	s2 =	sadd.s32 s2, s17  }
0x8e: {  	[smem:$0x3FC1] =	sst s2  }
0x8f: {  	_ = 	snop  }
0x90: {  	s2 =	sld [smem:$0x3FC9]  }
0x91: {  	s18 =	sld [smem:$0x3FC8]  }
0x92: {  	s4 =	sld [smem:$0x3FC6]  }
0x93: {  	s5 =	sld [smem:$0x3FD0];
	(tm) =	ssettm $0x1  }
0x94: {  	s6 =	sld [smem:$0x3FFB];
	_ =	sdelay $0x3  }
0x95: {  	_ =	strace s6  }
0x96: {  	s6 =	sld [smem:$0x3FFC];
	_ =	sdelay $0x3  }
0x97: {  	_ =	strace s6  }
0x98: {  	s6 =	sld [smem:$0x3FFD];
	_ =	sdelay $0x3  }
0x99: {  	_ =	strace s6  }
0x9a: {  	_ =	strace $0x8FFFFFFF  }
0x9b: {  	s19 =	sld [smem:$0x3FDB];
	_ =	sdelay $0x1  }
0x9c: {  	s7 =	simm.s32 $_scs_section_size  }
0x9d: {  	s8 =	simm.s32 $_size__tile_overlayer_lowered;
	s9 =	simm.s32 $_tile_overlayer_lowered  }
0x9e: {  	s22 =	simm.s32 $0x1BFF;
	s21 =	sshll.u32 s9, $0x1;
	s6 =	sadd.s32 s7, s19  }
0x9f: {  	s10 =	simm.s32 $0x0;
	s20 =	sshll.u32 s8, $0x1;
	s8 =	sadd.s32 s21, s6  }
0xa0: {  	[timem:s10], [sflag:s22] =	dma.local [hbm:s8], s20  }
0xa1: {  	_ =	swait.ge [sflag:s22], s20  }
0xa2: {  	s7 =	ssub.s32 $0x0, s20;
	[sflag:s22] =	ssyncset.done $0x0  }
0xa3: {  	[sflag:s22] =	ssyncadd.s32 s7;
	_ =	sdelay $0x1  }
0xa4: {  	s23 =	simm.s32 $0x1B8B  }
0xa5: {  	_ =	swait.ge [sflag:s23], $0x1  }
0xa6: {  	[sflag:s23] =	ssyncset.done $0x0  }
0xa7: {  	s25 =	simm.s32 $0x1B8E;
	s24 =	sld [smem:$0x3FFE];
	[sflag:s23] =	ssyncadd.s32 $0xFFFFFFFF  }
0xa8: {  	s26 =	simm.s32 $execute0_lowered;
	[smem:$0x3FD2] =	sst s25  }
0xa9: {  	s8 =	sshll.u32 s26, $0x1;
	_ =	strace $0x80000046;
	[dreg:$0x1] =	wrdreg $0xFFFFFFFF  }
0xaa: {  	s28 =	simm.s32 $_size_execute0_lowered;
	s6 =	sadd.s32 s6, s8;
	[dreg:$0x0] =	wrdreg $0x0  }
0xab: {  	s8 =	sshll.u32 s28, $0x1;
	[dreg:$0x2] =	wrdreg s6  }
0xac: {  	[dreg:$0x3] =	wrdreg s8  }
0xad: {  	[dreg:$0x4] =	wrdreg $0xC0  }
0xae: {  	_ =	task [dreg:s10], $0x5FFFF  }
0xaf: {  	[dreg:$0x1] =	wrdreg $0xFFFFFFFF  }
0xb0: {  	[dreg:$0x0] =	wrdreg $0x60  }
0xb1: {  	[dreg:$0x2] =	wrdreg s2  }
0xb2: {  	[dreg:$0x3] =	wrdreg s18  }
0xb3: {  	[dreg:$0x4] =	wrdreg s24  }
0xb4: {  	[dreg:$0x5] =	wrdreg s5  }
0xb5: {  	[dreg:$0x6] =	wrdreg s4  }
0xb6: {  	[dreg:$0x7] =	wrdreg $0x9  }
0xb7: {  	_ =	task.clear_ibuf [dreg:s10], $0x8FFFF;
	_ =	strace $0x90000046  }
0xb8: {  	s29 =	simm.s32 $0x9;
	_ =	strace $0x80000048  }
0xb9: {  	_ =	swait.ge [sflag:s29], $0x1  }
0xba: {  	[sflag:s29] =	ssyncadd.s32 $0xFFFFFFFF  }
0xbb: {  	_ =	strace $0x90000048  }
0xbc: {  	_ =	sfence  }
0xbd: {  	s30 =	sld [smem:$0x0];
	_ =	sdelay $0x2  }
0xbe: {  	s31 =	sshll.u32 s1, $0xD;
	s1 =	sshrl.u32 s1, $0x2  }
0xbf: {  	s3 =	sand.u32 $0x4000, s31;
	s1 =	sadd.s32 s1, s30  }
0xc0: {  	s0 =	sor.u32 s3, s0;
	s1 =	sshll.u32 s1, $0x11  }
0xc1: {  	s0 =	sor.u32 s1, s0  }
0xc2: {  	s0 =	sadd.s32 $0x8F2B, s0  }
0xc3: {  	[sflag:s0] =	ssyncadd.remote.s32 $0x1  }
0xc4: {  	_ =	sfence.sel $0xFFFF  }
0xc5: {  	[dreg:$0x0] =	wrdreg $0xFFFFFFFF;
	(pc) =	sbr.abs _section_cstart, $3  }
0xc6: {  	[dreg:$0x1] =	wrdreg $0xFFFFFFFF  }
0xc7: {  	_ =	task.clear_ibuf [dreg:s10], $0x2FFFF;
	_ =	strace $0x9FFFFFFF  }
0xc8: {  	(tm) =	ssettm $0x7FFFFFFF  }
0xc9: {  	_ =	shalt  }
tec
execute0_lowered:
.L_overlay_start_1:
0x0: {  	(tag) =	ssettag $0x1  }
0x1: {  	s1 =	rddreg [dreg:$0x0]  }
0x2: {  	s2 =	rddreg [dreg:$0x1]  }
0x3: {  	s0 =	rddreg [dreg:$0x2]  }
0x4: {  	s3 =	rddreg [dreg:$0x3]  }
0x5: {  	s4 =	rddreg [dreg:$0x4]  }
0x6: {  	s5 =	simm.s32 $0x0;
	s6 =	srdreg.scid;
	s10 =	stileid.u32  }
0x7: {  	s29 =	simm.s32 $0x1;
	s15 =	simm.s32 $0x13000;
	s16 =	simm.s32 $0x2  }
0x8: {  	s20 =	simm.s32 $0x14000;
	s21 =	simm.s32 $0x17000;
	s23 =	simm.s32 $0x3  }
0x9: {  	s22 =	simm.s32 $0xB000;
	[smem:$0x7FF] =	sst s5;
	s7 =	sadd.s32 $0x40800, s0  }
0xa: {  	s8 =	sadd.s32 $0x800, s0;
	s6 =	sand.u32 $0x1, s6;
	s10 =	sshll.u32 s10, $0x11  }
0xb: {  	s11 =	sadd.s32 $0x600, s0;
	s9 =	ssub.s32 $0x2, s6;
	s6 =	sshll.u32 s6, $0x10  }
0xc: {  	_ =	strace $0x80000047;
	[dreg:$0x6] =	wrdreg s11;
	s10 =	sor.u32 s6, s10  }
0xd: {  	s11 =	sadd.s32 $0x80800, s0;
	s12 =	sshrl.u32 s9, $0x1;
	s6 =	sshrl.u32 s10, $0x3  }
0xe: {  	s24 =	ssub.s32 s9, s12;
	s31 =	sshrl.u32 s10, $0x1;
	s25 =	sadd.s32 s1, s6  }
0xf: {  	s17 =	sadd.s32 $0x3FFFF000, s10;
	s26 =	sadd.s32 s2, s6;
	[dreg:$0x7] =	wrdreg s25  }
0x10: {  	s18 =	sshll.u32 s10, $0x2;
	s28 =	sadd.s32 s7, s6;
	[dreg:$0x8] =	wrdreg s26  }
0x11: {  	s19 =	sor.u32 $0x2000, s10;
	s30 =	sadd.s32 s8, s6;
	[dreg:$0x9] =	wrdreg s28  }
0x12: {  	s12 =	simm.s32 $0x0;
	s6 =	sadd.s32 s3, s6;
	[dreg:$0xa] =	wrdreg s30  }
0x13: {  	s0 =	smax.u32 s24, $0x1;
	[dreg:$0xb] =	wrdreg s6;
	s6 =	sadd.s32 s31, s11  }
0x14: {  	[dreg:$0xd] =	wrdreg s0;
	s26 =	simm.s32 $0x3000;
	s6 =	sadd.s32 $0x7800, s6  }
0x15: {  	s0 =	simm.s32 $0x6;
	[dreg:$0xc] =	wrdreg s6;
	s6 =	simm.s32 $0x4  }
.LBB2_1:
0x16: {  	[dreg:$0xe] =	wrdreg s12  }
0x17: {  	s9 =	rddreg [dreg:$0x6];
	s30 =	simm.s32 $0x1E000;
	s31 =	simm.s32 $0x7  }
0x18: {  	[tilespmem:s30], [sflag:$0x7] =	stream.linear.gather [hbm4b:s9+s5], $0x90, $0x38;
	[tilespmem:$0x1E090] =	vst v63  }
0x19: {  	_ =	swait.ge [sflag:s31], $0x90  }
0x1a: {  	[sflag:s31] =	ssyncset.done $0x0  }
0x1b: {  	[sflag:s31] =	ssyncadd.s32 $0xFFFFFF70  }
0x1c: {  	v44 =	vld [tilespmem:$0x1E000]  }
0x1d: {  	v43 =	vld [tilespmem:$0x1E010]  }
0x1e: {  	v45 =	vld [tilespmem:$0x1E020]  }
0x1f: {  	v41 =	vld [tilespmem:$0x1E030]  }
0x20: {  	v51 =	vld [tilespmem:$0x1E040]  }
0x21: {  	v7 =	vld [tilespmem:$0x1E050]  }
0x22: {  	v6 =	vld [tilespmem:$0x1E060]  }
0x23: {  	s12 =	rddreg [dreg:$0x7];
	v8 =	vld [tilespmem:$0x1E070]  }
0x24: {  	v42 =	vld [tilespmem:$0x1E080];
	[tilespmem:s5], [sflag:$0x1] =	stream.linear.gather [hbm4b:s12+s5], $0x1000, $0x38  }
0x25: {  	s14 =	simm.s32 $0x1000;
	s13 =	rddreg [dreg:$0x8]  }
0x26: {  	[tilespmem:s14], [sflag:$0x1] =	stream.linear.gather [hbm4b:s13+s5], $0x1000, $0x38;
	[tilespmem:$0x1E090] =	vst v63  }
0x27: {  	s25 =	simm.s32 $0x2000;
	s24 =	rddreg [dreg:$0x9]  }
0x28: {  	[tilespmem:s25], [sflag:$0x1] =	stream.linear.gather [hbm4b:s24+s5], $0x1000, $0x38;
	[tilespmem:$0x1E090] =	vst v63  }
0x29: {  	[tilespmem:$0x1FF90] =	vst v41  }
0x2a: {  	[tilespmem:$0x1FFA0] =	vst v44  }
0x2b: {  	[tilespmem:$0x1FFB0] =	vst v43  }
0x2c: {  	[tilespmem:$0x1FFC0] =	vst v45  }
0x2d: {  	[tilespmem:$0x1FFD0] =	vst v42  }
0x2e: {  	s28 =	rddreg [dreg:$0xa];
	[tilespmem:$0x1FFE0] =	vst v8  }
0x2f: {  	[tilespmem:s26], [sflag:$0x1] =	stream.linear.gather [hbm4b:s28+s5], $0x1000, $0x38;
	[tilespmem:$0x1E090] =	vst v63  }
0x30: {  	s30 =	rddreg [dreg:$0xb];
	s31 =	simm.s32 $0x4000;
	s24 =	simm.s32 $0x0;
	[tilespmem:$0x1FFF0] =	vst v7  }
0x31: {  	[tilespmem:s31], [sflag:$0x1] =	stream.linear.gather [hbm4b:s30+s5], $0x1000, $0x38;
	[tilespmem:$0x1E090] =	vst v63  }
.LBB2_2:
0x32: {  	_ =	swait.ge [sflag:s29], $0x1000  }
0x33: {  	[sflag:s29] =	ssyncset.done $0x0  }
0x34: {  	[sflag:s29] =	ssyncadd.s32 $0xFFFFF000  }
0x35: {  	_ =	swait.ge [sflag:s29], $0x1000  }
0x36: {  	[sflag:s29] =	ssyncset.done $0x0  }
0x37: {  	[sflag:s29] =	ssyncadd.s32 $0xFFFFF000  }
0x38: {  	_ =	swait.ge [sflag:s29], $0x1000  }
0x39: {  	[sflag:s29] =	ssyncset.done $0x0  }
0x3a: {  	[sflag:s29] =	ssyncadd.s32 $0xFFFFF000  }
0x3b: {  	_ =	swait.ge [sflag:s29], $0x1000  }
0x3c: {  	[sflag:s29] =	ssyncset.done $0x0  }
0x3d: {  	[sflag:s29] =	ssyncadd.s32 $0xFFFFF000  }
0x3e: {  	_ =	swait.ge [sflag:s29], $0x1000  }
0x3f: {  	[sflag:s29] =	ssyncset.done $0x0  }
0x40: {  	s12 =	simm.s32 $0x40;
	[sflag:s29] =	ssyncadd.s32 $0xFFFFF000  }
0x41: {  	s9 =	simm.s32 $0x1040;
	v9 =	vld [tilespmem:s12+$0x30]  }
0x42: {  	v10 =	vld [tilespmem:s9+$0x30]  }
0x43: {  	v11 =	vld [tilespmem:s9+$0xFFFFFFC0]  }
0x44: {  	v17 =	vld [tilespmem:s12+$0xFFFFFFE0]  }
0x45: {  	v18 =	vld [tilespmem:s12+$0xFFFFFFF0]  }
0x46: {  	v20 =	vld [tilespmem:s9+$0xFFFFFFF0]  }
0x47: {  	v21 =	vld [tilespmem:s12+$0x0]  }
0x48: {  	v23 =	vld [tilespmem:s9+$0x0]  }
0x49: {  	v24 =	vld [tilespmem:s12+$0x10]  }
0x4a: {  	v27 =	vld [tilespmem:s9+$0x10]  }
0x4b: {  	v29 =	vld [tilespmem:s12+$0x20]  }
0x4c: {  	v31 =	vld [tilespmem:s9+$0x20];
	v15 =	vshll.u32 v10, $0xB;
	v16 =	vshll.u32 v9, $0x3  }
0x4d: {  	v10 =	vshll.u32 v10, $0x7;
	v19 =	vshll.u32 v11, $0xB;
	v9 =	vand.u32 $0x7F, v9  }
0x4e: {  	v22 =	vshll.u32 v17, $0x3;
	v26 =	vshll.u32 v18, $0x3;
	v28 =	vshll.u32 v20, $0xB  }
0x4f: {  	v30 =	vshll.u32 v21, $0x3;
	v11 =	vshll.u32 v11, $0x7;
	v33 =	vshll.u32 v23, $0xB  }
0x50: {  	v34 =	vshll.u32 v24, $0x3;
	v35 =	vshll.u32 v27, $0xB;
	v20 =	vshll.u32 v20, $0x7  }
0x51: {  	v36 =	vshll.u32 v29, $0x3;
	v23 =	vshll.u32 v23, $0x7;
	v37 =	vshll.u32 v31, $0xB  }
0x52: {  	v27 =	vshll.u32 v27, $0x7;
	v31 =	vshll.u32 v31, $0x7;
	v18 =	vand.u32 $0x7F, v18  }
0x53: {  	v13 =	vld [tilespmem:s9+$0xFFFFFFD0];
	v15 =	vand.u32 $0xFFFFC000, v15;
	v16 =	vand.u32 $0xFFFFFC00, v16;
	v10 =	vand.u32 $0x380, v10  }
0x54: {  	v22 =	vand.u32 $0xFFFFFC00, v22;
	v28 =	vand.u32 $0xFFFFC000, v28;
	v26 =	vand.u32 $0xFFFFFC00, v26  }
0x55: {  	v12 =	vld [tilespmem:s12+$0xFFFFFFD0];
	v30 =	vand.u32 $0xFFFFFC00, v30;
	v33 =	vand.u32 $0xFFFFC000, v33;
	v34 =	vand.u32 $0xFFFFFC00, v34  }
0x56: {  	v35 =	vand.u32 $0xFFFFC000, v35;
	v36 =	vand.u32 $0xFFFFFC00, v36;
	v37 =	vand.u32 $0xFFFFC000, v37  }
0x57: {  	v14 =	vld [tilespmem:s9+$0xFFFFFFE0];
	v11 =	vand.u32 $0x380, v11;
	v20 =	vand.u32 $0x380, v20;
	v23 =	vand.u32 $0x380, v23  }
0x58: {  	v32 =	vld [tilespmem:s12+$0xFFFFFFC0];
	v27 =	vand.u32 $0x380, v27;
	v15 =	vadd.s32 v16, v15;
	v16 =	vshll.u32 v13, $0xB  }
0x59: {  	v13 =	vshll.u32 v13, $0x7;
	v60 =	vadd.s32 v34, v35;
	v61 =	vadd.s32 v36, v37  }
0x5a: {  	v10 =	vor.u32 v10, v15;
	v15 =	vshll.u32 v12, $0x3;
	v16 =	vand.u32 $0xFFFFC000, v16  }
0x5b: {  	v13 =	vand.u32 $0x380, v13;
	v9 =	vor.u32 v9, v10;
	v10 =	vand.u32 $0xFFFFC000, v19  }
0x5c: {  	v19 =	vshll.u32 v14, $0xB;
	v15 =	vand.u32 $0xFFFFFC00, v15;
	v14 =	vshll.u32 v14, $0x7  }
0x5d: {  	v25 =	vadd.s32 $0x600000, v9;
	v15 =	vadd.s32 v15, v16;
	v16 =	vshll.u32 v32, $0x3  }
0x5e: {  	v19 =	vand.u32 $0xFFFFC000, v19;
	v14 =	vand.u32 $0x380, v14;
	v16 =	vand.u32 $0xFFFFFC00, v16  }
0x5f: {  	v62 =	vor.u32 v13, v15;
	v10 =	vadd.s32 v16, v10;
	v16 =	vadd.s32 v22, v19  }
0x60: {  	v19 =	vadd.s32 v26, v28;
	v22 =	vadd.s32 v30, v33;
	v10 =	vor.u32 v11, v10  }
0x61: {  	v11 =	vand.u32 $0x380, v31;
	v63 =	vor.u32 v14, v16;
	v16 =	vor.u32 v20, v19  }
0x62: {  	v15 =	vor.u32 v23, v22;
	v19 =	vand.u32 $0x7F, v32;
	v14 =	vor.u32 v27, v60  }
0x63: {  	s13 =	simm.s32 $0x6040;
	v22 =	vand.u32 $0x7F, v12;
	v23 =	vand.u32 $0x7F, v17;
	v17 =	vand.u32 $0x7F, v21  }
0x64: {  	[tilespmem:s13+$0xFFFFF030] =	vst v9;
	v12 =	vand.u32 $0x7F, v24;
	v13 =	vor.u32 v11, v61;
	v11 =	vand.u32 $0x7F, v29  }
0x65: {  	s14 =	simm.s32 $0x0;
	s25 =	simm.s32 $0xC0;
	s12 =	simm.s32 $0x6040;
	[tilespmem:s13+$0x1030] =	vst v25;
	v20 =	vor.u32 v19, v10;
	v19 =	vor.u32 v22, v62;
	v10 =	vor.u32 v23, v63  }
.LBB2_3:
0x66: {  	v21 =	vld [tilespmem:s25+$0x30];
	[tilespmem:s13+$0xFFFFEFC0] =	vst v20;
	v16 =	vor.u32 v18, v16;
	v15 =	vor.u32 v17, v15;
	v14 =	vor.u32 v12, v14;
	s9 =	sadd.s32 $0x80, s9  }
0x67: {  	s14 =	sadd.s32 $0x8, s14;
	v12 =	vadd.s32 $0x300000, v20;
	v18 =	vadd.s32 $0x600000, v20;
	v13 =	vor.u32 v11, v13;
	v17 =	vld [tilespmem:s9+$0x30];
	[tilespmem:s13+$0xFFFFEFD0] =	vst v19  }
0x68: {  	v22 =	vadd.s32 $0x300000, v10;
	p0 =	slt.u32 s14, $0xF8;
	v20 =	vld [tilespmem:s9+$0xFFFFFFC0];
	[tilespmem:s13+$0xFFFFFFC0] =	vst v12;
	v12 =	vadd.s32 $0x300000, v19;
	v19 =	vadd.s32 $0x600000, v19  }
0x69: {  	v23 =	vadd.s32 $0x300000, v16;
	v24 =	vadd.s32 $0x600000, v16;
	v11 =	vld [tilespmem:s25+$0xFFFFFFD0];
	[tilespmem:s13+$0xFC0] =	vst v18;
	v18 =	vadd.s32 $0x600000, v10  }
0x6a: {  	v26 =	vadd.s32 $0x300000, v15;
	v27 =	vadd.s32 $0x600000, v15;
	v28 =	vadd.s32 $0x300000, v14;
	v25 =	vld [tilespmem:s9+$0xFFFFFFD0];
	[tilespmem:s13+$0xFFFFFFD0] =	vst v12  }
0x6b: {  	v29 =	vadd.s32 $0x300000, v13;
	v30 =	vadd.s32 $0x600000, v13;
	v12 =	vld [tilespmem:s25+$0xFFFFFFE0];
	[tilespmem:s13+$0xFD0] =	vst v19;
	v19 =	vadd.s32 $0x600000, v14  }
0x6c: {  	v33 =	vshll.u32 v21, $0x3;
	v31 =	vld [tilespmem:s9+$0xFFFFFFE0];
	v32 =	vshll.u32 v17, $0xB;
	[tilespmem:s13+$0xFFFFFFE0] =	vst v22;
	v22 =	vadd.s32 $0x300000, v9  }
0x6d: {  	v17 =	vshll.u32 v17, $0x7;
	v34 =	vld [tilespmem:s25+$0xFFFFFFF0];
	v9 =	vand.u32 $0xFFFFC000, v32;
	v32 =	vand.u32 $0xFFFFFC00, v33;
	[tilespmem:s13+$0xFE0] =	vst v18  }
0x6e: {  	v18 =	vshll.u32 v20, $0xB;
	v17 =	vand.u32 $0x380, v17;
	v33 =	vld [tilespmem:s9+$0xFFFFFFF0];
	v9 =	vadd.s32 v32, v9;
	[tilespmem:s13+$0xFFFFFFF0] =	vst v23  }
0x6f: {  	v23 =	vshll.u32 v25, $0xB;
	v32 =	vld [tilespmem:s25+$0x0];
	v9 =	vor.u32 v17, v9;
	v17 =	vand.u32 $0x7F, v21;
	[tilespmem:s13+$0xFF0] =	vst v24  }
0x70: {  	v21 =	vshll.u32 v11, $0x3;
	v24 =	vshll.u32 v12, $0x3;
	v35 =	vld [tilespmem:s9+$0x0];
	v9 =	vor.u32 v17, v9;
	[tilespmem:s13+$0x0] =	vst v26  }
0x71: {  	v17 =	vand.u32 $0xFFFFC000, v18;
	s13 =	sadd.s32 $0x80, s13;
	v18 =	vshll.u32 v31, $0xB;
	v26 =	vld [tilespmem:s25+$0x10];
	v36 =	vadd.s32 $0x600000, v9;
	[tilespmem:s12+$0x1000] =	vst v27  }
0x72: {  	v23 =	vand.u32 $0xFFFFC000, v23;
	v21 =	vand.u32 $0xFFFFFC00, v21;
	v27 =	vshll.u32 v34, $0x3;
	v37 =	vld [tilespmem:s9+$0x10];
	[tilespmem:s13+$0x1030] =	vst v36  }
0x73: {  	v24 =	vand.u32 $0xFFFFFC00, v24;
	v18 =	vand.u32 $0xFFFFC000, v18;
	v36 =	vshll.u32 v33, $0xB;
	v38 =	vld [tilespmem:s25+$0x20];
	[tilespmem:s12+$0x10] =	vst v28  }
0x74: {  	v27 =	vand.u32 $0xFFFFFC00, v27;
	v28 =	vand.u32 $0xFFFFC000, v36;
	v36 =	vshll.u32 v32, $0x3;
	v39 =	vld [tilespmem:s9+$0x20];
	[tilespmem:s12+$0x1010] =	vst v19  }
0x75: {  	v20 =	vshll.u32 v20, $0x7;
	v19 =	vld [tilespmem:s25+$0xFFFFFFC0];
	v40 =	vshll.u32 v35, $0xB;
	v36 =	vand.u32 $0xFFFFFC00, v36;
	[tilespmem:s12+$0x20] =	vst v29  }
0x76: {  	v25 =	vshll.u32 v25, $0x7;
	v29 =	vand.u32 $0xFFFFC000, v40;
	v40 =	vshll.u32 v26, $0x3;
	[tilespmem:s12+$0x1020] =	vst v30  }
0x77: {  	v30 =	vshll.u32 v31, $0x7;
	v31 =	vshll.u32 v37, $0xB;
	v40 =	vand.u32 $0xFFFFFC00, v40;
	[tilespmem:s12+$0x30] =	vst v22  }
0x78: {  	v22 =	vshll.u32 v33, $0x7;
	v31 =	vand.u32 $0xFFFFC000, v31;
	v33 =	vshll.u32 v38, $0x3;
	[tilespmem:s12+$0xFFFFEFE0] =	vst v10  }
0x79: {  	v10 =	vshll.u32 v35, $0x7;
	v35 =	vshll.u32 v39, $0xB;
	v33 =	vand.u32 $0xFFFFFC00, v33;
	[tilespmem:s12+$0xFFFFEFF0] =	vst v16  }
0x7a: {  	v37 =	vshll.u32 v37, $0x7;
	v16 =	vshll.u32 v19, $0x3;
	v35 =	vand.u32 $0xFFFFC000, v35;
	[tilespmem:s12+$0xFFFFF000] =	vst v15  }
0x7b: {  	v15 =	vand.u32 $0xFFFFFC00, v16;
	v16 =	vadd.s32 v21, v23;
	v21 =	vshll.u32 v39, $0x7;
	[tilespmem:s12+$0xFFFFF010] =	vst v14  }
0x7c: {  	v14 =	vadd.s32 v15, v17;
	v15 =	vadd.s32 v24, v18;
	v17 =	vadd.s32 v27, v28;
	[tilespmem:s12+$0xFFFFF020] =	vst v13;
	s12 =	smov.u32 s13  }
0x7d: {  	v23 =	vadd.s32 v33, v35;
	v13 =	vadd.s32 v36, v29;
	v18 =	vadd.s32 v40, v31;
	[tilespmem:s13+$0xFFFFF030] =	vst v9  }
0x7e: {  	v20 =	vand.u32 $0x380, v20;
	v24 =	vand.u32 $0x380, v25;
	v25 =	vand.u32 $0x380, v30  }
0x7f: {  	v22 =	vand.u32 $0x380, v22;
	v10 =	vand.u32 $0x380, v10;
	v27 =	vand.u32 $0x380, v37  }
0x80: {  	v21 =	vand.u32 $0x380, v21;
	v20 =	vor.u32 v20, v14;
	v24 =	vor.u32 v24, v16  }
.Ltmp0:
0x81: {  	v25 =	vor.u32 v25, v15;
	v16 =	vor.u32 v22, v17;
	v15 =	vor.u32 v10, v13;
	(pc) =	sbr.rel @p0 .LBB2_3-.Ltmp0, $4  }
0x82: {  	v10 =	vand.u32 $0x7F, v19;
	v14 =	vor.u32 v27, v18;
	v13 =	vor.u32 v21, v23  }
0x83: {  	v19 =	vand.u32 $0x7F, v11;
	v21 =	vand.u32 $0x7F, v12;
	v18 =	vand.u32 $0x7F, v34  }
0x84: {  	v17 =	vand.u32 $0x7F, v32;
	v12 =	vand.u32 $0x7F, v26;
	v11 =	vand.u32 $0x7F, v38  }
0x85: {  	s25 =	sadd.s32 $0x80, s25;
	v20 =	vor.u32 v10, v20;
	v19 =	vor.u32 v19, v24;
	v10 =	vor.u32 v21, v25  }
0x86: {  	[tilespmem:s13+$0xFFFFEFC0] =	vst v20  }
0x87: {  	v21 =	vadd.s32 $0x300000, v20;
	[tilespmem:s13+$0xFFFFEFD0] =	vst v19  }
0x88: {  	v50 =	vadd.s32 $0x600000, v20;
	[tilespmem:s13+$0xFFFFFFC0] =	vst v21  }
0x89: {  	v52 =	vadd.s32 $0x300000, v19;
	[tilespmem:s13+$0xFC0] =	vst v50  }
0x8a: {  	v53 =	vadd.s32 $0x600000, v19;
	[tilespmem:s13+$0xFFFFFFD0] =	vst v52  }
0x8b: {  	v54 =	vadd.s32 $0x300000, v10;
	[tilespmem:s13+$0xFD0] =	vst v53  }
0x8c: {  	v55 =	vadd.s32 $0x600000, v10;
	[tilespmem:s13+$0xFFFFFFE0] =	vst v54  }
0x8d: {  	v9 =	vadd.s32 $0x300000, v9;
	[tilespmem:s13+$0xFE0] =	vst v55  }
0x8e: {  	v12 =	vor.u32 v12, v14;
	[tilespmem:s12+$0x30] =	vst v9  }
0x8f: {  	v16 =	vor.u32 v18, v16;
	v11 =	vor.u32 v11, v13;
	[tilespmem:s12+$0xFFFFF010] =	vst v12  }
0x90: {  	v56 =	vadd.s32 $0x300000, v16;
	[tilespmem:s12+$0xFFFFF020] =	vst v11  }
0x91: {  	v15 =	vor.u32 v17, v15;
	v57 =	vadd.s32 $0x600000, v16;
	[tilespmem:s13+$0xFFFFFFF0] =	vst v56  }
0x92: {  	v58 =	vadd.s32 $0x300000, v15;
	[tilespmem:s13+$0xFF0] =	vst v57  }
0x93: {  	v60 =	vadd.s32 $0x300000, v12;
	[tilespmem:s13+$0x0] =	vst v58  }
0x94: {  	v61 =	vadd.s32 $0x600000, v12;
	[tilespmem:s12+$0x10] =	vst v60  }
0x95: {  	v62 =	vadd.s32 $0x300000, v11;
	[tilespmem:s12+$0x1010] =	vst v61  }
0x96: {  	v63 =	vadd.s32 $0x600000, v11;
	[tilespmem:s12+$0x20] =	vst v62  }
0x97: {  	p0 =	slt.u32 s24, $0x2;
	[tilespmem:s12+$0x1020] =	vst v63  }
.Ltmp1:
0x98: {  	v59 =	vadd.s32 $0x600000, v15;
	[tilespmem:s12+$0xFFFFEFE0] =	vst v10;
	(pc) =	sbr.rel @p0 .LBB2_6-.Ltmp1, $4  }
0x99: {  	[tilespmem:s12+$0x1000] =	vst v59  }
0x9a: {  	[tilespmem:s12+$0xFFFFEFF0] =	vst v16  }
0x9b: {  	s9 =	simm.s32 $0x5000;
	s31 =	simm.s32 $0x8000;
	s25 =	sshll.u32 s24, $0xD;
	[tilespmem:s12+$0xFFFFF000] =	vst v15  }
0x9c: {  	[tilespmem:s31], [sflag:$0x3] =	stream.indirect.gather [hbm4b:s4+s26], $0x1, s9, s26, $0xb8;
	[tilespmem:$0x1E090] =	vst v63  }
.Ltmp2:
0x9d: {  	(pc) =	sbr.rel .LBB2_7-.Ltmp2, $4  }
0x9e: {  	_ = 	snop  }
0x9f: {  	_ =	swait.ge [sflag:s0], $0x4000  }
0xa0: {  	[sflag:s0] =	ssyncset.done $0x0  }
0xa1: {  	[sflag:s0] =	ssyncadd.s32 $0xFFFFC000  }
.LBB2_6:
0xa2: {  	p0 =	seq.s32 s24, $0x0  }
.Ltmp3:
0xa3: {  	_ = 	snop;
	(pc) =	sbr.rel @p0 .LBB2_10-.Ltmp3, $1  }
0xa4: {  	_ =	sdelay $0x3  }
.LBB2_7:
0xa5: {  	_ =	swait.ge [sflag:s6], $0x3000  }
0xa6: {  	[sflag:s6] =	ssyncset.done $0x0  }
0xa7: {  	s9 =	simm.s32 $0x11040;
	[sflag:s6] =	ssyncadd.s32 $0xFFFFD000  }
0xa8: {  	s12 =	simm.s32 $0x12040;
	v9 =	vld [tilespmem:s9+$0x30]  }
0xa9: {  	s13 =	simm.s32 $0x13040;
	v10 =	vld [tilespmem:s12+$0x30]  }
0xaa: {  	v11 =	vld [tilespmem:s13+$0x30]  }
0xab: {  	v12 =	vld [tilespmem:s12+$0xFFFFFFC0]  }
0xac: {  	v13 =	vld [tilespmem:s9+$0xFFFFFFD0]  }
0xad: {  	v14 =	vld [tilespmem:s12+$0xFFFFFFD0]  }
0xae: {  	v15 =	vld [tilespmem:s12+$0xFFFFFFE0];
	v9 =	vmul.f32 v9, v9;
	v10 =	vmul.f32 v10, v10  }
0xaf: {  	v18 =	vld [tilespmem:s9+$0x0]  }
0xb0: {  	v20 =	vld [tilespmem:s12+$0x0];
	v9 =	vadd.f32 v10, v9;
	v10 =	vmul.f32 v11, v11  }
0xb1: {  	v21 =	vld [tilespmem:s9+$0x10]  }
0xb2: {  	v23 =	vld [tilespmem:s12+$0x10];
	v16 =	vadd.f32 v10, v9  }
0xb3: {  	v11 =	vld [tilespmem:s9+$0xFFFFFFE0]  }
0xb4: {  	v9 =	vld [tilespmem:s9+$0xFFFFFFF0];
	v17 =	vmax.f32 v16, $1.000000000e-30  }
0xb5: {  	v12 =	vmul.f32 v12, v12;
	v10 =	vld [tilespmem:s12+$0xFFFFFFF0];
	v19 =	vshra.s32 v17, $0x1;
	v17 =	vmul.f32 $5.000000000e-01, v17  }
0xb6: {  	v24 =	vld [tilespmem:s9+$0x20];
	v13 =	vmul.f32 v13, v13;
	v14 =	vmul.f32 v14, v14;
	v19 =	vsub.s32 $0x5F3759DF, v19  }
0xb7: {  	v25 =	vld [tilespmem:s12+$0x20];
	v15 =	vmul.f32 v15, v15;
	v22 =	vmul.f32 v19, v17  }
0xb8: {  	v26 =	vld [tilespmem:s9+$0xFFFFFFC0];
	v18 =	vmul.f32 v18, v18;
	v13 =	vadd.f32 v14, v13;
	v14 =	vmul.f32 v20, v20  }
0xb9: {  	v27 =	vld [tilespmem:s13+$0xFFFFFFC0];
	v11 =	vmul.f32 v11, v11;
	v22 =	vmul.f32 v19, v22  }
0xba: {  	v28 =	vld [tilespmem:s13+$0xFFFFFFD0];
	v9 =	vmul.f32 v9, v9;
	v10 =	vmul.f32 v10, v10  }
0xbb: {  	v20 =	vmul.f32 v21, v21;
	v21 =	vld [tilespmem:s13+$0xFFFFFFE0];
	v11 =	vadd.f32 v15, v11;
	v22 =	vsub.f32 $1.500000000e+00, v22  }
0xbc: {  	v15 =	vmul.f32 v23, v23;
	v23 =	vadd.f32 v10, v9;
	v9 =	vmul.f32 v24, v24;
	v24 =	vld [tilespmem:s13+$0x0]  }
0xbd: {  	v10 =	vmul.f32 v26, v26;
	v19 =	vmul.f32 v19, v22;
	v22 =	vld [tilespmem:s13+$0xFFFFFFF0]  }
0xbe: {  	v14 =	vadd.f32 v14, v18;
	v18 =	vmul.f32 v25, v25;
	v15 =	vadd.f32 v15, v20  }
0xbf: {  	v20 =	vmul.f32 v27, v27;
	v10 =	vadd.f32 v12, v10;
	v17 =	vmul.f32 v19, v17  }
0xc0: {  	v25 =	vld [tilespmem:s13+$0x10];
	v12 =	vadd.f32 v18, v9;
	v18 =	vmul.f32 v28, v28  }
0xc1: {  	v21 =	vmul.f32 v21, v21;
	v9 =	vadd.f32 v20, v10;
	v17 =	vmul.f32 v17, v19  }
0xc2: {  	v26 =	vld [tilespmem:s13+$0x20];
	v10 =	vadd.f32 v18, v13;
	v18 =	vmul.f32 v24, v24;
	v20 =	vmul.f32 v22, v22  }
0xc3: {  	v11 =	vadd.f32 v21, v11;
	v17 =	vsub.f32 $1.500000000e+00, v17  }
0xc4: {  	v18 =	vadd.f32 v18, v14;
	v13 =	vadd.f32 v20, v23  }
0xc5: {  	v20 =	vmax.f32 v9, $1.000000000e-30;
	v17 =	vmul.f32 v17, v19;
	v19 =	vmul.f32 v25, v25  }
0xc6: {  	v24 =	vshra.s32 v20, $0x1;
	v20 =	vmul.f32 $5.000000000e-01, v20;
	v21 =	vmax.f32 v13, $1.000000000e-30  }
0xc7: {  	v24 =	vsub.s32 $0x5F3759DF, v24;
	v14 =	vmul.f32 v17, v16;
	v16 =	vmul.f32 v26, v26  }
0xc8: {  	v17 =	vmax.f32 v10, $1.000000000e-30;
	v19 =	vadd.f32 v19, v15;
	v15 =	vmax.f32 v11, $1.000000000e-30  }
0xc9: {  	v28 =	vshra.s32 v21, $0x1;
	v21 =	vmul.f32 $5.000000000e-01, v21;
	v31 =	vmul.f32 v24, v20  }
0xca: {  	v27 =	vmul.f32 $5.000000000e-01, v17;
	v17 =	vshra.s32 v17, $0x1;
	v22 =	vmul.f32 v14, v41  }
0xcb: {  	v28 =	vsub.s32 $0x5F3759DF, v28;
	v25 =	vmul.f32 v14, v44;
	v33 =	vmul.f32 v14, v51  }
0xcc: {  	v23 =	vadd.f32 v16, v12;
	v36 =	vmul.f32 v14, v43;
	v22 =	vmul.f32 $1.442695020e+00, v22  }
0xcd: {  	v12 =	vmax.f32 v18, $1.000000000e-30;
	v37 =	vmul.f32 v28, v21;
	v31 =	vmul.f32 v24, v31  }
0xce: {  	v16 =	vmax.f32 v19, $1.000000000e-30;
	v25 =	vmul.f32 $1.442695020e+00, v25;
	(erf) = vpow2.f32 v22  }
0xcf: {  	v17 =	vsub.s32 $0x5F3759DF, v17;
	v3 =	vmul.f32 v14, v7;
	v14 =	vmul.f32 v14, v45  }
0xd0: {  	v29 =	vshra.s32 v12, $0x1;
	v12 =	vmul.f32 $5.000000000e-01, v12;
	(erf) = vpow2.f32 v25  }
0xd1: {  	v32 =	vmul.f32 v17, v27;
	v26 =	vmax.f32 v23, $1.000000000e-30;
	v33 =	vmul.f32 $1.442695020e+00, v33  }
0xd2: {  	v29 =	vsub.s32 $0x5F3759DF, v29;
	v36 =	vmul.f32 $1.442695020e+00, v36;
	v37 =	vmul.f32 v28, v37  }
0xd3: {  	v14 =	vmul.f32 $1.442695020e+00, v14;
	v30 =	vshra.s32 v26, $0x1;
	v26 =	vmul.f32 $5.000000000e-01, v26  }
0xd4: {  	s13 =	simm.s32 $0x18040;
	v31 =	vsub.f32 $1.500000000e+00, v31;
	v38 =	vmul.f32 v29, v12;
	v32 =	vmul.f32 v17, v32  }
0xd5: {  	v35 =	vld [tilespmem:s13+$0xFFFFF030];
	v22 =	vshra.s32 v15, $0x1;
	v15 =	vmul.f32 $5.000000000e-01, v15;
	v30 =	vsub.s32 $0x5F3759DF, v30  }
0xd6: {  	v24 =	vmul.f32 v24, v31;
	v37 =	vsub.f32 $1.500000000e+00, v37;
	v25 =	vshra.s32 v16, $0x1  }
0xd7: {  	v16 =	vmul.f32 $5.000000000e-01, v16;
	v22 =	vsub.s32 $0x5F3759DF, v22;
	v61 =	vmul.f32 v30, v26;
	v39 =	vpop (erf)  }
0xd8: {  	v1 =	vmul.f32 v29, v38;
	(erf) = vpow2.f32 v33;
	v39 =	vsub.f32 $1.000000000e+00, v39  }
0xd9: {  	v32 =	vsub.f32 $1.500000000e+00, v32;
	v34 =	vmul.f32 v22, v15;
	(erf) = vpow2.f32 v36;
	v62 =	vpop (erf)  }
0xda: {  	v25 =	vsub.s32 $0x5F3759DF, v25;
	v35 =	vmul.f32 v62, v35;
	v63 =	vmul.f32 v39, v6  }
0xdb: {  	v28 =	vmul.f32 v28, v37;
	v40 =	vmul.f32 v25, v16  }
0xdc: {  	v33 =	vmul.f32 v30, v61;
	v32 =	vmul.f32 v17, v32;
	v35 =	vadd.f32 v63, v35  }
0xdd: {  	s28 =	simm.s32 $0x1A0C0;
	v17 =	vmul.f32 $1.442695020e+00, v3;
	v34 =	vmul.f32 v22, v34  }
0xde: {  	v21 =	vmul.f32 v28, v21;
	v2 =	vmul.f32 v25, v40;
	[tilespmem:s28+$0xFFFFFFB0] =	vst v35  }
0xdf: {  	v40 =	vsub.f32 $1.500000000e+00, v1;
	(erf) = vpow2.f32 v17;
	v34 =	vsub.f32 $1.500000000e+00, v34;
	v31 =	vld [tilespmem:s13+$0x30]  }
0xe0: {  	v0 =	vmovc v41;
	(erf) = vpow2.f32 v14;
	v21 =	vmul.f32 v21, v28;
	v17 =	vsub.f32 $1.500000000e+00, v2  }
0xe1: {  	v14 =	vsub.f32 $1.500000000e+00, v33;
	v29 =	vmul.f32 v29, v40;
	v22 =	vmul.f32 v22, v34;
	v41 =	vpop (erf)  }
0xe2: {  	v25 =	vmul.f32 v25, v17;
	v17 =	vmul.f32 v24, v20;
	v34 =	vsub.f32 $1.000000000e+00, v41  }
0xe3: {  	v20 =	vmul.f32 v30, v14;
	v14 =	vmul.f32 v32, v27;
	v46 =	vpop (erf)  }
0xe4: {  	v21 =	vsub.f32 $1.500000000e+00, v21;
	v47 =	vmul.f32 v34, v8;
	v31 =	vmul.f32 v46, v31  }
0xe5: {  	v12 =	vmul.f32 v29, v12;
	v15 =	vmul.f32 v22, v15  }
0xe6: {  	v21 =	vmul.f32 v21, v28;
	v16 =	vmul.f32 v25, v16;
	v27 =	vadd.f32 v47, v31  }
0xe7: {  	v26 =	vmul.f32 v20, v26;
	v17 =	vmul.f32 v17, v24  }
0xe8: {  	v14 =	vmul.f32 v14, v32;
	v12 =	vmul.f32 v12, v29;
	[tilespmem:s28+$0x30] =	vst v27  }
0xe9: {  	v15 =	vmul.f32 v15, v22;
	v13 =	vmul.f32 v21, v13;
	v27 =	vld [tilespmem:s13+$0x1030]  }
0xea: {  	v17 =	vsub.f32 $1.500000000e+00, v17;
	v30 =	vmul.f32 v16, v25;
	v12 =	vsub.f32 $1.500000000e+00, v12  }
0xeb: {  	v26 =	vmul.f32 v26, v20;
	v15 =	vsub.f32 $1.500000000e+00, v15;
	v21 =	vmul.f32 v13, v0  }
0xec: {  	v14 =	vsub.f32 $1.500000000e+00, v14;
	v16 =	vpop (erf);
	v24 =	vmul.f32 v17, v24;
	v28 =	vmul.f32 v12, v29  }
0xed: {  	v22 =	vmul.f32 v15, v22;
	v21 =	vmul.f32 $1.442695020e+00, v21;
	v31 =	vsub.f32 $1.000000000e+00, v16;
	v16 =	vpop (erf)  }
0xee: {  	v1 =	vmul.f32 v16, v27;
	v27 =	vmul.f32 v14, v32;
	v14 =	vsub.f32 $1.500000000e+00, v30  }
0xef: {  	v26 =	vsub.f32 $1.500000000e+00, v26;
	v12 =	vmul.f32 v22, v11;
	v46 =	vmul.f32 v13, v7  }
0xf0: {  	v48 =	vmul.f32 v31, v42;
	v25 =	vmul.f32 v14, v25  }
0xf1: {  	v14 =	vmul.f32 v24, v9;
	v9 =	vmul.f32 v26, v20  }
0xf2: {  	v15 =	vmul.f32 v27, v10;
	v10 =	vmul.f32 v28, v18  }
0xf3: {  	v20 =	vmul.f32 v12, v0;
	v27 =	vmul.f32 v12, v44  }
0xf4: {  	v28 =	vmul.f32 v13, v44;
	v11 =	vmul.f32 v25, v19  }
0xf5: {  	v9 =	vmul.f32 v9, v23;
	v18 =	vmul.f32 v14, v0  }
0xf6: {  	v19 =	vmul.f32 v15, v0;
	v22 =	vmul.f32 v10, v0  }
0xf7: {  	v20 =	vmul.f32 $1.442695020e+00, v20;
	v25 =	vmul.f32 v14, v44  }
0xf8: {  	v26 =	vmul.f32 v15, v44;
	v29 =	vmul.f32 v10, v44  }
0xf9: {  	v49 =	vmul.f32 v10, v43;
	v47 =	vmul.f32 v10, v7  }
0xfa: {  	v23 =	vmul.f32 v11, v0;
	v18 =	vmul.f32 $1.442695020e+00, v18  }
0xfb: {  	v24 =	vmul.f32 v9, v0;
	v19 =	vmul.f32 $1.442695020e+00, v19  }
0xfc: {  	v22 =	vmul.f32 $1.442695020e+00, v22;
	v30 =	vmul.f32 v11, v44  }
0xfd: {  	v31 =	vmul.f32 v9, v44;
	v50 =	vmul.f32 v11, v43  }
0xfe: {  	v53 =	vmul.f32 v9, v43;
	v32 =	vmul.f32 $1.442695020e+00, v49  }
0xff: {  	v3 =	vmov v44;
	[tilespmem:$0x1FF70] =	vst v48;
	v44 =	vmul.f32 v12, v7;
	v48 =	vmul.f32 v11, v7  }
0x100: {  	v49 =	vmul.f32 v9, v7;
	v23 =	vmul.f32 $1.442695020e+00, v23  }
0x101: {  	v24 =	vmul.f32 $1.442695020e+00, v24;
	(erf) = vpow2.f32 v18  }
0x102: {  	v18 =	vmul.f32 $1.442695020e+00, v25;
	v25 =	vmul.f32 v13, v51  }
0x103: {  	v33 =	vmul.f32 $1.442695020e+00, v50;
	v35 =	vmul.f32 $1.442695020e+00, v53  }
0x104: {  	v38 =	vmul.f32 $1.442695020e+00, v44;
	v50 =	vmul.f32 $1.442695020e+00, v47  }
0x105: {  	v53 =	vmul.f32 $1.442695020e+00, v49;
	(erf) = vpow2.f32 v19  }
0x106: {  	v19 =	vmul.f32 $1.442695020e+00, v26;
	v26 =	vmul.f32 v10, v51  }
0x107: {  	v10 =	vmul.f32 v10, v45;
	(erf) = vpow2.f32 v20  }
0x108: {  	v20 =	vmul.f32 $1.442695020e+00, v27;
	v25 =	vmul.f32 $1.442695020e+00, v25  }
0x109: {  	v27 =	vmul.f32 v14, v43;
	(erf) = vpow2.f32 v21  }
0x10a: {  	v21 =	vmul.f32 $1.442695020e+00, v28;
	v26 =	vmul.f32 $1.442695020e+00, v26  }
0x10b: {  	v28 =	vmul.f32 v15, v43;
	v10 =	vmul.f32 $1.442695020e+00, v10  }
0x10c: {  	(erf) = vpow2.f32 v22;
	v22 =	vmul.f32 $1.442695020e+00, v29  }
0x10d: {  	v29 =	vmul.f32 v12, v43;
	v27 =	vmul.f32 $1.442695020e+00, v27  }
0x10e: {  	(erf) = vpow2.f32 v23;
	v23 =	vmul.f32 $1.442695020e+00, v30  }
0x10f: {  	v30 =	vmul.f32 v13, v43;
	v28 =	vmul.f32 $1.442695020e+00, v28  }
0x110: {  	v13 =	vmul.f32 v13, v45;
	(erf) = vpow2.f32 v24  }
0x111: {  	v24 =	vmul.f32 $1.442695020e+00, v31;
	v29 =	vmul.f32 $1.442695020e+00, v29  }
0x112: {  	(erf) = vpow2.f32 v18;
	v18 =	vmul.f32 v14, v51  }
0x113: {  	v30 =	vmul.f32 $1.442695020e+00, v30;
	v13 =	vmul.f32 $1.442695020e+00, v13  }
0x114: {  	(erf) = vpow2.f32 v19;
	v19 =	vmul.f32 v15, v51  }
0x115: {  	(erf) = vpow2.f32 v20;
	v20 =	vmul.f32 v12, v51  }
0x116: {  	v18 =	vmul.f32 $1.442695020e+00, v18;
	v12 =	vmul.f32 v12, v45  }
0x117: {  	(erf) = vpow2.f32 v21;
	v19 =	vmul.f32 $1.442695020e+00, v19  }
0x118: {  	(erf) = vpow2.f32 v22;
	v20 =	vmul.f32 $1.442695020e+00, v20  }
0x119: {  	v21 =	vpop (erf);
	v12 =	vmul.f32 $1.442695020e+00, v12;
	(erf) = vpow2.f32 v23  }
0x11a: {  	v22 =	vpop (erf);
	v23 =	vmul.f32 v11, v51;
	v11 =	vmul.f32 v11, v45  }
0x11b: {  	v31 =	vpop (erf);
	(erf) = vpow2.f32 v24;
	v24 =	vmul.f32 v9, v51  }
0x11c: {  	v52 =	vpop (erf);
	v31 =	vsub.f32 $1.000000000e+00, v31;
	v9 =	vmul.f32 v9, v45;
	(erf) = vpow2.f32 v18  }
0x11d: {  	v23 =	vmul.f32 $1.442695020e+00, v23;
	v18 =	vpop (erf);
	v34 =	vsub.f32 $1.000000000e+00, v52;
	(erf) = vpow2.f32 v19  }
0x11e: {  	[tilespmem:$0x1FF60] =	vst v1;
	v24 =	vmul.f32 $1.442695020e+00, v24;
	v19 =	vsub.f32 $1.000000000e+00, v21;
	v21 =	vpop (erf);
	(erf) = vpow2.f32 v20  }
0x11f: {  	v31 =	vmul.f32 v31, v6;
	v20 =	vsub.f32 $1.000000000e+00, v22;
	v22 =	vpop (erf);
	(erf) = vpow2.f32 v25;
	v25 =	vld [tilespmem:s13+$0xFFFFEFC0]  }
0x120: {  	v57 =	vld [tilespmem:s13+$0xFFFFF010];
	v21 =	vsub.f32 $1.000000000e+00, v21;
	v34 =	vmul.f32 v34, v6;
	v54 =	vpop (erf);
	v19 =	vmul.f32 v19, v6  }
0x121: {  	v22 =	vsub.f32 $1.000000000e+00, v22;
	(erf) = vpow2.f32 v26;
	v26 =	vld [tilespmem:s13+$0xFFFFEFD0];
	v55 =	vpop (erf);
	v20 =	vmul.f32 v20, v6  }
0x122: {  	v21 =	vmul.f32 v21, v6;
	(erf) = vpow2.f32 v23;
	v23 =	vld [tilespmem:s13+$0xFFFFEFE0];
	v59 =	vpop (erf)  }
0x123: {  	v58 =	vld [tilespmem:s13+$0xFFFFF020];
	v22 =	vmul.f32 v22, v6;
	(erf) = vpow2.f32 v24;
	v60 =	vpop (erf)  }
0x124: {  	v61 =	vpop (erf);
	(erf) = vpow2.f32 v27;
	v25 =	vmul.f32 v54, v25  }
0x125: {  	v24 =	vld [tilespmem:s13+$0xFFFFEFF0];
	v62 =	vpop (erf);
	(erf) = vpow2.f32 v28;
	v28 =	vmul.f32 v14, v7  }
0x126: {  	v26 =	vmul.f32 v55, v26;
	v37 =	vmul.f32 v62, v57;
	v19 =	vadd.f32 v19, v25  }
0x127: {  	v27 =	vpop (erf);
	(erf) = vpow2.f32 v29;
	v23 =	vmul.f32 v59, v23  }
0x128: {  	s14 =	simm.s32 $0x110C0;
	v56 =	vld [tilespmem:s13+$0xFFFFF000];
	v27 =	vmul.f32 v27, v58;
	(erf) = vpow2.f32 v30;
	[tilespmem:s28+$0xFFFFFF40] =	vst v19;
	v19 =	vadd.f32 v20, v26  }
0x129: {  	s30 =	simm.s32 $0x120C0;
	v54 =	vld [tilespmem:s14+$0x30];
	v29 =	vpop (erf);
	v30 =	vmul.f32 v15, v7;
	v28 =	vmul.f32 $1.442695020e+00, v28  }
0x12a: {  	v24 =	vmul.f32 v60, v24;
	(erf) = vpow2.f32 v32;
	v63 =	vpop (erf);
	[tilespmem:s28+$0xFFFFFF50] =	vst v19;
	v19 =	vld [tilespmem:s30+$0x30]  }
0x12b: {  	v21 =	vadd.f32 v21, v37;
	(erf) = vpow2.f32 v33;
	v23 =	vadd.f32 v31, v23;
	v26 =	vpop (erf)  }
0x12c: {  	v30 =	vmul.f32 $1.442695020e+00, v30;
	(erf) = vpow2.f32 v35;
	v24 =	vadd.f32 v34, v24;
	v55 =	vpop (erf)  }
0x12d: {  	s31 =	simm.s32 $0x130C0;
	v36 =	vmul.f32 v61, v56;
	v22 =	vadd.f32 v22, v27;
	(erf) = vpow2.f32 v28;
	[tilespmem:s28+$0xFFFFFF60] =	vst v23;
	v31 =	vpop (erf)  }
0x12e: {  	v23 =	vld [tilespmem:s31+$0x30];
	(erf) = vpow2.f32 v30;
	[tilespmem:s28+$0xFFFFFF70] =	vst v24;
	v24 =	vmul.f32 v54, v54;
	v56 =	vpop (erf)  }
0x12f: {  	v18 =	vsub.f32 $1.000000000e+00, v18;
	v20 =	vld [tilespmem:s13+$0xFFFFFFC0];
	(erf) = vpow2.f32 v38;
	v38 =	vpop (erf);
	v19 =	vmul.f32 v19, v19  }
0x130: {  	v52 =	vmul.f32 $1.442695020e+00, v48;
	v11 =	vmul.f32 $1.442695020e+00, v11;
	[tilespmem:s28+$0xFFFFFF90] =	vst v21;
	v28 =	vld [tilespmem:s13+$0xFFFFFFD0];
	v21 =	vpop (erf)  }
0x131: {  	v9 =	vmul.f32 $1.442695020e+00, v9;
	v18 =	vmul.f32 v18, v6;
	[tilespmem:s28+$0xFFFFFFA0] =	vst v22;
	v27 =	vld [tilespmem:s13+$0xFFFFFFF0];
	v22 =	vpop (erf);
	v19 =	vadd.f32 v19, v24  }
0x132: {  	v14 =	vmul.f32 v14, v45;
	v25 =	vmul.f32 $1.442695020e+00, v46;
	v58 =	vld [tilespmem:s13+$0x20];
	v59 =	vpop (erf)  }
0x133: {  	v61 =	vld [tilespmem:s30+$0xFFFFFFC0];
	v15 =	vmul.f32 v15, v45;
	v18 =	vadd.f32 v18, v36;
	v23 =	vmul.f32 v23, v23;
	v60 =	vpop (erf)  }
0x134: {  	v62 =	vld [tilespmem:s14+$0xFFFFFFD0];
	(erf) = vpow2.f32 v25;
	v25 =	vmul.f32 v21, v20;
	v20 =	vpop (erf)  }
0x135: {  	v14 =	vmul.f32 $1.442695020e+00, v14;
	[tilespmem:s28+$0xFFFFFF80] =	vst v18;
	v32 =	vsub.f32 $1.000000000e+00, v63;
	v63 =	vld [tilespmem:s30+$0xFFFFFFD0];
	v40 =	vadd.f32 v23, v19;
	v19 =	vpop (erf)  }
0x136: {  	v29 =	vsub.f32 $1.000000000e+00, v29;
	v18 =	vld [tilespmem:s13+$0x0];
	v24 =	vmul.f32 v22, v28;
	v22 =	vmul.f32 v60, v27;
	v27 =	vpop (erf)  }
0x137: {  	v15 =	vmul.f32 $1.442695020e+00, v15;
	v5 =	vmul.f32 v27, v58  }
0x138: {  	v29 =	vmul.f32 v29, v8;
	v39 =	vmul.f32 v61, v61;
	v30 =	vld [tilespmem:s13+$0xFFFFFFE0]  }
0x139: {  	v57 =	vld [tilespmem:s13+$0x10];
	v36 =	vmul.f32 v62, v62;
	(erf) = vpow2.f32 v50;
	[tilespmem:$0x1FF80] =	vst v5  }
0x13a: {  	v1 =	vmovc v45;
	v33 =	vmul.f32 v63, v63;
	(erf) = vpow2.f32 v52;
	v21 =	vsub.f32 $1.000000000e+00, v26;
	v45 =	vld [tilespmem:s14+$0xFFFFFFE0]  }
0x13b: {  	(erf) = vpow2.f32 v53;
	v23 =	vmul.f32 v20, v18;
	v20 =	vmax.f32 v40, $1.000000000e-30;
	v47 =	vld [tilespmem:s30+$0xFFFFFFE0]  }
0x13c: {  	(erf) = vpow2.f32 v14;
	v46 =	vmul.f32 $5.000000000e-01, v20;
	v27 =	vshra.s32 v20, $0x1;
	v14 =	vld [tilespmem:s14+$0xFFFFFFF0]  }
0x13d: {  	v26 =	vmul.f32 v59, v30;
	(erf) = vpow2.f32 v15;
	v48 =	vsub.s32 $0x5F3759DF, v27;
	v15 =	vld [tilespmem:s30+$0xFFFFFFF0]  }
0x13e: {  	(erf) = vpow2.f32 v12;
	v20 =	vmul.f32 v48, v46;
	v12 =	vld [tilespmem:s14+$0x0]  }
0x13f: {  	v30 =	vmul.f32 v21, v8;
	v21 =	vsub.f32 $1.000000000e+00, v31;
	(erf) = vpow2.f32 v13;
	v13 =	vld [tilespmem:s30+$0x0]  }
0x140: {  	v27 =	vsub.f32 $1.000000000e+00, v55;
	(erf) = vpow2.f32 v10;
	v10 =	vld [tilespmem:s14+$0x10];
	v49 =	vmul.f32 v48, v20  }
0x141: {  	v34 =	vsub.f32 $1.000000000e+00, v56;
	v28 =	vmul.f32 v32, v8;
	v32 =	vmul.f32 v21, v8;
	v52 =	vld [tilespmem:s30+$0x20]  }
0x142: {  	v19 =	vmul.f32 v19, v57;
	v31 =	vmul.f32 v27, v8;
	v53 =	vld [tilespmem:s14+$0xFFFFFFC0];
	v41 =	vsub.f32 $1.500000000e+00, v49  }
0x143: {  	v27 =	vmul.f32 v34, v8;
	v54 =	vld [tilespmem:s31+$0xFFFFFFC0];
	v20 =	vpop (erf);
	(erf) = vpow2.f32 v11  }
0x144: {  	v55 =	vld [tilespmem:s31+$0xFFFFFFD0];
	v21 =	vpop (erf);
	(erf) = vpow2.f32 v9;
	v50 =	vmul.f32 v48, v41  }
0x145: {  	v4 =	vmov v42;
	v11 =	vld [tilespmem:s30+$0x10];
	v35 =	vmul.f32 v45, v45;
	v42 =	vmul.f32 v47, v47  }
0x146: {  	v9 =	vld [tilespmem:s14+$0x20];
	v14 =	vmul.f32 v14, v14;
	v15 =	vmul.f32 v15, v15  }
0x147: {  	v56 =	vld [tilespmem:s31+$0xFFFFFFE0];
	v12 =	vmul.f32 v12, v12;
	v13 =	vmul.f32 v13, v13  }
0x148: {  	v33 =	vadd.f32 v33, v36;
	v57 =	vld [tilespmem:s31+$0xFFFFFFF0];
	v10 =	vmul.f32 v10, v10;
	v37 =	vmul.f32 v50, v46  }
0x149: {  	v58 =	vld [tilespmem:s31+$0x0];
	v59 =	vmul.f32 v52, v52;
	v14 =	vadd.f32 v15, v14;
	v15 =	vmul.f32 v53, v53  }
0x14a: {  	v12 =	vadd.f32 v13, v12;
	v13 =	vld [tilespmem:s31+$0x10];
	v11 =	vmul.f32 v11, v11;
	v37 =	vmul.f32 v37, v50  }
0x14b: {  	v42 =	vadd.f32 v42, v35;
	v9 =	vmul.f32 v9, v9;
	v15 =	vadd.f32 v39, v15  }
0x14c: {  	v60 =	vmul.f32 v54, v54;
	v10 =	vadd.f32 v11, v10;
	v37 =	vsub.f32 $1.500000000e+00, v37  }
0x14d: {  	v11 =	vmul.f32 v55, v55;
	v47 =	vadd.f32 v59, v9;
	v9 =	vmul.f32 v56, v56  }
0x14e: {  	v61 =	vld [tilespmem:s31+$0x20];
	v39 =	vadd.f32 v60, v15;
	v15 =	vmul.f32 v57, v57;
	v34 =	vmul.f32 v37, v50  }
0x14f: {  	v13 =	vmul.f32 v13, v13;
	v41 =	vadd.f32 v9, v42;
	v9 =	vmul.f32 v58, v58  }
0x150: {  	v2 =	vmovc v43;
	v5 =	vmovc v8;
	v48 =	vadd.f32 v15, v14;
	v15 =	vmax.f32 v39, $1.000000000e-30;
	v46 =	vmul.f32 v34, v40  }
0x151: {  	v8 =	vmovc v6;
	v6 =	vmovc v7;
	v7 =	vmov v51;
	v50 =	vadd.f32 v13, v10;
	v45 =	vshra.s32 v15, $0x1  }
0x152: {  	v35 =	vpop (erf);
	v40 =	vadd.f32 v11, v33;
	v49 =	vadd.f32 v9, v12;
	v11 =	vmul.f32 v46, v0  }
0x153: {  	v36 =	vpop (erf);
	v12 =	vmul.f32 v61, v61;
	v63 =	vmax.f32 v48, $1.000000000e-30;
	v14 =	vmul.f32 v46, v3  }
0x154: {  	v37 =	vpop (erf);
	v45 =	vsub.s32 $0x5F3759DF, v45;
	v44 =	vmax.f32 v50, $1.000000000e-30;
	v11 =	vmul.f32 $1.442695020e+00, v11  }
0x155: {  	v33 =	vpop (erf);
	v56 =	vshra.s32 v63, $0x1;
	v43 =	vmul.f32 $5.000000000e-01, v63;
	v14 =	vmul.f32 $1.442695020e+00, v14  }
0x156: {  	v62 =	vmax.f32 v40, $1.000000000e-30;
	v34 =	vpop (erf);
	v51 =	vadd.f32 v12, v47;
	(erf) = vpow2.f32 v11  }
0x157: {  	v12 =	vmax.f32 v49, $1.000000000e-30;
	v47 =	vmul.f32 $5.000000000e-01, v15;
	v9 =	vpop (erf);
	(erf) = vpow2.f32 v14  }
0x158: {  	v58 =	vmul.f32 v46, v7;
	v60 =	vshra.s32 v44, $0x1;
	v44 =	vmul.f32 $5.000000000e-01, v44  }
0x159: {  	v56 =	vsub.s32 $0x5F3759DF, v56;
	v42 =	vmul.f32 $5.000000000e-01, v62;
	v10 =	vpop (erf);
	v11 =	vmax.f32 v41, $1.000000000e-30  }
0x15a: {  	v53 =	vshra.s32 v62, $0x1;
	v59 =	vmul.f32 $5.000000000e-01, v12;
	v62 =	vmul.f32 v46, v2;
	v13 =	vpop (erf)  }
0x15b: {  	s9 =	simm.s32 $0x180C0;
	v57 =	vshra.s32 v12, $0x1;
	v58 =	vmul.f32 $1.442695020e+00, v58;
	v17 =	vmul.f32 v45, v47;
	v15 =	vpop (erf)  }
0x15c: {  	v61 =	vld [tilespmem:s9+$0xFFFFF030];
	v62 =	vmul.f32 $1.442695020e+00, v62;
	v54 =	vshra.s32 v11, $0x1;
	v55 =	vmul.f32 $5.000000000e-01, v11;
	v11 =	vpop (erf)  }
0x15d: {  	v52 =	vmax.f32 v51, $1.000000000e-30;
	v53 =	vsub.s32 $0x5F3759DF, v53;
	v17 =	vmul.f32 v45, v17;
	v14 =	vpop (erf)  }
0x15e: {  	v57 =	vsub.s32 $0x5F3759DF, v57;
	(erf) = vpow2.f32 v58;
	v58 =	vmul.f32 v53, v42;
	v12 =	vpop (erf)  }
0x15f: {  	v63 =	vmul.f32 $5.000000000e-01, v52;
	v52 =	vshra.s32 v52, $0x1;
	v17 =	vsub.f32 $1.500000000e+00, v17;
	v16 =	vpop (erf)  }
0x160: {  	(erf) = vpow2.f32 v62;
	v58 =	vmul.f32 v53, v58;
	v16 =	vsub.f32 $1.000000000e+00, v16;
	v62 =	vpop (erf)  }
0x161: {  	v54 =	vsub.s32 $0x5F3759DF, v54;
	v18 =	vmul.f32 v45, v17;
	v61 =	vmul.f32 v62, v61  }
0x162: {  	v52 =	vsub.s32 $0x5F3759DF, v52;
	v62 =	vmul.f32 v54, v55;
	v16 =	vmul.f32 v16, v8  }
0x163: {  	v60 =	vsub.s32 $0x5F3759DF, v60;
	v45 =	vmul.f32 v57, v59;
	v17 =	vmul.f32 v52, v63  }
0x164: {  	v62 =	vmul.f32 v54, v62;
	v16 =	vadd.f32 v16, v61;
	v61 =	vmul.f32 v56, v43  }
0x165: {  	v58 =	vsub.f32 $1.500000000e+00, v58;
	v45 =	vmul.f32 v57, v45;
	v17 =	vmul.f32 v52, v17  }
0x166: {  	v47 =	vmul.f32 v18, v47;
	v62 =	vsub.f32 $1.500000000e+00, v62;
	v61 =	vmul.f32 v56, v61  }
0x167: {  	v53 =	vmul.f32 v53, v58;
	v58 =	vmul.f32 v60, v44  }
0x168: {  	s12 =	simm.s32 $0x1A2C0;
	v54 =	vmul.f32 v54, v62;
	v62 =	vmul.f32 v46, v6;
	v61 =	vsub.f32 $1.500000000e+00, v61  }
0x169: {  	v17 =	vsub.f32 $1.500000000e+00, v17;
	v58 =	vmul.f32 v60, v58;
	[tilespmem:s12+$0xFFFFFFB0] =	vst v16;
	v46 =	vmul.f32 v46, v1  }
0x16a: {  	v38 =	vsub.f32 $1.000000000e+00, v38;
	v16 =	vpop (erf);
	v62 =	vmul.f32 $1.442695020e+00, v62;
	v56 =	vmul.f32 v56, v61;
	v61 =	vld [tilespmem:s9+$0x30]  }
0x16b: {  	v17 =	vmul.f32 v52, v17;
	v42 =	vmul.f32 v53, v42;
	v16 =	vsub.f32 $1.000000000e+00, v16  }
0x16c: {  	v46 =	vmul.f32 $1.442695020e+00, v46;
	(erf) = vpow2.f32 v62  }
0x16d: {  	v62 =	vmul.f32 v38, v5;
	v38 =	vsub.f32 $1.500000000e+00, v45;
	v16 =	vmul.f32 v16, v5  }
0x16e: {  	v45 =	vsub.f32 $1.500000000e+00, v58;
	v58 =	vpop (erf);
	(erf) = vpow2.f32 v46;
	v43 =	vmul.f32 v56, v43  }
0x16f: {  	v38 =	vmul.f32 v57, v38;
	v46 =	vmul.f32 v58, v61  }
0x170: {  	v63 =	vmul.f32 v17, v63;
	v45 =	vmul.f32 v60, v45  }
0x171: {  	v43 =	vmul.f32 v43, v56;
	v60 =	vmul.f32 v38, v59;
	v16 =	vadd.f32 v16, v46  }
0x172: {  	v42 =	vmul.f32 v42, v53;
	v46 =	vmul.f32 v54, v55  }
0x173: {  	v61 =	vmul.f32 v47, v18;
	v43 =	vsub.f32 $1.500000000e+00, v43;
	v52 =	vmul.f32 v60, v38;
	[tilespmem:s12+$0x30] =	vst v16  }
0x174: {  	v60 =	vsub.f32 $1.500000000e+00, v42;
	v16 =	vmul.f32 v45, v44;
	v46 =	vmul.f32 v46, v54;
	v55 =	vld [tilespmem:s9+$0x1030]  }
0x175: {  	v57 =	vmul.f32 v63, v17;
	v44 =	vsub.f32 $1.500000000e+00, v61;
	v59 =	vsub.f32 $1.500000000e+00, v52  }
0x176: {  	v60 =	vmul.f32 v60, v53;
	v16 =	vmul.f32 v16, v45;
	v63 =	vsub.f32 $1.500000000e+00, v46  }
0x177: {  	v47 =	vpop (erf);
	v18 =	vmul.f32 v44, v18;
	v38 =	vmul.f32 v59, v38  }
0x178: {  	v61 =	vpop (erf);
	v16 =	vsub.f32 $1.500000000e+00, v16;
	v44 =	vmul.f32 v63, v54;
	v63 =	vmul.f32 v43, v56  }
0x179: {  	v43 =	vmul.f32 v60, v40;
	v42 =	vmul.f32 v61, v55  }
0x17a: {  	v16 =	vmul.f32 v16, v45;
	v45 =	vmul.f32 v18, v39  }
0x17b: {  	v61 =	vsub.f32 $1.500000000e+00, v57;
	v44 =	vmul.f32 v44, v41;
	v40 =	vmul.f32 v63, v48  }
0x17c: {  	v41 =	vmul.f32 v38, v49;
	v52 =	vmul.f32 v43, v3  }
0x17d: {  	v17 =	vmul.f32 v61, v17;
	v38 =	vmul.f32 v16, v50  }
0x17e: {  	v16 =	vmul.f32 v45, v0;
	v18 =	vmul.f32 v44, v0  }
0x17f: {  	v56 =	vmul.f32 v40, v0;
	v57 =	vmul.f32 v41, v0  }
0x180: {  	v60 =	vmul.f32 v45, v3;
	v61 =	vmul.f32 v44, v3  }
0x181: {  	v54 =	vmul.f32 v40, v3;
	v63 =	vmul.f32 v41, v3  }
0x182: {  	v39 =	vmul.f32 v17, v51;
	v17 =	vmul.f32 v43, v0  }
0x183: {  	v58 =	vmul.f32 v38, v0;
	v16 =	vmul.f32 $1.442695020e+00, v16  }
0x184: {  	v18 =	vmul.f32 $1.442695020e+00, v18;
	v46 =	vmul.f32 $1.442695020e+00, v56  }
0x185: {  	v48 =	vmul.f32 $1.442695020e+00, v57;
	v54 =	vmul.f32 $1.442695020e+00, v54  }
0x186: {  	v55 =	vmul.f32 $1.442695020e+00, v63;
	v59 =	vmul.f32 v39, v0  }
0x187: {  	v17 =	vmul.f32 $1.442695020e+00, v17;
	v49 =	vmul.f32 $1.442695020e+00, v58  }
0x188: {  	v0 =	vmul.f32 v38, v3;
	v3 =	vmul.f32 v39, v3  }
0x189: {  	(erf) = vpow2.f32 v16;
	v16 =	vmul.f32 $1.442695020e+00, v60  }
0x18a: {  	v60 =	vmul.f32 v41, v7;
	v63 =	vmul.f32 v39, v7  }
0x18b: {  	v50 =	vmul.f32 $1.442695020e+00, v59;
	(erf) = vpow2.f32 v17  }
0x18c: {  	v17 =	vmul.f32 $1.442695020e+00, v52;
	v56 =	vmul.f32 $1.442695020e+00, v0  }
0x18d: {  	v58 =	vmul.f32 $1.442695020e+00, v3;
	v59 =	vmul.f32 v40, v7  }
0x18e: {  	v53 =	vmul.f32 $1.442695020e+00, v63;
	(erf) = vpow2.f32 v18  }
0x18f: {  	v18 =	vmul.f32 $1.442695020e+00, v61;
	v61 =	vmul.f32 v38, v7  }
0x190: {  	(erf) = vpow2.f32 v46;
	v46 =	vmul.f32 $1.442695020e+00, v59  }
0x191: {  	v59 =	vmul.f32 v41, v2;
	(erf) = vpow2.f32 v48  }
0x192: {  	v48 =	vmul.f32 $1.442695020e+00, v60;
	v60 =	vmul.f32 v45, v2  }
0x193: {  	(erf) = vpow2.f32 v49;
	v49 =	vmul.f32 $1.442695020e+00, v61  }
0x194: {  	v61 =	vmul.f32 v43, v2;
	v59 =	vmul.f32 $1.442695020e+00, v59  }
0x195: {  	(erf) = vpow2.f32 v50;
	v60 =	vmul.f32 $1.442695020e+00, v60  }
0x196: {  	(erf) = vpow2.f32 v16;
	v16 =	vmul.f32 v45, v7  }
0x197: {  	v61 =	vmul.f32 $1.442695020e+00, v61;
	(erf) = vpow2.f32 v17  }
0x198: {  	v17 =	vmul.f32 v43, v7;
	(erf) = vpow2.f32 v18  }
0x199: {  	v18 =	vmul.f32 v44, v7;
	(erf) = vpow2.f32 v54  }
0x19a: {  	v51 =	vpop (erf);
	v16 =	vmul.f32 $1.442695020e+00, v16;
	(erf) = vpow2.f32 v55  }
0x19b: {  	v51 =	vsub.f32 $1.000000000e+00, v51;
	v52 =	vpop (erf);
	v17 =	vmul.f32 $1.442695020e+00, v17;
	(erf) = vpow2.f32 v56  }
0x19c: {  	v50 =	vpop (erf);
	v18 =	vmul.f32 $1.442695020e+00, v18;
	v52 =	vsub.f32 $1.000000000e+00, v52;
	(erf) = vpow2.f32 v58  }
0x19d: {  	v51 =	vmul.f32 v51, v8;
	v54 =	vpop (erf);
	v50 =	vsub.f32 $1.000000000e+00, v50;
	(erf) = vpow2.f32 v16  }
0x19e: {  	v55 =	vpop (erf);
	v54 =	vsub.f32 $1.000000000e+00, v54;
	v52 =	vmul.f32 v52, v8;
	v16 =	vld [tilespmem:s9+$0xFFFFEFC0];
	(erf) = vpow2.f32 v17  }
0x19f: {  	v56 =	vpop (erf);
	v55 =	vsub.f32 $1.000000000e+00, v55;
	v50 =	vmul.f32 v50, v8;
	v17 =	vld [tilespmem:s9+$0xFFFFEFD0];
	(erf) = vpow2.f32 v18  }
0x1a0: {  	v57 =	vpop (erf);
	v56 =	vsub.f32 $1.000000000e+00, v56;
	v54 =	vmul.f32 v54, v8;
	v18 =	vld [tilespmem:s9+$0xFFFFEFE0];
	(erf) = vpow2.f32 v46  }
0x1a1: {  	v55 =	vmul.f32 v55, v8;
	(erf) = vpow2.f32 v48  }
0x1a2: {  	v58 =	vpop (erf);
	v46 =	vld [tilespmem:s9+$0xFFFFEFF0];
	v56 =	vmul.f32 v56, v8;
	(erf) = vpow2.f32 v49  }
0x1a3: {  	v0 =	vpop (erf);
	v48 =	vld [tilespmem:s9+$0xFFFFF000];
	v16 =	vmul.f32 v58, v16;
	v58 =	vmul.f32 v44, v2  }
0x1a4: {  	v3 =	vpop (erf);
	(erf) = vpow2.f32 v53;
	v17 =	vmul.f32 v0, v17  }
0x1a5: {  	v49 =	vld [tilespmem:s9+$0xFFFFF010];
	v53 =	vmul.f32 v40, v2;
	v18 =	vmul.f32 v3, v18  }
0x1a6: {  	v63 =	vpop (erf);
	(erf) = vpow2.f32 v60;
	v58 =	vmul.f32 $1.442695020e+00, v58  }
0x1a7: {  	v0 =	vpop (erf);
	v46 =	vmul.f32 v63, v46;
	(erf) = vpow2.f32 v61  }
0x1a8: {  	v53 =	vmul.f32 $1.442695020e+00, v53;
	v48 =	vmul.f32 v0, v48  }
0x1a9: {  	v25 =	vadd.f32 v29, v25;
	v3 =	vpop (erf);
	v0 =	vmul.f32 v38, v2;
	(erf) = vpow2.f32 v58  }
0x1aa: {  	v24 =	vadd.f32 v28, v24;
	v49 =	vmul.f32 v3, v49;
	v3 =	vmul.f32 v39, v2  }
0x1ab: {  	v17 =	vadd.f32 v52, v17;
	v2 =	vmul.f32 v45, v6;
	(erf) = vpow2.f32 v53  }
0x1ac: {  	v26 =	vadd.f32 v30, v26;
	v63 =	vld [tilespmem:$0x1FF70];
	v53 =	vmul.f32 v43, v6;
	v60 =	vmul.f32 $1.442695020e+00, v0  }
0x1ad: {  	v31 =	vadd.f32 v31, v22;
	v29 =	vpop (erf);
	v0 =	vld [tilespmem:$0x1FF60];
	(erf) = vpow2.f32 v59;
	[tilespmem:s12+$0xFFFFFF50] =	vst v17;
	v17 =	vmul.f32 v39, v6  }
0x1ae: {  	v16 =	vadd.f32 v51, v16;
	v28 =	vpop (erf);
	v61 =	vmul.f32 $1.442695020e+00, v3;
	v3 =	vmul.f32 v44, v6  }
0x1af: {  	v28 =	vsub.f32 $1.000000000e+00, v28;
	v22 =	vmul.f32 $1.442695020e+00, v2;
	v2 =	vmul.f32 v41, v6  }
0x1b0: {  	v32 =	vadd.f32 v32, v23;
	v30 =	vpop (erf);
	v53 =	vmul.f32 $1.442695020e+00, v53;
	v41 =	vmul.f32 v41, v1  }
0x1b1: {  	v23 =	vpop (erf);
	[tilespmem:s12+$0xFFFFFF40] =	vst v16;
	v16 =	vadd.f32 v50, v18;
	v28 =	vmul.f32 v28, v5;
	(erf) = vpow2.f32 v60  }
0x1b2: {  	v51 =	vpop (erf);
	v17 =	vmul.f32 $1.442695020e+00, v17;
	(erf) = vpow2.f32 v61  }
0x1b3: {  	v27 =	vadd.f32 v27, v19;
	v52 =	vpop (erf);
	[tilespmem:s12+$0xFFFFFF60] =	vst v16;
	v59 =	vmul.f32 $1.442695020e+00, v3;
	v3 =	vmul.f32 v38, v6  }
0x1b4: {  	v50 =	vpop (erf);
	v61 =	vld [tilespmem:$0x1FF80];
	(erf) = vpow2.f32 v22;
	v63 =	vadd.f32 v63, v0;
	v0 =	vmul.f32 v40, v6  }
0x1b5: {  	v58 =	vmul.f32 $1.442695020e+00, v2;
	v22 =	vld [tilespmem:s9+$0xFFFFF020];
	v50 =	vsub.f32 $1.000000000e+00, v50;
	(erf) = vpow2.f32 v53  }
0x1b6: {  	v33 =	vsub.f32 $1.000000000e+00, v33;
	v40 =	vmul.f32 v40, v1;
	v18 =	vmul.f32 $1.442695020e+00, v0  }
0x1b7: {  	v34 =	vsub.f32 $1.000000000e+00, v34;
	v60 =	vld [tilespmem:s9+$0xFFFFFFC0];
	(erf) = vpow2.f32 v59;
	v50 =	vmul.f32 v50, v5  }
0x1b8: {  	v46 =	vadd.f32 v54, v46;
	(erf) = vpow2.f32 v18;
	v18 =	vmul.f32 $1.442695020e+00, v3  }
0x1b9: {  	v16 =	vld [tilespmem:s9+$0xFFFFFFD0];
	v53 =	vadd.f32 v62, v61;
	v61 =	vmul.f32 v43, v1;
	v43 =	vsub.f32 $1.000000000e+00, v51  }
0x1ba: {  	v59 =	vpop (erf);
	v62 =	vld [tilespmem:s9+$0xFFFFFFE0];
	v29 =	vmul.f32 v29, v22;
	v22 =	vadd.f32 v55, v48;
	(erf) = vpow2.f32 v58  }
0x1bb: {  	[tilespmem:s12+$0xFFFFFF70] =	vst v46;
	v19 =	vpop (erf);
	v3 =	vsub.f32 $1.000000000e+00, v37;
	v37 =	vsub.f32 $1.000000000e+00, v23;
	(erf) = vpow2.f32 v18  }
0x1bc: {  	v0 =	vld [tilespmem:s9+$0xFFFFFFF0];
	v54 =	vmul.f32 v19, v60;
	v18 =	vpop (erf);
	(erf) = vpow2.f32 v17;
	v17 =	vsub.f32 $1.000000000e+00, v20  }
0x1bd: {  	[tilespmem:s28+$0xB0] =	vst v63;
	v43 =	vmul.f32 v43, v5;
	v63 =	vmul.f32 v37, v5;
	v20 =	vsub.f32 $1.000000000e+00, v21  }
0x1be: {  	v49 =	vadd.f32 v56, v49;
	v55 =	vmul.f32 v18, v16;
	v16 =	vpop (erf);
	v6 =	vmul.f32 v17, v4  }
0x1bf: {  	[tilespmem:s12+$0xFFFFFF80] =	vst v22;
	v21 =	vsub.f32 $1.000000000e+00, v35;
	v46 =	vmul.f32 v16, v62;
	v18 =	vmul.f32 v20, v4  }
0x1c0: {  	v56 =	vld [tilespmem:s9+$0x0];
	v22 =	vpop (erf);
	v17 =	vsub.f32 $1.000000000e+00, v57;
	v20 =	vmul.f32 v3, v4;
	v62 =	vmul.f32 v44, v1  }
0x1c1: {  	v2 =	vsub.f32 $1.000000000e+00, v36;
	[tilespmem:s12+$0xFFFFFF90] =	vst v49;
	v3 =	vmul.f32 $1.442695020e+00, v61;
	v48 =	vmul.f32 v22, v0  }
0x1c2: {  	[tilespmem:s28+$0xFFFFFFC0] =	vst v25;
	v16 =	vsub.f32 $1.000000000e+00, v47;
	v22 =	vmul.f32 v21, v4;
	v17 =	vmul.f32 v17, v8  }
0x1c3: {  	v30 =	vsub.f32 $1.000000000e+00, v30;
	[tilespmem:s28+$0xFFFFFFD0] =	vst v24;
	v57 =	vld [tilespmem:s9+$0x10];
	v21 =	vmul.f32 v2, v4;
	v0 =	vmul.f32 v38, v1  }
0x1c4: {  	[tilespmem:s28+$0xFFFFFFE0] =	vst v26;
	v58 =	vpop (erf);
	v38 =	vmul.f32 $1.442695020e+00, v40;
	v16 =	vmul.f32 v16, v4;
	v29 =	vadd.f32 v17, v29  }
0x1c5: {  	v25 =	vsub.f32 $1.000000000e+00, v52;
	[tilespmem:s28+$0x10] =	vst v27;
	v35 =	vmul.f32 v58, v56;
	v60 =	vpop (erf);
	v36 =	vmul.f32 $1.442695020e+00, v62  }
0x1c6: {  	v27 =	vld [tilespmem:s13+$0x1010];
	v47 =	vadd.f32 v63, v46;
	v24 =	vpop (erf);
	v46 =	vadd.f32 v43, v48;
	v17 =	vmul.f32 v33, v4;
	[tilespmem:s12+$0xFFFFFFA0] =	vst v29  }
0x1c7: {  	[tilespmem:s28+$0xFFFFFFF0] =	vst v31;
	v49 =	vadd.f32 v16, v42;
	v16 =	vmul.f32 v34, v4;
	v26 =	vpop (erf);
	v29 =	vmul.f32 v45, v1;
	v33 =	vld [tilespmem:s9+$0x20]  }
0x1c8: {  	[tilespmem:s28+$0x0] =	vst v32;
	v23 =	vld [tilespmem:s13+$0xFC0];
	v34 =	vmul.f32 $1.442695020e+00, v0;
	v42 =	vmul.f32 v60, v57;
	v60 =	vsub.f32 $1.000000000e+00, v59;
	v61 =	vpop (erf)  }
0x1c9: {  	[tilespmem:s28+$0x20] =	vst v53;
	v31 =	vsub.f32 $1.000000000e+00, v26;
	v26 =	vld [tilespmem:s13+$0x1000];
	v1 =	vmul.f32 v39, v1;
	v62 =	vpop (erf);
	v2 =	vmul.f32 $1.442695020e+00, v29  }
0x1ca: {  	v32 =	vsub.f32 $1.000000000e+00, v61;
	[tilespmem:s12+$0xB0] =	vst v49;
	v49 =	vmul.f32 v25, v5;
	v25 =	vld [tilespmem:s13+$0x1020];
	v44 =	vpop (erf);
	v29 =	vmul.f32 v30, v5  }
0x1cb: {  	v48 =	vmul.f32 v60, v5;
	v30 =	vadd.f32 v28, v54;
	v28 =	vld [tilespmem:s13+$0xFE0];
	v40 =	vpop (erf);
	(erf) = vpow2.f32 v2  }
0x1cc: {  	v45 =	vadd.f32 v29, v55;
	v29 =	vld [tilespmem:s13+$0xFF0];
	v39 =	vmul.f32 v24, v33;
	v33 =	vmul.f32 $1.442695020e+00, v41;
	v41 =	vpop (erf)  }
0x1cd: {  	s14 =	simm.s32 $0x8;
	v37 =	vmul.f32 $1.442695020e+00, v1;
	[tilespmem:s12+$0xFFFFFFC0] =	vst v30;
	v30 =	vsub.f32 $1.000000000e+00, v62;
	(erf) = vpow2.f32 v3;
	v24 =	vld [tilespmem:s13+$0xFD0];
	s13 =	simm.s32 $0x11140;
	v43 =	vpop (erf)  }
.LBB2_8:
0x1ce: {  	v51 =	vld [tilespmem:s13+$0x30];
	s30 =	sadd.s32 $0x80, s30  }
0x1cf: {  	s31 =	sadd.s32 $0x80, s31;
	v42 =	vadd.f32 v50, v42;
	v50 =	vld [tilespmem:s30+$0x30]  }
0x1d0: {  	v13 =	vmul.f32 v13, v28;
	[tilespmem:s12+$0xFFFFFFE0] =	vst v47;
	v53 =	vld [tilespmem:s31+$0x30]  }
0x1d1: {  	v15 =	vmul.f32 v15, v29;
	[tilespmem:s12+$0xFFFFFFF0] =	vst v46;
	v28 =	vld [tilespmem:s13+$0xFFFFFFE0]  }
0x1d2: {  	(erf) = vpow2.f32 v36;
	v1 =	vadd.f32 v22, v13;
	v22 =	vmul.f32 v11, v26;
	v26 =	vld [tilespmem:s13+$0xFFFFFFF0]  }
0x1d3: {  	v44 =	vsub.f32 $1.000000000e+00, v44;
	[tilespmem:s12+$0xFFFFFFD0] =	vst v45;
	(erf) = vpow2.f32 v38;
	v57 =	vld [tilespmem:s30+$0xFFFFFFE0];
	v9 =	vmul.f32 v9, v23  }
0x1d4: {  	v35 =	vadd.f32 v49, v35;
	v23 =	vld [tilespmem:s13+$0xFFFFFFD0];
	v29 =	vmul.f32 v51, v51;
	v55 =	vmul.f32 v50, v50  }
0x1d5: {  	v21 =	vadd.f32 v21, v15;
	(erf) = vpow2.f32 v33;
	v10 =	vmul.f32 v10, v24;
	v24 =	vld [tilespmem:s30+$0xFFFFFFD0]  }
0x1d6: {  	v52 =	vld [tilespmem:s30+$0xFFFFFFC0];
	[tilespmem:s12+$0x10] =	vst v42;
	(erf) = vpow2.f32 v34;
	v11 =	vadd.f32 v55, v29;
	v29 =	vmul.f32 v53, v53  }
0x1d7: {  	v20 =	vadd.f32 v20, v22;
	v18 =	vadd.f32 v18, v10;
	v22 =	vmul.f32 v26, v26;
	v26 =	vld [tilespmem:s30+$0x10]  }
0x1d8: {  	[tilespmem:s12+$0x0] =	vst v35;
	v27 =	vmul.f32 v14, v27;
	v25 =	vmul.f32 v12, v25;
	v33 =	vadd.f32 v29, v11;
	v11 =	vld [tilespmem:$0x1FFD0]  }
0x1d9: {  	v39 =	vadd.f32 v48, v39;
	v28 =	vmul.f32 v28, v28;
	[tilespmem:s28+$0x50] =	vst v18;
	v14 =	vmul.f32 v23, v23;
	v23 =	vld [tilespmem:s30+$0xFFFFFFF0]  }
0x1da: {  	v40 =	vsub.f32 $1.000000000e+00, v40;
	v12 =	vmul.f32 v24, v24;
	v24 =	vld [tilespmem:s13+$0x0];
	[tilespmem:s28+$0x70] =	vst v21;
	v21 =	vmul.f32 v57, v57  }
0x1db: {  	[tilespmem:s12+$0x20] =	vst v39;
	(erf) = vpow2.f32 v37;
	v19 =	vadd.f32 v6, v9;
	v16 =	vadd.f32 v16, v25;
	v25 =	vld [tilespmem:s31+$0xFFFFFFD0]  }
0x1dc: {  	[tilespmem:s28+$0x60] =	vst v1;
	v56 =	vmul.f32 v52, v52;
	v17 =	vadd.f32 v17, v27;
	v29 =	vld [tilespmem:s30+$0x0];
	v28 =	vadd.f32 v21, v28  }
0x1dd: {  	v59 =	vld [tilespmem:s13+$0x10];
	[tilespmem:s28+$0x40] =	vst v19;
	v6 =	vmul.f32 v31, v11;
	v31 =	vadd.f32 v12, v14;
	v12 =	vmax.f32 v33, $1.000000000e-30  }
0x1de: {  	[tilespmem:s28+$0x90] =	vst v17;
	v17 =	vmul.f32 v26, v26;
	v26 =	vld [tilespmem:s31+$0xFFFFFFE0];
	v61 =	vshra.s32 v12, $0x1;
	v62 =	vmul.f32 $5.000000000e-01, v12  }
0x1df: {  	v27 =	vld [tilespmem:s13+$0xFFFFFFC0];
	[tilespmem:s28+$0x80] =	vst v20;
	v20 =	vmul.f32 v23, v23;
	v21 =	vmul.f32 v24, v24;
	v34 =	vsub.s32 $0x5F3759DF, v61  }
0x1e0: {  	v41 =	vsub.f32 $1.000000000e+00, v41;
	v24 =	vld [tilespmem:s30+$0x20];
	v25 =	vmul.f32 v25, v25;
	v3 =	vmul.f32 v34, v62  }
0x1e1: {  	v23 =	vld [tilespmem:s13+$0x20];
	v18 =	vmul.f32 v32, v11;
	v45 =	vadd.f32 v20, v22;
	v20 =	vmul.f32 v29, v29  }
0x1e2: {  	v54 =	vsub.f32 $1.000000000e+00, v43;
	v22 =	vmul.f32 v30, v11;
	v29 =	vld [tilespmem:s31+$0xFFFFFFC0];
	v46 =	vmul.f32 v34, v3  }
0x1e3: {  	v30 =	vmul.f32 v59, v59;
	v26 =	vmul.f32 v26, v26;
	v47 =	vadd.f32 v20, v21  }
0x1e4: {  	v48 =	vld [tilespmem:s31+$0xFFFFFFF0];
	v21 =	vmul.f32 v44, v11;
	v20 =	vmul.f32 v40, v11;
	v32 =	vsub.f32 $1.500000000e+00, v46  }
0x1e5: {  	[tilespmem:s28+$0xA0] =	vst v16;
	v39 =	vadd.f32 v25, v31;
	v16 =	vmul.f32 v24, v24;
	v24 =	vmul.f32 v27, v27;
	v27 =	vld [tilespmem:s31+$0x0]  }
0x1e6: {  	v49 =	vld [tilespmem:s31+$0x10];
	v30 =	vadd.f32 v17, v30;
	v23 =	vmul.f32 v23, v23;
	v32 =	vmul.f32 v34, v32  }
0x1e7: {  	v17 =	vmul.f32 v41, v11;
	v29 =	vmul.f32 v29, v29;
	v24 =	vadd.f32 v56, v24  }
0x1e8: {  	v51 =	vld [tilespmem:s31+$0x20];
	v40 =	vadd.f32 v26, v28;
	v50 =	vadd.f32 v16, v23;
	v52 =	vmul.f32 v32, v62  }
0x1e9: {  	v16 =	vmul.f32 v54, v11;
	v37 =	vadd.f32 v29, v24;
	v29 =	vmul.f32 v48, v48  }
0x1ea: {  	v54 =	vmax.f32 v39, $1.000000000e-30;
	v25 =	vmul.f32 v27, v27;
	v36 =	vmul.f32 v52, v32  }
0x1eb: {  	v59 =	vshra.s32 v54, $0x1;
	v27 =	vmul.f32 v49, v49;
	v41 =	vadd.f32 v29, v45  }
0x1ec: {  	v0 =	vpop (erf);
	v53 =	vmax.f32 v37, $1.000000000e-30;
	v44 =	vadd.f32 v25, v47;
	v31 =	vsub.f32 $1.500000000e+00, v36  }
0x1ed: {  	v4 =	vld [tilespmem:$0x1FF90];
	v58 =	vpop (erf);
	v25 =	vmul.f32 v51, v51;
	v45 =	vadd.f32 v27, v30;
	v43 =	vmul.f32 $5.000000000e-01, v53  }
0x1ee: {  	v10 =	vld [tilespmem:$0x1FFA0];
	v13 =	vpop (erf);
	v47 =	vmul.f32 $5.000000000e-01, v54;
	v55 =	vmax.f32 v41, $1.000000000e-30;
	v30 =	vmul.f32 v31, v32  }
0x1ef: {  	v19 =	vpop (erf);
	v46 =	vadd.f32 v25, v50;
	v56 =	vmax.f32 v44, $1.000000000e-30;
	v57 =	vmax.f32 v45, $1.000000000e-30  }
0x1f0: {  	[tilespmem:$0x1FF40] =	vst v0;
	v15 =	vpop (erf);
	v52 =	vmul.f32 $5.000000000e-01, v55;
	v62 =	vshra.s32 v56, $0x1;
	v42 =	vmul.f32 v30, v33  }
0x1f1: {  	[tilespmem:$0x1FF20] =	vst v58;
	v60 =	vpop (erf);
	v0 =	vshra.s32 v57, $0x1;
	v38 =	vmul.f32 $5.000000000e-01, v57;
	v58 =	vmax.f32 v46, $1.000000000e-30  }
0x1f2: {  	[tilespmem:$0x1FF30] =	vst v60;
	v63 =	vpop (erf);
	v57 =	vsub.s32 $0x5F3759DF, v0;
	v31 =	vmax.f32 v40, $1.000000000e-30;
	v60 =	vmul.f32 v42, v4  }
0x1f3: {  	[tilespmem:$0x1FF50] =	vst v63;
	v1 =	vshra.s32 v58, $0x1;
	v61 =	vshra.s32 v31, $0x1;
	v63 =	vmul.f32 v42, v10  }
0x1f4: {  	v5 =	vld [tilespmem:$0x1FFB0];
	v49 =	vmul.f32 $5.000000000e-01, v31;
	v31 =	vshra.s32 v55, $0x1;
	v35 =	vmul.f32 $1.442695020e+00, v60  }
0x1f5: {  	v28 =	vld [tilespmem:s9+$0xFE0];
	v55 =	vmul.f32 $5.000000000e-01, v58;
	v30 =	vshra.s32 v53, $0x1;
	v51 =	vmul.f32 $1.442695020e+00, v63  }
0x1f6: {  	v26 =	vld [tilespmem:s9+$0x1000];
	v53 =	vmul.f32 $5.000000000e-01, v56;
	v56 =	vsub.s32 $0x5F3759DF, v59;
	(erf) = vpow2.f32 v35  }
0x1f7: {  	v23 =	vld [tilespmem:s9+$0xFC0];
	v48 =	vsub.s32 $0x5F3759DF, v61;
	v59 =	vmul.f32 v57, v38;
	(erf) = vpow2.f32 v51  }
0x1f8: {  	v24 =	vld [tilespmem:s9+$0xFD0];
	v58 =	vsub.s32 $0x5F3759DF, v1;
	v32 =	vmul.f32 v56, v47;
	v33 =	vmul.f32 v48, v49  }
0x1f9: {  	v29 =	vld [tilespmem:s9+$0xFF0];
	v50 =	vsub.s32 $0x5F3759DF, v62;
	v62 =	vmul.f32 v58, v55;
	v2 =	vmul.f32 v42, v7  }
0x1fa: {  	v27 =	vld [tilespmem:s9+$0x1010];
	v61 =	vmul.f32 v42, v5;
	v1 =	vmul.f32 v56, v32  }
0x1fb: {  	v25 =	vld [tilespmem:s9+$0x1020];
	s9 =	sadd.s32 $0x80, s9;
	v54 =	vsub.s32 $0x5F3759DF, v30;
	v34 =	vmul.f32 $1.442695020e+00, v2;
	v2 =	vmul.f32 v48, v33  }
0x1fc: {  	v36 =	vmul.f32 v50, v53;
	v59 =	vmul.f32 v57, v59;
	v60 =	vld [tilespmem:s9+$0xFFFFF030];
	v1 =	vsub.f32 $1.500000000e+00, v1  }
0x1fd: {  	v62 =	vmul.f32 v58, v62;
	v61 =	vmul.f32 $1.442695020e+00, v61;
	v2 =	vsub.f32 $1.500000000e+00, v2  }
0x1fe: {  	v51 =	vsub.s32 $0x5F3759DF, v31;
	v31 =	vmul.f32 v54, v43;
	v1 =	vmul.f32 v56, v1  }
0x1ff: {  	v35 =	vmul.f32 v51, v52;
	v2 =	vmul.f32 v48, v2;
	v0 =	vpop (erf)  }
0x200: {  	v14 =	vld [tilespmem:$0x1FFF0];
	v63 =	vmul.f32 v54, v31;
	(erf) = vpow2.f32 v34;
	v0 =	vsub.f32 $1.000000000e+00, v0;
	v3 =	vpop (erf)  }
0x201: {  	(erf) = vpow2.f32 v61;
	v3 =	vmul.f32 v3, v60  }
0x202: {  	v9 =	vld [tilespmem:$0x1FFC0];
	v63 =	vsub.f32 $1.500000000e+00, v63;
	v60 =	vmul.f32 v51, v35;
	v0 =	vmul.f32 v0, v8  }
0x203: {  	v49 =	vmul.f32 v2, v49;
	v61 =	vmul.f32 v50, v36  }
0x204: {  	v0 =	vadd.f32 v0, v3;
	v3 =	vmul.f32 v54, v63;
	v54 =	vsub.f32 $1.500000000e+00, v60  }
0x205: {  	v60 =	vsub.f32 $1.500000000e+00, v61;
	v61 =	vsub.f32 $1.500000000e+00, v62;
	v62 =	vmul.f32 v42, v14  }
0x206: {  	s28 =	smov.u32 s12;
	s12 =	sadd.s32 $0x200, s12;
	v47 =	vmul.f32 v1, v47;
	v49 =	vmul.f32 v49, v2  }
0x207: {  	v42 =	vmul.f32 v42, v9;
	[tilespmem:s12+$0xFFFFFFB0] =	vst v0;
	v0 =	vmul.f32 $1.442695020e+00, v62  }
0x208: {  	v12 =	vld [tilespmem:$0x1FFE0];
	v48 =	vmul.f32 v51, v54;
	v43 =	vmul.f32 v3, v43  }
0x209: {  	v59 =	vsub.f32 $1.500000000e+00, v59;
	v42 =	vmul.f32 $1.442695020e+00, v42;
	v50 =	vmul.f32 v50, v60;
	v63 =	vld [tilespmem:s9+$0x30];
	v54 =	vpop (erf)  }
0x20a: {  	v60 =	vmul.f32 v43, v3;
	v62 =	vpop (erf);
	(erf) = vpow2.f32 v0  }
0x20b: {  	v51 =	vsub.f32 $1.000000000e+00, v54;
	v0 =	vmul.f32 v57, v59;
	v54 =	vmul.f32 v58, v61  }
0x20c: {  	v58 =	vmul.f32 v50, v53;
	v61 =	vmul.f32 v47, v1  }
0x20d: {  	(erf) = vpow2.f32 v42;
	v38 =	vmul.f32 v0, v38  }
0x20e: {  	v51 =	vmul.f32 v51, v12;
	v43 =	vsub.f32 $1.500000000e+00, v61;
	v63 =	vmul.f32 v62, v63  }
0x20f: {  	v59 =	vmul.f32 v54, v55;
	v38 =	vmul.f32 v38, v0  }
0x210: {  	v57 =	vmul.f32 v48, v52;
	v1 =	vmul.f32 v43, v1;
	v42 =	vadd.f32 v51, v63  }
0x211: {  	v52 =	vmul.f32 v58, v50;
	v53 =	vmul.f32 v59, v54;
	v38 =	vsub.f32 $1.500000000e+00, v38  }
0x212: {  	v51 =	vmul.f32 v57, v48;
	v43 =	vmul.f32 v1, v39;
	[tilespmem:s12+$0x30] =	vst v42;
	v42 =	vsub.f32 $1.500000000e+00, v60  }
0x213: {  	v53 =	vsub.f32 $1.500000000e+00, v53;
	v60 =	vsub.f32 $1.500000000e+00, v49;
	v47 =	vld [tilespmem:s9+$0x1030];
	v0 =	vmul.f32 v38, v0  }
0x214: {  	v1 =	vmul.f32 v43, v4;
	v62 =	vpop (erf);
	v3 =	vmul.f32 v42, v3  }
0x215: {  	v57 =	vmul.f32 v53, v54;
	v2 =	vmul.f32 v60, v2;
	v55 =	vsub.f32 $1.000000000e+00, v62  }
0x216: {  	v62 =	vsub.f32 $1.500000000e+00, v52;
	v1 =	vmul.f32 $1.442695020e+00, v1;
	v38 =	vmul.f32 v3, v37  }
0x217: {  	v61 =	vsub.f32 $1.500000000e+00, v51;
	v63 =	vpop (erf);
	v40 =	vmul.f32 v2, v40;
	v37 =	vmul.f32 v57, v46  }
0x218: {  	v56 =	vmul.f32 v62, v50;
	v47 =	vmul.f32 v63, v47  }
0x219: {  	v63 =	vmul.f32 v55, v11;
	v55 =	vmul.f32 v61, v48  }
0x21a: {  	v58 =	vmul.f32 v38, v4;
	v2 =	vmul.f32 v40, v4  }
0x21b: {  	v46 =	vmul.f32 v37, v4;
	v60 =	vmul.f32 v38, v10  }
0x21c: {  	v61 =	vmul.f32 v43, v10;
	v62 =	vmul.f32 v40, v10  }
0x21d: {  	v39 =	vmul.f32 v56, v44;
	v42 =	vmul.f32 v55, v41  }
0x21e: {  	v41 =	vmul.f32 v0, v45;
	v0 =	vmul.f32 $1.442695020e+00, v58  }
0x21f: {  	v2 =	vmul.f32 $1.442695020e+00, v2;
	v46 =	vmul.f32 $1.442695020e+00, v46  }
0x220: {  	v58 =	vmul.f32 v37, v10;
	v44 =	vmul.f32 v39, v4  }
0x221: {  	v56 =	vmul.f32 v39, v10;
	v59 =	vmul.f32 v42, v4  }
0x222: {  	v47 =	vadd.f32 v63, v47;
	v45 =	vmul.f32 v41, v4;
	v63 =	vmul.f32 v42, v10  }
0x223: {  	v57 =	vmul.f32 v41, v10;
	(erf) = vpow2.f32 v0  }
0x224: {  	[tilespmem:s12+$0xB0] =	vst v47;
	v55 =	vmul.f32 $1.442695020e+00, v58;
	v47 =	vmul.f32 v40, v7  }
0x225: {  	v48 =	vmul.f32 v42, v7;
	v44 =	vmul.f32 $1.442695020e+00, v44  }
0x226: {  	(erf) = vpow2.f32 v1;
	v1 =	vmul.f32 v43, v7  }
0x227: {  	v3 =	vmul.f32 $1.442695020e+00, v59;
	v45 =	vmul.f32 $1.442695020e+00, v45  }
0x228: {  	v59 =	vmul.f32 $1.442695020e+00, v60;
	v60 =	vmul.f32 $1.442695020e+00, v61  }
0x229: {  	(erf) = vpow2.f32 v2;
	v61 =	vmul.f32 $1.442695020e+00, v62  }
0x22a: {  	v62 =	vmul.f32 $1.442695020e+00, v63;
	v63 =	vmul.f32 $1.442695020e+00, v56  }
0x22b: {  	v54 =	vmul.f32 $1.442695020e+00, v57;
	(erf) = vpow2.f32 v3  }
0x22c: {  	v57 =	vmul.f32 v41, v7;
	(erf) = vpow2.f32 v44  }
0x22d: {  	v47 =	vmul.f32 $1.442695020e+00, v47;
	(erf) = vpow2.f32 v45  }
0x22e: {  	v48 =	vmul.f32 $1.442695020e+00, v48;
	(erf) = vpow2.f32 v46  }
0x22f: {  	v1 =	vmul.f32 $1.442695020e+00, v1;
	(erf) = vpow2.f32 v59  }
0x230: {  	v50 =	vmul.f32 $1.442695020e+00, v57;
	(erf) = vpow2.f32 v60  }
0x231: {  	v59 =	vmul.f32 v38, v7;
	v60 =	vpop (erf);
	(erf) = vpow2.f32 v61  }
0x232: {  	v57 =	vmul.f32 v43, v5;
	v61 =	vpop (erf);
	(erf) = vpow2.f32 v62  }
0x233: {  	v0 =	vmul.f32 $1.442695020e+00, v59;
	v62 =	vpop (erf);
	(erf) = vpow2.f32 v63  }
0x234: {  	v59 =	vmul.f32 v37, v7;
	v56 =	vpop (erf);
	(erf) = vpow2.f32 v54  }
0x235: {  	v57 =	vmul.f32 $1.442695020e+00, v57;
	v2 =	vsub.f32 $1.000000000e+00, v60;
	v58 =	vpop (erf);
	(erf) = vpow2.f32 v55  }
0x236: {  	v3 =	vsub.f32 $1.000000000e+00, v61;
	v63 =	vmul.f32 v39, v7;
	v51 =	vmul.f32 $1.442695020e+00, v59;
	v60 =	vpop (erf)  }
0x237: {  	v44 =	vsub.f32 $1.000000000e+00, v62;
	v59 =	vmul.f32 v40, v5;
	v62 =	vmul.f32 v39, v5;
	v61 =	vpop (erf)  }
0x238: {  	v2 =	vmul.f32 v2, v8;
	v3 =	vmul.f32 v3, v8;
	v54 =	vpop (erf)  }
0x239: {  	v45 =	vsub.f32 $1.000000000e+00, v56;
	v49 =	vmul.f32 $1.442695020e+00, v63;
	v56 =	vmul.f32 v38, v5;
	v55 =	vpop (erf)  }
0x23a: {  	v63 =	vmul.f32 v41, v5;
	v46 =	vsub.f32 $1.000000000e+00, v58;
	v52 =	vsub.f32 $1.000000000e+00, v60;
	v58 =	vpop (erf)  }
0x23b: {  	v60 =	vmul.f32 v42, v5;
	v5 =	vmul.f32 v37, v5;
	v53 =	vsub.f32 $1.000000000e+00, v61;
	v61 =	vpop (erf)  }
0x23c: {  	v30 =	vld [tilespmem:s9+$0xFFFFEFC0];
	v56 =	vmul.f32 $1.442695020e+00, v56;
	v4 =	vpop (erf);
	(erf) = vpow2.f32 v0  }
0x23d: {  	v32 =	vld [tilespmem:s9+$0xFFFFEFE0];
	v45 =	vmul.f32 v45, v8;
	v0 =	vpop (erf);
	(erf) = vpow2.f32 v1  }
0x23e: {  	v33 =	vld [tilespmem:s9+$0xFFFFEFF0];
	v46 =	vmul.f32 v46, v8;
	v1 =	vpop (erf);
	(erf) = vpow2.f32 v47  }
0x23f: {  	v34 =	vld [tilespmem:s9+$0xFFFFF000];
	v5 =	vmul.f32 $1.442695020e+00, v5;
	(erf) = vpow2.f32 v48  }
0x240: {  	v52 =	vmul.f32 v52, v8;
	(erf) = vpow2.f32 v49  }
0x241: {  	v36 =	vld [tilespmem:s9+$0xFFFFF020];
	v11 =	vmovc v15;
	v15 =	vmov v19;
	v19 =	vmul.f32 v54, v30;
	(erf) = vpow2.f32 v50  }
0x242: {  	v31 =	vld [tilespmem:s9+$0xFFFFEFD0];
	v53 =	vmul.f32 v53, v8;
	(erf) = vpow2.f32 v51  }
0x243: {  	v35 =	vld [tilespmem:s9+$0xFFFFF010];
	v32 =	vmul.f32 v58, v32;
	v33 =	vmul.f32 v61, v33  }
0x244: {  	v4 =	vmul.f32 v4, v34;
	v47 =	vmul.f32 $1.442695020e+00, v59  }
0x245: {  	v48 =	vmul.f32 $1.442695020e+00, v60;
	v49 =	vmul.f32 $1.442695020e+00, v62;
	v62 =	vpop (erf)  }
0x246: {  	v1 =	vmul.f32 v1, v36;
	v36 =	vadd.f32 v46, v4;
	v4 =	vmul.f32 v38, v14;
	v59 =	vpop (erf)  }
0x247: {  	v60 =	vmul.f32 v55, v31;
	v50 =	vmul.f32 $1.442695020e+00, v63;
	v63 =	vpop (erf)  }
0x248: {  	v0 =	vmul.f32 v0, v35;
	v4 =	vmul.f32 $1.442695020e+00, v4;
	v58 =	vpop (erf)  }
0x249: {  	v3 =	vadd.f32 v3, v60;
	v60 =	vmul.f32 v43, v9;
	v30 =	vpop (erf);
	(erf) = vpow2.f32 v56  }
0x24a: {  	v2 =	vadd.f32 v2, v19;
	v51 =	vmul.f32 v44, v8;
	v31 =	vpop (erf);
	(erf) = vpow2.f32 v57  }
0x24b: {  	[tilespmem:s12+$0xFFFFFF80] =	vst v36;
	v36 =	vmul.f32 v40, v9;
	v55 =	vsub.f32 $1.000000000e+00, v63;
	v63 =	vpop (erf);
	(erf) = vpow2.f32 v47  }
0x24c: {  	v60 =	vmul.f32 $1.442695020e+00, v60;
	v61 =	vadd.f32 v51, v32;
	(erf) = vpow2.f32 v48  }
0x24d: {  	v0 =	vadd.f32 v52, v0;
	v36 =	vmul.f32 $1.442695020e+00, v36;
	(erf) = vpow2.f32 v49  }
0x24e: {  	v44 =	vsub.f32 $1.000000000e+00, v62;
	[tilespmem:s12+$0xFFFFFF60] =	vst v61;
	v61 =	vmul.f32 v42, v9;
	(erf) = vpow2.f32 v50  }
0x24f: {  	v54 =	vsub.f32 $1.000000000e+00, v59;
	v59 =	vmul.f32 v38, v9;
	(erf) = vpow2.f32 v5  }
0x250: {  	v1 =	vadd.f32 v53, v1;
	v38 =	vmul.f32 $1.442695020e+00, v61;
	v57 =	vmul.f32 v40, v14  }
0x251: {  	v62 =	vadd.f32 v45, v33;
	v19 =	vmul.f32 v44, v12;
	v56 =	vmul.f32 v43, v14  }
0x252: {  	[tilespmem:s12+$0xFFFFFF50] =	vst v3;
	v3 =	vsub.f32 $1.000000000e+00, v30;
	v30 =	vmul.f32 v42, v14;
	v47 =	vsub.f32 $1.000000000e+00, v58;
	v52 =	vpop (erf)  }
0x253: {  	[tilespmem:s12+$0xFFFFFF90] =	vst v0;
	v0 =	vsub.f32 $1.000000000e+00, v31;
	v31 =	vmul.f32 v41, v14;
	v58 =	vmul.f32 v37, v14;
	v53 =	vpop (erf)  }
0x254: {  	[tilespmem:s12+$0xFFFFFF40] =	vst v2;
	v2 =	vmul.f32 $1.442695020e+00, v56;
	v32 =	vmul.f32 $1.442695020e+00, v57;
	v57 =	vpop (erf)  }
0x255: {  	v41 =	vmul.f32 v41, v9;
	v37 =	vmul.f32 v37, v9;
	v43 =	vpop (erf)  }
0x256: {  	[tilespmem:s12+$0xFFFFFF70] =	vst v62;
	v30 =	vmul.f32 $1.442695020e+00, v30;
	v31 =	vmul.f32 $1.442695020e+00, v31;
	v62 =	vpop (erf)  }
0x257: {  	v35 =	vld [tilespmem:s9+$0xFFFFFFC0];
	[tilespmem:s12+$0xFFFFFFA0] =	vst v1;
	v1 =	vsub.f32 $1.000000000e+00, v63;
	v5 =	vmul.f32 v39, v14;
	v63 =	vpop (erf);
	(erf) = vpow2.f32 v4  }
0x258: {  	v45 =	vld [tilespmem:s9+$0xFFFFFFD0];
	v56 =	vmul.f32 $1.442695020e+00, v58;
	v4 =	vpop (erf);
	(erf) = vpow2.f32 v2  }
0x259: {  	v46 =	vld [tilespmem:s9+$0xFFFFFFE0];
	v5 =	vmul.f32 $1.442695020e+00, v5;
	(erf) = vpow2.f32 v32  }
0x25a: {  	v48 =	vld [tilespmem:s9+$0xFFFFFFF0];
	v58 =	vmul.f32 $1.442695020e+00, v59;
	(erf) = vpow2.f32 v30  }
0x25b: {  	v34 =	vmul.f32 $1.442695020e+00, v41;
	v50 =	vld [tilespmem:s9+$0x10];
	(erf) = vpow2.f32 v5  }
0x25c: {  	v51 =	vld [tilespmem:s9+$0x20];
	v39 =	vmul.f32 v39, v9;
	(erf) = vpow2.f32 v31  }
0x25d: {  	v37 =	vmul.f32 $1.442695020e+00, v37;
	(erf) = vpow2.f32 v56  }
0x25e: {  	v49 =	vld [tilespmem:s9+$0x0];
	v33 =	vmul.f32 $1.442695020e+00, v39;
	v61 =	vmul.f32 v53, v45  }
0x25f: {  	v46 =	vmul.f32 v57, v46;
	v43 =	vmul.f32 v43, v48  }
0x260: {  	s14 =	sadd.s32 $0x8, s14;
	v48 =	vmul.f32 v1, v12;
	v42 =	vmul.f32 v63, v50;
	v30 =	vpop (erf)  }
0x261: {  	p0 =	slt.u32 s14, $0xF8;
	v39 =	vmul.f32 v4, v51;
	v5 =	vmul.f32 v52, v35;
	v4 =	vpop (erf)  }
.Ltmp4:
0x262: {  	v63 =	vmul.f32 v55, v12;
	v50 =	vmul.f32 v0, v12;
	v32 =	vsub.f32 $1.000000000e+00, v4;
	v4 =	vpop (erf);
	(pc) =	sbr.rel @p0 .LBB2_8-.Ltmp4, $4  }
0x263: {  	v10 =	vld [tilespmem:$0x1FF20];
	v35 =	vmul.f32 v62, v49;
	v62 =	vmul.f32 v54, v12;
	v5 =	vadd.f32 v19, v5;
	v44 =	vpop (erf)  }
0x264: {  	v14 =	vld [tilespmem:$0x1FF30];
	v31 =	vsub.f32 $1.000000000e+00, v30;
	v30 =	vsub.f32 $1.000000000e+00, v4;
	v4 =	vmul.f32 v47, v12;
	v40 =	vpop (erf)  }
0x265: {  	v9 =	vld [tilespmem:$0x1FF40];
	v49 =	vmul.f32 v3, v12;
	v45 =	vadd.f32 v62, v61;
	(erf) = vpow2.f32 v58;
	v41 =	vpop (erf)  }
0x266: {  	s13 =	sadd.s32 $0x80, s13;
	[tilespmem:s12+$0xFFFFFFC0] =	vst v5;
	v12 =	vld [tilespmem:$0x1FF50];
	v47 =	vadd.f32 v63, v46;
	v46 =	vadd.f32 v4, v43;
	(erf) = vpow2.f32 v60;
	v43 =	vpop (erf)  }
0x267: {  	[tilespmem:s12+$0xFFFFFFD0] =	vst v45  }
0x268: {  	v0 =	vadd.f32 v49, v35;
	(erf) = vpow2.f32 v36;
	[tilespmem:s12+$0xFFFFFFE0] =	vst v47  }
0x269: {  	v1 =	vadd.f32 v50, v42;
	(erf) = vpow2.f32 v38;
	[tilespmem:s12+$0xFFFFFFF0] =	vst v46;
	v24 =	vmul.f32 v10, v24  }
0x26a: {  	v4 =	vadd.f32 v48, v39;
	(erf) = vpow2.f32 v33;
	[tilespmem:s12+$0x0] =	vst v0;
	v3 =	vmul.f32 v9, v23  }
0x26b: {  	[tilespmem:s12+$0x10] =	vst v1;
	(erf) = vpow2.f32 v34;
	v34 =	vmul.f32 v13, v28;
	v0 =	vadd.f32 v18, v24  }
0x26c: {  	[tilespmem:s12+$0x20] =	vst v4;
	v33 =	vadd.f32 v6, v3  }
0x26d: {  	v5 =	vld [tilespmem:s9+$0xFC0];
	v35 =	vadd.f32 v22, v34;
	[tilespmem:s28+$0x50] =	vst v0  }
0x26e: {  	v39 =	vld [tilespmem:s9+$0xFF0];
	[tilespmem:s28+$0x40] =	vst v33  }
0x26f: {  	v9 =	vld [tilespmem:s9+$0xFD0];
	[tilespmem:s28+$0x60] =	vst v35  }
0x270: {  	v42 =	vld [tilespmem:$0x1FFD0]  }
0x271: {  	v2 =	vsub.f32 $1.000000000e+00, v44;
	v4 =	vmul.f32 v15, v29;
	(erf) = vpow2.f32 v37;
	v46 =	vpop (erf)  }
0x272: {  	v36 =	vmul.f32 v11, v26;
	v45 =	vsub.f32 $1.000000000e+00, v43;
	v10 =	vsub.f32 $1.000000000e+00, v40;
	v11 =	vld [tilespmem:s9+$0xFE0];
	v19 =	vpop (erf)  }
0x273: {  	v38 =	vmul.f32 v14, v27;
	v4 =	vadd.f32 v21, v4;
	v47 =	vmul.f32 v12, v25;
	v50 =	vpop (erf)  }
0x274: {  	v48 =	vld [tilespmem:s9+$0x1000];
	v3 =	vadd.f32 v20, v36;
	v5 =	vmul.f32 v46, v5;
	v9 =	vmul.f32 v19, v9;
	v53 =	vpop (erf)  }
0x275: {  	v0 =	vadd.f32 v17, v38;
	[tilespmem:s28+$0x70] =	vst v4;
	v4 =	vld [tilespmem:s9+$0x1010];
	v56 =	vmul.f32 v53, v39;
	v49 =	vmul.f32 v31, v42  }
0x276: {  	v52 =	vld [tilespmem:s9+$0x1020];
	v1 =	vadd.f32 v16, v47;
	[tilespmem:s28+$0x80] =	vst v3;
	v51 =	vmul.f32 v32, v42;
	v54 =	vmul.f32 v30, v42  }
0x277: {  	[tilespmem:s28+$0x90] =	vst v0;
	v2 =	vmul.f32 v2, v42;
	v55 =	vadd.f32 v49, v5;
	v5 =	vmul.f32 v50, v11  }
0x278: {  	v37 =	vsub.f32 $1.000000000e+00, v41;
	[tilespmem:s28+$0xA0] =	vst v1;
	v10 =	vmul.f32 v10, v42;
	v11 =	vpop (erf);
	v9 =	vadd.f32 v51, v9  }
0x279: {  	v1 =	vadd.f32 v2, v56;
	v57 =	vpop (erf);
	[tilespmem:s12+$0x40] =	vst v55;
	v58 =	vadd.f32 v54, v5;
	v5 =	vmul.f32 v11, v48  }
0x27a: {  	v59 =	vmul.f32 v37, v42;
	v11 =	vpop (erf);
	[tilespmem:s12+$0x50] =	vst v9;
	v4 =	vmul.f32 v57, v4  }
0x27b: {  	v60 =	vmul.f32 v45, v42;
	[tilespmem:s12+$0x70] =	vst v1;
	v61 =	vmul.f32 v11, v52;
	v62 =	vadd.f32 v10, v5  }
0x27c: {  	[tilespmem:s12+$0x60] =	vst v58;
	v63 =	vadd.f32 v59, v4  }
0x27d: {  	v0 =	vadd.f32 v60, v61;
	[tilespmem:s12+$0x80] =	vst v62  }
0x27e: {  	[tilespmem:s12+$0x90] =	vst v63  }
0x27f: {  	[tilespmem:s12+$0xA0] =	vst v0  }
0x280: {  	v44 =	vld [tilespmem:$0x1FFA0]  }
0x281: {  	s30 =	sadd.s32 s25, s17;
	v43 =	vld [tilespmem:$0x1FFB0]  }
0x282: {  	s9 =	sshrl.u32 s30, $0x1;
	v45 =	vld [tilespmem:$0x1FFC0]  }
0x283: {  	s9 =	sand.u32 $0x1FFFF800, s9;
	v41 =	vld [tilespmem:$0x1FF90]  }
0x284: {  	s31 =	simm.s32 $0x1A000;
	s9 =	sadd.s32 s11, s9;
	v51 =	vmov v7;
	v7 =	vld [tilespmem:$0x1FFF0]  }
0x285: {  	v6 =	vmov v8;
	[hbm4b:s9+s5] =	stream.linear.scatter [tilespmem:s31], [sflag:$0x6], $0x4000, $0x38;
	v8 =	vld [tilespmem:$0x1FFE0]  }
.LBB2_10:
0x286: {  	s9 =	sor.u32 s25, s10  }
0x287: {  	s9 =	sshrl.u32 s9, $0x3  }
0x288: {  	s9 =	sor.u32 $0x200, s9  }
0x289: {  	s13 =	simm.s32 $0xF000;
	s12 =	sadd.s32 s1, s9  }
0x28a: {  	[tilespmem:s13], [sflag:$0x2] =	stream.linear.gather [hbm4b:s12+s5], $0x1000, $0x38;
	[tilespmem:$0x1E090] =	vst v63  }
0x28b: {  	s14 =	simm.s32 $0x10000;
	s13 =	sadd.s32 s2, s9  }
0x28c: {  	[tilespmem:s14], [sflag:$0x2] =	stream.linear.gather [hbm4b:s13+s5], $0x1000, $0x38;
	[tilespmem:$0x1E090] =	vst v63  }
0x28d: {  	s31 =	simm.s32 $0x11000;
	s30 =	sadd.s32 s7, s9  }
0x28e: {  	[tilespmem:s31], [sflag:$0x2] =	stream.linear.gather [hbm4b:s30+s5], $0x1000, $0x38;
	[tilespmem:$0x1E090] =	vst v63  }
0x28f: {  	s14 =	sadd.s32 s8, s9;
	s30 =	simm.s32 $0x12000  }
0x290: {  	[tilespmem:s30], [sflag:$0x2] =	stream.linear.gather [hbm4b:s14+s5], $0x1000, $0x38;
	[tilespmem:$0x1E090] =	vst v63  }
0x291: {  	s9 =	sadd.s32 s3, s9  }
0x292: {  	[tilespmem:s15], [sflag:$0x2] =	stream.linear.gather [hbm4b:s9+s5], $0x1000, $0x38;
	[tilespmem:$0x1E090] =	vst v63  }
0x293: {  	_ =	swait.ge [sflag:s16], $0x1000  }
0x294: {  	[sflag:s16] =	ssyncset.done $0x0  }
0x295: {  	[sflag:s16] =	ssyncadd.s32 $0xFFFFF000  }
0x296: {  	_ =	swait.ge [sflag:s16], $0x1000  }
0x297: {  	[sflag:s16] =	ssyncset.done $0x0  }
0x298: {  	[sflag:s16] =	ssyncadd.s32 $0xFFFFF000  }
0x299: {  	_ =	swait.ge [sflag:s16], $0x1000  }
0x29a: {  	[sflag:s16] =	ssyncset.done $0x0  }
0x29b: {  	[sflag:s16] =	ssyncadd.s32 $0xFFFFF000  }
0x29c: {  	_ =	swait.ge [sflag:s16], $0x1000  }
0x29d: {  	[sflag:s16] =	ssyncset.done $0x0  }
0x29e: {  	[sflag:s16] =	ssyncadd.s32 $0xFFFFF000  }
0x29f: {  	_ =	swait.ge [sflag:s16], $0x1000  }
0x2a0: {  	[sflag:s16] =	ssyncset.done $0x0  }
0x2a1: {  	s31 =	simm.s32 $0xF040;
	[sflag:s16] =	ssyncadd.s32 $0xFFFFF000  }
0x2a2: {  	s9 =	simm.s32 $0x10040;
	v0 =	vld [tilespmem:s31+$0x30]  }
0x2a3: {  	v1 =	vld [tilespmem:s9+$0x30]  }
0x2a4: {  	v2 =	vld [tilespmem:s9+$0xFFFFFFC0]  }
0x2a5: {  	v3 =	vld [tilespmem:s31+$0xFFFFFFD0]  }
0x2a6: {  	v5 =	vld [tilespmem:s31+$0xFFFFFFE0]  }
0x2a7: {  	v10 =	vld [tilespmem:s9+$0xFFFFFFE0]  }
0x2a8: {  	v14 =	vld [tilespmem:s9+$0xFFFFFFF0]  }
0x2a9: {  	v17 =	vld [tilespmem:s31+$0x0]  }
0x2aa: {  	v18 =	vld [tilespmem:s9+$0x0]  }
0x2ab: {  	v19 =	vld [tilespmem:s31+$0x10]  }
0x2ac: {  	v21 =	vld [tilespmem:s9+$0x10]  }
0x2ad: {  	v23 =	vld [tilespmem:s31+$0x20];
	v9 =	vshll.u32 v1, $0xB;
	v11 =	vshll.u32 v0, $0x3  }
0x2ae: {  	v25 =	vld [tilespmem:s9+$0x20];
	v1 =	vshll.u32 v1, $0x7;
	v13 =	vshll.u32 v2, $0xB;
	v0 =	vand.u32 $0x7F, v0  }
0x2af: {  	v15 =	vshll.u32 v3, $0x3;
	v16 =	vshll.u32 v5, $0x3;
	v61 =	vshll.u32 v10, $0xB  }
0x2b0: {  	v22 =	vshll.u32 v14, $0xB;
	v24 =	vshll.u32 v17, $0x3;
	v2 =	vshll.u32 v2, $0x7  }
0x2b1: {  	v12 =	vld [tilespmem:s31+$0xFFFFFFF0];
	v27 =	vshll.u32 v18, $0xB;
	v28 =	vshll.u32 v19, $0x3;
	v10 =	vshll.u32 v10, $0x7  }
0x2b2: {  	v29 =	vshll.u32 v21, $0xB;
	v14 =	vshll.u32 v14, $0x7;
	v30 =	vshll.u32 v23, $0x3  }
0x2b3: {  	v18 =	vshll.u32 v18, $0x7;
	v31 =	vshll.u32 v25, $0xB;
	v21 =	vshll.u32 v21, $0x7  }
0x2b4: {  	v25 =	vshll.u32 v25, $0x7;
	v3 =	vand.u32 $0x7F, v3;
	v17 =	vand.u32 $0x7F, v17  }
0x2b5: {  	v9 =	vand.u32 $0xFFFFC000, v9;
	v11 =	vand.u32 $0xFFFFFC00, v11;
	v1 =	vand.u32 $0x380, v1  }
0x2b6: {  	v4 =	vld [tilespmem:s9+$0xFFFFFFD0];
	v60 =	vand.u32 $0xFFFFC000, v13;
	v13 =	vand.u32 $0xFFFFFC00, v15;
	v15 =	vshll.u32 v12, $0x3  }
0x2b7: {  	v16 =	vand.u32 $0xFFFFFC00, v16;
	v22 =	vand.u32 $0xFFFFC000, v22;
	v24 =	vand.u32 $0xFFFFFC00, v24  }
0x2b8: {  	v27 =	vand.u32 $0xFFFFC000, v27;
	v28 =	vand.u32 $0xFFFFFC00, v28;
	v29 =	vand.u32 $0xFFFFC000, v29  }
0x2b9: {  	v26 =	vld [tilespmem:s31+$0xFFFFFFC0];
	v30 =	vand.u32 $0xFFFFFC00, v30;
	v31 =	vand.u32 $0xFFFFC000, v31;
	v2 =	vand.u32 $0x380, v2  }
0x2ba: {  	v10 =	vand.u32 $0x380, v10;
	v14 =	vand.u32 $0x380, v14;
	v18 =	vand.u32 $0x380, v18  }
0x2bb: {  	v21 =	vand.u32 $0x380, v21;
	v9 =	vadd.s32 v11, v9;
	v11 =	vshll.u32 v4, $0xB  }
0x2bc: {  	v15 =	vand.u32 $0xFFFFFC00, v15;
	v4 =	vshll.u32 v4, $0x7;
	v62 =	vadd.s32 v30, v31  }
0x2bd: {  	v1 =	vor.u32 v1, v9;
	v11 =	vand.u32 $0xFFFFC000, v11;
	v4 =	vand.u32 $0x380, v4  }
0x2be: {  	v9 =	vor.u32 v0, v1;
	v11 =	vadd.s32 v13, v11;
	v13 =	vshll.u32 v26, $0x3  }
0x2bf: {  	v1 =	vand.u32 $0xFFFFC000, v61;
	v20 =	vadd.s32 $0x600000, v9;
	v13 =	vand.u32 $0xFFFFFC00, v13  }
0x2c0: {  	v1 =	vadd.s32 v16, v1;
	v63 =	vor.u32 v4, v11;
	v4 =	vand.u32 $0x380, v25  }
0x2c1: {  	v11 =	vand.u32 $0x7F, v23;
	v0 =	vadd.s32 v13, v60;
	v13 =	vadd.s32 v15, v22  }
0x2c2: {  	v15 =	vadd.s32 v24, v27;
	v22 =	vadd.s32 v28, v29;
	v1 =	vor.u32 v10, v1  }
0x2c3: {  	v10 =	vand.u32 $0x7F, v26;
	v0 =	vor.u32 v2, v0;
	v16 =	vor.u32 v14, v13  }
0x2c4: {  	s13 =	simm.s32 $0x15040;
	v15 =	vor.u32 v18, v15;
	v14 =	vor.u32 v21, v22;
	v13 =	vor.u32 v4, v62  }
0x2c5: {  	[tilespmem:s13+$0xFFFFF030] =	vst v9;
	v4 =	vand.u32 $0x7F, v5;
	v18 =	vand.u32 $0x7F, v12;
	v12 =	vand.u32 $0x7F, v19  }
0x2c6: {  	s28 =	simm.s32 $0xF0C0;
	s12 =	simm.s32 $0x15040;
	s14 =	simm.s32 $0x0;
	[tilespmem:s13+$0x1030] =	vst v20;
	v19 =	vor.u32 v3, v63;
	v20 =	vor.u32 v10, v0;
	v10 =	vor.u32 v4, v1  }
.LBB2_11:
0x2c7: {  	v0 =	vld [tilespmem:s28+$0x30];
	[tilespmem:s13+$0xFFFFEFC0] =	vst v20;
	v1 =	vor.u32 v18, v16;
	v2 =	vor.u32 v17, v15;
	v3 =	vor.u32 v12, v14;
	s9 =	sadd.s32 $0x80, s9  }
0x2c8: {  	s14 =	sadd.s32 $0x8, s14;
	v5 =	vadd.s32 $0x300000, v20;
	v12 =	vadd.s32 $0x600000, v20;
	v13 =	vor.u32 v11, v13;
	v4 =	vld [tilespmem:s9+$0x30];
	[tilespmem:s13+$0xFFFFEFD0] =	vst v19  }
0x2c9: {  	v15 =	vadd.s32 $0x600000, v19;
	v16 =	vadd.s32 $0x300000, v10;
	p0 =	slt.u32 s14, $0xF8;
	v14 =	vld [tilespmem:s9+$0xFFFFFFC0];
	[tilespmem:s13+$0xFFFFFFC0] =	vst v5;
	v5 =	vadd.s32 $0x300000, v19  }
0x2ca: {  	v17 =	vadd.s32 $0x600000, v10;
	v18 =	vadd.s32 $0x300000, v1;
	v19 =	vadd.s32 $0x600000, v1;
	v11 =	vld [tilespmem:s28+$0xFFFFFFD0];
	[tilespmem:s13+$0xFC0] =	vst v12  }
0x2cb: {  	v21 =	vadd.s32 $0x600000, v2;
	v22 =	vadd.s32 $0x300000, v3;
	v20 =	vld [tilespmem:s9+$0xFFFFFFD0];
	[tilespmem:s13+$0xFFFFFFD0] =	vst v5;
	v5 =	vadd.s32 $0x300000, v2  }
0x2cc: {  	v23 =	vadd.s32 $0x300000, v13;
	v24 =	vadd.s32 $0x600000, v13;
	v12 =	vld [tilespmem:s28+$0xFFFFFFE0];
	[tilespmem:s13+$0xFD0] =	vst v15;
	v15 =	vadd.s32 $0x600000, v3  }
0x2cd: {  	v27 =	vshll.u32 v0, $0x3;
	v25 =	vld [tilespmem:s9+$0xFFFFFFE0];
	v26 =	vshll.u32 v4, $0xB;
	[tilespmem:s13+$0xFFFFFFE0] =	vst v16;
	v16 =	vadd.s32 $0x300000, v9  }
0x2ce: {  	v4 =	vshll.u32 v4, $0x7;
	v28 =	vld [tilespmem:s28+$0xFFFFFFF0];
	v9 =	vand.u32 $0xFFFFC000, v26;
	v26 =	vand.u32 $0xFFFFFC00, v27;
	[tilespmem:s13+$0xFE0] =	vst v17  }
0x2cf: {  	v17 =	vshll.u32 v14, $0xB;
	v4 =	vand.u32 $0x380, v4;
	v27 =	vld [tilespmem:s9+$0xFFFFFFF0];
	v9 =	vadd.s32 v26, v9;
	[tilespmem:s13+$0xFFFFFFF0] =	vst v18  }
0x2d0: {  	v0 =	vand.u32 $0x7F, v0;
	v18 =	vshll.u32 v20, $0xB;
	v26 =	vld [tilespmem:s28+$0x0];
	v4 =	vor.u32 v4, v9;
	[tilespmem:s13+$0xFF0] =	vst v19  }
0x2d1: {  	v19 =	vshll.u32 v11, $0x3;
	v29 =	vshll.u32 v12, $0x3;
	v30 =	vld [tilespmem:s9+$0x0];
	v9 =	vor.u32 v0, v4;
	[tilespmem:s13+$0x0] =	vst v5  }
0x2d2: {  	v0 =	vand.u32 $0xFFFFC000, v17;
	s13 =	sadd.s32 $0x80, s13;
	v4 =	vshll.u32 v25, $0xB;
	v5 =	vld [tilespmem:s28+$0x10];
	v17 =	vadd.s32 $0x600000, v9;
	[tilespmem:s12+$0x1000] =	vst v21  }
0x2d3: {  	v18 =	vand.u32 $0xFFFFC000, v18;
	v19 =	vand.u32 $0xFFFFFC00, v19;
	v21 =	vshll.u32 v28, $0x3;
	v31 =	vld [tilespmem:s9+$0x10];
	[tilespmem:s13+$0x1030] =	vst v17  }
0x2d4: {  	v4 =	vand.u32 $0xFFFFC000, v4;
	v17 =	vand.u32 $0xFFFFFC00, v29;
	v29 =	vshll.u32 v27, $0xB;
	v32 =	vld [tilespmem:s28+$0x20];
	[tilespmem:s12+$0x10] =	vst v22  }
0x2d5: {  	v21 =	vand.u32 $0xFFFFFC00, v21;
	v22 =	vand.u32 $0xFFFFC000, v29;
	v29 =	vshll.u32 v26, $0x3;
	v33 =	vld [tilespmem:s9+$0x20];
	[tilespmem:s12+$0x1010] =	vst v15  }
0x2d6: {  	v14 =	vshll.u32 v14, $0x7;
	v34 =	vld [tilespmem:s28+$0xFFFFFFC0];
	v15 =	vshll.u32 v30, $0xB;
	v29 =	vand.u32 $0xFFFFFC00, v29;
	[tilespmem:s12+$0x20] =	vst v23  }
0x2d7: {  	v20 =	vshll.u32 v20, $0x7;
	v15 =	vand.u32 $0xFFFFC000, v15;
	v23 =	vshll.u32 v5, $0x3;
	[tilespmem:s12+$0x1020] =	vst v24  }
0x2d8: {  	v24 =	vshll.u32 v25, $0x7;
	v25 =	vshll.u32 v31, $0xB;
	v23 =	vand.u32 $0xFFFFFC00, v23;
	[tilespmem:s12+$0x30] =	vst v16  }
0x2d9: {  	v16 =	vshll.u32 v27, $0x7;
	v25 =	vand.u32 $0xFFFFC000, v25;
	v27 =	vshll.u32 v32, $0x3;
	[tilespmem:s12+$0xFFFFEFE0] =	vst v10  }
0x2da: {  	v10 =	vshll.u32 v30, $0x7;
	v30 =	vshll.u32 v33, $0xB;
	v27 =	vand.u32 $0xFFFFFC00, v27;
	[tilespmem:s12+$0xFFFFEFF0] =	vst v1  }
0x2db: {  	v31 =	vshll.u32 v31, $0x7;
	v1 =	vshll.u32 v34, $0x3;
	v30 =	vand.u32 $0xFFFFC000, v30;
	[tilespmem:s12+$0xFFFFF000] =	vst v2  }
0x2dc: {  	v2 =	vadd.s32 v19, v18;
	v18 =	vshll.u32 v33, $0x7;
	v1 =	vand.u32 $0xFFFFFC00, v1;
	[tilespmem:s12+$0xFFFFF010] =	vst v3  }
0x2dd: {  	v3 =	vadd.s32 v21, v22;
	v0 =	vadd.s32 v1, v0;
	v1 =	vadd.s32 v17, v4;
	[tilespmem:s12+$0xFFFFF020] =	vst v13;
	s12 =	smov.u32 s13  }
0x2de: {  	v4 =	vadd.s32 v29, v15;
	v13 =	vadd.s32 v23, v25;
	v17 =	vadd.s32 v27, v30;
	[tilespmem:s13+$0xFFFFF030] =	vst v9  }
0x2df: {  	v14 =	vand.u32 $0x380, v14;
	v19 =	vand.u32 $0x380, v24;
	v15 =	vand.u32 $0x380, v20  }
0x2e0: {  	v16 =	vand.u32 $0x380, v16;
	v10 =	vand.u32 $0x380, v10;
	v20 =	vand.u32 $0x380, v31  }
0x2e1: {  	v18 =	vand.u32 $0x380, v18;
	v0 =	vor.u32 v14, v0;
	v2 =	vor.u32 v15, v2  }
.Ltmp5:
0x2e2: {  	v16 =	vor.u32 v16, v3;
	v1 =	vor.u32 v19, v1;
	v15 =	vor.u32 v10, v4;
	(pc) =	sbr.rel @p0 .LBB2_11-.Ltmp5, $4  }
0x2e3: {  	v3 =	vand.u32 $0x7F, v34;
	v14 =	vor.u32 v20, v13;
	v13 =	vor.u32 v18, v17  }
0x2e4: {  	v4 =	vand.u32 $0x7F, v11;
	v10 =	vand.u32 $0x7F, v12;
	v18 =	vand.u32 $0x7F, v28  }
0x2e5: {  	v17 =	vand.u32 $0x7F, v26;
	v12 =	vand.u32 $0x7F, v5;
	v11 =	vand.u32 $0x7F, v32  }
0x2e6: {  	s28 =	sadd.s32 $0x80, s28;
	v20 =	vor.u32 v3, v0;
	v19 =	vor.u32 v4, v2;
	v10 =	vor.u32 v10, v1  }
0x2e7: {  	[tilespmem:s13+$0xFFFFEFC0] =	vst v20  }
0x2e8: {  	v0 =	vadd.s32 $0x300000, v20;
	[tilespmem:s13+$0xFFFFEFD0] =	vst v19  }
0x2e9: {  	v1 =	vadd.s32 $0x600000, v20;
	[tilespmem:s13+$0xFFFFFFC0] =	vst v0  }
0x2ea: {  	v34 =	vadd.s32 $0x300000, v19;
	[tilespmem:s13+$0xFC0] =	vst v1  }
0x2eb: {  	v35 =	vadd.s32 $0x600000, v19;
	[tilespmem:s13+$0xFFFFFFD0] =	vst v34  }
0x2ec: {  	v36 =	vadd.s32 $0x300000, v10;
	[tilespmem:s13+$0xFD0] =	vst v35  }
0x2ed: {  	v2 =	vadd.s32 $0x600000, v10;
	[tilespmem:s13+$0xFFFFFFE0] =	vst v36  }
0x2ee: {  	v49 =	vadd.s32 $0x300000, v9;
	[tilespmem:s13+$0xFE0] =	vst v2  }
0x2ef: {  	v37 =	vor.u32 v18, v16;
	v46 =	vor.u32 v12, v14;
	[tilespmem:s12+$0x30] =	vst v49  }
0x2f0: {  	v38 =	vadd.s32 $0x300000, v37;
	[tilespmem:s12+$0xFFFFF010] =	vst v46  }
0x2f1: {  	v39 =	vor.u32 v17, v15;
	v3 =	vadd.s32 $0x600000, v37;
	[tilespmem:s13+$0xFFFFFFF0] =	vst v38  }
0x2f2: {  	v40 =	vadd.s32 $0x300000, v39;
	[tilespmem:s13+$0xFF0] =	vst v3  }
0x2f3: {  	v47 =	vadd.s32 $0x300000, v46;
	[tilespmem:s13+$0x0] =	vst v40  }
0x2f4: {  	v5 =	vadd.s32 $0x600000, v46;
	[tilespmem:s12+$0x10] =	vst v47  }
0x2f5: {  	[tilespmem:s12+$0x1010] =	vst v5  }
0x2f6: {  	v4 =	vadd.s32 $0x600000, v39;
	[tilespmem:s12+$0xFFFFEFE0] =	vst v10  }
0x2f7: {  	[tilespmem:s12+$0x1000] =	vst v4  }
0x2f8: {  	[tilespmem:s12+$0xFFFFEFF0] =	vst v37  }
0x2f9: {  	v4 =	vor.u32 v11, v13;
	[tilespmem:s12+$0xFFFFF000] =	vst v39  }
0x2fa: {  	v48 =	vadd.s32 $0x300000, v4;
	[tilespmem:s12+$0xFFFFF020] =	vst v4  }
0x2fb: {  	p0 =	seq.s32 s24, $0x0;
	v5 =	vadd.s32 $0x600000, v4;
	[tilespmem:s12+$0x20] =	vst v48  }
0x2fc: {  	s9 =	simm.s32 @!p0 $0x5;
	[tilespmem:s12+$0x1020] =	vst v5  }
0x2fd: {  	[tilespmem:s21], [sflag:$0x4] =	stream.indirect.gather [hbm4b:s4+s26], $0x1, s20, s26, $0xb8;
	[tilespmem:$0x1E090] =	vst v63  }
0x2fe: {  	_ =	swait.ge @!p0 [sflag:s9], $0x4000  }
0x2ff: {  	[sflag:s9] =	ssyncset.done @!p0 $0x0  }
0x300: {  	[sflag:s9] =	ssyncadd.s32 @!p0 $0xFFFFC000  }
0x301: {  	_ =	swait.ge [sflag:s23], $0x3000  }
0x302: {  	[sflag:s23] =	ssyncset.done $0x0  }
0x303: {  	s9 =	simm.s32 $0x2040;
	[sflag:s23] =	ssyncadd.s32 $0xFFFFD000  }
0x304: {  	s13 =	simm.s32 $0x3040;
	v50 =	vld [tilespmem:s9+$0x30]  }
0x305: {  	s14 =	simm.s32 $0x4040;
	v52 =	vld [tilespmem:s13+$0x30]  }
0x306: {  	v53 =	vld [tilespmem:s14+$0x30]  }
0x307: {  	v54 =	vld [tilespmem:s13+$0xFFFFFFC0]  }
0x308: {  	v4 =	vld [tilespmem:s9+$0xFFFFFFD0]  }
0x309: {  	v5 =	vld [tilespmem:s13+$0xFFFFFFD0]  }
0x30a: {  	v56 =	vld [tilespmem:s9+$0xFFFFFFE0]  }
0x30b: {  	v9 =	vld [tilespmem:s13+$0xFFFFFFE0]  }
0x30c: {  	v57 =	vld [tilespmem:s9+$0xFFFFFFF0]  }
0x30d: {  	v10 =	vld [tilespmem:s13+$0xFFFFFFF0]  }
0x30e: {  	v12 =	vld [tilespmem:s9+$0x0]  }
0x30f: {  	v14 =	vld [tilespmem:s13+$0x0];
	v0 =	vmul.f32 v50, v50  }
0x310: {  	v17 =	vld [tilespmem:s13+$0x10];
	v1 =	vmul.f32 v52, v52;
	v55 =	vmul.f32 v53, v53  }
0x311: {  	v20 =	vld [tilespmem:s9+$0xFFFFFFC0];
	v3 =	vmul.f32 v54, v54;
	v4 =	vmul.f32 v4, v4  }
0x312: {  	v5 =	vmul.f32 v5, v5;
	v2 =	vmul.f32 v56, v56;
	v0 =	vadd.f32 v1, v0  }
0x313: {  	v18 =	vld [tilespmem:s9+$0x20];
	v9 =	vmul.f32 v9, v9;
	v10 =	vmul.f32 v10, v10  }
0x314: {  	v19 =	vld [tilespmem:s13+$0x20];
	v12 =	vmul.f32 v12, v12;
	v1 =	vmul.f32 v57, v57;
	v0 =	vadd.f32 v55, v0  }
0x315: {  	v15 =	vld [tilespmem:s9+$0x10];
	v4 =	vadd.f32 v5, v4;
	v5 =	vmul.f32 v14, v14;
	v2 =	vadd.f32 v9, v2  }
0x316: {  	v22 =	vld [tilespmem:s14+$0xFFFFFFD0];
	v9 =	vmul.f32 v17, v17;
	v17 =	vmul.f32 v20, v20;
	v11 =	vmax.f32 v0, $1.000000000e-30  }
0x317: {  	v21 =	vld [tilespmem:s14+$0xFFFFFFC0];
	v1 =	vadd.f32 v10, v1;
	v13 =	vshra.s32 v11, $0x1;
	v11 =	vmul.f32 $5.000000000e-01, v11  }
0x318: {  	v10 =	vmul.f32 v18, v18;
	v18 =	vld [tilespmem:s14+$0x0];
	v5 =	vadd.f32 v5, v12;
	v13 =	vsub.s32 $0x5F3759DF, v13  }
0x319: {  	v12 =	vmul.f32 v19, v19;
	v3 =	vadd.f32 v3, v17;
	v17 =	vld [tilespmem:s14+$0x20];
	v16 =	vmul.f32 v13, v11  }
0x31a: {  	v14 =	vmul.f32 v15, v15  }
0x31b: {  	v15 =	vld [tilespmem:s14+$0xFFFFFFE0];
	v12 =	vadd.f32 v12, v10;
	v10 =	vmul.f32 v22, v22;
	v16 =	vmul.f32 v13, v16  }
0x31c: {  	v14 =	vadd.f32 v9, v14;
	v9 =	vmul.f32 v21, v21  }
0x31d: {  	v19 =	vld [tilespmem:s14+$0x10];
	v10 =	vadd.f32 v10, v4;
	v4 =	vmul.f32 v18, v18;
	v16 =	vsub.f32 $1.500000000e+00, v16  }
0x31e: {  	v9 =	vadd.f32 v9, v3;
	v61 =	vmul.f32 v17, v17  }
0x31f: {  	v18 =	vadd.f32 v4, v5;
	v4 =	vmax.f32 v10, $1.000000000e-30;
	v13 =	vmul.f32 v13, v16  }
0x320: {  	v15 =	vmul.f32 v15, v15;
	v21 =	vmul.f32 $5.000000000e-01, v4;
	v4 =	vshra.s32 v4, $0x1  }
0x321: {  	v3 =	vadd.f32 v61, v12;
	v4 =	vsub.s32 $0x5F3759DF, v4;
	v16 =	vld [tilespmem:s14+$0xFFFFFFF0];
	v11 =	vmul.f32 v13, v11  }
0x322: {  	v59 =	vmul.f32 v19, v19;
	v26 =	vmul.f32 v4, v21  }
0x323: {  	v12 =	vmax.f32 v18, $1.000000000e-30;
	v20 =	vmax.f32 v3, $1.000000000e-30;
	v11 =	vmul.f32 v11, v13  }
0x324: {  	v23 =	vshra.s32 v12, $0x1;
	v12 =	vmul.f32 $5.000000000e-01, v12;
	v26 =	vmul.f32 v4, v26  }
0x325: {  	v24 =	vshra.s32 v20, $0x1;
	v20 =	vmul.f32 $5.000000000e-01, v20;
	v11 =	vsub.f32 $1.500000000e+00, v11  }
0x326: {  	v23 =	vsub.s32 $0x5F3759DF, v23;
	v26 =	vsub.f32 $1.500000000e+00, v26;
	v58 =	vmul.f32 v16, v16  }
0x327: {  	v60 =	vmax.f32 v9, $1.000000000e-30;
	v32 =	vmul.f32 v23, v12;
	v16 =	vmul.f32 v11, v13  }
0x328: {  	v4 =	vmul.f32 v4, v26;
	v11 =	vadd.f32 v15, v2;
	v13 =	vadd.f32 v58, v1  }
0x329: {  	v19 =	vadd.f32 v59, v14;
	v2 =	vmul.f32 $5.000000000e-01, v60;
	v0 =	vmul.f32 v16, v0  }
0x32a: {  	v62 =	vmax.f32 v11, $1.000000000e-30;
	v5 =	vmax.f32 v13, $1.000000000e-30;
	v16 =	vshra.s32 v60, $0x1  }
0x32b: {  	v1 =	vmul.f32 $5.000000000e-01, v62;
	v22 =	vshra.s32 v5, $0x1;
	v14 =	vmul.f32 v0, v41  }
0x32c: {  	v5 =	vmul.f32 $5.000000000e-01, v5;
	v16 =	vsub.s32 $0x5F3759DF, v16;
	v17 =	vmul.f32 v0, v44  }
0x32d: {  	v25 =	vmul.f32 v16, v2;
	v22 =	vsub.s32 $0x5F3759DF, v22;
	v14 =	vmul.f32 $1.442695020e+00, v14  }
0x32e: {  	v27 =	vmul.f32 v0, v51;
	v31 =	vmul.f32 v22, v5  }
0x32f: {  	v17 =	vmul.f32 $1.442695020e+00, v17;
	(erf) = vpow2.f32 v14  }
0x330: {  	v30 =	vmul.f32 v0, v43;
	v25 =	vmul.f32 v16, v25  }
0x331: {  	v15 =	vmax.f32 v19, $1.000000000e-30;
	v31 =	vmul.f32 v22, v31;
	(erf) = vpow2.f32 v17  }
0x332: {  	v27 =	vmul.f32 $1.442695020e+00, v27;
	v30 =	vmul.f32 $1.442695020e+00, v30;
	v14 =	vshra.s32 v62, $0x1  }
0x333: {  	v25 =	vsub.f32 $1.500000000e+00, v25;
	v14 =	vsub.s32 $0x5F3759DF, v14;
	v31 =	vsub.f32 $1.500000000e+00, v31  }
0x334: {  	v17 =	vshra.s32 v15, $0x1;
	v15 =	vmul.f32 $5.000000000e-01, v15;
	v28 =	vmul.f32 v14, v1  }
0x335: {  	s13 =	simm.s32 $0x9040;
	(erf) = vpow2.f32 v27;
	v22 =	vmul.f32 v22, v31  }
0x336: {  	v29 =	vld [tilespmem:s13+$0xFFFFF030];
	v24 =	vsub.s32 $0x5F3759DF, v24;
	v16 =	vmul.f32 v16, v25;
	v28 =	vmul.f32 v14, v28  }
0x337: {  	v17 =	vsub.s32 $0x5F3759DF, v17;
	v27 =	vmul.f32 v24, v20;
	v5 =	vmul.f32 v22, v5  }
0x338: {  	v34 =	vmul.f32 v17, v15;
	v2 =	vmul.f32 v16, v2;
	v28 =	vsub.f32 $1.500000000e+00, v28;
	v33 =	vpop (erf)  }
0x339: {  	(erf) = vpow2.f32 v30;
	v5 =	vmul.f32 v5, v22;
	v33 =	vsub.f32 $1.000000000e+00, v33  }
0x33a: {  	v2 =	vmul.f32 v2, v16;
	v14 =	vmul.f32 v14, v28;
	v35 =	vpop (erf)  }
0x33b: {  	v5 =	vsub.f32 $1.500000000e+00, v5;
	v29 =	vmul.f32 v35, v29;
	v30 =	vmul.f32 v33, v6  }
0x33c: {  	v27 =	vmul.f32 v24, v27;
	v2 =	vsub.f32 $1.500000000e+00, v2;
	v1 =	vmul.f32 v14, v1  }
0x33d: {  	v63 =	vmul.f32 v17, v34;
	v5 =	vmul.f32 v5, v22;
	v29 =	vadd.f32 v30, v29  }
0x33e: {  	s28 =	simm.s32 $0xB0C0;
	v2 =	vmul.f32 v2, v16;
	v28 =	vpop (erf);
	v1 =	vmul.f32 v1, v14  }
0x33f: {  	v28 =	vsub.f32 $1.000000000e+00, v28;
	v13 =	vmul.f32 v5, v13;
	[tilespmem:s28+$0xFFFFFFB0] =	vst v29;
	v29 =	vmul.f32 v0, v7  }
0x340: {  	v30 =	vmul.f32 v23, v32;
	v1 =	vsub.f32 $1.500000000e+00, v1;
	v0 =	vmul.f32 v0, v45  }
0x341: {  	v33 =	vsub.f32 $1.500000000e+00, v27;
	v27 =	vmul.f32 v28, v8;
	v26 =	vmul.f32 $1.442695020e+00, v29  }
0x342: {  	v1 =	vmul.f32 v1, v14;
	v25 =	vld [tilespmem:s13+$0x30];
	v29 =	vsub.f32 $1.500000000e+00, v30;
	v0 =	vmul.f32 $1.442695020e+00, v0  }
0x343: {  	v14 =	vmul.f32 v2, v9;
	(erf) = vpow2.f32 v26;
	v26 =	vsub.f32 $1.500000000e+00, v63  }
0x344: {  	(erf) = vpow2.f32 v0;
	v0 =	vmul.f32 v24, v33  }
0x345: {  	v23 =	vmul.f32 v23, v29;
	v26 =	vmul.f32 v17, v26  }
0x346: {  	v29 =	vpop (erf);
	v17 =	vmul.f32 v4, v21;
	v20 =	vmul.f32 v0, v20  }
0x347: {  	v25 =	vmul.f32 v29, v25;
	v15 =	vmul.f32 v26, v15  }
0x348: {  	v17 =	vmul.f32 v17, v4;
	v20 =	vmul.f32 v20, v0  }
0x349: {  	v37 =	vmul.f32 v13, v41;
	v21 =	vadd.f32 v27, v25;
	v15 =	vmul.f32 v15, v26  }
0x34a: {  	v34 =	vmul.f32 v14, v41;
	v25 =	vsub.f32 $1.500000000e+00, v17;
	v20 =	vsub.f32 $1.500000000e+00, v20  }
0x34b: {  	v47 =	vmul.f32 v14, v51;
	v12 =	vmul.f32 v23, v12;
	v15 =	vsub.f32 $1.500000000e+00, v15  }
0x34c: {  	[tilespmem:s28+$0x30] =	vst v21;
	v4 =	vmul.f32 v25, v4;
	v0 =	vmul.f32 v20, v0  }
0x34d: {  	v12 =	vmul.f32 v12, v23;
	v21 =	vld [tilespmem:s13+$0x1030];
	v24 =	vpop (erf);
	v22 =	vmul.f32 v15, v26  }
0x34e: {  	v17 =	vsub.f32 $1.000000000e+00, v24;
	v15 =	vmul.f32 v4, v10;
	v9 =	vmul.f32 v0, v3  }
0x34f: {  	v0 =	vmul.f32 $1.442695020e+00, v34;
	v3 =	vmul.f32 $1.442695020e+00, v37  }
0x350: {  	v12 =	vsub.f32 $1.500000000e+00, v12;
	v17 =	vmul.f32 v17, v42;
	v35 =	vmul.f32 v15, v41  }
0x351: {  	v24 =	vpop (erf);
	v20 =	vmul.f32 v15, v44;
	v48 =	vmul.f32 v15, v51  }
0x352: {  	v16 =	vmul.f32 v24, v21;
	v21 =	vmul.f32 v12, v23  }
0x353: {  	v12 =	vmul.f32 v1, v11;
	v11 =	vmul.f32 v22, v19  }
0x354: {  	v19 =	vmul.f32 v14, v44;
	v22 =	vmul.f32 v13, v44  }
0x355: {  	v25 =	vmul.f32 v9, v44;
	(erf) = vpow2.f32 v0  }
0x356: {  	v0 =	vmul.f32 $1.442695020e+00, v47;
	v29 =	vmul.f32 v9, v43  }
0x357: {  	v62 =	vmul.f32 v9, v7;
	v1 =	vmul.f32 $1.442695020e+00, v35  }
0x358: {  	v39 =	vmul.f32 $1.442695020e+00, v20;
	v10 =	vmul.f32 v21, v18  }
0x359: {  	v36 =	vmul.f32 v12, v41;
	v5 =	vmul.f32 v11, v41  }
0x35a: {  	v18 =	vmul.f32 v9, v41;
	v21 =	vmul.f32 v12, v44  }
0x35b: {  	v24 =	vmul.f32 v11, v44;
	v38 =	vmul.f32 $1.442695020e+00, v19  }
0x35c: {  	v46 =	vmul.f32 $1.442695020e+00, v22;
	v49 =	vmul.f32 v12, v51  }
0x35d: {  	v19 =	vmul.f32 v13, v51;
	v22 =	vmul.f32 v15, v43  }
0x35e: {  	v27 =	vmul.f32 v11, v43;
	v29 =	vmul.f32 $1.442695020e+00, v29  }
0x35f: {  	v60 =	vmul.f32 v12, v7;
	v61 =	vmul.f32 v11, v7  }
0x360: {  	v63 =	vmul.f32 $1.442695020e+00, v62;
	(erf) = vpow2.f32 v1  }
0x361: {  	v1 =	vmul.f32 $1.442695020e+00, v48;
	v48 =	vmul.f32 v9, v45  }
0x362: {  	v4 =	vmul.f32 v10, v41;
	v2 =	vmul.f32 $1.442695020e+00, v36  }
0x363: {  	v5 =	vmul.f32 $1.442695020e+00, v5;
	v18 =	vmul.f32 $1.442695020e+00, v18  }
0x364: {  	v23 =	vmul.f32 v10, v44;
	v40 =	vmul.f32 $1.442695020e+00, v21  }
0x365: {  	v20 =	vmul.f32 v10, v51;
	v19 =	vmul.f32 $1.442695020e+00, v19  }
0x366: {  	v21 =	vmul.f32 v14, v43;
	v26 =	vmul.f32 v10, v43  }
0x367: {  	v22 =	vmul.f32 $1.442695020e+00, v22;
	v27 =	vmul.f32 $1.442695020e+00, v27  }
0x368: {  	v32 =	vmul.f32 $1.442695020e+00, v60;
	v4 =	vmul.f32 $1.442695020e+00, v4  }
0x369: {  	(erf) = vpow2.f32 v2;
	v2 =	vmul.f32 $1.442695020e+00, v49  }
0x36a: {  	v20 =	vmul.f32 $1.442695020e+00, v20;
	v21 =	vmul.f32 $1.442695020e+00, v21  }
0x36b: {  	v26 =	vmul.f32 $1.442695020e+00, v26;
	(erf) = vpow2.f32 v3  }
0x36c: {  	(erf) = vpow2.f32 v4;
	v4 =	vmul.f32 $1.442695020e+00, v23  }
0x36d: {  	v23 =	vmul.f32 v12, v43;
	v12 =	vmul.f32 v12, v45  }
0x36e: {  	(erf) = vpow2.f32 v5;
	v5 =	vmul.f32 $1.442695020e+00, v24  }
0x36f: {  	v24 =	vmul.f32 v13, v43;
	(erf) = vpow2.f32 v18  }
0x370: {  	v18 =	vmul.f32 $1.442695020e+00, v25;
	(erf) = vpow2.f32 v38  }
0x371: {  	v23 =	vmul.f32 $1.442695020e+00, v23;
	(erf) = vpow2.f32 v39  }
0x372: {  	v12 =	vmul.f32 $1.442695020e+00, v12;
	(erf) = vpow2.f32 v40  }
0x373: {  	v24 =	vmul.f32 $1.442695020e+00, v24;
	(erf) = vpow2.f32 v46  }
0x374: {  	v40 =	vmul.f32 v14, v45;
	(erf) = vpow2.f32 v4  }
0x375: {  	v50 =	vpop (erf);
	(erf) = vpow2.f32 v5;
	v5 =	vmul.f32 v11, v51  }
0x376: {  	v4 =	vpop (erf);
	v11 =	vmul.f32 v11, v45;
	(erf) = vpow2.f32 v18  }
0x377: {  	v53 =	vsub.f32 $1.000000000e+00, v50;
	v18 =	vmul.f32 v9, v51;
	v5 =	vmul.f32 $1.442695020e+00, v5  }
0x378: {  	v25 =	vpop (erf);
	v55 =	vsub.f32 $1.000000000e+00, v4;
	(erf) = vpow2.f32 v0;
	v11 =	vmul.f32 $1.442695020e+00, v11  }
0x379: {  	v28 =	vpop (erf);
	v25 =	vsub.f32 $1.000000000e+00, v25;
	v18 =	vmul.f32 $1.442695020e+00, v18;
	(erf) = vpow2.f32 v1  }
0x37a: {  	v52 =	vpop (erf);
	v28 =	vsub.f32 $1.000000000e+00, v28;
	v1 =	vmul.f32 v53, v6;
	(erf) = vpow2.f32 v2  }
0x37b: {  	v54 =	vpop (erf);
	v0 =	vsub.f32 $1.000000000e+00, v52;
	v25 =	vmul.f32 v25, v6;
	(erf) = vpow2.f32 v19;
	v19 =	vld [tilespmem:s13+$0xFFFFEFC0]  }
0x37c: {  	v4 =	vpop (erf);
	v3 =	vsub.f32 $1.000000000e+00, v54;
	v2 =	vmul.f32 v55, v6;
	v28 =	vmul.f32 v28, v6  }
0x37d: {  	v4 =	vsub.f32 $1.000000000e+00, v4;
	v0 =	vmul.f32 v0, v6;
	(erf) = vpow2.f32 v20;
	v20 =	vld [tilespmem:s13+$0xFFFFEFD0]  }
0x37e: {  	v30 =	vpop (erf);
	v3 =	vmul.f32 v3, v6;
	(erf) = vpow2.f32 v5;
	v5 =	vld [tilespmem:s13+$0xFFFFEFE0]  }
0x37f: {  	v57 =	vld [tilespmem:s13+$0xFFFFF010];
	v31 =	vpop (erf);
	v4 =	vmul.f32 v4, v6;
	(erf) = vpow2.f32 v18  }
0x380: {  	v59 =	vpop (erf);
	(erf) = vpow2.f32 v21;
	v19 =	vmul.f32 v30, v19  }
0x381: {  	v18 =	vld [tilespmem:s13+$0xFFFFEFF0];
	v36 =	vpop (erf);
	(erf) = vpow2.f32 v22;
	v22 =	vmul.f32 v14, v7  }
0x382: {  	v58 =	vld [tilespmem:s13+$0xFFFFF020];
	v30 =	vpop (erf);
	v14 =	vmul.f32 v15, v45;
	v20 =	vmul.f32 v31, v20  }
0x383: {  	v31 =	vpop (erf);
	(erf) = vpow2.f32 v23;
	v5 =	vmul.f32 v59, v5  }
0x384: {  	v21 =	vpop (erf);
	v31 =	vmul.f32 v31, v57;
	(erf) = vpow2.f32 v24  }
0x385: {  	v24 =	vmul.f32 v15, v7;
	v22 =	vmul.f32 $1.442695020e+00, v22  }
0x386: {  	v18 =	vmul.f32 v36, v18;
	(erf) = vpow2.f32 v26  }
0x387: {  	v56 =	vld [tilespmem:s13+$0xFFFFF000];
	s14 =	simm.s32 $0x20C0;
	v1 =	vadd.f32 v1, v19;
	v21 =	vmul.f32 v21, v58;
	v23 =	vpop (erf);
	(erf) = vpow2.f32 v27  }
0x388: {  	s30 =	simm.s32 $0x30C0;
	v46 =	vld [tilespmem:s14+$0x30];
	v2 =	vadd.f32 v2, v20;
	v26 =	vpop (erf);
	v27 =	vmul.f32 v13, v7;
	v24 =	vmul.f32 $1.442695020e+00, v24  }
0x389: {  	v9 =	vld [tilespmem:s30+$0x30];
	[tilespmem:s28+$0xFFFFFF40] =	vst v1;
	v5 =	vadd.f32 v25, v5;
	(erf) = vpow2.f32 v29;
	v29 =	vmul.f32 v10, v7;
	v20 =	vpop (erf)  }
0x38a: {  	v54 =	vld [tilespmem:s14+$0xFFFFFFD0];
	[tilespmem:s28+$0xFFFFFF50] =	vst v2;
	v18 =	vadd.f32 v28, v18;
	v19 =	vmul.f32 $1.442695020e+00, v27;
	v47 =	vpop (erf);
	(erf) = vpow2.f32 v22  }
0x38b: {  	v15 =	vld [tilespmem:s13+$0xFFFFFFC0];
	v4 =	vadd.f32 v4, v21;
	[tilespmem:s28+$0xFFFFFF60] =	vst v5;
	v5 =	vmul.f32 $1.442695020e+00, v14;
	v49 =	vpop (erf);
	(erf) = vpow2.f32 v24  }
0x38c: {  	s31 =	simm.s32 $0x40C0;
	v3 =	vadd.f32 v3, v31;
	v22 =	vld [tilespmem:s13+$0xFFFFFFD0];
	v27 =	vmul.f32 $1.442695020e+00, v29;
	v37 =	vpop (erf);
	(erf) = vpow2.f32 v32  }
0x38d: {  	v14 =	vld [tilespmem:s31+$0x30];
	[tilespmem:s28+$0xFFFFFF70] =	vst v18;
	v38 =	vpop (erf);
	(erf) = vpow2.f32 v19;
	v19 =	vmul.f32 v46, v46  }
0x38e: {  	v9 =	vmul.f32 v9, v9;
	[tilespmem:s28+$0xFFFFFF90] =	vst v3;
	v29 =	vmul.f32 $1.442695020e+00, v61;
	v18 =	vld [tilespmem:s13+$0xFFFFFFF0];
	v52 =	vpop (erf)  }
0x38f: {  	v30 =	vmul.f32 v30, v56;
	[tilespmem:s28+$0xFFFFFFA0] =	vst v4;
	(erf) = vpow2.f32 v27;
	v27 =	vld [tilespmem:s13+$0x10];
	v4 =	vpop (erf)  }
0x390: {  	v13 =	vmul.f32 v13, v45;
	v21 =	vsub.f32 $1.000000000e+00, v23;
	(erf) = vpow2.f32 v29;
	v29 =	vld [tilespmem:s13+$0x20];
	v23 =	vpop (erf)  }
0x391: {  	v33 =	vmul.f32 v54, v54;
	v0 =	vadd.f32 v0, v30;
	v9 =	vadd.f32 v9, v19;
	v19 =	vpop (erf)  }
0x392: {  	v55 =	vld [tilespmem:s30+$0xFFFFFFD0];
	v10 =	vmul.f32 v10, v45;
	v50 =	vmul.f32 $1.442695020e+00, v13;
	v53 =	vpop (erf)  }
0x393: {  	[tilespmem:s28+$0xFFFFFF80] =	vst v0;
	v28 =	vld [tilespmem:s13+$0xFFFFFFE0];
	v14 =	vmul.f32 v14, v14;
	v25 =	vmul.f32 v52, v15;
	v15 =	vpop (erf)  }
0x394: {  	v13 =	vld [tilespmem:s13+$0x0];
	v24 =	vmul.f32 v4, v22;
	v22 =	vmul.f32 v19, v18;
	v18 =	vpop (erf)  }
0x395: {  	v62 =	vmul.f32 v15, v27;
	v15 =	vmul.f32 v18, v29  }
0x396: {  	v1 =	vmul.f32 $1.442695020e+00, v40;
	v30 =	vsub.f32 $1.000000000e+00, v26;
	v2 =	vmul.f32 $1.442695020e+00, v48  }
0x397: {  	v3 =	vmul.f32 v55, v55;
	v10 =	vmul.f32 $1.442695020e+00, v10;
	v4 =	vld [tilespmem:s30+$0xFFFFFFC0];
	v9 =	vadd.f32 v14, v9;
	[tilespmem:$0x1FF10] =	vst v15  }
0x398: {  	(erf) = vpow2.f32 v63;
	v14 =	vsub.f32 $1.000000000e+00, v20;
	v26 =	vmul.f32 v23, v28;
	v15 =	vld [tilespmem:s14+$0xFFFFFFE0]  }
0x399: {  	v28 =	vmul.f32 v30, v8;
	v61 =	vmul.f32 v53, v13;
	v13 =	vmax.f32 v9, $1.000000000e-30;
	v56 =	vld [tilespmem:s30+$0xFFFFFFE0]  }
0x39a: {  	(erf) = vpow2.f32 v1;
	v20 =	vshra.s32 v13, $0x1;
	v13 =	vmul.f32 $5.000000000e-01, v13;
	v57 =	vld [tilespmem:s14+$0xFFFFFFF0]  }
0x39b: {  	v30 =	vmul.f32 v14, v8;
	(erf) = vpow2.f32 v5;
	v39 =	vsub.s32 $0x5F3759DF, v20;
	v5 =	vld [tilespmem:s30+$0xFFFFFFF0]  }
0x39c: {  	v14 =	vsub.f32 $1.000000000e+00, v49;
	(erf) = vpow2.f32 v12;
	v20 =	vmul.f32 v39, v13;
	v12 =	vld [tilespmem:s14+$0x0]  }
0x39d: {  	v29 =	vmul.f32 v21, v8;
	v21 =	vsub.f32 $1.000000000e+00, v47;
	(erf) = vpow2.f32 v50;
	v59 =	vld [tilespmem:s30+$0x0]  }
0x39e: {  	(erf) = vpow2.f32 v10;
	v27 =	vmul.f32 v39, v20;
	v10 =	vld [tilespmem:s14+$0x10]  }
0x39f: {  	v58 =	vsub.f32 $1.000000000e+00, v37;
	v32 =	vmul.f32 v14, v8;
	v4 =	vmul.f32 v4, v4;
	v60 =	vld [tilespmem:s14+$0x20]  }
0x3a0: {  	v31 =	vmul.f32 v21, v8;
	v46 =	vld [tilespmem:s14+$0xFFFFFFC0];
	v20 =	vpop (erf);
	v14 =	vsub.f32 $1.500000000e+00, v27;
	(erf) = vpow2.f32 v11  }
0x3a1: {  	v27 =	vmul.f32 v58, v8;
	v11 =	vld [tilespmem:s30+$0x10];
	v21 =	vpop (erf);
	(erf) = vpow2.f32 v2  }
0x3a2: {  	v47 =	vld [tilespmem:s31+$0xFFFFFFC0];
	v14 =	vmul.f32 v39, v14;
	v15 =	vmul.f32 v15, v15  }
0x3a3: {  	v48 =	vld [tilespmem:s31+$0xFFFFFFD0];
	v34 =	vmul.f32 v56, v56;
	v1 =	vmul.f32 v57, v57  }
0x3a4: {  	v40 =	vld [tilespmem:s31+$0xFFFFFFF0];
	v5 =	vmul.f32 v5, v5;
	v12 =	vmul.f32 v12, v12  }
0x3a5: {  	v3 =	vadd.f32 v3, v33;
	v53 =	vld [tilespmem:s31+$0x20];
	v0 =	vmul.f32 v59, v59;
	v13 =	vmul.f32 v14, v13  }
0x3a6: {  	v63 =	vld [tilespmem:s30+$0x20];
	v1 =	vadd.f32 v5, v1;
	v5 =	vmul.f32 v11, v11;
	v11 =	vmul.f32 v46, v46  }
0x3a7: {  	v10 =	vmul.f32 v10, v10;
	v0 =	vadd.f32 v0, v12;
	v12 =	vld [tilespmem:s31+$0x10];
	v13 =	vmul.f32 v13, v14  }
0x3a8: {  	v49 =	vld [tilespmem:s31+$0xFFFFFFE0];
	v2 =	vmul.f32 v60, v60;
	v52 =	vmul.f32 v47, v47;
	v4 =	vadd.f32 v4, v11  }
0x3a9: {  	v5 =	vadd.f32 v5, v10;
	v10 =	vmul.f32 v48, v48;
	v13 =	vsub.f32 $1.500000000e+00, v13  }
0x3aa: {  	v56 =	vmul.f32 v53, v53;
	v39 =	vadd.f32 v52, v4;
	v4 =	vmul.f32 v40, v40  }
0x3ab: {  	v50 =	vld [tilespmem:s31+$0x0];
	v15 =	vadd.f32 v34, v15;
	v40 =	vadd.f32 v10, v3;
	v13 =	vmul.f32 v13, v14  }
0x3ac: {  	v35 =	vpop (erf);
	v14 =	vmul.f32 v63, v63;
	v10 =	vmul.f32 v12, v12;
	v48 =	vadd.f32 v4, v1  }
0x3ad: {  	v63 =	vmovc v42;
	v12 =	vmax.f32 v40, $1.000000000e-30;
	v42 =	vmul.f32 v13, v9;
	v9 =	vmul.f32 v49, v49  }
0x3ae: {  	v36 =	vpop (erf);
	v4 =	vmax.f32 v39, $1.000000000e-30;
	v2 =	vadd.f32 v14, v2;
	v60 =	vshra.s32 v12, $0x1  }
0x3af: {  	v23 =	vmovc v45;
	v45 =	vmul.f32 $5.000000000e-01, v12;
	v54 =	vmul.f32 v42, v41;
	v13 =	vmovc v41;
	v41 =	vadd.f32 v9, v15  }
0x3b0: {  	v37 =	vpop (erf);
	v9 =	vmul.f32 v50, v50;
	v55 =	vmul.f32 v42, v44;
	v50 =	vadd.f32 v10, v5  }
0x3b1: {  	v18 =	vmovc v51;
	v11 =	vmovc v43;
	v51 =	vadd.f32 v56, v2;
	v2 =	vshra.s32 v4, $0x1;
	v4 =	vmul.f32 $5.000000000e-01, v4  }
0x3b2: {  	v33 =	vpop (erf);
	v5 =	vmax.f32 v48, $1.000000000e-30;
	v53 =	vmul.f32 v42, v18;
	v56 =	vmul.f32 v42, v11  }
0x3b3: {  	v34 =	vpop (erf);
	v47 =	vshra.s32 v5, $0x1;
	v5 =	vmul.f32 $5.000000000e-01, v5;
	v3 =	vmul.f32 $1.442695020e+00, v54  }
0x3b4: {  	v49 =	vadd.f32 v9, v0;
	v1 =	vmul.f32 $1.442695020e+00, v55;
	v53 =	vmul.f32 $1.442695020e+00, v53;
	v9 =	vpop (erf)  }
0x3b5: {  	v2 =	vsub.s32 $0x5F3759DF, v2;
	v56 =	vmul.f32 $1.442695020e+00, v56;
	(erf) = vpow2.f32 v3;
	v59 =	vpop (erf)  }
0x3b6: {  	v19 =	vmovc v44;
	v44 =	vsub.s32 $0x5F3759DF, v60;
	(erf) = vpow2.f32 v1;
	[tilespmem:$0x1FEE0] =	vst v59;
	v59 =	vmul.f32 v2, v4  }
0x3b7: {  	v57 =	vmax.f32 v41, $1.000000000e-30;
	[tilespmem:$0x1FED0] =	vst v9;
	v9 =	vpop (erf);
	(erf) = vpow2.f32 v53;
	v53 =	vmul.f32 v44, v45  }
0x3b8: {  	v58 =	vmax.f32 v49, $1.000000000e-30;
	v3 =	vmul.f32 $5.000000000e-01, v57;
	v15 =	vpop (erf);
	v59 =	vmul.f32 v2, v59  }
0x3b9: {  	v1 =	vmax.f32 v50, $1.000000000e-30;
	v52 =	vshra.s32 v58, $0x1;
	[tilespmem:$0x1FEF0] =	vst v9;
	v9 =	vpop (erf);
	v53 =	vmul.f32 v44, v53  }
0x3ba: {  	s9 =	simm.s32 $0x90C0;
	v0 =	vmul.f32 $5.000000000e-01, v58;
	v54 =	vshra.s32 v1, $0x1;
	[tilespmem:$0x1FF00] =	vst v9;
	v59 =	vsub.f32 $1.500000000e+00, v59  }
0x3bb: {  	v1 =	vmul.f32 $5.000000000e-01, v1;
	v52 =	vsub.s32 $0x5F3759DF, v52;
	v55 =	vld [tilespmem:s9+$0xFFFFF030];
	v53 =	vsub.f32 $1.500000000e+00, v53  }
0x3bc: {  	v54 =	vsub.s32 $0x5F3759DF, v54;
	v14 =	vpop (erf);
	v2 =	vmul.f32 v2, v59;
	v59 =	vmul.f32 v52, v0  }
0x3bd: {  	v43 =	vmax.f32 v51, $1.000000000e-30;
	v12 =	vpop (erf);
	v44 =	vmul.f32 v44, v53;
	v53 =	vmul.f32 v54, v1  }
0x3be: {  	v46 =	vshra.s32 v57, $0x1;
	v57 =	vmul.f32 $5.000000000e-01, v43;
	(erf) = vpow2.f32 v56;
	v58 =	vpop (erf)  }
0x3bf: {  	v58 =	vsub.f32 $1.000000000e+00, v58;
	v60 =	vpop (erf);
	v59 =	vmul.f32 v52, v59;
	v53 =	vmul.f32 v54, v53  }
0x3c0: {  	v46 =	vsub.s32 $0x5F3759DF, v46;
	v4 =	vmul.f32 v2, v4;
	v55 =	vmul.f32 v60, v55  }
0x3c1: {  	v47 =	vsub.s32 $0x5F3759DF, v47;
	v60 =	vmul.f32 v58, v6;
	v58 =	vmul.f32 v46, v3  }
0x3c2: {  	v59 =	vsub.f32 $1.500000000e+00, v59;
	v53 =	vsub.f32 $1.500000000e+00, v53;
	v4 =	vmul.f32 v4, v2  }
0x3c3: {  	v55 =	vadd.f32 v60, v55;
	v60 =	vmul.f32 v47, v5;
	v58 =	vmul.f32 v46, v58  }
0x3c4: {  	v43 =	vshra.s32 v43, $0x1;
	v52 =	vmul.f32 v52, v59;
	v53 =	vmul.f32 v54, v53  }
0x3c5: {  	s12 =	simm.s32 $0xB2C0;
	v43 =	vsub.s32 $0x5F3759DF, v43;
	v56 =	vmul.f32 v47, v60;
	v60 =	vmul.f32 v42, v7  }
0x3c6: {  	v58 =	vsub.f32 $1.500000000e+00, v58;
	[tilespmem:s12+$0xFFFFFFB0] =	vst v55;
	v55 =	vmul.f32 v43, v57;
	v42 =	vmul.f32 v42, v23  }
0x3c7: {  	v4 =	vsub.f32 $1.500000000e+00, v4;
	v0 =	vmul.f32 v52, v0;
	v1 =	vmul.f32 v53, v1  }
0x3c8: {  	v56 =	vsub.f32 $1.500000000e+00, v56;
	v58 =	vmul.f32 v46, v58;
	v46 =	vmul.f32 $1.442695020e+00, v60  }
0x3c9: {  	v38 =	vsub.f32 $1.000000000e+00, v38;
	v2 =	vmul.f32 v4, v2;
	v42 =	vmul.f32 $1.442695020e+00, v42  }
0x3ca: {  	v56 =	vmul.f32 v47, v56;
	v47 =	vld [tilespmem:s9+$0x30];
	(erf) = vpow2.f32 v46  }
0x3cb: {  	v46 =	vmul.f32 v38, v8;
	v38 =	vmul.f32 v43, v55  }
0x3cc: {  	v0 =	vmul.f32 v0, v52;
	v3 =	vmul.f32 v58, v3  }
0x3cd: {  	v1 =	vmul.f32 v1, v53;
	v60 =	vpop (erf);
	(erf) = vpow2.f32 v42;
	v38 =	vsub.f32 $1.500000000e+00, v38  }
0x3ce: {  	v55 =	vsub.f32 $1.000000000e+00, v60;
	v60 =	vpop (erf);
	v5 =	vmul.f32 v56, v5;
	v3 =	vmul.f32 v3, v58  }
0x3cf: {  	v38 =	vmul.f32 v43, v38;
	v42 =	vmul.f32 v60, v47  }
0x3d0: {  	v0 =	vsub.f32 $1.500000000e+00, v0;
	v60 =	vmul.f32 v55, v8;
	v55 =	vmul.f32 v44, v45  }
0x3d1: {  	v1 =	vsub.f32 $1.500000000e+00, v1;
	v5 =	vmul.f32 v5, v56;
	v57 =	vmul.f32 v38, v57  }
0x3d2: {  	v0 =	vmul.f32 v0, v52;
	v3 =	vsub.f32 $1.500000000e+00, v3;
	v43 =	vmul.f32 v55, v44  }
0x3d3: {  	v1 =	vmul.f32 v1, v53;
	v4 =	vsub.f32 $1.500000000e+00, v5;
	v45 =	vmul.f32 v57, v38  }
0x3d4: {  	v3 =	vmul.f32 v3, v58;
	v42 =	vadd.f32 v60, v42;
	v43 =	vsub.f32 $1.500000000e+00, v43  }
0x3d5: {  	v4 =	vmul.f32 v4, v56;
	v60 =	vsub.f32 $1.500000000e+00, v45;
	v45 =	vmul.f32 v2, v39  }
0x3d6: {  	v5 =	vmul.f32 v43, v44;
	v44 =	vmul.f32 v3, v41  }
0x3d7: {  	v41 =	vmul.f32 v0, v49;
	v52 =	vmul.f32 v60, v38  }
0x3d8: {  	v38 =	vmul.f32 v1, v50;
	v53 =	vmul.f32 v45, v13  }
0x3d9: {  	[tilespmem:s12+$0x30] =	vst v42;
	v58 =	vmul.f32 v45, v19;
	v43 =	vmul.f32 v5, v40  }
0x3da: {  	v42 =	vld [tilespmem:s9+$0x1030];
	v40 =	vmul.f32 v4, v48;
	v55 =	vmul.f32 v44, v13  }
0x3db: {  	v4 =	vmul.f32 v41, v13;
	v60 =	vmul.f32 v44, v19  }
0x3dc: {  	v31 =	vadd.f32 v31, v22;
	v22 =	vmul.f32 v41, v7;
	v39 =	vmul.f32 v52, v51  }
0x3dd: {  	v47 =	vpop (erf);
	v5 =	vmul.f32 v38, v13;
	v0 =	vmul.f32 $1.442695020e+00, v53  }
0x3de: {  	v59 =	vpop (erf);
	v53 =	vmul.f32 v41, v19;
	v58 =	vmul.f32 $1.442695020e+00, v58  }
0x3df: {  	v42 =	vmul.f32 v59, v42;
	v54 =	vmul.f32 v43, v13  }
0x3e0: {  	v56 =	vmul.f32 v40, v13;
	v2 =	vmul.f32 $1.442695020e+00, v55  }
0x3e1: {  	v4 =	vmul.f32 $1.442695020e+00, v4;
	v59 =	vmul.f32 v43, v19  }
0x3e2: {  	v52 =	vmul.f32 v40, v19;
	v60 =	vmul.f32 $1.442695020e+00, v60  }
0x3e3: {  	v25 =	vadd.f32 v29, v25;
	v29 =	vmul.f32 v43, v7;
	v22 =	vmul.f32 $1.442695020e+00, v22  }
0x3e4: {  	v57 =	vmul.f32 v39, v13;
	v5 =	vmul.f32 $1.442695020e+00, v5  }
0x3e5: {  	(erf) = vpow2.f32 v0;
	v1 =	vmul.f32 $1.442695020e+00, v54  }
0x3e6: {  	v3 =	vmul.f32 $1.442695020e+00, v56;
	v54 =	vmul.f32 v38, v19  }
0x3e7: {  	v59 =	vmul.f32 $1.442695020e+00, v59;
	v52 =	vmul.f32 $1.442695020e+00, v52  }
0x3e8: {  	v56 =	vmul.f32 v45, v18;
	v29 =	vmul.f32 $1.442695020e+00, v29  }
0x3e9: {  	v48 =	vmul.f32 $1.442695020e+00, v57;
	v57 =	vmul.f32 v39, v19  }
0x3ea: {  	(erf) = vpow2.f32 v1;
	v0 =	vmul.f32 $1.442695020e+00, v56  }
0x3eb: {  	(erf) = vpow2.f32 v2;
	v55 =	vmul.f32 $1.442695020e+00, v57  }
0x3ec: {  	v57 =	vmul.f32 v43, v18;
	(erf) = vpow2.f32 v3  }
0x3ed: {  	(erf) = vpow2.f32 v4;
	v4 =	vmul.f32 $1.442695020e+00, v53  }
0x3ee: {  	v1 =	vmul.f32 $1.442695020e+00, v57;
	v57 =	vmul.f32 v41, v11  }
0x3ef: {  	(erf) = vpow2.f32 v5;
	v5 =	vmul.f32 $1.442695020e+00, v54  }
0x3f0: {  	(erf) = vpow2.f32 v48;
	v57 =	vmul.f32 $1.442695020e+00, v57  }
0x3f1: {  	(erf) = vpow2.f32 v58;
	v58 =	vmul.f32 v44, v18  }
0x3f2: {  	(erf) = vpow2.f32 v59;
	v59 =	vmul.f32 v40, v18  }
0x3f3: {  	v49 =	vpop (erf);
	(erf) = vpow2.f32 v60;
	v60 =	vmul.f32 v39, v18  }
0x3f4: {  	v49 =	vsub.f32 $1.000000000e+00, v49;
	v2 =	vmul.f32 $1.442695020e+00, v58;
	v58 =	vmul.f32 v45, v11  }
0x3f5: {  	(erf) = vpow2.f32 v52;
	v3 =	vmul.f32 $1.442695020e+00, v59  }
0x3f6: {  	v59 =	vmul.f32 v43, v11;
	v49 =	vmul.f32 v49, v6  }
0x3f7: {  	(erf) = vpow2.f32 v4;
	v4 =	vmul.f32 v41, v18  }
0x3f8: {  	v51 =	vmul.f32 $1.442695020e+00, v60;
	v58 =	vmul.f32 $1.442695020e+00, v58  }
0x3f9: {  	v50 =	vpop (erf);
	v41 =	vmul.f32 v41, v23;
	(erf) = vpow2.f32 v5  }
0x3fa: {  	v50 =	vsub.f32 $1.000000000e+00, v50;
	v5 =	vmul.f32 v38, v18;
	v59 =	vmul.f32 $1.442695020e+00, v59  }
0x3fb: {  	v48 =	vpop (erf);
	(erf) = vpow2.f32 v55;
	v4 =	vmul.f32 $1.442695020e+00, v4  }
0x3fc: {  	v52 =	vpop (erf);
	v48 =	vsub.f32 $1.000000000e+00, v48;
	v50 =	vmul.f32 v50, v6;
	(erf) = vpow2.f32 v0  }
0x3fd: {  	v53 =	vpop (erf);
	v52 =	vsub.f32 $1.000000000e+00, v52;
	v0 =	vld [tilespmem:s9+$0xFFFFEFC0];
	v5 =	vmul.f32 $1.442695020e+00, v5;
	(erf) = vpow2.f32 v1  }
0x3fe: {  	v54 =	vpop (erf);
	v53 =	vsub.f32 $1.000000000e+00, v53;
	v48 =	vmul.f32 v48, v6;
	v1 =	vld [tilespmem:s9+$0xFFFFEFD0];
	(erf) = vpow2.f32 v2  }
0x3ff: {  	v55 =	vpop (erf);
	v54 =	vsub.f32 $1.000000000e+00, v54;
	v52 =	vmul.f32 v52, v6;
	v2 =	vld [tilespmem:s9+$0xFFFFEFE0];
	(erf) = vpow2.f32 v3  }
0x400: {  	v53 =	vmul.f32 v53, v6;
	(erf) = vpow2.f32 v4  }
0x401: {  	v56 =	vpop (erf);
	v3 =	vld [tilespmem:s9+$0xFFFFEFF0];
	v54 =	vmul.f32 v54, v6;
	(erf) = vpow2.f32 v5  }
0x402: {  	v60 =	vpop (erf);
	v4 =	vld [tilespmem:s9+$0xFFFFF000];
	v0 =	vmul.f32 v56, v0;
	v56 =	vmul.f32 v44, v11  }
0x403: {  	(erf) = vpow2.f32 v51;
	v51 =	vpop (erf);
	v1 =	vmul.f32 v60, v1  }
0x404: {  	v2 =	vmul.f32 v51, v2;
	v51 =	vmul.f32 v40, v11  }
0x405: {  	v5 =	vld [tilespmem:s9+$0xFFFFF010];
	v60 =	vpop (erf);
	(erf) = vpow2.f32 v58;
	v58 =	vmul.f32 v38, v11  }
0x406: {  	v56 =	vmul.f32 $1.442695020e+00, v56;
	v3 =	vmul.f32 v60, v3;
	v60 =	vpop (erf)  }
0x407: {  	v24 =	vadd.f32 v28, v24;
	(erf) = vpow2.f32 v59;
	v4 =	vmul.f32 v60, v4  }
0x408: {  	v26 =	vadd.f32 v30, v26;
	v51 =	vmul.f32 $1.442695020e+00, v51;
	v58 =	vmul.f32 $1.442695020e+00, v58  }
0x409: {  	v32 =	vadd.f32 v32, v61;
	v60 =	vpop (erf);
	(erf) = vpow2.f32 v56;
	v56 =	vmul.f32 v40, v7  }
0x40a: {  	v27 =	vadd.f32 v27, v62;
	v5 =	vmul.f32 v60, v5;
	v60 =	vmul.f32 v39, v11  }
0x40b: {  	v62 =	vsub.f32 $1.000000000e+00, v20;
	v40 =	vmul.f32 v40, v23;
	(erf) = vpow2.f32 v51  }
0x40c: {  	v59 =	vmul.f32 $1.442695020e+00, v60;
	v60 =	vadd.f32 v17, v16;
	v16 =	vmul.f32 v45, v7;
	v17 =	vpop (erf)  }
0x40d: {  	v1 =	vadd.f32 v50, v1;
	v51 =	vmul.f32 v44, v7;
	(erf) = vpow2.f32 v57;
	v28 =	vpop (erf)  }
0x40e: {  	v5 =	vadd.f32 v54, v5;
	v30 =	vpop (erf);
	(erf) = vpow2.f32 v58;
	v16 =	vmul.f32 $1.442695020e+00, v16  }
0x40f: {  	v54 =	vsub.f32 $1.000000000e+00, v47;
	v58 =	vmul.f32 v39, v7;
	(erf) = vpow2.f32 v59  }
0x410: {  	v0 =	vadd.f32 v49, v0;
	v51 =	vmul.f32 $1.442695020e+00, v51;
	v9 =	vpop (erf);
	(erf) = vpow2.f32 v16  }
0x411: {  	v61 =	vadd.f32 v48, v2;
	[tilespmem:s12+$0xFFFFFF50] =	vst v1;
	v49 =	vpop (erf);
	v1 =	vmul.f32 $1.442695020e+00, v58;
	v58 =	vmul.f32 v54, v63  }
0x412: {  	[tilespmem:s12+$0xFFFFFF40] =	vst v0;
	v3 =	vadd.f32 v52, v3;
	v16 =	vld [tilespmem:s9+$0xFFFFF020];
	v50 =	vpop (erf);
	(erf) = vpow2.f32 v29;
	v29 =	vmul.f32 v38, v7  }
0x413: {  	v56 =	vmul.f32 $1.442695020e+00, v56;
	[tilespmem:s12+$0xFFFFFF60] =	vst v61;
	v4 =	vadd.f32 v53, v4;
	v57 =	vld [tilespmem:s9+$0xFFFFFFC0];
	(erf) = vpow2.f32 v51  }
0x414: {  	v61 =	vld [tilespmem:s9+$0xFFFFFFE0];
	v51 =	vadd.f32 v58, v42;
	v58 =	vmul.f32 v38, v23;
	v10 =	vmul.f32 $1.442695020e+00, v29  }
0x415: {  	v53 =	vsub.f32 $1.000000000e+00, v55;
	v59 =	vld [tilespmem:s9+$0xFFFFFFD0];
	v48 =	vpop (erf);
	v38 =	vmul.f32 $1.442695020e+00, v40;
	(erf) = vpow2.f32 v56  }
0x416: {  	v0 =	vpop (erf);
	v29 =	vld [tilespmem:$0x1FF10];
	v56 =	vsub.f32 $1.000000000e+00, v34;
	v48 =	vsub.f32 $1.000000000e+00, v48;
	(erf) = vpow2.f32 v22  }
0x417: {  	[tilespmem:s12+$0xFFFFFF70] =	vst v3;
	v22 =	vpop (erf);
	v0 =	vsub.f32 $1.000000000e+00, v0;
	v34 =	vmul.f32 $1.442695020e+00, v58;
	v16 =	vmul.f32 v17, v16  }
0x418: {  	[tilespmem:s28+$0xFFFFFFC0] =	vst v25;
	v25 =	vsub.f32 $1.000000000e+00, v50;
	(erf) = vpow2.f32 v10;
	v50 =	vmul.f32 v48, v8;
	v10 =	vpop (erf)  }
0x419: {  	v20 =	vsub.f32 $1.000000000e+00, v35;
	[tilespmem:s12+$0xFFFFFF80] =	vst v4;
	v17 =	vld [tilespmem:s9+$0xFFFFFFF0];
	v48 =	vmul.f32 v0, v8;
	(erf) = vpow2.f32 v1;
	v4 =	vpop (erf)  }
0x41a: {  	v52 =	vsub.f32 $1.000000000e+00, v37;
	[tilespmem:s12+$0xFFFFFF90] =	vst v5;
	v1 =	vmul.f32 v53, v6;
	v3 =	vmul.f32 v4, v61;
	v4 =	vld [tilespmem:s9+$0x0]  }
0x41b: {  	v55 =	vld [tilespmem:s9+$0x10];
	v46 =	vadd.f32 v46, v29;
	v29 =	vmul.f32 v22, v57;
	v2 =	vmul.f32 v10, v59  }
0x41c: {  	v22 =	vsub.f32 $1.000000000e+00, v21;
	v10 =	vmul.f32 v62, v63;
	v62 =	vmul.f32 v44, v23  }
0x41d: {  	v5 =	vpop (erf);
	v1 =	vadd.f32 v1, v16;
	v16 =	vmul.f32 v56, v63;
	v61 =	vmul.f32 v43, v23  }
0x41e: {  	v56 =	vsub.f32 $1.000000000e+00, v49;
	v49 =	vmul.f32 v25, v8;
	v57 =	vmul.f32 v22, v63;
	v59 =	vpop (erf)  }
0x41f: {  	v21 =	vsub.f32 $1.000000000e+00, v36;
	v5 =	vmul.f32 v5, v17;
	[tilespmem:s12+$0xFFFFFFA0] =	vst v1;
	v35 =	vmul.f32 v59, v4;
	v4 =	vpop (erf)  }
0x420: {  	v22 =	vmul.f32 v20, v63;
	v42 =	vmul.f32 v4, v55;
	v4 =	vsub.f32 $1.000000000e+00, v30;
	v30 =	vld [tilespmem:s9+$0x20]  }
0x421: {  	[tilespmem:s28+$0xFFFFFFD0] =	vst v24;
	v17 =	vsub.f32 $1.000000000e+00, v33;
	v21 =	vmul.f32 v21, v63;
	v20 =	vmul.f32 v52, v63  }
0x422: {  	[tilespmem:s28+$0xFFFFFFE0] =	vst v26;
	v36 =	vmul.f32 $1.442695020e+00, v62;
	v33 =	vmul.f32 $1.442695020e+00, v41;
	v1 =	vsub.f32 $1.000000000e+00, v28  }
0x423: {  	[tilespmem:s28+$0x10] =	vst v27;
	v28 =	vmul.f32 v45, v23;
	v17 =	vmul.f32 v17, v63;
	v24 =	vpop (erf)  }
0x424: {  	v27 =	vld [tilespmem:s13+$0x1010];
	[tilespmem:s28+$0x20] =	vst v46;
	v1 =	vmul.f32 v1, v8;
	v59 =	vmul.f32 v39, v23;
	v26 =	vpop (erf)  }
0x425: {  	v25 =	vld [tilespmem:s13+$0x1020];
	v63 =	vsub.f32 $1.000000000e+00, v9;
	v4 =	vmul.f32 v4, v8;
	v39 =	vmul.f32 v24, v30;
	v30 =	vpop (erf)  }
0x426: {  	[tilespmem:s28+$0xB0] =	vst v60;
	v61 =	vmul.f32 $1.442695020e+00, v61;
	v60 =	vmul.f32 $1.442695020e+00, v28;
	v28 =	vld [tilespmem:s13+$0xFE0];
	v62 =	vpop (erf)  }
0x427: {  	[tilespmem:s28+$0xFFFFFFF0] =	vst v31;
	v23 =	vld [tilespmem:s13+$0xFC0];
	v1 =	vadd.f32 v1, v29;
	v45 =	vadd.f32 v4, v2;
	v4 =	vmul.f32 v63, v8;
	v44 =	vpop (erf)  }
0x428: {  	[tilespmem:s28+$0x0] =	vst v32;
	v29 =	vld [tilespmem:s13+$0xFF0];
	v37 =	vmul.f32 $1.442695020e+00, v59;
	v31 =	vsub.f32 $1.000000000e+00, v26;
	v63 =	vmul.f32 v56, v8;
	v40 =	vpop (erf)  }
0x429: {  	[tilespmem:s12+$0xB0] =	vst v51;
	v26 =	vld [tilespmem:s13+$0x1000];
	(erf) = vpow2.f32 v60;
	v32 =	vsub.f32 $1.000000000e+00, v30;
	v47 =	vadd.f32 v4, v3;
	v41 =	vpop (erf)  }
0x42a: {  	s14 =	simm.s32 $0x8;
	[tilespmem:s12+$0xFFFFFFC0] =	vst v1;
	v24 =	vld [tilespmem:s13+$0xFD0];
	s13 =	simm.s32 $0x2140;
	v46 =	vadd.f32 v63, v5;
	(erf) = vpow2.f32 v61;
	v30 =	vsub.f32 $1.000000000e+00, v62;
	v43 =	vpop (erf)  }
.LBB2_13:
0x42b: {  	v9 =	vld [tilespmem:$0x1FED0];
	_ =	sdelay $0x2  }
0x42c: {  	v0 =	vld [tilespmem:s13+$0x30]  }
0x42d: {  	s30 =	sadd.s32 $0x80, s30;
	v62 =	vld [tilespmem:$0x1FFD0]  }
0x42e: {  	v3 =	vld [tilespmem:s30+$0x30];
	v5 =	vadd.f32 v48, v39;
	v9 =	vmul.f32 v9, v23  }
0x42f: {  	v2 =	vadd.f32 v50, v42;
	v42 =	vsub.f32 $1.000000000e+00, v43;
	v43 =	vld [tilespmem:$0x1FEE0]  }
0x430: {  	[tilespmem:s12+$0x20] =	vst v5;
	v5 =	vadd.f32 v10, v9;
	v9 =	vld [tilespmem:$0x1FEF0]  }
0x431: {  	[tilespmem:s12+$0xFFFFFFD0] =	vst v45;
	v58 =	vld [tilespmem:s30+$0xFFFFFFC0]  }
0x432: {  	s31 =	sadd.s32 $0x80, s31;
	v23 =	vld [tilespmem:s13+$0xFFFFFFD0]  }
0x433: {  	(erf) = vpow2.f32 v36;
	v59 =	vsub.f32 $1.000000000e+00, v40;
	v40 =	vsub.f32 $1.000000000e+00, v41;
	[tilespmem:s12+$0xFFFFFFE0] =	vst v47;
	v41 =	vld [tilespmem:s31+$0x30]  }
0x434: {  	(erf) = vpow2.f32 v38;
	[tilespmem:s12+$0x10] =	vst v2;
	v2 =	vmul.f32 v43, v24;
	v24 =	vld [tilespmem:s30+$0xFFFFFFD0]  }
0x435: {  	v4 =	vsub.f32 $1.000000000e+00, v44;
	[tilespmem:s12+$0xFFFFFFF0] =	vst v46;
	(erf) = vpow2.f32 v33;
	v44 =	vld [tilespmem:s30+$0xFFFFFFE0];
	v10 =	vmul.f32 v9, v28;
	v9 =	vpop (erf)  }
0x436: {  	v1 =	vadd.f32 v49, v35;
	[tilespmem:$0x1FED0] =	vst v9;
	v9 =	vld [tilespmem:$0x1FF00]  }
0x437: {  	v15 =	vmul.f32 v15, v29;
	v47 =	vmul.f32 v23, v23;
	v23 =	vld [tilespmem:s30+$0xFFFFFFF0]  }
0x438: {  	[tilespmem:s12+$0x0] =	vst v1;
	v0 =	vmul.f32 v0, v0;
	v3 =	vmul.f32 v3, v3;
	v2 =	vadd.f32 v57, v2;
	v28 =	vld [tilespmem:s13+$0xFFFFFFE0]  }
0x439: {  	v46 =	vmul.f32 v14, v27;
	[tilespmem:s28+$0x40] =	vst v5;
	v48 =	vmul.f32 v24, v24;
	v24 =	vld [tilespmem:s13+$0x0];
	v5 =	vadd.f32 v22, v10  }
0x43a: {  	(erf) = vpow2.f32 v34;
	v45 =	vmul.f32 v41, v41;
	v0 =	vadd.f32 v3, v0;
	[tilespmem:s28+$0x50] =	vst v2;
	v52 =	vld [tilespmem:s13+$0xFFFFFFC0]  }
0x43b: {  	(erf) = vpow2.f32 v37;
	[tilespmem:s28+$0x60] =	vst v5;
	v5 =	vadd.f32 v21, v15;
	v22 =	vmul.f32 v9, v26;
	v26 =	vld [tilespmem:s13+$0xFFFFFFF0];
	v9 =	vpop (erf)  }
0x43c: {  	v27 =	vmul.f32 v32, v62;
	v0 =	vadd.f32 v45, v0;
	v21 =	vmul.f32 v12, v25;
	v25 =	vld [tilespmem:s30+$0x0];
	[tilespmem:$0x1FEE0] =	vst v9;
	v9 =	vpop (erf)  }
0x43d: {  	v2 =	vadd.f32 v17, v46;
	v10 =	vmul.f32 v31, v62;
	v49 =	vmul.f32 v28, v28;
	v28 =	vld [tilespmem:s13+$0x10];
	[tilespmem:s28+$0x70] =	vst v5;
	v15 =	vpop (erf)  }
0x43e: {  	v24 =	vmul.f32 v24, v24;
	v53 =	vadd.f32 v16, v21;
	v21 =	vmul.f32 v4, v62;
	v4 =	vld [tilespmem:s31+$0xFFFFFFE0];
	[tilespmem:$0x1FEF0] =	vst v9;
	v9 =	vpop (erf)  }
0x43f: {  	v56 =	vld [tilespmem:s31+$0xFFFFFFF0];
	v5 =	vadd.f32 v20, v22;
	v20 =	vmul.f32 v44, v44;
	[tilespmem:$0x1FF00] =	vst v9;
	v9 =	vmax.f32 v0, $1.000000000e-30  }
0x440: {  	v22 =	vmul.f32 v26, v26;
	v26 =	vld [tilespmem:s30+$0x10];
	v31 =	vshra.s32 v9, $0x1;
	v50 =	vmul.f32 $5.000000000e-01, v9  }
0x441: {  	v17 =	vmul.f32 v25, v25;
	v25 =	vld [tilespmem:s31+$0xFFFFFFC0];
	[tilespmem:s28+$0x80] =	vst v5;
	v5 =	vmul.f32 v23, v23;
	v23 =	vsub.s32 $0x5F3759DF, v31  }
0x442: {  	v29 =	vmul.f32 v58, v58;
	v3 =	vadd.f32 v20, v49;
	v31 =	vld [tilespmem:s30+$0x20];
	v51 =	vmul.f32 v23, v50  }
0x443: {  	v20 =	vld [tilespmem:s13+$0x20];
	v28 =	vmul.f32 v28, v28;
	v55 =	vadd.f32 v17, v24;
	v17 =	vmul.f32 v40, v62;
	[tilespmem:s28+$0xA0] =	vst v53  }
0x444: {  	v5 =	vadd.f32 v5, v22;
	v22 =	vmul.f32 v30, v62;
	v60 =	vld [tilespmem:s31+$0x20];
	v30 =	vmul.f32 v23, v51  }
0x445: {  	[tilespmem:$0x1FEC0] =	vst v27;
	v54 =	vld [tilespmem:s31+$0xFFFFFFD0];
	v27 =	vadd.f32 v48, v47;
	v4 =	vmul.f32 v4, v4;
	v16 =	vmul.f32 v26, v26  }
0x446: {  	v61 =	vmul.f32 v56, v56;
	v25 =	vmul.f32 v25, v25;
	v26 =	vsub.f32 $1.500000000e+00, v30  }
0x447: {  	[tilespmem:s28+$0x90] =	vst v2;
	v30 =	vadd.f32 v16, v28;
	v16 =	vmul.f32 v31, v31;
	v28 =	vmul.f32 v52, v52;
	v31 =	vld [tilespmem:s31+$0x0]  }
0x448: {  	v40 =	vadd.f32 v4, v3;
	v24 =	vmul.f32 v20, v20;
	v57 =	vmul.f32 v23, v26;
	v26 =	vld [tilespmem:s31+$0x10]  }
0x449: {  	v20 =	vmul.f32 v59, v62;
	v43 =	vmul.f32 v60, v60;
	v59 =	vadd.f32 v29, v28  }
0x44a: {  	v58 =	vadd.f32 v16, v24;
	v28 =	vmul.f32 v54, v54;
	v24 =	vmul.f32 v57, v50  }
0x44b: {  	v41 =	vadd.f32 v61, v5;
	v16 =	vmul.f32 v42, v62;
	v37 =	vadd.f32 v25, v59  }
0x44c: {  	v39 =	vadd.f32 v28, v27;
	v46 =	vadd.f32 v43, v58;
	v63 =	vmul.f32 v24, v57  }
0x44d: {  	v49 =	vmax.f32 v40, $1.000000000e-30;
	v32 =	vmul.f32 v31, v31;
	v38 =	vmul.f32 v26, v26  }
0x44e: {  	v4 =	vmax.f32 v37, $1.000000000e-30;
	v5 =	vmax.f32 v39, $1.000000000e-30;
	v52 =	vmax.f32 v46, $1.000000000e-30  }
0x44f: {  	v2 =	vsub.f32 $1.500000000e+00, v63;
	v44 =	vadd.f32 v32, v55;
	v51 =	vshra.s32 v4, $0x1  }
0x450: {  	v4 =	vmul.f32 $5.000000000e-01, v4;
	v53 =	vshra.s32 v5, $0x1;
	v5 =	vmul.f32 $5.000000000e-01, v5  }
0x451: {  	v55 =	vshra.s32 v49, $0x1;
	v59 =	vshra.s32 v52, $0x1;
	v45 =	vadd.f32 v38, v30  }
0x452: {  	v30 =	vmax.f32 v41, $1.000000000e-30;
	v1 =	vsub.s32 $0x5F3759DF, v51;
	v48 =	vmul.f32 v2, v57  }
0x453: {  	v50 =	vmax.f32 v44, $1.000000000e-30;
	v2 =	vmul.f32 $5.000000000e-01, v49;
	v56 =	vshra.s32 v30, $0x1  }
0x454: {  	v43 =	vmul.f32 $5.000000000e-01, v30;
	v49 =	vmul.f32 $5.000000000e-01, v52;
	v31 =	vmax.f32 v45, $1.000000000e-30  }
0x455: {  	v57 =	vshra.s32 v50, $0x1;
	v3 =	vmul.f32 $5.000000000e-01, v50;
	v50 =	vsub.s32 $0x5F3759DF, v53  }
0x456: {  	v0 =	vmul.f32 v48, v0;
	v30 =	vshra.s32 v31, $0x1;
	v48 =	vmul.f32 $5.000000000e-01, v31  }
0x457: {  	v31 =	vmul.f32 v1, v4;
	v32 =	vmul.f32 v50, v5;
	v52 =	vsub.s32 $0x5F3759DF, v30  }
0x458: {  	v51 =	vsub.s32 $0x5F3759DF, v55;
	v54 =	vmul.f32 v0, v13;
	v53 =	vmul.f32 v52, v48  }
0x459: {  	v60 =	vmul.f32 v51, v2;
	v58 =	vmul.f32 v0, v19  }
0x45a: {  	v38 =	vsub.s32 $0x5F3759DF, v57;
	v34 =	vmul.f32 $1.442695020e+00, v54;
	v53 =	vmul.f32 v52, v53  }
0x45b: {  	v14 =	vpop (erf);
	v47 =	vsub.s32 $0x5F3759DF, v59;
	v36 =	vmul.f32 v38, v3;
	v42 =	vmul.f32 $1.442695020e+00, v58  }
0x45c: {  	v12 =	vpop (erf);
	v23 =	vld [tilespmem:s9+$0xFC0];
	v61 =	vmul.f32 v0, v18;
	(erf) = vpow2.f32 v34;
	v53 =	vsub.f32 $1.500000000e+00, v53  }
0x45d: {  	v29 =	vld [tilespmem:s9+$0xFF0];
	(erf) = vpow2.f32 v42;
	v42 =	vsub.s32 $0x5F3759DF, v56;
	v56 =	vmul.f32 v47, v49  }
0x45e: {  	v28 =	vld [tilespmem:s9+$0xFE0];
	v55 =	vmul.f32 v0, v11;
	v63 =	vmul.f32 v1, v31  }
0x45f: {  	v27 =	vld [tilespmem:s9+$0x1010];
	v52 =	vmul.f32 v52, v53;
	v56 =	vmul.f32 v47, v56  }
0x460: {  	v25 =	vld [tilespmem:s9+$0x1020];
	v59 =	vmul.f32 v50, v32;
	v60 =	vmul.f32 v51, v60;
	v57 =	vsub.f32 $1.500000000e+00, v63  }
0x461: {  	v24 =	vld [tilespmem:s9+$0xFD0];
	v55 =	vmul.f32 $1.442695020e+00, v55;
	v48 =	vmul.f32 v52, v48;
	v56 =	vsub.f32 $1.500000000e+00, v56  }
0x462: {  	v26 =	vld [tilespmem:s9+$0x1000];
	s9 =	sadd.s32 $0x80, s9;
	v34 =	vmul.f32 $1.442695020e+00, v61;
	v1 =	vmul.f32 v1, v57  }
0x463: {  	v54 =	vld [tilespmem:s9+$0xFFFFF030];
	v48 =	vmul.f32 v48, v52;
	v47 =	vmul.f32 v47, v56  }
0x464: {  	v35 =	vmul.f32 v42, v43;
	v4 =	vmul.f32 v1, v4  }
0x465: {  	v48 =	vsub.f32 $1.500000000e+00, v48;
	v58 =	vpop (erf);
	(erf) = vpow2.f32 v34;
	v49 =	vmul.f32 v47, v49  }
0x466: {  	v9 =	vld [tilespmem:$0x1FFC0];
	v58 =	vsub.f32 $1.000000000e+00, v58;
	v61 =	vpop (erf);
	(erf) = vpow2.f32 v55;
	v55 =	vsub.f32 $1.500000000e+00, v59  }
0x467: {  	v59 =	vsub.f32 $1.500000000e+00, v60;
	v60 =	vmul.f32 v42, v35;
	v48 =	vmul.f32 v48, v52  }
0x468: {  	v54 =	vmul.f32 v61, v54;
	v58 =	vmul.f32 v58, v6  }
0x469: {  	v61 =	vmul.f32 v38, v36;
	v49 =	vmul.f32 v49, v47;
	v60 =	vsub.f32 $1.500000000e+00, v60  }
0x46a: {  	v50 =	vmul.f32 v50, v55;
	v51 =	vmul.f32 v51, v59;
	v54 =	vadd.f32 v58, v54  }
0x46b: {  	v58 =	vsub.f32 $1.500000000e+00, v61;
	v61 =	vmul.f32 v0, v7;
	v0 =	vmul.f32 v0, v9  }
0x46c: {  	s28 =	smov.u32 s12;
	s12 =	sadd.s32 $0x200, s12;
	v42 =	vmul.f32 v42, v60;
	v5 =	vmul.f32 v50, v5  }
0x46d: {  	v2 =	vmul.f32 v51, v2;
	[tilespmem:s12+$0xFFFFFFB0] =	vst v54;
	v54 =	vmul.f32 $1.442695020e+00, v61  }
0x46e: {  	v0 =	vmul.f32 $1.442695020e+00, v0;
	v38 =	vmul.f32 v38, v58;
	v63 =	vld [tilespmem:s9+$0x30]  }
0x46f: {  	v43 =	vmul.f32 v42, v43;
	v58 =	vmul.f32 v4, v1  }
0x470: {  	v49 =	vsub.f32 $1.500000000e+00, v49;
	v4 =	vmul.f32 v5, v50;
	v60 =	vpop (erf);
	v3 =	vmul.f32 v38, v3  }
0x471: {  	v2 =	vmul.f32 v2, v51;
	v43 =	vmul.f32 v43, v42;
	v57 =	vsub.f32 $1.000000000e+00, v60  }
0x472: {  	v4 =	vsub.f32 $1.500000000e+00, v4;
	v61 =	vpop (erf);
	(erf) = vpow2.f32 v54;
	v3 =	vmul.f32 v3, v38  }
0x473: {  	v57 =	vmul.f32 v57, v8;
	v63 =	vmul.f32 v61, v63  }
0x474: {  	v54 =	vmul.f32 v49, v47;
	v4 =	vmul.f32 v4, v50;
	v3 =	vsub.f32 $1.500000000e+00, v3  }
0x475: {  	(erf) = vpow2.f32 v0;
	v0 =	vadd.f32 v57, v63;
	v63 =	vsub.f32 $1.500000000e+00, v43  }
0x476: {  	v3 =	vmul.f32 v3, v38;
	v43 =	vmul.f32 v4, v39  }
0x477: {  	v61 =	vsub.f32 $1.500000000e+00, v2;
	[tilespmem:s12+$0x30] =	vst v0;
	v0 =	vsub.f32 $1.500000000e+00, v58;
	v2 =	vmul.f32 v63, v42  }
0x478: {  	v39 =	vmul.f32 v3, v44;
	v56 =	vmul.f32 v43, v13  }
0x479: {  	v0 =	vmul.f32 v0, v1;
	v1 =	vmul.f32 v61, v51  }
0x47a: {  	v42 =	vmul.f32 v2, v41;
	v41 =	vmul.f32 v48, v45  }
0x47b: {  	v5 =	vld [tilespmem:s9+$0x1030];
	v4 =	vmul.f32 v39, v13;
	v61 =	vmul.f32 v43, v19  }
0x47c: {  	v38 =	vmul.f32 v0, v37;
	v40 =	vmul.f32 v1, v40  }
0x47d: {  	v59 =	vpop (erf);
	v37 =	vmul.f32 v54, v46;
	v58 =	vmul.f32 v42, v13  }
0x47e: {  	v53 =	vsub.f32 $1.000000000e+00, v59;
	v1 =	vmul.f32 $1.442695020e+00, v56;
	v4 =	vmul.f32 $1.442695020e+00, v4  }
0x47f: {  	v60 =	vpop (erf);
	v63 =	vmul.f32 v42, v19;
	v54 =	vmul.f32 v39, v19  }
0x480: {  	v53 =	vmul.f32 v53, v62;
	v5 =	vmul.f32 v60, v5  }
0x481: {  	v55 =	vmul.f32 v38, v13;
	v57 =	vmul.f32 v40, v13  }
0x482: {  	v59 =	vmul.f32 v37, v13;
	v3 =	vmul.f32 $1.442695020e+00, v58  }
0x483: {  	v60 =	vmul.f32 v38, v19;
	v62 =	vmul.f32 v40, v19  }
0x484: {  	v56 =	vmul.f32 v37, v19;
	v58 =	vmul.f32 $1.442695020e+00, v61  }
0x485: {  	v52 =	vmul.f32 v40, v18;
	v0 =	vmul.f32 $1.442695020e+00, v55  }
0x486: {  	v2 =	vmul.f32 $1.442695020e+00, v57;
	v44 =	vmul.f32 $1.442695020e+00, v59  }
0x487: {  	v55 =	vmul.f32 v41, v19;
	v57 =	vmul.f32 $1.442695020e+00, v60  }
0x488: {  	v59 =	vmul.f32 $1.442695020e+00, v62;
	v60 =	vmul.f32 $1.442695020e+00, v63  }
0x489: {  	v5 =	vadd.f32 v53, v5;
	v61 =	vmul.f32 $1.442695020e+00, v56;
	v62 =	vmul.f32 v38, v18  }
0x48a: {  	v63 =	vmul.f32 v43, v18;
	(erf) = vpow2.f32 v0  }
0x48b: {  	[tilespmem:s12+$0xB0] =	vst v5;
	v5 =	vmul.f32 v41, v13;
	(erf) = vpow2.f32 v1  }
0x48c: {  	v56 =	vmul.f32 v39, v18;
	(erf) = vpow2.f32 v2  }
0x48d: {  	v5 =	vmul.f32 $1.442695020e+00, v5;
	(erf) = vpow2.f32 v3  }
0x48e: {  	v45 =	vmul.f32 $1.442695020e+00, v52;
	(erf) = vpow2.f32 v4  }
0x48f: {  	v0 =	vmul.f32 $1.442695020e+00, v62;
	(erf) = vpow2.f32 v5  }
0x490: {  	v47 =	vmul.f32 $1.442695020e+00, v56;
	(erf) = vpow2.f32 v44  }
0x491: {  	v1 =	vmul.f32 $1.442695020e+00, v63;
	(erf) = vpow2.f32 v57  }
0x492: {  	v4 =	vmul.f32 $1.442695020e+00, v54;
	(erf) = vpow2.f32 v58  }
0x493: {  	v54 =	vmul.f32 v42, v18;
	v51 =	vpop (erf);
	(erf) = vpow2.f32 v59  }
0x494: {  	v5 =	vmul.f32 $1.442695020e+00, v55;
	v53 =	vpop (erf);
	(erf) = vpow2.f32 v60  }
0x495: {  	v46 =	vmul.f32 $1.442695020e+00, v54;
	v55 =	vpop (erf);
	(erf) = vpow2.f32 v4  }
0x496: {  	v54 =	vmul.f32 v38, v11;
	v57 =	vpop (erf);
	(erf) = vpow2.f32 v5  }
0x497: {  	v58 =	vmul.f32 v41, v18;
	v59 =	vpop (erf);
	(erf) = vpow2.f32 v61  }
0x498: {  	v63 =	vmul.f32 v37, v11;
	v60 =	vmul.f32 v37, v18;
	v61 =	vpop (erf)  }
0x499: {  	v54 =	vmul.f32 $1.442695020e+00, v54;
	v2 =	vsub.f32 $1.000000000e+00, v51;
	v48 =	vmul.f32 $1.442695020e+00, v58;
	v62 =	vpop (erf)  }
0x49a: {  	v58 =	vmul.f32 v42, v11;
	v3 =	vsub.f32 $1.000000000e+00, v53;
	v49 =	vmul.f32 $1.442695020e+00, v60;
	v52 =	vpop (erf)  }
0x49b: {  	v4 =	vsub.f32 $1.000000000e+00, v55;
	v55 =	vmul.f32 v43, v11;
	v60 =	vmul.f32 v39, v11;
	v53 =	vpop (erf)  }
0x49c: {  	v2 =	vmul.f32 v2, v6;
	v5 =	vsub.f32 $1.000000000e+00, v57;
	v57 =	vmul.f32 v40, v11;
	v56 =	vpop (erf)  }
0x49d: {  	v30 =	vld [tilespmem:s9+$0xFFFFEFC0];
	v3 =	vmul.f32 v3, v6;
	v44 =	vsub.f32 $1.000000000e+00, v59;
	v55 =	vmul.f32 $1.442695020e+00, v55;
	v59 =	vpop (erf)  }
0x49e: {  	v4 =	vmul.f32 v4, v6;
	v51 =	vsub.f32 $1.000000000e+00, v62;
	v62 =	vpop (erf);
	(erf) = vpow2.f32 v0  }
0x49f: {  	v32 =	vld [tilespmem:s9+$0xFFFFEFE0];
	v50 =	vsub.f32 $1.000000000e+00, v61;
	v61 =	vmul.f32 v41, v11;
	v0 =	vpop (erf);
	(erf) = vpow2.f32 v1  }
0x4a0: {  	v5 =	vmul.f32 v5, v6;
	v1 =	vpop (erf);
	(erf) = vpow2.f32 v45  }
0x4a1: {  	v33 =	vld [tilespmem:s9+$0xFFFFEFF0];
	v50 =	vmul.f32 v50, v6;
	(erf) = vpow2.f32 v46  }
0x4a2: {  	v30 =	vmul.f32 v52, v30;
	(erf) = vpow2.f32 v47  }
0x4a3: {  	v34 =	vld [tilespmem:s9+$0xFFFFF000];
	v51 =	vmul.f32 v51, v6;
	(erf) = vpow2.f32 v48  }
0x4a4: {  	v32 =	vmul.f32 v56, v32;
	(erf) = vpow2.f32 v49  }
0x4a5: {  	v36 =	vld [tilespmem:s9+$0xFFFFF020];
	v56 =	vmul.f32 v40, v7;
	v40 =	vmul.f32 v40, v9  }
0x4a6: {  	v33 =	vmul.f32 v59, v33;
	v59 =	vmul.f32 v37, v7  }
0x4a7: {  	v31 =	vld [tilespmem:s9+$0xFFFFEFD0];
	v37 =	vmul.f32 v37, v9;
	v49 =	vmul.f32 $1.442695020e+00, v63;
	v63 =	vpop (erf)  }
0x4a8: {  	v2 =	vadd.f32 v2, v30;
	v30 =	vmul.f32 v62, v34;
	v46 =	vmul.f32 $1.442695020e+00, v58;
	v58 =	vpop (erf)  }
0x4a9: {  	v35 =	vld [tilespmem:s9+$0xFFFFF010];
	v45 =	vmul.f32 $1.442695020e+00, v57;
	v57 =	vmul.f32 v44, v6;
	v52 =	vsub.f32 $1.000000000e+00, v58;
	v58 =	vpop (erf)  }
0x4aa: {  	v1 =	vmul.f32 v1, v36;
	v48 =	vmul.f32 $1.442695020e+00, v61;
	v61 =	vpop (erf)  }
0x4ab: {  	v47 =	vmul.f32 $1.442695020e+00, v60;
	v44 =	vsub.f32 $1.000000000e+00, v63;
	v63 =	vpop (erf);
	(erf) = vpow2.f32 v54  }
0x4ac: {  	v60 =	vmul.f32 v53, v31;
	v31 =	vpop (erf);
	(erf) = vpow2.f32 v55  }
0x4ad: {  	v36 =	vadd.f32 v4, v32;
	v4 =	vadd.f32 v5, v33;
	v5 =	vpop (erf);
	(erf) = vpow2.f32 v45  }
0x4ae: {  	v0 =	vmul.f32 v0, v35;
	(erf) = vpow2.f32 v46  }
0x4af: {  	v37 =	vmul.f32 $1.442695020e+00, v37;
	(erf) = vpow2.f32 v47  }
0x4b0: {  	v33 =	vmul.f32 $1.442695020e+00, v56;
	v0 =	vadd.f32 v50, v0;
	(erf) = vpow2.f32 v48  }
0x4b1: {  	[tilespmem:s12+$0xFFFFFF60] =	vst v36;
	v1 =	vadd.f32 v51, v1;
	v36 =	vmul.f32 v38, v9;
	(erf) = vpow2.f32 v49  }
0x4b2: {  	v3 =	vadd.f32 v3, v60;
	v60 =	vmul.f32 v43, v9;
	v55 =	vmul.f32 v43, v7  }
0x4b3: {  	[tilespmem:s12+$0xFFFFFF40] =	vst v2;
	v53 =	vsub.f32 $1.000000000e+00, v58;
	v58 =	vmul.f32 v41, v7;
	v41 =	vmul.f32 v41, v9  }
0x4b4: {  	[tilespmem:s12+$0xFFFFFF70] =	vst v4;
	v54 =	vadd.f32 v57, v30;
	v30 =	vmul.f32 v38, v7;
	v57 =	vmul.f32 v42, v7;
	v50 =	vpop (erf)  }
0x4b5: {  	[tilespmem:s12+$0xFFFFFF90] =	vst v0;
	v42 =	vmul.f32 v42, v9;
	v0 =	vsub.f32 $1.000000000e+00, v31;
	v31 =	vmul.f32 v39, v7;
	v51 =	vpop (erf)  }
0x4b6: {  	[tilespmem:s12+$0xFFFFFFA0] =	vst v1;
	v1 =	vsub.f32 $1.000000000e+00, v5;
	v5 =	vmul.f32 $1.442695020e+00, v30;
	v2 =	vmul.f32 $1.442695020e+00, v55;
	v55 =	vpop (erf)  }
0x4b7: {  	v4 =	vsub.f32 $1.000000000e+00, v61;
	[tilespmem:s12+$0xFFFFFF80] =	vst v54;
	v34 =	vmul.f32 $1.442695020e+00, v57;
	v54 =	vmul.f32 $1.442695020e+00, v58;
	v61 =	vpop (erf)  }
0x4b8: {  	v39 =	vmul.f32 v39, v9;
	v58 =	vmul.f32 $1.442695020e+00, v36;
	v62 =	vpop (erf)  }
0x4b9: {  	v32 =	vld [tilespmem:s9+$0xFFFFFFC0];
	[tilespmem:s12+$0xFFFFFF50] =	vst v3;
	v3 =	vsub.f32 $1.000000000e+00, v63;
	v36 =	vmul.f32 $1.442695020e+00, v40;
	v63 =	vpop (erf);
	(erf) = vpow2.f32 v5  }
0x4ba: {  	v38 =	vmul.f32 $1.442695020e+00, v42;
	v5 =	vpop (erf);
	(erf) = vpow2.f32 v2  }
0x4bb: {  	v46 =	vld [tilespmem:s9+$0xFFFFFFF0];
	v31 =	vmul.f32 $1.442695020e+00, v31;
	(erf) = vpow2.f32 v33  }
0x4bc: {  	v45 =	vld [tilespmem:s9+$0xFFFFFFE0];
	v4 =	vmul.f32 v4, v8;
	(erf) = vpow2.f32 v34  }
0x4bd: {  	v48 =	vld [tilespmem:s9+$0x10];
	v49 =	vmul.f32 $1.442695020e+00, v59;
	(erf) = vpow2.f32 v31  }
0x4be: {  	v30 =	vld [tilespmem:s9+$0x20];
	v40 =	vmul.f32 v50, v32;
	(erf) = vpow2.f32 v54  }
0x4bf: {  	v35 =	vld [tilespmem:s9+$0xFFFFFFD0];
	v50 =	vmul.f32 v0, v8;
	(erf) = vpow2.f32 v49  }
0x4c0: {  	v47 =	vld [tilespmem:s9+$0x0];
	v43 =	vmul.f32 v61, v46;
	v61 =	vmul.f32 v44, v8  }
0x4c1: {  	v2 =	vmul.f32 $1.442695020e+00, v60;
	v60 =	vmul.f32 v55, v45  }
0x4c2: {  	s14 =	sadd.s32 $0x8, s14;
	v42 =	vmul.f32 v63, v48;
	v63 =	vmul.f32 v53, v8;
	v31 =	vpop (erf)  }
0x4c3: {  	p0 =	slt.u32 s14, $0xF8;
	v33 =	vmul.f32 $1.442695020e+00, v39;
	v39 =	vmul.f32 v5, v30;
	v5 =	vpop (erf)  }
.Ltmp6:
0x4c4: {  	v48 =	vmul.f32 v1, v8;
	v34 =	vmul.f32 $1.442695020e+00, v41;
	v32 =	vsub.f32 $1.000000000e+00, v5;
	v5 =	vpop (erf);
	(pc) =	sbr.rel @p0 .LBB2_13-.Ltmp6, $4  }
0x4c5: {  	v46 =	vadd.f32 v4, v43;
	v54 =	vmul.f32 v51, v35;
	v35 =	vmul.f32 v62, v47;
	v44 =	vpop (erf)  }
0x4c6: {  	v62 =	vmul.f32 v52, v8;
	v30 =	vsub.f32 $1.000000000e+00, v5;
	v5 =	vadd.f32 v61, v40;
	v40 =	vpop (erf)  }
0x4c7: {  	v47 =	vadd.f32 v63, v60;
	v49 =	vmul.f32 v3, v8;
	(erf) = vpow2.f32 v58;
	v41 =	vpop (erf)  }
0x4c8: {  	s13 =	sadd.s32 $0x80, s13;
	v57 =	vld [tilespmem:$0x1FEC0];
	v45 =	vadd.f32 v62, v54;
	v31 =	vsub.f32 $1.000000000e+00, v31;
	[tilespmem:s12+$0xFFFFFFC0] =	vst v5;
	(erf) = vpow2.f32 v2;
	v43 =	vpop (erf)  }
0x4c9: {  	v51 =	vld [tilespmem:$0x1FFC0];
	[tilespmem:s12+$0xFFFFFFE0] =	vst v47  }
0x4ca: {  	[tilespmem:s12+$0xFFFFFFF0] =	vst v46  }
0x4cb: {  	[tilespmem:s12+$0xFFFFFFD0] =	vst v45  }
0x4cc: {  	v3 =	vld [tilespmem:$0x1FED0]  }
0x4cd: {  	v0 =	vadd.f32 v49, v35  }
0x4ce: {  	v1 =	vadd.f32 v50, v42  }
0x4cf: {  	[tilespmem:s12+$0x0] =	vst v0  }
0x4d0: {  	v0 =	vld [tilespmem:$0x1FEE0];
	[tilespmem:s12+$0x10] =	vst v1  }
0x4d1: {  	v3 =	vmul.f32 v3, v23;
	v23 =	vld [tilespmem:$0x1FEF0];
	_ =	sdelay $0x3  }
0x4d2: {  	(erf) = vpow2.f32 v36;
	v4 =	vadd.f32 v48, v39;
	v0 =	vmul.f32 v0, v24  }
0x4d3: {  	v54 =	vmovc v7;
	v7 =	vmovc v19;
	(erf) = vpow2.f32 v38;
	v19 =	vadd.f32 v10, v3;
	v3 =	vmul.f32 v23, v28  }
0x4d4: {  	v5 =	vld [tilespmem:s9+$0xFC0];
	[tilespmem:s12+$0x20] =	vst v4;
	v0 =	vadd.f32 v57, v0  }
0x4d5: {  	v9 =	vld [tilespmem:s9+$0xFD0];
	[tilespmem:s28+$0x40] =	vst v19;
	v24 =	vadd.f32 v22, v3  }
0x4d6: {  	(erf) = vpow2.f32 v33;
	v28 =	vld [tilespmem:$0x1FF00];
	[tilespmem:s28+$0x50] =	vst v0  }
0x4d7: {  	(erf) = vpow2.f32 v34;
	v34 =	vld [tilespmem:s9+$0xFF0];
	[tilespmem:s28+$0x60] =	vst v24  }
0x4d8: {  	v56 =	vmov v8;
	(erf) = vpow2.f32 v37;
	v42 =	vld [tilespmem:$0x1FFD0]  }
0x4d9: {  	v8 =	vmov v11;
	v37 =	vmul.f32 v12, v25;
	v4 =	vmul.f32 v15, v29;
	v36 =	vpop (erf)  }
0x4da: {  	v2 =	vsub.f32 $1.000000000e+00, v44;
	v35 =	vsub.f32 $1.000000000e+00, v43;
	v11 =	vld [tilespmem:s9+$0xFE0];
	v33 =	vmul.f32 v14, v27;
	v39 =	vpop (erf)  }
0x4db: {  	v1 =	vadd.f32 v16, v37;
	v5 =	vmul.f32 v36, v5;
	v4 =	vadd.f32 v21, v4;
	v44 =	vpop (erf)  }
0x4dc: {  	v38 =	vld [tilespmem:s9+$0x1000];
	v9 =	vmul.f32 v39, v9;
	v47 =	vpop (erf);
	v0 =	vadd.f32 v17, v33;
	v3 =	vmul.f32 v28, v26  }
0x4dd: {  	v10 =	vsub.f32 $1.000000000e+00, v40;
	v50 =	vmul.f32 v47, v34;
	[tilespmem:s28+$0x70] =	vst v4;
	v4 =	vld [tilespmem:s9+$0x1010];
	v43 =	vmul.f32 v31, v42  }
0x4de: {  	v46 =	vld [tilespmem:s9+$0x1020];
	[tilespmem:s28+$0x90] =	vst v0;
	v3 =	vadd.f32 v20, v3;
	v45 =	vmul.f32 v32, v42;
	v48 =	vmul.f32 v30, v42  }
0x4df: {  	[tilespmem:s28+$0xA0] =	vst v1;
	v2 =	vmul.f32 v2, v42;
	v49 =	vadd.f32 v43, v5;
	v5 =	vmul.f32 v44, v11  }
0x4e0: {  	v29 =	vsub.f32 $1.000000000e+00, v41;
	[tilespmem:s28+$0x80] =	vst v3;
	v10 =	vmul.f32 v10, v42;
	v11 =	vpop (erf);
	v9 =	vadd.f32 v45, v9  }
0x4e1: {  	v1 =	vadd.f32 v2, v50;
	v57 =	vpop (erf);
	[tilespmem:s12+$0x40] =	vst v49;
	v58 =	vadd.f32 v48, v5;
	v5 =	vmul.f32 v11, v38  }
0x4e2: {  	v59 =	vmul.f32 v29, v42;
	v11 =	vpop (erf);
	[tilespmem:s12+$0x50] =	vst v9;
	v4 =	vmul.f32 v57, v4  }
0x4e3: {  	p0 =	seq.s32 s24, $0x7;
	v60 =	vmul.f32 v35, v42;
	[tilespmem:s12+$0x70] =	vst v1;
	v61 =	vmul.f32 v11, v46;
	v62 =	vadd.f32 v10, v5  }
.Ltmp7:
0x4e4: {  	s31 =	sshll.u32 s24, $0xF;
	[tilespmem:s12+$0x60] =	vst v58;
	v63 =	vadd.f32 v59, v4;
	(pc) =	sbr.rel @p0 .LBB2_16-.Ltmp7, $4  }
0x4e5: {  	s9 =	sadd.s32 s18, s31;
	v0 =	vadd.f32 v60, v61;
	[tilespmem:s12+$0x80] =	vst v62  }
0x4e6: {  	s9 =	sshrl.u32 s9, $0x3;
	[tilespmem:s12+$0x90] =	vst v63  }
0x4e7: {  	s9 =	sadd.s32 s11, s9;
	[tilespmem:s12+$0xA0] =	vst v0  }
0x4e8: {  	v55 =	vmov v6;
	v53 =	vmov v18;
	v52 =	vmov v13;
	[hbm4b:s9+s5] =	stream.linear.scatter [tilespmem:s22], [sflag:$0x5], $0x4000, $0x38;
	[tilespmem:$0x1E090] =	vst v63  }
0x4e9: {  	s9 =	sadd.s32 s25, s19  }
0x4ea: {  	s9 =	sshrl.u32 s9, $0x3  }
0x4eb: {  	s12 =	sadd.s32 s1, s9  }
0x4ec: {  	[tilespmem:s5], [sflag:$0x1] =	stream.linear.gather [hbm4b:s12+s5], $0x1000, $0x38;
	[tilespmem:$0x1E090] =	vst v63  }
0x4ed: {  	s13 =	simm.s32 $0x1000;
	s14 =	sadd.s32 s2, s9  }
0x4ee: {  	[tilespmem:s13], [sflag:$0x1] =	stream.linear.gather [hbm4b:s14+s5], $0x1000, $0x38;
	[tilespmem:$0x1E090] =	vst v63  }
0x4ef: {  	s28 =	simm.s32 $0x2000;
	s25 =	sadd.s32 s7, s9  }
0x4f0: {  	[tilespmem:s28], [sflag:$0x1] =	stream.linear.gather [hbm4b:s25+s5], $0x1000, $0x38;
	[tilespmem:$0x1E090] =	vst v63  }
.Ltmp8:
0x4f1: {  	_ = 	snop;
	(pc) =	sbr.rel .LBB2_2-.Ltmp8, $4  }
0x4f2: {  	s30 =	sadd.s32 s8, s9  }
0x4f3: {  	[tilespmem:s26], [sflag:$0x1] =	stream.linear.gather [hbm4b:s30+s5], $0x1000, $0x38;
	[tilespmem:$0x1E090] =	vst v63  }
0x4f4: {  	s31 =	simm.s32 $0x4000;
	s24 =	sadd.s32 $0x1, s24;
	v44 =	vmov v7;
	v43 =	vmov v8;
	v45 =	vmov v51;
	s9 =	sadd.s32 s3, s9  }
0x4f5: {  	v41 =	vmovc v52;
	v51 =	vmovc v53;
	v7 =	vmov v54;
	v6 =	vmov v55;
	v8 =	vmov v56;
	[tilespmem:s31], [sflag:$0x1] =	stream.linear.gather [hbm4b:s9+s5], $0x1000, $0x38;
	[tilespmem:$0x1E090] =	vst v63  }
.LBB2_16:
0x4f6: {  	_ =	swait.ge [sflag:s0], $0x4000  }
0x4f7: {  	[sflag:s0] =	ssyncset.done $0x0  }
0x4f8: {  	[sflag:s0] =	ssyncadd.s32 $0xFFFFC000  }
0x4f9: {  	_ =	swait.ge [sflag:s6], $0x3000  }
0x4fa: {  	[sflag:s6] =	ssyncset.done $0x0  }
0x4fb: {  	s9 =	simm.s32 $0x11040;
	[sflag:s6] =	ssyncadd.s32 $0xFFFFD000  }
0x4fc: {  	s12 =	simm.s32 $0x12040;
	v0 =	vld [tilespmem:s9+$0x30]  }
0x4fd: {  	s13 =	simm.s32 $0x13040;
	v1 =	vld [tilespmem:s12+$0x30]  }
0x4fe: {  	v2 =	vld [tilespmem:s13+$0x30]  }
0x4ff: {  	v3 =	vld [tilespmem:s12+$0xFFFFFFC0]  }
0x500: {  	v4 =	vld [tilespmem:s9+$0xFFFFFFD0]  }
0x501: {  	v5 =	vld [tilespmem:s12+$0xFFFFFFD0]  }
0x502: {  	v47 =	vld [tilespmem:s9+$0xFFFFFFE0]  }
0x503: {  	v9 =	vld [tilespmem:s12+$0xFFFFFFE0]  }
0x504: {  	v48 =	vld [tilespmem:s9+$0xFFFFFFF0]  }
0x505: {  	v10 =	vld [tilespmem:s12+$0xFFFFFFF0]  }
0x506: {  	v12 =	vld [tilespmem:s9+$0x0]  }
0x507: {  	v14 =	vld [tilespmem:s12+$0x0];
	v0 =	vmul.f32 v0, v0;
	v1 =	vmul.f32 v1, v1  }
0x508: {  	v15 =	vld [tilespmem:s9+$0x10];
	v46 =	vmul.f32 v2, v2  }
0x509: {  	v17 =	vld [tilespmem:s12+$0x10];
	v3 =	vmul.f32 v3, v3;
	v4 =	vmul.f32 v4, v4;
	v0 =	vadd.f32 v1, v0  }
0x50a: {  	v20 =	vld [tilespmem:s9+$0xFFFFFFC0];
	v5 =	vmul.f32 v5, v5;
	v2 =	vmul.f32 v47, v47  }
0x50b: {  	v18 =	vld [tilespmem:s9+$0x20];
	v9 =	vmul.f32 v9, v9;
	v10 =	vmul.f32 v10, v10;
	v0 =	vadd.f32 v46, v0  }
0x50c: {  	v19 =	vld [tilespmem:s12+$0x20];
	v12 =	vmul.f32 v12, v12;
	v1 =	vmul.f32 v48, v48;
	v4 =	vadd.f32 v5, v4  }
0x50d: {  	v21 =	vld [tilespmem:s13+$0xFFFFFFC0];
	v5 =	vmul.f32 v14, v14;
	v14 =	vmul.f32 v15, v15;
	v11 =	vmax.f32 v0, $1.000000000e-30  }
0x50e: {  	v22 =	vld [tilespmem:s13+$0xFFFFFFD0];
	v2 =	vadd.f32 v9, v2;
	v13 =	vshra.s32 v11, $0x1;
	v11 =	vmul.f32 $5.000000000e-01, v11  }
0x50f: {  	v15 =	vld [tilespmem:s13+$0xFFFFFFE0];
	v9 =	vmul.f32 v17, v17;
	v17 =	vmul.f32 v20, v20;
	v13 =	vsub.s32 $0x5F3759DF, v13  }
0x510: {  	v1 =	vadd.f32 v10, v1;
	v10 =	vmul.f32 v18, v18;
	v18 =	vld [tilespmem:s13+$0x0];
	v16 =	vmul.f32 v13, v11  }
0x511: {  	v5 =	vadd.f32 v5, v12;
	v12 =	vmul.f32 v19, v19;
	v19 =	vld [tilespmem:s13+$0x10];
	v14 =	vadd.f32 v9, v14  }
0x512: {  	v9 =	vmul.f32 v21, v21;
	v3 =	vadd.f32 v3, v17;
	v17 =	vld [tilespmem:s13+$0x20];
	v16 =	vmul.f32 v13, v16  }
0x513: {  	v12 =	vadd.f32 v12, v10;
	v10 =	vmul.f32 v22, v22  }
0x514: {  	v9 =	vadd.f32 v9, v3;
	v16 =	vsub.f32 $1.500000000e+00, v16  }
0x515: {  	v15 =	vmul.f32 v15, v15;
	v10 =	vadd.f32 v10, v4  }
0x516: {  	v57 =	vmax.f32 v9, $1.000000000e-30;
	v4 =	vmul.f32 v18, v18;
	v13 =	vmul.f32 v13, v16  }
0x517: {  	v6 =	vadd.f32 v15, v2;
	v50 =	vmul.f32 v19, v19;
	v58 =	vmul.f32 v17, v17  }
0x518: {  	v18 =	vadd.f32 v4, v5;
	v4 =	vmax.f32 v10, $1.000000000e-30;
	v16 =	vld [tilespmem:s13+$0xFFFFFFF0];
	v11 =	vmul.f32 v13, v11  }
0x519: {  	v2 =	vmul.f32 $5.000000000e-01, v57;
	v21 =	vmul.f32 $5.000000000e-01, v4;
	v4 =	vshra.s32 v4, $0x1  }
0x51a: {  	v19 =	vadd.f32 v50, v14;
	v4 =	vsub.s32 $0x5F3759DF, v4;
	v11 =	vmul.f32 v11, v13  }
0x51b: {  	v3 =	vadd.f32 v58, v12;
	v12 =	vmax.f32 v18, $1.000000000e-30;
	v26 =	vmul.f32 v4, v21  }
0x51c: {  	v23 =	vshra.s32 v12, $0x1;
	v12 =	vmul.f32 $5.000000000e-01, v12;
	v11 =	vsub.f32 $1.500000000e+00, v11  }
0x51d: {  	v20 =	vmax.f32 v3, $1.000000000e-30;
	v26 =	vmul.f32 v4, v26;
	v49 =	vmul.f32 v16, v16  }
0x51e: {  	v24 =	vshra.s32 v20, $0x1;
	v20 =	vmul.f32 $5.000000000e-01, v20;
	v16 =	vmul.f32 v11, v13  }
0x51f: {  	v23 =	vsub.s32 $0x5F3759DF, v23;
	v26 =	vsub.f32 $1.500000000e+00, v26;
	v13 =	vadd.f32 v49, v1  }
0x520: {  	v59 =	vmax.f32 v6, $1.000000000e-30;
	v32 =	vmul.f32 v23, v12;
	v0 =	vmul.f32 v16, v0  }
0x521: {  	v4 =	vmul.f32 v4, v26;
	v1 =	vmul.f32 $5.000000000e-01, v59;
	v5 =	vmax.f32 v13, $1.000000000e-30  }
0x522: {  	v16 =	vshra.s32 v57, $0x1;
	v22 =	vshra.s32 v5, $0x1;
	v14 =	vmul.f32 v0, v52  }
0x523: {  	v5 =	vmul.f32 $5.000000000e-01, v5;
	v16 =	vsub.s32 $0x5F3759DF, v16;
	v17 =	vmul.f32 v0, v7  }
0x524: {  	v25 =	vmul.f32 v16, v2;
	v22 =	vsub.s32 $0x5F3759DF, v22;
	v14 =	vmul.f32 $1.442695020e+00, v14  }
0x525: {  	v27 =	vmul.f32 v0, v53;
	v31 =	vmul.f32 v22, v5  }
0x526: {  	v17 =	vmul.f32 $1.442695020e+00, v17;
	(erf) = vpow2.f32 v14  }
0x527: {  	v30 =	vmul.f32 v0, v8;
	v31 =	vmul.f32 v22, v31  }
0x528: {  	v25 =	vmul.f32 v16, v25;
	v14 =	vshra.s32 v59, $0x1;
	(erf) = vpow2.f32 v17  }
0x529: {  	v27 =	vmul.f32 $1.442695020e+00, v27;
	v14 =	vsub.s32 $0x5F3759DF, v14;
	v31 =	vsub.f32 $1.500000000e+00, v31  }
0x52a: {  	v30 =	vmul.f32 $1.442695020e+00, v30;
	v25 =	vsub.f32 $1.500000000e+00, v25;
	v28 =	vmul.f32 v14, v1  }
0x52b: {  	v15 =	vmax.f32 v19, $1.000000000e-30;
	(erf) = vpow2.f32 v27;
	v22 =	vmul.f32 v22, v31  }
0x52c: {  	s30 =	simm.s32 $0x18040;
	v17 =	vshra.s32 v15, $0x1;
	v15 =	vmul.f32 $5.000000000e-01, v15;
	v16 =	vmul.f32 v16, v25  }
0x52d: {  	v29 =	vld [tilespmem:s30+$0xFFFFF030];
	v24 =	vsub.s32 $0x5F3759DF, v24;
	v28 =	vmul.f32 v14, v28;
	v5 =	vmul.f32 v22, v5  }
0x52e: {  	v17 =	vsub.s32 $0x5F3759DF, v17;
	v27 =	vmul.f32 v24, v20;
	v2 =	vmul.f32 v16, v2  }
0x52f: {  	v34 =	vmul.f32 v17, v15;
	v28 =	vsub.f32 $1.500000000e+00, v28;
	v5 =	vmul.f32 v5, v22;
	v33 =	vpop (erf)  }
0x530: {  	(erf) = vpow2.f32 v30;
	v2 =	vmul.f32 v2, v16;
	v33 =	vsub.f32 $1.000000000e+00, v33  }
0x531: {  	v27 =	vmul.f32 v24, v27;
	v14 =	vmul.f32 v14, v28;
	v5 =	vsub.f32 $1.500000000e+00, v5;
	v35 =	vpop (erf)  }
0x532: {  	v2 =	vsub.f32 $1.500000000e+00, v2;
	v29 =	vmul.f32 v35, v29;
	v30 =	vmul.f32 v33, v55  }
0x533: {  	v1 =	vmul.f32 v14, v1;
	v5 =	vmul.f32 v5, v22  }
0x534: {  	v60 =	vmul.f32 v17, v34;
	v2 =	vmul.f32 v2, v16;
	v28 =	vpop (erf);
	v29 =	vadd.f32 v30, v29  }
0x535: {  	s24 =	simm.s32 $0x1A0C0;
	v28 =	vsub.f32 $1.000000000e+00, v28;
	v1 =	vmul.f32 v1, v14;
	v13 =	vmul.f32 v5, v13  }
0x536: {  	v33 =	vsub.f32 $1.500000000e+00, v27;
	v30 =	vmul.f32 v23, v32;
	[tilespmem:s24+$0xFFFFFFB0] =	vst v29;
	v29 =	vmul.f32 v0, v54  }
0x537: {  	v27 =	vmul.f32 v28, v56;
	v1 =	vsub.f32 $1.500000000e+00, v1;
	v0 =	vmul.f32 v0, v51  }
0x538: {  	v38 =	vmul.f32 v13, v52;
	v25 =	vld [tilespmem:s30+$0x30];
	v26 =	vmul.f32 $1.442695020e+00, v29;
	v29 =	vsub.f32 $1.500000000e+00, v30  }
0x539: {  	v1 =	vmul.f32 v1, v14;
	v0 =	vmul.f32 $1.442695020e+00, v0  }
0x53a: {  	(erf) = vpow2.f32 v26;
	v26 =	vsub.f32 $1.500000000e+00, v60;
	v23 =	vmul.f32 v23, v29  }
0x53b: {  	(erf) = vpow2.f32 v0;
	v0 =	vmul.f32 v24, v33  }
0x53c: {  	v29 =	vpop (erf);
	v26 =	vmul.f32 v17, v26;
	v17 =	vmul.f32 v4, v21  }
0x53d: {  	v25 =	vmul.f32 v29, v25;
	v20 =	vmul.f32 v0, v20  }
0x53e: {  	v15 =	vmul.f32 v26, v15;
	v17 =	vmul.f32 v17, v4  }
0x53f: {  	v14 =	vmul.f32 v2, v9;
	v20 =	vmul.f32 v20, v0  }
0x540: {  	v21 =	vadd.f32 v27, v25;
	v15 =	vmul.f32 v15, v26;
	v25 =	vsub.f32 $1.500000000e+00, v17  }
0x541: {  	v34 =	vmul.f32 v14, v52;
	v12 =	vmul.f32 v23, v12;
	v20 =	vsub.f32 $1.500000000e+00, v20  }
0x542: {  	v44 =	vmul.f32 v14, v53;
	[tilespmem:s24+$0x30] =	vst v21;
	v4 =	vmul.f32 v25, v4;
	v15 =	vsub.f32 $1.500000000e+00, v15  }
0x543: {  	v12 =	vmul.f32 v12, v23;
	v21 =	vld [tilespmem:s30+$0x1030];
	v0 =	vmul.f32 v20, v0  }
0x544: {  	v22 =	vmul.f32 v15, v26;
	v15 =	vmul.f32 v4, v10  }
0x545: {  	v62 =	vmov v7;
	v9 =	vmul.f32 v0, v3;
	v0 =	vmul.f32 $1.442695020e+00, v34  }
0x546: {  	v12 =	vsub.f32 $1.500000000e+00, v12;
	v24 =	vpop (erf);
	v3 =	vmul.f32 $1.442695020e+00, v38;
	v35 =	vmul.f32 v15, v52  }
0x547: {  	v17 =	vsub.f32 $1.000000000e+00, v24;
	v24 =	vpop (erf);
	v20 =	vmul.f32 v15, v62;
	v45 =	vmul.f32 v15, v53  }
0x548: {  	v16 =	vmul.f32 v24, v21;
	v21 =	vmul.f32 v12, v23  }
0x549: {  	v12 =	vmul.f32 v1, v6;
	v6 =	vmul.f32 v22, v19  }
0x54a: {  	v19 =	vmul.f32 v14, v62;
	v22 =	vmul.f32 v13, v62  }
0x54b: {  	v36 =	vmov v8;
	v25 =	vmul.f32 v9, v62;
	(erf) = vpow2.f32 v0  }
0x54c: {  	v0 =	vmul.f32 $1.442695020e+00, v44;
	v29 =	vmul.f32 v9, v36  }
0x54d: {  	v1 =	vmul.f32 $1.442695020e+00, v35;
	v40 =	vmul.f32 $1.442695020e+00, v20  }
0x54e: {  	[tilespmem:$0x1FE90] =	vst v16;
	v16 =	vmul.f32 v17, v42;
	v10 =	vmul.f32 v21, v18  }
0x54f: {  	v37 =	vmul.f32 v12, v52;
	v5 =	vmul.f32 v6, v52  }
0x550: {  	v18 =	vmul.f32 v9, v52;
	v21 =	vmul.f32 v12, v62  }
0x551: {  	v24 =	vmul.f32 v6, v62;
	v39 =	vmul.f32 $1.442695020e+00, v19  }
0x552: {  	v43 =	vmul.f32 $1.442695020e+00, v22;
	v46 =	vmul.f32 v12, v53  }
0x553: {  	v19 =	vmul.f32 v13, v53;
	v22 =	vmul.f32 v15, v36  }
0x554: {  	v27 =	vmul.f32 v6, v36;
	v29 =	vmul.f32 $1.442695020e+00, v29  }
0x555: {  	v44 =	vmul.f32 v6, v54;
	(erf) = vpow2.f32 v1  }
0x556: {  	v1 =	vmul.f32 $1.442695020e+00, v45;
	v45 =	vmul.f32 v9, v54  }
0x557: {  	v4 =	vmul.f32 v10, v52;
	v2 =	vmul.f32 $1.442695020e+00, v37  }
0x558: {  	v5 =	vmul.f32 $1.442695020e+00, v5;
	v18 =	vmul.f32 $1.442695020e+00, v18  }
0x559: {  	v23 =	vmul.f32 v10, v62;
	v41 =	vmul.f32 $1.442695020e+00, v21  }
0x55a: {  	v20 =	vmul.f32 v10, v53;
	v19 =	vmul.f32 $1.442695020e+00, v19  }
0x55b: {  	v21 =	vmul.f32 v14, v36;
	v26 =	vmul.f32 v10, v36  }
0x55c: {  	v22 =	vmul.f32 $1.442695020e+00, v22;
	v27 =	vmul.f32 $1.442695020e+00, v27  }
0x55d: {  	v4 =	vmul.f32 $1.442695020e+00, v4;
	(erf) = vpow2.f32 v2  }
0x55e: {  	v2 =	vmul.f32 $1.442695020e+00, v46;
	v20 =	vmul.f32 $1.442695020e+00, v20  }
0x55f: {  	v21 =	vmul.f32 $1.442695020e+00, v21;
	v26 =	vmul.f32 $1.442695020e+00, v26  }
0x560: {  	v46 =	vmul.f32 $1.442695020e+00, v45;
	(erf) = vpow2.f32 v3  }
0x561: {  	(erf) = vpow2.f32 v4;
	v4 =	vmul.f32 $1.442695020e+00, v23  }
0x562: {  	v23 =	vmul.f32 v12, v36;
	(erf) = vpow2.f32 v5  }
0x563: {  	v5 =	vmul.f32 $1.442695020e+00, v24;
	v24 =	vmul.f32 v13, v36  }
0x564: {  	(erf) = vpow2.f32 v18;
	v18 =	vmul.f32 $1.442695020e+00, v25  }
0x565: {  	v47 =	vpop (erf);
	v23 =	vmul.f32 $1.442695020e+00, v23;
	(erf) = vpow2.f32 v39  }
0x566: {  	v49 =	vsub.f32 $1.000000000e+00, v47;
	v47 =	vmul.f32 v14, v51;
	(erf) = vpow2.f32 v40  }
0x567: {  	v24 =	vmul.f32 $1.442695020e+00, v24;
	(erf) = vpow2.f32 v41  }
0x568: {  	(erf) = vpow2.f32 v43;
	v43 =	vmul.f32 v12, v54  }
0x569: {  	v12 =	vmul.f32 v12, v51;
	(erf) = vpow2.f32 v4  }
0x56a: {  	(erf) = vpow2.f32 v5;
	v5 =	vmul.f32 v6, v53  }
0x56b: {  	v32 =	vmul.f32 $1.442695020e+00, v43;
	v6 =	vmul.f32 v6, v51  }
0x56c: {  	v4 =	vpop (erf);
	v12 =	vmul.f32 $1.442695020e+00, v12;
	(erf) = vpow2.f32 v18  }
0x56d: {  	v25 =	vpop (erf);
	v18 =	vmul.f32 v9, v53;
	v5 =	vmul.f32 $1.442695020e+00, v5  }
0x56e: {  	v28 =	vpop (erf);
	v25 =	vsub.f32 $1.000000000e+00, v25;
	(erf) = vpow2.f32 v0;
	v6 =	vmul.f32 $1.442695020e+00, v6  }
0x56f: {  	v57 =	vsub.f32 $1.000000000e+00, v4;
	v48 =	vpop (erf);
	v18 =	vmul.f32 $1.442695020e+00, v18;
	(erf) = vpow2.f32 v1  }
0x570: {  	s25 =	simm.s32 $0x120C0;
	[tilespmem:$0x1FEA0] =	vst v16;
	v28 =	vsub.f32 $1.000000000e+00, v28;
	v50 =	vpop (erf);
	v1 =	vmul.f32 v49, v55;
	v25 =	vmul.f32 v25, v55  }
0x571: {  	(erf) = vpow2.f32 v2;
	v3 =	vsub.f32 $1.000000000e+00, v50;
	v50 =	vmul.f32 v9, v51;
	v9 =	vld [tilespmem:s25+$0x30]  }
0x572: {  	v0 =	vsub.f32 $1.000000000e+00, v48;
	v2 =	vmul.f32 v57, v55;
	(erf) = vpow2.f32 v19;
	v19 =	vld [tilespmem:s30+$0xFFFFEFC0]  }
0x573: {  	v58 =	vld [tilespmem:s30+$0xFFFFF000];
	v4 =	vpop (erf);
	v28 =	vmul.f32 v28, v55;
	(erf) = vpow2.f32 v20  }
0x574: {  	v30 =	vpop (erf);
	v4 =	vsub.f32 $1.000000000e+00, v4;
	v0 =	vmul.f32 v0, v55;
	v20 =	vld [tilespmem:s30+$0xFFFFEFD0];
	(erf) = vpow2.f32 v5  }
0x575: {  	v59 =	vld [tilespmem:s30+$0xFFFFF010];
	v31 =	vpop (erf);
	v3 =	vmul.f32 v3, v55;
	(erf) = vpow2.f32 v18  }
0x576: {  	v5 =	vld [tilespmem:s30+$0xFFFFEFE0];
	v40 =	vpop (erf);
	v4 =	vmul.f32 v4, v55;
	(erf) = vpow2.f32 v21  }
0x577: {  	v9 =	vmul.f32 v9, v9;
	v19 =	vmul.f32 v30, v19  }
0x578: {  	v18 =	vld [tilespmem:s30+$0xFFFFEFF0];
	v41 =	vpop (erf);
	(erf) = vpow2.f32 v22;
	v22 =	vmul.f32 v14, v54  }
0x579: {  	v60 =	vld [tilespmem:s30+$0xFFFFF020];
	v30 =	vpop (erf);
	v14 =	vmul.f32 v15, v51;
	v20 =	vmul.f32 v31, v20  }
0x57a: {  	v31 =	vpop (erf);
	v30 =	vmul.f32 v30, v58;
	(erf) = vpow2.f32 v23  }
0x57b: {  	v5 =	vmul.f32 v40, v5;
	v31 =	vmul.f32 v31, v59  }
0x57c: {  	v21 =	vpop (erf);
	(erf) = vpow2.f32 v24;
	v24 =	vmul.f32 v15, v54  }
0x57d: {  	v22 =	vmul.f32 $1.442695020e+00, v22;
	v18 =	vmul.f32 v41, v18  }
0x57e: {  	v43 =	vld [tilespmem:s25+$0x0];
	v21 =	vmul.f32 v21, v60;
	(erf) = vpow2.f32 v26  }
0x57f: {  	v1 =	vadd.f32 v1, v19;
	v23 =	vpop (erf);
	(erf) = vpow2.f32 v27;
	v27 =	vmul.f32 v13, v54  }
0x580: {  	s31 =	simm.s32 $0x110C0;
	v2 =	vadd.f32 v2, v20;
	v24 =	vmul.f32 $1.442695020e+00, v24;
	v13 =	vmul.f32 v13, v51  }
0x581: {  	v58 =	vld [tilespmem:s31+$0xFFFFFFD0];
	v0 =	vadd.f32 v0, v30;
	v26 =	vpop (erf);
	[tilespmem:s24+$0xFFFFFF40] =	vst v1;
	v1 =	vmul.f32 $1.442695020e+00, v47;
	(erf) = vpow2.f32 v29  }
0x582: {  	v48 =	vld [tilespmem:s31+$0x30];
	v29 =	vmul.f32 v10, v54;
	v10 =	vmul.f32 v10, v51;
	[tilespmem:s24+$0xFFFFFF50] =	vst v2  }
0x583: {  	v59 =	vld [tilespmem:s25+$0xFFFFFFD0];
	v5 =	vadd.f32 v25, v5;
	[tilespmem:s24+$0xFFFFFF80] =	vst v0;
	v2 =	vmul.f32 $1.442695020e+00, v50;
	v0 =	vmul.f32 v43, v43  }
0x584: {  	v60 =	vld [tilespmem:s25+$0xFFFFFFE0];
	v20 =	vpop (erf);
	v19 =	vmul.f32 $1.442695020e+00, v27;
	(erf) = vpow2.f32 v22  }
0x585: {  	s28 =	simm.s32 $0x130C0;
	v11 =	vmovc v54;
	v8 =	vmov v51;
	v15 =	vld [tilespmem:s30+$0xFFFFFFC0];
	[tilespmem:s24+$0xFFFFFF60] =	vst v5;
	v5 =	vmul.f32 $1.442695020e+00, v14;
	v54 =	vmul.f32 $1.442695020e+00, v13  }
0x586: {  	v18 =	vadd.f32 v28, v18;
	v49 =	vpop (erf);
	v14 =	vld [tilespmem:s28+$0x30];
	v33 =	vmul.f32 v58, v58;
	v27 =	vmul.f32 $1.442695020e+00, v29  }
0x587: {  	v4 =	vadd.f32 v4, v21;
	v22 =	vld [tilespmem:s30+$0xFFFFFFD0];
	v29 =	vmul.f32 $1.442695020e+00, v44;
	v51 =	vpop (erf);
	(erf) = vpow2.f32 v24  }
0x588: {  	v3 =	vadd.f32 v3, v31;
	v13 =	vld [tilespmem:s30+$0x0];
	v10 =	vmul.f32 $1.442695020e+00, v10;
	v37 =	vpop (erf);
	(erf) = vpow2.f32 v32  }
0x589: {  	v17 =	vmov v55;
	v28 =	vld [tilespmem:s30+$0xFFFFFFE0];
	[tilespmem:s24+$0xFFFFFF70] =	vst v18;
	v38 =	vpop (erf);
	(erf) = vpow2.f32 v19;
	v19 =	vmul.f32 v48, v48  }
0x58a: {  	v21 =	vsub.f32 $1.000000000e+00, v23;
	[tilespmem:s24+$0xFFFFFF90] =	vst v3;
	v3 =	vmul.f32 v59, v59;
	v18 =	vld [tilespmem:s30+$0xFFFFFFF0];
	v34 =	vmul.f32 v60, v60;
	v55 =	vpop (erf)  }
0x58b: {  	[tilespmem:s24+$0xFFFFFFA0] =	vst v4;
	(erf) = vpow2.f32 v27;
	v4 =	vpop (erf);
	v9 =	vadd.f32 v9, v19;
	v14 =	vmul.f32 v14, v14  }
0x58c: {  	v40 =	vld [tilespmem:s31+$0xFFFFFFF0];
	v30 =	vsub.f32 $1.000000000e+00, v26;
	(erf) = vpow2.f32 v29;
	v25 =	vmul.f32 v55, v15;
	v23 =	vpop (erf)  }
0x58d: {  	v47 =	vld [tilespmem:s28+$0xFFFFFFC0];
	v24 =	vmul.f32 v4, v22;
	v19 =	vpop (erf);
	(erf) = vpow2.f32 v46;
	v9 =	vadd.f32 v14, v9  }
0x58e: {  	v14 =	vsub.f32 $1.000000000e+00, v20;
	v26 =	vmul.f32 v23, v28;
	v28 =	vmul.f32 v30, v56;
	v57 =	vpop (erf)  }
0x58f: {  	v27 =	vld [tilespmem:s30+$0x10];
	v22 =	vmul.f32 v19, v18;
	v23 =	vmul.f32 v57, v13  }
0x590: {  	v44 =	vld [tilespmem:s31+$0x20];
	v15 =	vpop (erf);
	v13 =	vmax.f32 v9, $1.000000000e-30;
	(erf) = vpow2.f32 v1;
	v30 =	vmul.f32 v14, v56  }
0x591: {  	v29 =	vld [tilespmem:s30+$0x20];
	v14 =	vsub.f32 $1.000000000e+00, v51;
	v20 =	vshra.s32 v13, $0x1;
	v13 =	vmul.f32 $5.000000000e-01, v13  }
0x592: {  	v4 =	vld [tilespmem:s25+$0xFFFFFFC0];
	v1 =	vmul.f32 v40, v40;
	v51 =	vmul.f32 v47, v47;
	v39 =	vsub.s32 $0x5F3759DF, v20  }
0x593: {  	v46 =	vld [tilespmem:s31+$0xFFFFFFC0];
	(erf) = vpow2.f32 v5;
	v20 =	vmul.f32 v39, v13  }
0x594: {  	v19 =	vmul.f32 v15, v27;
	v5 =	vld [tilespmem:s25+$0xFFFFFFF0];
	(erf) = vpow2.f32 v12  }
0x595: {  	v18 =	vpop (erf);
	v12 =	vld [tilespmem:s31+$0x0];
	(erf) = vpow2.f32 v54;
	v27 =	vmul.f32 v39, v20  }
0x596: {  	v15 =	vld [tilespmem:s31+$0xFFFFFFE0];
	v18 =	vmul.f32 v18, v29;
	(erf) = vpow2.f32 v10  }
0x597: {  	v32 =	vmul.f32 v14, v56;
	v20 =	vpop (erf);
	v14 =	vsub.f32 $1.500000000e+00, v27;
	(erf) = vpow2.f32 v6;
	v6 =	vld [tilespmem:s25+$0x10]  }
0x598: {  	v29 =	vmul.f32 v21, v56;
	v21 =	vsub.f32 $1.000000000e+00, v49;
	v4 =	vmul.f32 v4, v4;
	v10 =	vld [tilespmem:s31+$0x10]  }
0x599: {  	v48 =	vld [tilespmem:s28+$0xFFFFFFD0];
	v5 =	vmul.f32 v5, v5;
	v14 =	vmul.f32 v39, v14  }
0x59a: {  	v41 =	vsub.f32 $1.000000000e+00, v37;
	v40 =	vld [tilespmem:s28+$0xFFFFFFF0];
	v31 =	vmul.f32 v21, v56;
	v12 =	vmul.f32 v12, v12  }
0x59b: {  	v54 =	vld [tilespmem:s28+$0x20];
	v15 =	vmul.f32 v15, v15;
	v1 =	vadd.f32 v5, v1;
	v13 =	vmul.f32 v14, v13  }
0x59c: {  	v0 =	vadd.f32 v0, v12;
	v12 =	vld [tilespmem:s28+$0x10];
	v5 =	vmul.f32 v6, v6;
	v6 =	vmul.f32 v46, v46  }
0x59d: {  	v45 =	vld [tilespmem:s25+$0x20];
	v3 =	vadd.f32 v3, v33;
	v27 =	vmul.f32 v41, v56;
	v10 =	vmul.f32 v10, v10  }
0x59e: {  	v21 =	vpop (erf);
	(erf) = vpow2.f32 v2;
	v13 =	vmul.f32 v13, v14;
	v4 =	vadd.f32 v4, v6  }
0x59f: {  	v49 =	vld [tilespmem:s28+$0xFFFFFFE0];
	v2 =	vmul.f32 v44, v44;
	v5 =	vadd.f32 v5, v10;
	v10 =	vmul.f32 v48, v48  }
0x5a0: {  	v57 =	vmul.f32 v54, v54;
	v13 =	vsub.f32 $1.500000000e+00, v13;
	v39 =	vadd.f32 v51, v4  }
0x5a1: {  	v50 =	vld [tilespmem:s28+$0x0];
	v4 =	vmul.f32 v40, v40;
	v40 =	vadd.f32 v10, v3;
	v10 =	vmul.f32 v12, v12  }
0x5a2: {  	v15 =	vadd.f32 v34, v15;
	v13 =	vmul.f32 v13, v14;
	v14 =	vmul.f32 v45, v45  }
0x5a3: {  	v48 =	vadd.f32 v4, v1;
	v4 =	vmax.f32 v39, $1.000000000e-30;
	v12 =	vmax.f32 v40, $1.000000000e-30  }
0x5a4: {  	v6 =	vmovc v42;
	v42 =	vmul.f32 v13, v9;
	v9 =	vmul.f32 v49, v49;
	v44 =	vshra.s32 v12, $0x1  }
0x5a5: {  	v63 =	vmovc v53;
	v7 =	vmovc v56;
	v2 =	vadd.f32 v14, v2;
	v45 =	vmul.f32 $5.000000000e-01, v12;
	v44 =	vsub.s32 $0x5F3759DF, v44  }
0x5a6: {  	v16 =	vmovc v36;
	v55 =	vmul.f32 v42, v52;
	v41 =	vadd.f32 v9, v15;
	v9 =	vmul.f32 v50, v50  }
0x5a7: {  	v35 =	vpop (erf);
	v56 =	vmul.f32 v42, v62;
	v50 =	vadd.f32 v10, v5;
	v51 =	vadd.f32 v57, v2  }
0x5a8: {  	v36 =	vpop (erf);
	v2 =	vshra.s32 v4, $0x1;
	v4 =	vmul.f32 $5.000000000e-01, v4;
	v53 =	vmul.f32 v42, v53  }
0x5a9: {  	v37 =	vpop (erf);
	v5 =	vmax.f32 v48, $1.000000000e-30;
	v60 =	vmul.f32 v42, v16;
	v3 =	vmul.f32 $1.442695020e+00, v55  }
0x5aa: {  	v33 =	vpop (erf);
	v47 =	vshra.s32 v5, $0x1;
	v49 =	vadd.f32 v9, v0;
	v1 =	vmul.f32 $1.442695020e+00, v56  }
0x5ab: {  	v34 =	vpop (erf);
	v5 =	vmul.f32 $5.000000000e-01, v5;
	v2 =	vsub.s32 $0x5F3759DF, v2;
	(erf) = vpow2.f32 v3  }
0x5ac: {  	v53 =	vmul.f32 $1.442695020e+00, v53;
	v9 =	vpop (erf);
	v59 =	vmax.f32 v49, $1.000000000e-30;
	(erf) = vpow2.f32 v1  }
0x5ad: {  	v61 =	vmovc v52;
	v52 =	vshra.s32 v59, $0x1;
	v0 =	vmul.f32 $5.000000000e-01, v59;
	v59 =	vmul.f32 v2, v4  }
0x5ae: {  	v10 =	vpop (erf);
	(erf) = vpow2.f32 v53;
	v53 =	vmul.f32 v44, v45  }
0x5af: {  	v58 =	vmax.f32 v41, $1.000000000e-30;
	v43 =	vmax.f32 v51, $1.000000000e-30;
	v15 =	vpop (erf);
	v59 =	vmul.f32 v2, v59  }
0x5b0: {  	v56 =	vmul.f32 $1.442695020e+00, v60;
	v1 =	vmax.f32 v50, $1.000000000e-30;
	v12 =	vpop (erf);
	v53 =	vmul.f32 v44, v53  }
0x5b1: {  	s9 =	simm.s32 $0x180C0;
	v57 =	vmul.f32 $5.000000000e-01, v43;
	v54 =	vshra.s32 v1, $0x1;
	[tilespmem:$0x1FE60] =	vst v12;
	v59 =	vsub.f32 $1.500000000e+00, v59  }
0x5b2: {  	v1 =	vmul.f32 $5.000000000e-01, v1;
	v52 =	vsub.s32 $0x5F3759DF, v52;
	v12 =	vpop (erf);
	v55 =	vld [tilespmem:s9+$0xFFFFF030];
	v53 =	vsub.f32 $1.500000000e+00, v53  }
0x5b3: {  	v47 =	vsub.s32 $0x5F3759DF, v47;
	v14 =	vpop (erf);
	v2 =	vmul.f32 v2, v59;
	v59 =	vmul.f32 v52, v0  }
0x5b4: {  	v3 =	vmul.f32 $5.000000000e-01, v58;
	v54 =	vsub.s32 $0x5F3759DF, v54;
	v13 =	vpop (erf);
	v44 =	vmul.f32 v44, v53  }
0x5b5: {  	v46 =	vshra.s32 v58, $0x1;
	v53 =	vmul.f32 v54, v1;
	v58 =	vpop (erf);
	v59 =	vmul.f32 v52, v59  }
0x5b6: {  	(erf) = vpow2.f32 v56;
	v4 =	vmul.f32 v2, v4;
	v58 =	vsub.f32 $1.000000000e+00, v58;
	v60 =	vpop (erf)  }
0x5b7: {  	v53 =	vmul.f32 v54, v53;
	v55 =	vmul.f32 v60, v55;
	v59 =	vsub.f32 $1.500000000e+00, v59  }
0x5b8: {  	v46 =	vsub.s32 $0x5F3759DF, v46;
	v4 =	vmul.f32 v4, v2;
	v60 =	vmul.f32 v58, v17  }
0x5b9: {  	v58 =	vmul.f32 v46, v3;
	v53 =	vsub.f32 $1.500000000e+00, v53;
	v52 =	vmul.f32 v52, v59  }
0x5ba: {  	v4 =	vsub.f32 $1.500000000e+00, v4;
	v55 =	vadd.f32 v60, v55;
	v60 =	vmul.f32 v47, v5  }
0x5bb: {  	v43 =	vshra.s32 v43, $0x1;
	v58 =	vmul.f32 v46, v58;
	v53 =	vmul.f32 v54, v53  }
0x5bc: {  	v43 =	vsub.s32 $0x5F3759DF, v43;
	v0 =	vmul.f32 v52, v0;
	v2 =	vmul.f32 v4, v2  }
0x5bd: {  	s12 =	simm.s32 $0x1A2C0;
	[tilespmem:$0x1FE70] =	vst v13;
	v56 =	vmul.f32 v47, v60;
	v58 =	vsub.f32 $1.500000000e+00, v58;
	v60 =	vmul.f32 v42, v11  }
0x5be: {  	[tilespmem:s12+$0xFFFFFFB0] =	vst v55;
	v55 =	vmul.f32 v43, v57;
	v42 =	vmul.f32 v42, v8  }
0x5bf: {  	v56 =	vsub.f32 $1.500000000e+00, v56;
	v58 =	vmul.f32 v46, v58;
	v46 =	vmul.f32 $1.442695020e+00, v60  }
0x5c0: {  	v38 =	vsub.f32 $1.000000000e+00, v38;
	v1 =	vmul.f32 v53, v1;
	v42 =	vmul.f32 $1.442695020e+00, v42  }
0x5c1: {  	v56 =	vmul.f32 v47, v56;
	v47 =	vld [tilespmem:s9+$0x30];
	(erf) = vpow2.f32 v46  }
0x5c2: {  	v46 =	vmul.f32 v38, v7;
	v38 =	vmul.f32 v43, v55  }
0x5c3: {  	v0 =	vmul.f32 v0, v52;
	v3 =	vmul.f32 v58, v3  }
0x5c4: {  	v1 =	vmul.f32 v1, v53;
	v60 =	vpop (erf);
	(erf) = vpow2.f32 v42;
	v38 =	vsub.f32 $1.500000000e+00, v38  }
0x5c5: {  	v55 =	vsub.f32 $1.000000000e+00, v60;
	v60 =	vpop (erf);
	v5 =	vmul.f32 v56, v5;
	v3 =	vmul.f32 v3, v58  }
0x5c6: {  	v38 =	vmul.f32 v43, v38;
	v42 =	vmul.f32 v60, v47  }
0x5c7: {  	v0 =	vsub.f32 $1.500000000e+00, v0;
	v60 =	vmul.f32 v55, v7;
	v55 =	vmul.f32 v44, v45  }
0x5c8: {  	v1 =	vsub.f32 $1.500000000e+00, v1;
	v5 =	vmul.f32 v5, v56;
	v59 =	vmul.f32 v38, v57  }
0x5c9: {  	v0 =	vmul.f32 v0, v52;
	v3 =	vsub.f32 $1.500000000e+00, v3;
	v43 =	vmul.f32 v55, v44  }
0x5ca: {  	v1 =	vmul.f32 v1, v53;
	v4 =	vsub.f32 $1.500000000e+00, v5;
	v45 =	vmul.f32 v59, v38  }
0x5cb: {  	v3 =	vmul.f32 v3, v58;
	v42 =	vadd.f32 v60, v42;
	v43 =	vsub.f32 $1.500000000e+00, v43  }
0x5cc: {  	v4 =	vmul.f32 v4, v56;
	v54 =	vsub.f32 $1.500000000e+00, v45;
	v45 =	vmul.f32 v2, v39  }
0x5cd: {  	v5 =	vmul.f32 v43, v44;
	v44 =	vmul.f32 v3, v41  }
0x5ce: {  	[tilespmem:s12+$0x30] =	vst v42;
	v41 =	vmul.f32 v0, v49;
	v55 =	vmul.f32 v54, v38  }
0x5cf: {  	v42 =	vld [tilespmem:s9+$0x1030];
	v38 =	vmul.f32 v1, v50;
	v56 =	vmul.f32 v45, v61  }
0x5d0: {  	v43 =	vmul.f32 v5, v40;
	v40 =	vmul.f32 v4, v48  }
0x5d1: {  	v58 =	vmul.f32 v44, v61;
	v4 =	vmul.f32 v41, v61  }
0x5d2: {  	v31 =	vadd.f32 v31, v22;
	v47 =	vpop (erf);
	v22 =	vmul.f32 v41, v11;
	v39 =	vmul.f32 v55, v51  }
0x5d3: {  	v60 =	vpop (erf);
	v5 =	vmul.f32 v38, v61;
	v0 =	vmul.f32 $1.442695020e+00, v56  }
0x5d4: {  	v51 =	vmul.f32 v44, v62;
	v42 =	vmul.f32 v60, v42  }
0x5d5: {  	v57 =	vmul.f32 v43, v61;
	v59 =	vmul.f32 v40, v61  }
0x5d6: {  	v2 =	vmul.f32 $1.442695020e+00, v58;
	v4 =	vmul.f32 $1.442695020e+00, v4  }
0x5d7: {  	v50 =	vmul.f32 v43, v62;
	v58 =	vmul.f32 v41, v62  }
0x5d8: {  	v25 =	vadd.f32 v29, v25;
	v29 =	vmul.f32 v43, v11;
	v22 =	vmul.f32 $1.442695020e+00, v22  }
0x5d9: {  	v60 =	vmul.f32 v39, v61;
	v5 =	vmul.f32 $1.442695020e+00, v5  }
0x5da: {  	v61 =	vmul.f32 v45, v62;
	(erf) = vpow2.f32 v0  }
0x5db: {  	v56 =	vmul.f32 $1.442695020e+00, v51;
	v1 =	vmul.f32 $1.442695020e+00, v57  }
0x5dc: {  	v3 =	vmul.f32 $1.442695020e+00, v59;
	v57 =	vmul.f32 v40, v62  }
0x5dd: {  	v59 =	vmul.f32 v38, v62;
	v29 =	vmul.f32 $1.442695020e+00, v29  }
0x5de: {  	v48 =	vmul.f32 $1.442695020e+00, v60;
	v60 =	vmul.f32 v39, v62  }
0x5df: {  	v61 =	vmul.f32 $1.442695020e+00, v61;
	(erf) = vpow2.f32 v1  }
0x5e0: {  	v62 =	vmul.f32 $1.442695020e+00, v50;
	(erf) = vpow2.f32 v2  }
0x5e1: {  	v57 =	vmul.f32 $1.442695020e+00, v57;
	(erf) = vpow2.f32 v3  }
0x5e2: {  	(erf) = vpow2.f32 v4;
	v4 =	vmul.f32 $1.442695020e+00, v58  }
0x5e3: {  	v58 =	vmul.f32 $1.442695020e+00, v60;
	v60 =	vmul.f32 v43, v63  }
0x5e4: {  	(erf) = vpow2.f32 v5;
	v5 =	vmul.f32 $1.442695020e+00, v59  }
0x5e5: {  	v59 =	vmul.f32 v45, v63;
	(erf) = vpow2.f32 v48  }
0x5e6: {  	v1 =	vmul.f32 $1.442695020e+00, v60;
	(erf) = vpow2.f32 v61  }
0x5e7: {  	v61 =	vmul.f32 v44, v63;
	v0 =	vmul.f32 $1.442695020e+00, v59  }
0x5e8: {  	v59 =	vmul.f32 v43, v16;
	(erf) = vpow2.f32 v62  }
0x5e9: {  	v49 =	vpop (erf);
	v62 =	vmul.f32 v40, v63;
	(erf) = vpow2.f32 v56  }
0x5ea: {  	v49 =	vsub.f32 $1.000000000e+00, v49;
	v2 =	vmul.f32 $1.442695020e+00, v61;
	v56 =	vmul.f32 v44, v16  }
0x5eb: {  	v59 =	vmul.f32 $1.442695020e+00, v59;
	(erf) = vpow2.f32 v57  }
0x5ec: {  	v3 =	vmul.f32 $1.442695020e+00, v62;
	v49 =	vmul.f32 v49, v17  }
0x5ed: {  	(erf) = vpow2.f32 v4;
	v4 =	vmul.f32 v41, v63  }
0x5ee: {  	v50 =	vpop (erf);
	v56 =	vmul.f32 $1.442695020e+00, v56;
	(erf) = vpow2.f32 v5  }
0x5ef: {  	[tilespmem:$0x1FE80] =	vst v63;
	v50 =	vsub.f32 $1.000000000e+00, v50;
	v5 =	vmul.f32 v38, v63;
	v63 =	vmul.f32 v39, v63  }
0x5f0: {  	v48 =	vpop (erf);
	(erf) = vpow2.f32 v58;
	v4 =	vmul.f32 $1.442695020e+00, v4  }
0x5f1: {  	v48 =	vsub.f32 $1.000000000e+00, v48;
	v58 =	vmul.f32 v45, v16;
	v50 =	vmul.f32 v50, v17  }
0x5f2: {  	v52 =	vpop (erf);
	(erf) = vpow2.f32 v0;
	v5 =	vmul.f32 $1.442695020e+00, v5  }
0x5f3: {  	v60 =	vld [tilespmem:s9+$0xFFFFEFD0];
	v53 =	vpop (erf);
	v52 =	vsub.f32 $1.000000000e+00, v52;
	v51 =	vmul.f32 $1.442695020e+00, v63;
	v48 =	vmul.f32 v48, v17  }
0x5f4: {  	v0 =	vld [tilespmem:s9+$0xFFFFEFC0];
	v54 =	vpop (erf);
	v53 =	vsub.f32 $1.000000000e+00, v53;
	(erf) = vpow2.f32 v1;
	v58 =	vmul.f32 $1.442695020e+00, v58  }
0x5f5: {  	v55 =	vpop (erf);
	v54 =	vsub.f32 $1.000000000e+00, v54;
	v52 =	vmul.f32 v52, v17;
	(erf) = vpow2.f32 v2;
	v2 =	vld [tilespmem:s9+$0xFFFFEFE0]  }
0x5f6: {  	v61 =	vpop (erf);
	v53 =	vmul.f32 v53, v17;
	(erf) = vpow2.f32 v3  }
0x5f7: {  	v3 =	vld [tilespmem:s9+$0xFFFFEFF0];
	v62 =	vpop (erf);
	v54 =	vmul.f32 v54, v17;
	(erf) = vpow2.f32 v4  }
0x5f8: {  	v1 =	vmul.f32 v62, v60;
	(erf) = vpow2.f32 v5  }
0x5f9: {  	v4 =	vld [tilespmem:s9+$0xFFFFF000];
	v63 =	vpop (erf);
	v0 =	vmul.f32 v61, v0;
	(erf) = vpow2.f32 v51  }
0x5fa: {  	v51 =	vmul.f32 v40, v16;
	v2 =	vmul.f32 v63, v2  }
0x5fb: {  	v60 =	vpop (erf);
	v63 =	vmul.f32 v41, v16;
	(erf) = vpow2.f32 v58  }
0x5fc: {  	v5 =	vld [tilespmem:s9+$0xFFFFF010];
	v41 =	vmul.f32 v41, v8;
	v3 =	vmul.f32 v60, v3  }
0x5fd: {  	v24 =	vadd.f32 v28, v24;
	v61 =	vpop (erf);
	v60 =	vmul.f32 v38, v16;
	(erf) = vpow2.f32 v59  }
0x5fe: {  	v26 =	vadd.f32 v30, v26;
	v13 =	vmovc v17;
	v17 =	vld [tilespmem:$0x1FEA0];
	v51 =	vmul.f32 $1.442695020e+00, v51;
	v4 =	vmul.f32 v61, v4  }
0x5ff: {  	v32 =	vadd.f32 v32, v23;
	v61 =	vmul.f32 v39, v16;
	v57 =	vmul.f32 $1.442695020e+00, v63;
	v16 =	vld [tilespmem:$0x1FE90]  }
0x600: {  	v27 =	vadd.f32 v27, v19;
	v62 =	vpop (erf);
	(erf) = vpow2.f32 v56;
	v63 =	vmul.f32 v40, v11  }
0x601: {  	v46 =	vadd.f32 v46, v18;
	v40 =	vmul.f32 v40, v8;
	v5 =	vmul.f32 v62, v5  }
0x602: {  	v1 =	vadd.f32 v50, v1;
	v58 =	vmul.f32 $1.442695020e+00, v60;
	v62 =	vmul.f32 v44, v11  }
0x603: {  	v0 =	vadd.f32 v49, v0;
	(erf) = vpow2.f32 v51;
	v59 =	vmul.f32 $1.442695020e+00, v61  }
0x604: {  	v51 =	vmul.f32 $1.442695020e+00, v62;
	v60 =	vadd.f32 v17, v16;
	v16 =	vmul.f32 v45, v11;
	v17 =	vpop (erf)  }
0x605: {  	v56 =	vsub.f32 $1.000000000e+00, v47;
	v62 =	vmul.f32 v39, v11;
	(erf) = vpow2.f32 v57;
	v28 =	vpop (erf)  }
0x606: {  	[tilespmem:s12+$0xFFFFFF40] =	vst v0;
	v4 =	vadd.f32 v53, v4;
	v30 =	vpop (erf);
	(erf) = vpow2.f32 v58;
	v16 =	vmul.f32 $1.442695020e+00, v16  }
0x607: {  	[tilespmem:s12+$0xFFFFFF50] =	vst v1;
	v53 =	vsub.f32 $1.000000000e+00, v20;
	v1 =	vmul.f32 $1.442695020e+00, v62;
	(erf) = vpow2.f32 v59;
	v23 =	vpop (erf)  }
0x608: {  	v61 =	vld [tilespmem:s9+$0xFFFFFFC0];
	v20 =	vsub.f32 $1.000000000e+00, v35;
	v59 =	vmul.f32 $1.442695020e+00, v63;
	v49 =	vpop (erf);
	(erf) = vpow2.f32 v16  }
0x609: {  	v58 =	vadd.f32 v48, v2;
	v16 =	vld [tilespmem:s9+$0xFFFFF020];
	v50 =	vpop (erf);
	(erf) = vpow2.f32 v29;
	v29 =	vmul.f32 v38, v11  }
0x60a: {  	v5 =	vadd.f32 v54, v5;
	v62 =	vmul.f32 v43, v8;
	(erf) = vpow2.f32 v51  }
0x60b: {  	v54 =	vsub.f32 $1.000000000e+00, v37;
	[tilespmem:s12+$0xFFFFFF60] =	vst v58;
	v48 =	vpop (erf);
	(erf) = vpow2.f32 v59;
	v19 =	vmul.f32 $1.442695020e+00, v29  }
0x60c: {  	v3 =	vadd.f32 v52, v3;
	v52 =	vld [tilespmem:s9+$0xFFFFFFE0];
	v0 =	vpop (erf);
	v59 =	vmul.f32 v56, v6;
	(erf) = vpow2.f32 v22  }
0x60d: {  	v55 =	vsub.f32 $1.000000000e+00, v55;
	v18 =	vpop (erf);
	v22 =	vmul.f32 v20, v6;
	v20 =	vmul.f32 v54, v6  }
0x60e: {  	v63 =	vld [tilespmem:s9+$0xFFFFFFD0];
	v16 =	vmul.f32 v17, v16;
	v29 =	vmul.f32 v18, v61;
	v18 =	vsub.f32 $1.000000000e+00, v21  }
0x60f: {  	[tilespmem:s12+$0xFFFFFF70] =	vst v3;
	(erf) = vpow2.f32 v19;
	v51 =	vadd.f32 v59, v42;
	v59 =	vmul.f32 v39, v8;
	v19 =	vpop (erf)  }
0x610: {  	[tilespmem:s12+$0xFFFFFF80] =	vst v4;
	v17 =	vld [tilespmem:s9+$0xFFFFFFF0];
	v21 =	vsub.f32 $1.000000000e+00, v36;
	(erf) = vpow2.f32 v1;
	v18 =	vmul.f32 v18, v6;
	v4 =	vpop (erf)  }
0x611: {  	[tilespmem:s12+$0xFFFFFF90] =	vst v5;
	v1 =	vmul.f32 v55, v13;
	v3 =	vmul.f32 v4, v52;
	v4 =	vld [tilespmem:s9+$0x0]  }
0x612: {  	v57 =	vld [tilespmem:s9+$0x10];
	v58 =	vsub.f32 $1.000000000e+00, v34;
	v21 =	vmul.f32 v21, v6;
	v37 =	vmul.f32 $1.442695020e+00, v59  }
0x613: {  	v2 =	vmul.f32 v19, v63;
	v19 =	vmul.f32 v53, v6  }
0x614: {  	v63 =	vmul.f32 v44, v8;
	v5 =	vpop (erf);
	v1 =	vadd.f32 v1, v16;
	v16 =	vmul.f32 v58, v6  }
0x615: {  	v48 =	vsub.f32 $1.000000000e+00, v48;
	[tilespmem:$0x1FEB0] =	vst v13;
	v58 =	vmul.f32 v38, v8;
	v38 =	vmul.f32 $1.442695020e+00, v40;
	v61 =	vpop (erf)  }
0x616: {  	v0 =	vsub.f32 $1.000000000e+00, v0;
	v5 =	vmul.f32 v5, v17;
	[tilespmem:s12+$0xFFFFFFA0] =	vst v1;
	v35 =	vmul.f32 v61, v4;
	v4 =	vpop (erf)  }
0x617: {  	v17 =	vsub.f32 $1.000000000e+00, v33;
	[tilespmem:s24+$0xB0] =	vst v60;
	v42 =	vmul.f32 v4, v57;
	v4 =	vsub.f32 $1.000000000e+00, v30;
	v30 =	vld [tilespmem:s9+$0x20]  }
0x618: {  	[tilespmem:s24+$0xFFFFFFC0] =	vst v25;
	v25 =	vsub.f32 $1.000000000e+00, v50;
	v36 =	vmul.f32 $1.442695020e+00, v63;
	v33 =	vmul.f32 $1.442695020e+00, v41  }
0x619: {  	[tilespmem:s24+$0xFFFFFFD0] =	vst v24;
	v50 =	vmul.f32 v48, v7;
	v1 =	vsub.f32 $1.000000000e+00, v28;
	v28 =	vmul.f32 v45, v8  }
0x61a: {  	[tilespmem:s24+$0xFFFFFFE0] =	vst v26;
	v48 =	vmul.f32 v0, v7;
	v34 =	vmul.f32 $1.442695020e+00, v58;
	v24 =	vpop (erf)  }
0x61b: {  	v56 =	vsub.f32 $1.000000000e+00, v23;
	[tilespmem:s24+$0x10] =	vst v27;
	v23 =	vld [tilespmem:s30+$0xFC0];
	v17 =	vmul.f32 v17, v6;
	v60 =	vmul.f32 $1.442695020e+00, v28;
	v26 =	vpop (erf)  }
0x61c: {  	v27 =	vld [tilespmem:s30+$0x1010];
	v1 =	vmul.f32 v1, v7;
	v57 =	vsub.f32 $1.000000000e+00, v49;
	v39 =	vmul.f32 v24, v30;
	v30 =	vpop (erf)  }
0x61d: {  	[tilespmem:s24+$0xFFFFFFF0] =	vst v31;
	v28 =	vld [tilespmem:s30+$0xFE0];
	v61 =	vmul.f32 $1.442695020e+00, v62;
	v4 =	vmul.f32 v4, v7;
	v62 =	vpop (erf)  }
0x61e: {  	[tilespmem:s24+$0x20] =	vst v46;
	v1 =	vadd.f32 v1, v29;
	v29 =	vld [tilespmem:s30+$0xFF0];
	v49 =	vmul.f32 v25, v7;
	v63 =	vmul.f32 v57, v7;
	v44 =	vpop (erf)  }
0x61f: {  	[tilespmem:s24+$0x0] =	vst v32;
	v25 =	vld [tilespmem:s30+$0x1020];
	v31 =	vsub.f32 $1.000000000e+00, v26;
	v45 =	vadd.f32 v4, v2;
	v4 =	vmul.f32 v56, v7;
	v40 =	vpop (erf)  }
0x620: {  	[tilespmem:s12+$0xB0] =	vst v51;
	v26 =	vld [tilespmem:s30+$0x1000];
	v46 =	vadd.f32 v63, v5;
	(erf) = vpow2.f32 v60;
	v32 =	vsub.f32 $1.000000000e+00, v30;
	v41 =	vpop (erf)  }
0x621: {  	s14 =	simm.s32 $0x8;
	s13 =	simm.s32 $0x11140;
	[tilespmem:s12+$0xFFFFFFC0] =	vst v1;
	v24 =	vld [tilespmem:s30+$0xFD0];
	v47 =	vadd.f32 v4, v3;
	(erf) = vpow2.f32 v61;
	v30 =	vsub.f32 $1.000000000e+00, v62;
	v43 =	vpop (erf)  }
.LBB2_17:
0x622: {  	v0 =	vld [tilespmem:s13+$0x30];
	s25 =	sadd.s32 $0x80, s25  }
0x623: {  	v3 =	vld [tilespmem:s25+$0x30]  }
0x624: {  	(erf) = vpow2.f32 v36;
	s28 =	sadd.s32 $0x80, s28;
	v63 =	vld [tilespmem:s25+$0xFFFFFFC0]  }
0x625: {  	v9 =	vmul.f32 v9, v23;
	[tilespmem:s12+$0xFFFFFFD0] =	vst v45;
	v2 =	vadd.f32 v50, v42;
	v5 =	vadd.f32 v48, v39;
	v42 =	vld [tilespmem:s28+$0x30]  }
0x626: {  	[tilespmem:s12+$0xFFFFFFE0] =	vst v47;
	v23 =	vld [tilespmem:s13+$0xFFFFFFD0]  }
0x627: {  	(erf) = vpow2.f32 v38;
	[tilespmem:s12+$0x20] =	vst v5;
	v5 =	vadd.f32 v19, v9;
	v9 =	vld [tilespmem:$0x1FE60]  }
0x628: {  	v1 =	vadd.f32 v49, v35;
	[tilespmem:s12+$0xFFFFFFF0] =	vst v46;
	v47 =	vmul.f32 v14, v27;
	(erf) = vpow2.f32 v33;
	v46 =	vld [tilespmem:s25+$0xFFFFFFE0]  }
0x629: {  	v45 =	vmul.f32 v10, v24;
	v24 =	vld [tilespmem:s25+$0xFFFFFFD0];
	v10 =	vmul.f32 v15, v28  }
0x62a: {  	[tilespmem:s12+$0x0] =	vst v1;
	(erf) = vpow2.f32 v34;
	v28 =	vld [tilespmem:s13+$0xFFFFFFE0];
	v0 =	vmul.f32 v0, v0  }
0x62b: {  	[tilespmem:s24+$0x40] =	vst v5;
	v3 =	vmul.f32 v3, v3;
	v5 =	vadd.f32 v22, v10;
	v22 =	vmul.f32 v12, v26;
	v26 =	vld [tilespmem:s13+$0xFFFFFFF0];
	v13 =	vpop (erf)  }
0x62c: {  	v4 =	vsub.f32 $1.000000000e+00, v44;
	[tilespmem:s12+$0x10] =	vst v2;
	v19 =	vmul.f32 v31, v6;
	v53 =	vld [tilespmem:s13+$0xFFFFFFC0];
	v15 =	vmul.f32 v9, v29;
	v9 =	vpop (erf)  }
0x62d: {  	v10 =	vmul.f32 v42, v42;
	v48 =	vmul.f32 v23, v23;
	v23 =	vld [tilespmem:s25+$0xFFFFFFF0];
	v0 =	vadd.f32 v3, v0;
	[tilespmem:$0x1FE40] =	vst v9;
	v9 =	vpop (erf)  }
0x62e: {  	(erf) = vpow2.f32 v37;
	v2 =	vadd.f32 v18, v45;
	v12 =	vmul.f32 v24, v24;
	[tilespmem:$0x1FE50] =	vst v9;
	v9 =	vld [tilespmem:$0x1FE70]  }
0x62f: {  	v18 =	vmul.f32 v32, v6;
	[tilespmem:s24+$0x60] =	vst v5;
	v24 =	vld [tilespmem:s13+$0x0];
	v5 =	vadd.f32 v21, v15;
	v0 =	vadd.f32 v10, v0  }
0x630: {  	v29 =	vmul.f32 v63, v63;
	v50 =	vmul.f32 v28, v28;
	v28 =	vld [tilespmem:s13+$0x10];
	v27 =	vadd.f32 v12, v48  }
0x631: {  	[tilespmem:s24+$0x70] =	vst v5;
	v5 =	vadd.f32 v20, v22;
	v12 =	vmax.f32 v0, $1.000000000e-30;
	v22 =	vmul.f32 v26, v26;
	v26 =	vld [tilespmem:s25+$0x10]  }
0x632: {  	v40 =	vsub.f32 $1.000000000e+00, v40;
	v20 =	vmul.f32 v46, v46;
	v51 =	vmul.f32 $5.000000000e-01, v12;
	v57 =	vld [tilespmem:s28+$0xFFFFFFF0]  }
0x633: {  	v31 =	vshra.s32 v12, $0x1;
	v21 =	vmul.f32 v9, v25;
	v25 =	vld [tilespmem:s25+$0x0];
	[tilespmem:s24+$0x80] =	vst v5;
	v5 =	vmul.f32 v23, v23  }
0x634: {  	v3 =	vadd.f32 v20, v50;
	v24 =	vmul.f32 v24, v24;
	v23 =	vsub.s32 $0x5F3759DF, v31;
	v31 =	vld [tilespmem:s25+$0x20]  }
0x635: {  	v20 =	vld [tilespmem:s13+$0x20];
	v28 =	vmul.f32 v28, v28;
	v52 =	vmul.f32 v23, v51;
	v5 =	vadd.f32 v5, v22  }
0x636: {  	[tilespmem:s24+$0x50] =	vst v2;
	v22 =	vmul.f32 v30, v6;
	v54 =	vadd.f32 v16, v21;
	v16 =	vmul.f32 v26, v26  }
0x637: {  	v41 =	vsub.f32 $1.000000000e+00, v41;
	v55 =	vld [tilespmem:s28+$0xFFFFFFD0];
	v21 =	vmul.f32 v4, v6;
	v30 =	vmul.f32 v23, v52  }
0x638: {  	v2 =	vadd.f32 v17, v47;
	v4 =	vld [tilespmem:s28+$0xFFFFFFE0];
	v62 =	vmul.f32 v57, v57;
	v17 =	vmul.f32 v25, v25  }
0x639: {  	v25 =	vld [tilespmem:s28+$0xFFFFFFC0];
	v26 =	vsub.f32 $1.500000000e+00, v30;
	v30 =	vadd.f32 v16, v28;
	v16 =	vmul.f32 v31, v31  }
0x63a: {  	[tilespmem:s24+$0xA0] =	vst v54;
	v28 =	vmul.f32 v53, v53;
	v31 =	vld [tilespmem:s28+$0x0];
	v56 =	vadd.f32 v17, v24;
	v24 =	vmul.f32 v20, v20  }
0x63b: {  	v44 =	vsub.f32 $1.000000000e+00, v43;
	[tilespmem:s24+$0x90] =	vst v2;
	v61 =	vld [tilespmem:s28+$0x20];
	v20 =	vmul.f32 v40, v6;
	v17 =	vmul.f32 v41, v6  }
0x63c: {  	v58 =	vmul.f32 v23, v26;
	v26 =	vld [tilespmem:s28+$0x10];
	v60 =	vadd.f32 v29, v28;
	v28 =	vmul.f32 v55, v55  }
0x63d: {  	v4 =	vmul.f32 v4, v4;
	v41 =	vadd.f32 v62, v5;
	v59 =	vadd.f32 v16, v24  }
0x63e: {  	v16 =	vmul.f32 v44, v6;
	v24 =	vmul.f32 v58, v51;
	v39 =	vadd.f32 v28, v27  }
0x63f: {  	v40 =	vadd.f32 v4, v3;
	v25 =	vmul.f32 v25, v25;
	v32 =	vmul.f32 v31, v31  }
0x640: {  	v49 =	vpop (erf);
	v43 =	vmul.f32 v61, v61;
	v63 =	vmul.f32 v24, v58;
	v5 =	vmax.f32 v39, $1.000000000e-30  }
0x641: {  	[tilespmem:$0x1FE60] =	vst v49;
	v49 =	vmax.f32 v40, $1.000000000e-30;
	v37 =	vadd.f32 v25, v60;
	v38 =	vmul.f32 v26, v26  }
0x642: {  	v44 =	vadd.f32 v32, v56;
	v46 =	vadd.f32 v43, v59;
	v53 =	vshra.s32 v5, $0x1  }
0x643: {  	v5 =	vmul.f32 $5.000000000e-01, v5;
	v55 =	vshra.s32 v49, $0x1;
	v2 =	vsub.f32 $1.500000000e+00, v63  }
0x644: {  	v4 =	vmax.f32 v37, $1.000000000e-30;
	v45 =	vadd.f32 v38, v30;
	v30 =	vmax.f32 v41, $1.000000000e-30  }
0x645: {  	v50 =	vmax.f32 v44, $1.000000000e-30;
	v52 =	vmax.f32 v46, $1.000000000e-30;
	v48 =	vmul.f32 v2, v58  }
0x646: {  	v51 =	vshra.s32 v4, $0x1;
	v4 =	vmul.f32 $5.000000000e-01, v4;
	v2 =	vmul.f32 $5.000000000e-01, v49  }
0x647: {  	v62 =	vld [tilespmem:$0x1FF90];
	v56 =	vshra.s32 v30, $0x1;
	v57 =	vshra.s32 v50, $0x1;
	v43 =	vmul.f32 $5.000000000e-01, v30  }
0x648: {  	v63 =	vld [tilespmem:$0x1FFA0];
	v3 =	vmul.f32 $5.000000000e-01, v50;
	v59 =	vshra.s32 v52, $0x1;
	v49 =	vmul.f32 $5.000000000e-01, v52  }
0x649: {  	v50 =	vsub.s32 $0x5F3759DF, v53;
	v31 =	vmax.f32 v45, $1.000000000e-30;
	v1 =	vsub.s32 $0x5F3759DF, v51  }
0x64a: {  	v15 =	vpop (erf);
	v51 =	vsub.s32 $0x5F3759DF, v55;
	v32 =	vmul.f32 v50, v5;
	v0 =	vmul.f32 v48, v0  }
0x64b: {  	v14 =	vpop (erf);
	v30 =	vshra.s32 v31, $0x1;
	v48 =	vmul.f32 $5.000000000e-01, v31;
	v31 =	vmul.f32 v1, v4  }
0x64c: {  	v9 =	vpop (erf);
	v60 =	vmul.f32 v51, v2;
	v52 =	vsub.s32 $0x5F3759DF, v30;
	v54 =	vmul.f32 v0, v62  }
0x64d: {  	[tilespmem:$0x1FE70] =	vst v9;
	v9 =	vld [tilespmem:$0x1FE80];
	v38 =	vsub.s32 $0x5F3759DF, v57;
	v58 =	vmul.f32 v0, v63;
	v53 =	vmul.f32 v52, v48  }
0x64e: {  	v10 =	vld [tilespmem:$0x1FFB0];
	v36 =	vmul.f32 v38, v3;
	v34 =	vmul.f32 $1.442695020e+00, v54  }
0x64f: {  	v12 =	vld [tilespmem:$0x1FEB0];
	v42 =	vmul.f32 $1.442695020e+00, v58;
	v53 =	vmul.f32 v52, v53  }
0x650: {  	v23 =	vld [tilespmem:s9+$0xFC0];
	v47 =	vsub.s32 $0x5F3759DF, v59;
	v59 =	vmul.f32 v50, v32;
	(erf) = vpow2.f32 v34  }
0x651: {  	v29 =	vld [tilespmem:s9+$0xFF0];
	v57 =	vmul.f32 v1, v31;
	v53 =	vsub.f32 $1.500000000e+00, v53;
	(erf) = vpow2.f32 v42  }
0x652: {  	v28 =	vld [tilespmem:s9+$0xFE0];
	v61 =	vmul.f32 v0, v9;
	v42 =	vsub.s32 $0x5F3759DF, v56;
	v56 =	vmul.f32 v47, v49  }
0x653: {  	v27 =	vld [tilespmem:s9+$0x1010];
	v55 =	vmul.f32 v0, v10;
	v57 =	vsub.f32 $1.500000000e+00, v57;
	v52 =	vmul.f32 v52, v53  }
0x654: {  	v24 =	vld [tilespmem:s9+$0xFD0];
	v60 =	vmul.f32 v51, v60;
	v56 =	vmul.f32 v47, v56  }
0x655: {  	v26 =	vld [tilespmem:s9+$0x1000];
	v1 =	vmul.f32 v1, v57;
	v48 =	vmul.f32 v52, v48  }
0x656: {  	v25 =	vld [tilespmem:s9+$0x1020];
	s9 =	sadd.s32 $0x80, s9;
	v55 =	vmul.f32 $1.442695020e+00, v55;
	v34 =	vmul.f32 $1.442695020e+00, v61;
	v56 =	vsub.f32 $1.500000000e+00, v56  }
0x657: {  	v54 =	vld [tilespmem:s9+$0xFFFFF030];
	v4 =	vmul.f32 v1, v4;
	v48 =	vmul.f32 v48, v52  }
0x658: {  	v35 =	vmul.f32 v42, v43;
	v47 =	vmul.f32 v47, v56  }
0x659: {  	v56 =	vmul.f32 v4, v1;
	v48 =	vsub.f32 $1.500000000e+00, v48;
	v58 =	vpop (erf);
	(erf) = vpow2.f32 v34  }
0x65a: {  	v49 =	vmul.f32 v47, v49;
	v58 =	vsub.f32 $1.000000000e+00, v58;
	v61 =	vpop (erf);
	(erf) = vpow2.f32 v55  }
0x65b: {  	v55 =	vsub.f32 $1.500000000e+00, v59;
	v59 =	vsub.f32 $1.500000000e+00, v60;
	v60 =	vmul.f32 v42, v35  }
0x65c: {  	v54 =	vmul.f32 v61, v54;
	v58 =	vmul.f32 v58, v12  }
0x65d: {  	v48 =	vmul.f32 v48, v52;
	v61 =	vmul.f32 v38, v36  }
0x65e: {  	v49 =	vmul.f32 v49, v47;
	v60 =	vsub.f32 $1.500000000e+00, v60;
	v54 =	vadd.f32 v58, v54  }
0x65f: {  	s24 =	smov.u32 s12;
	s12 =	sadd.s32 $0x200, s12;
	v50 =	vmul.f32 v50, v55;
	v51 =	vmul.f32 v51, v59;
	v58 =	vsub.f32 $1.500000000e+00, v61  }
0x660: {  	v61 =	vmul.f32 v0, v11;
	v0 =	vmul.f32 v0, v8;
	[tilespmem:s12+$0xFFFFFFB0] =	vst v54  }
0x661: {  	v42 =	vmul.f32 v42, v60;
	v38 =	vmul.f32 v38, v58;
	v55 =	vld [tilespmem:s9+$0x30]  }
0x662: {  	v5 =	vmul.f32 v50, v5;
	v54 =	vmul.f32 $1.442695020e+00, v61  }
0x663: {  	v0 =	vmul.f32 $1.442695020e+00, v0;
	v60 =	vpop (erf);
	v3 =	vmul.f32 v38, v3  }
0x664: {  	v43 =	vmul.f32 v42, v43;
	v4 =	vmul.f32 v5, v50;
	v57 =	vsub.f32 $1.000000000e+00, v60  }
0x665: {  	v61 =	vpop (erf);
	(erf) = vpow2.f32 v54;
	v3 =	vmul.f32 v3, v38  }
0x666: {  	v60 =	vmul.f32 v61, v55;
	v61 =	vmul.f32 v57, v7  }
0x667: {  	v2 =	vmul.f32 v51, v2;
	v43 =	vmul.f32 v43, v42;
	v4 =	vsub.f32 $1.500000000e+00, v4  }
0x668: {  	(erf) = vpow2.f32 v0;
	v3 =	vsub.f32 $1.500000000e+00, v3;
	v0 =	vadd.f32 v61, v60  }
0x669: {  	v2 =	vmul.f32 v2, v51;
	v4 =	vmul.f32 v4, v50;
	v60 =	vsub.f32 $1.500000000e+00, v43  }
0x66a: {  	v49 =	vsub.f32 $1.500000000e+00, v49;
	v3 =	vmul.f32 v3, v38;
	[tilespmem:s12+$0x30] =	vst v0;
	v0 =	vsub.f32 $1.500000000e+00, v56  }
0x66b: {  	v59 =	vsub.f32 $1.500000000e+00, v2;
	v43 =	vmul.f32 v4, v39;
	v2 =	vmul.f32 v60, v42  }
0x66c: {  	v39 =	vmul.f32 v3, v44;
	v0 =	vmul.f32 v0, v1  }
0x66d: {  	v1 =	vmul.f32 v59, v51;
	v51 =	vmul.f32 v49, v47  }
0x66e: {  	v5 =	vld [tilespmem:s9+$0x1030];
	v42 =	vmul.f32 v2, v41;
	v41 =	vmul.f32 v48, v45  }
0x66f: {  	v57 =	vpop (erf);
	v4 =	vmul.f32 v39, v62;
	v38 =	vmul.f32 v0, v37  }
0x670: {  	v53 =	vsub.f32 $1.000000000e+00, v57;
	v40 =	vmul.f32 v1, v40;
	v37 =	vmul.f32 v51, v46  }
0x671: {  	v55 =	vmul.f32 v42, v62;
	v4 =	vmul.f32 $1.442695020e+00, v4  }
0x672: {  	v58 =	vpop (erf);
	v60 =	vmul.f32 v42, v63;
	v61 =	vmul.f32 v53, v6  }
0x673: {  	v53 =	vmul.f32 v43, v62;
	v5 =	vmul.f32 v58, v5  }
0x674: {  	v52 =	vmul.f32 v38, v62;
	v54 =	vmul.f32 v40, v62  }
0x675: {  	v56 =	vmul.f32 v37, v62;
	v3 =	vmul.f32 $1.442695020e+00, v55  }
0x676: {  	v57 =	vmul.f32 v38, v63;
	v58 =	vmul.f32 v43, v63  }
0x677: {  	v59 =	vmul.f32 v40, v63;
	v1 =	vmul.f32 $1.442695020e+00, v53  }
0x678: {  	v0 =	vmul.f32 $1.442695020e+00, v52;
	v2 =	vmul.f32 $1.442695020e+00, v54  }
0x679: {  	v5 =	vadd.f32 v61, v5;
	v44 =	vmul.f32 $1.442695020e+00, v56;
	v61 =	vmul.f32 v39, v63  }
0x67a: {  	v54 =	vmul.f32 $1.442695020e+00, v57;
	v55 =	vmul.f32 $1.442695020e+00, v58  }
0x67b: {  	v56 =	vmul.f32 $1.442695020e+00, v59;
	v57 =	vmul.f32 $1.442695020e+00, v60  }
0x67c: {  	v59 =	vmul.f32 v38, v9;
	v52 =	vmul.f32 v43, v9  }
0x67d: {  	[tilespmem:s12+$0xB0] =	vst v5;
	v5 =	vmul.f32 v41, v62;
	v62 =	vmul.f32 v41, v63  }
0x67e: {  	v63 =	vmul.f32 v37, v63;
	(erf) = vpow2.f32 v0  }
0x67f: {  	v0 =	vmul.f32 $1.442695020e+00, v59;
	(erf) = vpow2.f32 v1  }
0x680: {  	v1 =	vmul.f32 $1.442695020e+00, v52;
	v5 =	vmul.f32 $1.442695020e+00, v5  }
0x681: {  	(erf) = vpow2.f32 v2;
	v58 =	vmul.f32 $1.442695020e+00, v63  }
0x682: {  	v63 =	vmul.f32 v42, v9;
	(erf) = vpow2.f32 v3  }
0x683: {  	(erf) = vpow2.f32 v4;
	v4 =	vmul.f32 $1.442695020e+00, v61  }
0x684: {  	v61 =	vmul.f32 v40, v9;
	(erf) = vpow2.f32 v5  }
0x685: {  	v46 =	vmul.f32 $1.442695020e+00, v63;
	(erf) = vpow2.f32 v44  }
0x686: {  	v63 =	vmul.f32 v37, v10;
	(erf) = vpow2.f32 v54  }
0x687: {  	v5 =	vmul.f32 $1.442695020e+00, v62;
	(erf) = vpow2.f32 v55  }
0x688: {  	v45 =	vmul.f32 $1.442695020e+00, v61;
	v60 =	vpop (erf);
	(erf) = vpow2.f32 v56  }
0x689: {  	v54 =	vmul.f32 v39, v9;
	v62 =	vpop (erf);
	(erf) = vpow2.f32 v57  }
0x68a: {  	v56 =	vmul.f32 v41, v9;
	v53 =	vpop (erf);
	(erf) = vpow2.f32 v4  }
0x68b: {  	v47 =	vmul.f32 $1.442695020e+00, v54;
	v55 =	vpop (erf);
	(erf) = vpow2.f32 v5  }
0x68c: {  	v54 =	vmul.f32 v38, v10;
	v2 =	vsub.f32 $1.000000000e+00, v60;
	v57 =	vpop (erf);
	(erf) = vpow2.f32 v58  }
0x68d: {  	v61 =	vmul.f32 v41, v10;
	v3 =	vsub.f32 $1.000000000e+00, v62;
	v48 =	vmul.f32 $1.442695020e+00, v56;
	v59 =	vpop (erf)  }
0x68e: {  	v54 =	vmul.f32 $1.442695020e+00, v54;
	v4 =	vsub.f32 $1.000000000e+00, v53;
	v2 =	vmul.f32 v2, v12;
	v60 =	vpop (erf)  }
0x68f: {  	v5 =	vsub.f32 $1.000000000e+00, v55;
	v58 =	vmul.f32 v37, v9;
	v55 =	vmul.f32 v43, v10;
	v52 =	vpop (erf)  }
0x690: {  	v3 =	vmul.f32 v3, v12;
	v44 =	vsub.f32 $1.000000000e+00, v57;
	v57 =	vmul.f32 v40, v10;
	v53 =	vpop (erf)  }
0x691: {  	v30 =	vld [tilespmem:s9+$0xFFFFEFC0];
	v4 =	vmul.f32 v4, v12;
	v49 =	vmul.f32 $1.442695020e+00, v58;
	v56 =	vpop (erf)  }
0x692: {  	v50 =	vsub.f32 $1.000000000e+00, v59;
	v58 =	vmul.f32 v42, v10;
	v55 =	vmul.f32 $1.442695020e+00, v55;
	v59 =	vpop (erf)  }
0x693: {  	v31 =	vld [tilespmem:s9+$0xFFFFEFD0];
	v5 =	vmul.f32 v5, v12;
	v62 =	vpop (erf);
	(erf) = vpow2.f32 v0  }
0x694: {  	v32 =	vld [tilespmem:s9+$0xFFFFEFE0];
	v51 =	vsub.f32 $1.000000000e+00, v60;
	v60 =	vmul.f32 v39, v10;
	v0 =	vpop (erf);
	(erf) = vpow2.f32 v1  }
0x695: {  	v50 =	vmul.f32 v50, v12;
	v1 =	vpop (erf);
	(erf) = vpow2.f32 v45  }
0x696: {  	v33 =	vld [tilespmem:s9+$0xFFFFEFF0];
	v30 =	vmul.f32 v52, v30;
	(erf) = vpow2.f32 v46  }
0x697: {  	v51 =	vmul.f32 v51, v12;
	(erf) = vpow2.f32 v47  }
0x698: {  	v34 =	vld [tilespmem:s9+$0xFFFFF000];
	v9 =	vmov v13;
	v13 =	vmul.f32 v53, v31;
	(erf) = vpow2.f32 v48  }
0x699: {  	v32 =	vmul.f32 v56, v32;
	(erf) = vpow2.f32 v49  }
0x69a: {  	v35 =	vld [tilespmem:s9+$0xFFFFF010];
	v56 =	vmul.f32 v40, v11;
	v40 =	vmul.f32 v40, v8  }
0x69b: {  	v33 =	vmul.f32 v59, v33;
	v59 =	vmul.f32 v37, v11  }
0x69c: {  	v36 =	vld [tilespmem:s9+$0xFFFFF020];
	v37 =	vmul.f32 v37, v8;
	v48 =	vmul.f32 $1.442695020e+00, v61;
	v61 =	vpop (erf)  }
0x69d: {  	v2 =	vadd.f32 v2, v30;
	v30 =	vmul.f32 v62, v34;
	v49 =	vmul.f32 $1.442695020e+00, v63;
	v63 =	vpop (erf)  }
0x69e: {  	v45 =	vmul.f32 $1.442695020e+00, v57;
	v47 =	vmul.f32 $1.442695020e+00, v60;
	v60 =	vpop (erf)  }
0x69f: {  	v57 =	vmul.f32 v44, v12;
	v0 =	vmul.f32 v0, v35;
	v44 =	vsub.f32 $1.000000000e+00, v61;
	v61 =	vpop (erf)  }
0x6a0: {  	v46 =	vmul.f32 $1.442695020e+00, v58;
	v52 =	vsub.f32 $1.000000000e+00, v63;
	v63 =	vpop (erf);
	(erf) = vpow2.f32 v54  }
0x6a1: {  	v1 =	vmul.f32 v1, v36;
	v31 =	vpop (erf);
	(erf) = vpow2.f32 v55  }
0x6a2: {  	v36 =	vadd.f32 v4, v32;
	v4 =	vadd.f32 v5, v33;
	v5 =	vpop (erf);
	(erf) = vpow2.f32 v45  }
0x6a3: {  	v37 =	vmul.f32 $1.442695020e+00, v37;
	(erf) = vpow2.f32 v46  }
0x6a4: {  	v58 =	vmul.f32 v41, v11;
	(erf) = vpow2.f32 v47  }
0x6a5: {  	v33 =	vmul.f32 $1.442695020e+00, v56;
	(erf) = vpow2.f32 v48  }
0x6a6: {  	v3 =	vadd.f32 v3, v13;
	v41 =	vmul.f32 v41, v8;
	(erf) = vpow2.f32 v49  }
0x6a7: {  	[tilespmem:s12+$0xFFFFFF40] =	vst v2;
	v0 =	vadd.f32 v50, v0;
	v1 =	vadd.f32 v51, v1;
	v55 =	vmul.f32 v43, v11  }
0x6a8: {  	[tilespmem:s12+$0xFFFFFF60] =	vst v36;
	v36 =	vmul.f32 v38, v8;
	v53 =	vsub.f32 $1.000000000e+00, v60;
	v60 =	vmul.f32 v43, v8  }
0x6a9: {  	[tilespmem:s12+$0xFFFFFF70] =	vst v4;
	v54 =	vadd.f32 v57, v30;
	v30 =	vmul.f32 v38, v11;
	v57 =	vmul.f32 v42, v11;
	v50 =	vpop (erf)  }
0x6aa: {  	[tilespmem:s12+$0xFFFFFF90] =	vst v0;
	v42 =	vmul.f32 v42, v8;
	v0 =	vsub.f32 $1.000000000e+00, v31;
	v31 =	vmul.f32 v39, v11;
	v51 =	vpop (erf)  }
0x6ab: {  	[tilespmem:s12+$0xFFFFFFA0] =	vst v1;
	v1 =	vsub.f32 $1.000000000e+00, v5;
	v5 =	vmul.f32 $1.442695020e+00, v30;
	v2 =	vmul.f32 $1.442695020e+00, v55;
	v55 =	vpop (erf)  }
0x6ac: {  	v4 =	vsub.f32 $1.000000000e+00, v61;
	[tilespmem:s12+$0xFFFFFF80] =	vst v54;
	v34 =	vmul.f32 $1.442695020e+00, v57;
	v54 =	vmul.f32 $1.442695020e+00, v58;
	v61 =	vpop (erf)  }
0x6ad: {  	[tilespmem:s12+$0xFFFFFF50] =	vst v3;
	v39 =	vmul.f32 v39, v8;
	v58 =	vmul.f32 $1.442695020e+00, v36;
	v62 =	vpop (erf)  }
0x6ae: {  	v35 =	vld [tilespmem:s9+$0xFFFFFFD0];
	v3 =	vsub.f32 $1.000000000e+00, v63;
	v36 =	vmul.f32 $1.442695020e+00, v40;
	v63 =	vpop (erf);
	(erf) = vpow2.f32 v5  }
0x6af: {  	v38 =	vmul.f32 $1.442695020e+00, v42;
	v46 =	vld [tilespmem:s9+$0xFFFFFFF0];
	v5 =	vpop (erf);
	(erf) = vpow2.f32 v2  }
0x6b0: {  	v47 =	vld [tilespmem:s9+$0x0];
	v31 =	vmul.f32 $1.442695020e+00, v31;
	(erf) = vpow2.f32 v33  }
0x6b1: {  	v45 =	vld [tilespmem:s9+$0xFFFFFFE0];
	v4 =	vmul.f32 v4, v7;
	(erf) = vpow2.f32 v34  }
0x6b2: {  	v48 =	vld [tilespmem:s9+$0x10];
	v49 =	vmul.f32 $1.442695020e+00, v59;
	(erf) = vpow2.f32 v31  }
0x6b3: {  	v30 =	vld [tilespmem:s9+$0x20];
	v59 =	vmul.f32 v51, v35;
	(erf) = vpow2.f32 v54  }
0x6b4: {  	v32 =	vld [tilespmem:s9+$0xFFFFFFC0];
	v43 =	vmul.f32 v61, v46;
	(erf) = vpow2.f32 v49  }
0x6b5: {  	v61 =	vmul.f32 v44, v7;
	v35 =	vmul.f32 v62, v47  }
0x6b6: {  	v62 =	vmul.f32 v52, v7;
	v2 =	vmul.f32 $1.442695020e+00, v60  }
0x6b7: {  	s14 =	sadd.s32 $0x8, s14;
	v60 =	vmul.f32 v55, v45;
	v42 =	vmul.f32 v63, v48;
	v31 =	vpop (erf)  }
0x6b8: {  	p0 =	slt.u32 s14, $0xF8;
	v12 =	vmov v15;
	v33 =	vmul.f32 $1.442695020e+00, v39;
	v39 =	vmul.f32 v5, v30;
	v5 =	vpop (erf)  }
.Ltmp9:
0x6b9: {  	v63 =	vmul.f32 v53, v7;
	v54 =	vmul.f32 v50, v32;
	v32 =	vsub.f32 $1.000000000e+00, v5;
	v5 =	vpop (erf);
	(pc) =	sbr.rel @p0 .LBB2_17-.Ltmp9, $4  }
0x6ba: {  	v48 =	vmul.f32 v1, v7;
	v46 =	vadd.f32 v4, v43;
	v45 =	vadd.f32 v62, v59;
	v44 =	vpop (erf)  }
0x6bb: {  	v34 =	vmul.f32 $1.442695020e+00, v41;
	v30 =	vsub.f32 $1.000000000e+00, v5;
	v5 =	vadd.f32 v61, v54;
	v40 =	vpop (erf)  }
0x6bc: {  	v10 =	vld [tilespmem:$0x1FE40];
	v47 =	vadd.f32 v63, v60;
	v50 =	vmul.f32 v0, v7;
	(erf) = vpow2.f32 v58;
	v41 =	vpop (erf)  }
0x6bd: {  	s13 =	sadd.s32 $0x80, s13;
	v15 =	vld [tilespmem:$0x1FE50];
	v49 =	vmul.f32 v3, v7;
	v31 =	vsub.f32 $1.000000000e+00, v31;
	[tilespmem:s12+$0xFFFFFFC0] =	vst v5;
	(erf) = vpow2.f32 v2;
	v43 =	vpop (erf)  }
0x6be: {  	[tilespmem:s12+$0xFFFFFFD0] =	vst v45  }
0x6bf: {  	v1 =	vadd.f32 v50, v42;
	[tilespmem:s12+$0xFFFFFFE0] =	vst v47  }
0x6c0: {  	(erf) = vpow2.f32 v36;
	[tilespmem:s12+$0xFFFFFFF0] =	vst v46;
	v4 =	vadd.f32 v48, v39  }
0x6c1: {  	v0 =	vadd.f32 v49, v35;
	(erf) = vpow2.f32 v38;
	[tilespmem:s12+$0x10] =	vst v1  }
0x6c2: {  	v3 =	vmul.f32 v9, v23;
	(erf) = vpow2.f32 v33;
	[tilespmem:s12+$0x20] =	vst v4  }
0x6c3: {  	v5 =	vld [tilespmem:s9+$0xFC0];
	[tilespmem:s12+$0x0] =	vst v0;
	v24 =	vmul.f32 v10, v24;
	(erf) = vpow2.f32 v34  }
0x6c4: {  	v33 =	vadd.f32 v19, v3;
	v34 =	vmul.f32 v15, v28;
	v4 =	vld [tilespmem:$0x1FE60]  }
0x6c5: {  	v35 =	vld [tilespmem:s9+$0xFD0];
	(erf) = vpow2.f32 v37;
	v0 =	vadd.f32 v18, v24  }
0x6c6: {  	v2 =	vsub.f32 $1.000000000e+00, v44;
	v38 =	vmul.f32 v12, v26;
	v8 =	vld [tilespmem:s9+$0xFE0];
	[tilespmem:s24+$0x40] =	vst v33;
	v37 =	vadd.f32 v22, v34  }
0x6c7: {  	v36 =	vsub.f32 $1.000000000e+00, v40;
	v40 =	vmul.f32 v14, v27;
	v11 =	vsub.f32 $1.000000000e+00, v43;
	v42 =	vld [tilespmem:s9+$0x1000];
	[tilespmem:s24+$0x50] =	vst v0;
	v13 =	vpop (erf)  }
0x6c8: {  	v44 =	vmul.f32 v31, v6;
	v3 =	vadd.f32 v20, v38;
	v45 =	vld [tilespmem:s9+$0x1010];
	[tilespmem:s24+$0x60] =	vst v37;
	v43 =	vpop (erf);
	v5 =	vmul.f32 v13, v5  }
0x6c9: {  	v39 =	vsub.f32 $1.000000000e+00, v41;
	v0 =	vadd.f32 v17, v40;
	v4 =	vmul.f32 v4, v29;
	v1 =	vld [tilespmem:$0x1FE70];
	v46 =	vpop (erf)  }
0x6ca: {  	v47 =	vmul.f32 v32, v6;
	v48 =	vld [tilespmem:s9+$0x1020];
	[tilespmem:s24+$0x80] =	vst v3;
	v18 =	vmul.f32 v43, v35;
	v49 =	vpop (erf);
	v51 =	vadd.f32 v44, v5  }
0x6cb: {  	v50 =	vmul.f32 v30, v6;
	v41 =	vld [tilespmem:s9+$0xFF0];
	[tilespmem:s24+$0x90] =	vst v0;
	v52 =	vmul.f32 v46, v8;
	v4 =	vadd.f32 v21, v4;
	v53 =	vpop (erf)  }
0x6cc: {  	v7 =	vmul.f32 v36, v6;
	v55 =	vadd.f32 v47, v18;
	v56 =	vpop (erf);
	[tilespmem:s12+$0x40] =	vst v51;
	v58 =	vmul.f32 v53, v42  }
0x6cd: {  	v9 =	vmul.f32 v39, v6;
	v57 =	vadd.f32 v50, v52;
	[tilespmem:s24+$0x70] =	vst v4;
	v4 =	vmul.f32 v56, v45  }
0x6ce: {  	v59 =	vpop (erf);
	[tilespmem:s12+$0x50] =	vst v55;
	v1 =	vmul.f32 v1, v25;
	v62 =	vadd.f32 v7, v58  }
0x6cf: {  	v60 =	vmul.f32 v11, v6;
	[tilespmem:s12+$0x60] =	vst v57;
	v61 =	vmul.f32 v59, v48;
	v63 =	vadd.f32 v9, v4  }
0x6d0: {  	v2 =	vmul.f32 v2, v6;
	v54 =	vmul.f32 v49, v41;
	v1 =	vadd.f32 v16, v1;
	[tilespmem:s12+$0x80] =	vst v62  }
0x6d1: {  	v0 =	vadd.f32 v60, v61;
	[tilespmem:s12+$0x90] =	vst v63  }
0x6d2: {  	[tilespmem:s24+$0xA0] =	vst v1;
	v1 =	vadd.f32 v2, v54  }
0x6d3: {  	[tilespmem:s12+$0xA0] =	vst v0  }
0x6d4: {  	[tilespmem:s12+$0x70] =	vst v1  }
0x6d5: {  	s25 =	simm.s32 $0x1A000;
	s28 =	simm.s32 $0x5;
	s24 =	rddreg [dreg:$0xc]  }
0x6d6: {  	[hbm4b:s24+s5] =	stream.linear.scatter [tilespmem:s25], [sflag:$0x6], $0x4000, $0x38;
	[tilespmem:$0x1E090] =	vst v63  }
0x6d7: {  	_ =	swait.ge [sflag:s28], $0x4000  }
0x6d8: {  	[sflag:s28] =	ssyncset.done $0x0  }
0x6d9: {  	[sflag:s28] =	ssyncadd.s32 $0xFFFFC000  }
0x6da: {  	_ =	swait.ge [sflag:s0], $0x4000  }
0x6db: {  	s30 =	rddreg [dreg:$0xe]  }
0x6dc: {  	s31 =	rddreg [dreg:$0xd];
	s12 =	sadd.s32 $0x1, s30  }
0x6dd: {  	p0 =	sne.s32 s12, s31  }
.Ltmp10:
0x6de: {  	_ = 	snop;
	(pc) =	sbr.rel @p0 .LBB2_1-.Ltmp10, $3  }
0x6df: {  	_ =	sdelay $0x1  }
0x6e0: {  	[sflag:s0] =	ssyncset.done $0x0  }
0x6e1: {  	[sflag:s0] =	ssyncadd.s32 $0xFFFFC000  }
0x6e2: {  	_ =	sfence.sel $0x180000  }
0x6e3: {  	[bflag:$0x0] =	sbarrier.arrive $0xFFFF  }
0x6e4: {  	_ =	strace $0x90000047  }
0x6e5: {  	s0 =	stileid.u32;
	[bflag:$0x2] =	sbarrier.arrive $0xFFFF  }
0x6e6: {  	p0 =	sne.s32 s0, $0x0;
	s0 =	rddreg [dreg:$0x5]  }
0x6e7: {  	s0 =	sadd.s32 @!p0 $0x100000, s0  }
0x6e8: {  	[sflag:s0] =	ssyncadd.tile.s32 @!p0 $0x1;
	_ =	shalt  }
.Lfunc_end2:
_tile_overlayer_lowered:
.L_overlay_start_2:
0x6e9: {  	(tag) =	ssettag $0x2  }
0x6ea: {  	s0 =	rddreg [dreg:$0x0];
	s2 =	stileid.u32  }
0x6eb: {  	s1 =	rddreg [dreg:$0x1];
	p0 =	sne.s32 s2, $0x0  }
0x6ec: {  	s3 =	rddreg [dreg:$0x2];
	[bflag:$0x3] =	sbarrier.arrive $0xFFFF;
	s2 =	simm.s32 @!p0 $0x1C07  }
0x6ed: {  	[timem:s3], [sflag:s2] =	dma.local @!p0 [hbm:s0], s1  }
0x6ee: {  	s0 =	simm.s32 @!p0 $0x7  }
0x6ef: {  	_ =	swait.ge @!p0 [sflag:s0], s1  }
0x6f0: {  	s1 =	ssub.s32 @!p0 $0x0, s1;
	[sflag:s0] =	ssyncset.done @!p0 $0x0  }
0x6f1: {  	[sflag:s0] =	ssyncadd.s32 @!p0 s1  }
0x6f2: {  	[bflag:$0x3] =	sbarrier.arrive $0xFFFF  }
0x6f3: {  	_ =	shalt  }

</sc_bundles>
